<compile_context>
chip_gen: v7x
topology: tpu7x:2x2x1
jax: 0.10.2.dev20260603
libtpu: 0.0.44.dev20260713+nightly
codegen_flags: <defaults>
</compile_context>

<pallas_src>
import functools

import jax
import jax.numpy as jnp
from jax import lax
from jax.experimental import pallas as pl
from jax.experimental.pallas import tpu as pltpu
from jax.experimental.pallas import tpu_sc as plsc

_N = 10000
_D = 128
_G = 64
_NB = 10
_BN = _N // _NB
_NC = 2
_NS = 16
_NW = _NC * _NS
_K = 125
_SB = 8
_NPAD = _N + 16
_SLABS = 11
_PW = _SLABS * _SB * _K
_SLACK = 1000
_RPT = 624
_RTAIL = _NPAD - _NS * _RPT


def _sc_scatter_add(h, src_r, dst_r, zeros):
    B = src_r.shape[1]
    mesh = plsc.VectorSubcoreMesh(core_axis_name="c", subcore_axis_name="s")

    @functools.partial(
        pl.kernel,
        mesh=mesh,
        out_type=jax.ShapeDtypeStruct((_NC, _NPAD, _D), jnp.float32),
        scratch_types=[
            pltpu.VMEM((_SB, _K), jnp.int32),
            pltpu.VMEM((_SB, _K), jnp.int32),
            pltpu.VMEM((_K, _D), jnp.float32),
            pltpu.VMEM((_K, _D), jnp.float32),
            pltpu.VMEM_SHARED((_NPAD, _D), jnp.float32),
            pltpu.SemaphoreType.DMA,
            pltpu.SemaphoreType.DMA,
        ],
    )
    def body(h_hbm, src_hbm, dst_hbm, zero_hbm, out_hbm,
             src_v, dst_v, buf0, buf1, agg_s, sem0, sem1):
        c = lax.axis_index("c")
        s = lax.axis_index("s")
        wid = s * _NC + c
        pltpu.sync_copy(zero_hbm.at[pl.ds(s * _RPT, _RPT)],
                        agg_s.at[pl.ds(s * _RPT, _RPT)])

        @pl.when(s == _NS - 1)
        def _():
            pltpu.sync_copy(zero_hbm.at[pl.ds(_NS * _RPT, _RTAIL)],
                            agg_s.at[pl.ds(_NS * _RPT, _RTAIL)])

        plsc.subcore_barrier()

        bufs = (buf0, buf1)
        sems = (sem0, sem1)

        def block(b, carry):
            pltpu.sync_copy(src_hbm.at[wid, b], src_v)
            pltpu.sync_copy(dst_hbm.at[wid, b], dst_v)
            pltpu.async_copy(h_hbm.at[src_v.at[0]], buf0, sem0)
            pltpu.async_copy(h_hbm.at[src_v.at[1]], buf1, sem1)
            for k in range(_SB):
                buf, sem = bufs[k % 2], sems[k % 2]
                pltpu.make_async_copy(h_hbm.at[src_v.at[k]], buf, sem).wait()
                pltpu.sync_copy(buf, agg_s.at[dst_v.at[k]], add=True)
                if k + 2 < _SB:
                    pltpu.async_copy(h_hbm.at[src_v.at[k + 2]], buf, sem)
            return carry

        lax.fori_loop(0, B, block, 0)
        plsc.subcore_barrier()
        pltpu.sync_copy(agg_s.at[pl.ds(s * _RPT, _RPT)],
                        out_hbm.at[c, pl.ds(s * _RPT, _RPT)])

        @pl.when(s == _NS - 1)
        def _():
            pltpu.sync_copy(agg_s.at[pl.ds(_NS * _RPT, _RTAIL)],
                            out_hbm.at[c, pl.ds(_NS * _RPT, _RTAIL)])

    return body(h, src_r, dst_r, zeros)


def _mlp_body(h_ref, a_ref, w1_ref, b1_ref, w2_ref, b2_ref, z_ref, st_ref):
    i = pl.program_id(0)
    zin = h_ref[...] + a_ref[0] + a_ref[1]
    z1 = jnp.dot(zin, w1_ref[...], preferred_element_type=jnp.float32)
    z1 = jnp.maximum(z1 + b1_ref[...], 0.0)
    z2 = jnp.dot(z1, w2_ref[...], preferred_element_type=jnp.float32)
    z2 = z2 + b2_ref[...]
    z_ref[...] = z2
    ps = jnp.concatenate([jnp.sum(z2, axis=0, keepdims=True),
                          jnp.sum(z2 * z2, axis=0, keepdims=True)], axis=0)

    @pl.when(i == 0)
    def _():
        st_ref[...] = ps

    @pl.when(i > 0)
    def _():
        st_ref[...] = st_ref[...] + ps


def _mlp(h, agg, w1, b1, w2, b2):
    return pl.pallas_call(
        _mlp_body,
        grid=(_NB,),
        in_specs=[
            pl.BlockSpec((_BN, _D), lambda i: (i, 0)),
            pl.BlockSpec((_NC, _BN, _D), lambda i: (0, i, 0)),
            pl.BlockSpec((_D, 2 * _D), lambda i: (0, 0)),
            pl.BlockSpec((1, 2 * _D), lambda i: (0, 0)),
            pl.BlockSpec((2 * _D, _D), lambda i: (0, 0)),
            pl.BlockSpec((1, _D), lambda i: (0, 0)),
        ],
        out_specs=[
            pl.BlockSpec((_BN, _D), lambda i: (i, 0)),
            pl.BlockSpec((2, _D), lambda i: (0, 0)),
        ],
        out_shape=[
            jax.ShapeDtypeStruct((_N, _D), jnp.float32),
            jax.ShapeDtypeStruct((2, _D), jnp.float32),
        ],
    )(h, agg, w1, b1, w2, b2)


def _norm(z, st, gamma, beta, relu):
    def body(z_ref, st_ref, g_ref, b_ref, o_ref):
        mean = st_ref[0:1, :] * (1.0 / _N)
        var = st_ref[1:2, :] * (1.0 / _N) - mean * mean
        scale = lax.rsqrt(var + 1e-5) * g_ref[...]
        out = (z_ref[...] - mean) * scale + b_ref[...]
        if relu:
            out = jnp.maximum(out, 0.0)
        o_ref[...] = out

    return pl.pallas_call(
        body,
        grid=(_NB,),
        in_specs=[
            pl.BlockSpec((_BN, _D), lambda i: (i, 0)),
            pl.BlockSpec((2, _D), lambda i: (0, 0)),
            pl.BlockSpec((1, _D), lambda i: (0, 0)),
            pl.BlockSpec((1, _D), lambda i: (0, 0)),
        ],
        out_specs=pl.BlockSpec((_BN, _D), lambda i: (i, 0)),
        out_shape=jax.ShapeDtypeStruct((_N, _D), jnp.float32),
    )(z, st, gamma, beta)


def _pool_body(h_ref, b_ref, wg_ref, bg_ref, o_ref, m_s, den_s, num_s):
    p = pl.program_id(0)
    i = pl.program_id(1)
    bids = b_ref[0, 0, :]
    oh_gn = lax.broadcasted_iota(jnp.int32, (_G, _BN), 0) == bids[None, :]
    h = h_ref[...]

    @pl.when(p == 0)
    def _():
        gate_row = lax.dot_general(
            wg_ref[...], h, (((1,), (1,)), ((), ())),
            preferred_element_type=jnp.float32) + bg_ref[0, 0]
        gmax = jnp.max(jnp.where(oh_gn, gate_row, -jnp.inf),
                       axis=1, keepdims=True)
        gmax = jnp.broadcast_to(gmax, (_G, _D))

        @pl.when(i == 0)
        def _():
            m_s[...] = gmax

        @pl.when(i > 0)
        def _():
            m_s[...] = jnp.maximum(m_s[...], gmax)

    @pl.when(p == 1)
    def _():
        gate_col = (jnp.sum(h * wg_ref[...], axis=1, keepdims=True)
                    + bg_ref[0, 0])
        m = m_s[...]
        m = jnp.where(jnp.isfinite(m), m, 0.0)
        oh_ng = (bids[:, None]
                 == lax.broadcasted_iota(jnp.int32, (_BN, _G), 1))
        ohf_ng = oh_ng.astype(jnp.float32)
        ohf_gn = oh_gn.astype(jnp.float32)
        m_node = jnp.dot(ohf_ng, m, preferred_element_type=jnp.float32)
        e = jnp.exp(gate_col - m_node)
        den_p = jnp.dot(ohf_gn, e, preferred_element_type=jnp.float32)
        num_p = jnp.dot(ohf_gn, h * e, preferred_element_type=jnp.float32)

        @pl.when(i == 0)
        def _():
            den_s[...] = den_p
            num_s[...] = num_p

        @pl.when(i > 0)
        def _():
            den_s[...] = den_s[...] + den_p
            num_s[...] = num_s[...] + num_p

        @pl.when(i == _NB - 1)
        def _():
            o_ref[...] = num_s[...] / (den_s[...] + 1e-16)


def _pool(h, batch3, wg, bg):
    return pl.pallas_call(
        _pool_body,
        grid=(2, _NB),
        in_specs=[
            pl.BlockSpec((_BN, _D), lambda p, i: (i, 0)),
            pl.BlockSpec((1, 1, _BN), lambda p, i: (i, 0, 0)),
            pl.BlockSpec((1, _D), lambda p, i: (0, 0)),
            pl.BlockSpec((1, 1), lambda p, i: (0, 0)),
        ],
        out_specs=pl.BlockSpec((_G, _D), lambda p, i: (0, 0)),
        out_shape=jax.ShapeDtypeStruct((_G, _D), jnp.float32),
        scratch_shapes=[
            pltpu.VMEM((_G, _D), jnp.float32),
            pltpu.VMEM((_G, _D), jnp.float32),
            pltpu.VMEM((_G, _D), jnp.float32),
        ],
    )(h, batch3, wg, bg)


def kernel(x, edge_index, batch, params):
    e_total = edge_index.shape[1]
    order = jnp.argsort(edge_index[1], stable=True)
    src_s = edge_index[0][order]
    dst_s = edge_index[1][order]
    epw = e_total // _NW
    ideal = jnp.arange(1, _NW, dtype=jnp.int32) * epw
    snap = jnp.searchsorted(dst_s, dst_s[ideal], side="left").astype(jnp.int32)
    starts = jnp.concatenate([
        jnp.zeros((1,), jnp.int32),
        jnp.maximum(snap, ideal - _SLACK),
        jnp.array([e_total], jnp.int32),
    ])
    pos = starts[:-1, None] + jnp.arange(_PW, dtype=jnp.int32)[None, :]
    valid = pos < starts[1:, None]
    posc = jnp.minimum(pos, e_total - 1)
    src_r = jnp.where(valid, src_s[posc], 0).reshape(_NW, _SLABS, _SB, _K)
    spare = _N + (jnp.arange(_NW, dtype=jnp.int32) // _NC)[:, None]
    dst_r = jnp.where(valid, dst_s[posc], spare).reshape(_NW, _SLABS, _SB, _K)
    zeros = jnp.zeros((_NPAD, _D), jnp.float32)
    batch3 = batch.reshape(_NB, 1, _BN)

    h = x
    n_layers = len(params["layers"])
    for li, p in enumerate(params["layers"]):
        agg = _sc_scatter_add(h, src_r, dst_r, zeros)[:, :_N, :]
        z, st = _mlp(h, agg, p["W1"], p["b1"].reshape(1, -1),
                     p["W2"], p["b2"].reshape(1, -1))
        h = _norm(z, st, p["gamma"].reshape(1, -1), p["beta"].reshape(1, -1),
                  relu=(li < n_layers - 1))

    return _pool(h, batch3, params["Wg"].reshape(1, _D),
                 params["bg"].reshape(1, 1))

# --- scband reference (transcript-rebuilt; emitter-appended) ---
"""Pipeline reference for scband-graph-pool-86603720557074 (READ-ONLY COPY).

The authoritative reference and input builder live on the scoring server;
editing this copy changes nothing except your own understanding.
"""

import jax, jax.numpy as jnp
import numpy as np

N = 10000
E = 320000
D = 128
L = 5
G = 64

def setup_inputs(seed: int = 0):
    key = jax.random.key(seed)
    k_x, k_ei, k_b, k_p = jax.random.split(key, 4)
    x = jax.random.normal(k_x, (N, D), dtype=jnp.float32)
    edge_index = jax.random.randint(k_ei, (2, E), 0, N, dtype=jnp.int32)
    batch = jnp.sort(jax.random.randint(k_b, (N,), 0, G, dtype=jnp.int32))
    layers = []
    for i in range(L):
        k_p, k1, k2 = jax.random.split(k_p, 3)
        layers.append({
            'W1': jax.random.normal(k1, (D, 2 * D), dtype=jnp.float32) * (1.0 / np.sqrt(D)),
            'b1': jnp.zeros((2 * D,), dtype=jnp.float32),
            'W2': jax.random.normal(k2, (2 * D, D), dtype=jnp.float32) * (1.0 / np.sqrt(2 * D)),
            'b2': jnp.zeros((D,), dtype=jnp.float32),
            'gamma': jnp.ones((D,), dtype=jnp.float32),
            'beta': jnp.zeros((D,), dtype=jnp.float32),
        })
    k_p, kg = jax.random.split(k_p)
    params = {
        'layers': layers,
        'Wg': jax.random.normal(kg, (D, 1), dtype=jnp.float32) * (1.0 / np.sqrt(D)),
        'bg': jnp.zeros((1,), dtype=jnp.float32),
    }
    return {'x': x, 'edge_index': edge_index, 'batch': batch, 'params': params}

def _forward(x, edge_index, batch, params):
    # GIN message passing: L layers, each layer aggregates neighbor features via
    # scatter-add over dst nodes, adds the self feature (eps=0 GIN), applies an
    # MLP (D -> 2D -> D), batch-norm (batch statistics), ReLU on all but last layer.
    src = edge_index[0]
    dst = edge_index[1]
    h = x
    n_layers = len(params['layers'])
    for i, p in enumerate(params['layers']):
        agg = jnp.zeros_like(h).at[dst].add(h[src])
        z = agg + h
        z = jnp.maximum(z @ p['W1'] + p['b1'], 0.0)
        z = z @ p['W2'] + p['b2']
        mean = z.mean(axis=0)
        var = z.var(axis=0)
        z = (z - mean) / jnp.sqrt(var + 1e-5) * p['gamma'] + p['beta']
        if i < n_layers - 1:
            z = jnp.maximum(z, 0.0)
        h = z
    # GlobalAttention pooling: gate = Linear(D, 1); softmax over nodes within each
    # graph segment; weighted sum per graph.
    gate = (h @ params['Wg'] + params['bg'])[:, 0]
    m = jax.ops.segment_max(gate, batch, num_segments=G)
    m = jnp.where(jnp.isfinite(m), m, 0.0)
    e = jnp.exp(gate - m[batch])
    denom = jax.ops.segment_sum(e, batch, num_segments=G)
    attn = e / (denom[batch] + 1e-16)
    out = jax.ops.segment_sum(h * attn[:, None], batch, num_segments=G)
    return out

def reference(x, edge_index, batch, params):
    return _forward(x, edge_index, batch, params)

if __name__ == "__main__":
    import jax
    _d = setup_inputs()
    print(jax.jit(kernel)(*tuple(_d.values())))

</pallas_src>

<mosaic_0001>
#map = affine_map<(d0, d1) -> (0, 0)>
#map1 = affine_map<(d0, d1) -> (0, 0, 0, 0)>
#map2 = affine_map<(d0, d1) -> (0, 0, 0)>
module attributes {stable_mosaic.version = 14 : i64} {
  func.func @body(%arg0: i32, %arg1: i32, %arg2: memref<10000x128xf32, #tpu.memory_space<hbm>>, %arg3: memref<32x11x8x125xi32, #tpu.memory_space<hbm>>, %arg4: memref<32x11x8x125xi32, #tpu.memory_space<hbm>>, %arg5: memref<10016x128xf32, #tpu.memory_space<hbm>>, %arg6: memref<2x10016x128xf32, #tpu.memory_space<hbm>>, %arg7: memref<8x125xi32, #tpu.memory_space<vmem>>, %arg8: memref<8x125xi32, #tpu.memory_space<vmem>>, %arg9: memref<125x128xf32, #tpu.memory_space<vmem>>, %arg10: memref<125x128xf32, #tpu.memory_space<vmem>>, %arg11: memref<10016x128xf32, #tpu.memory_space<vmem_shared>>, %arg12: memref<!tpu.dma_semaphore, #tpu.memory_space<semaphore_mem>>, %arg13: memref<!tpu.dma_semaphore, #tpu.memory_space<semaphore_mem>>) attributes {dimension_semantics = [#tpu.dimension_semantics<core_parallel>, #tpu.dimension_semantics<subcore_parallel>], iteration_bounds = array<i64: 2, 16>, scalar_prefetch = 0 : i64, scratch_operands = 7 : i64, tpu.core_type = #tpu.core_type<sc_vector_subcore>, window_params = [{transform_indices = #map}, {transform_indices = #map1}, {transform_indices = #map1}, {transform_indices = #map}, {transform_indices = #map2}]} {
    %mul3A = arith.constant 2 : i32
    %mul3A_0 = arith.muli %arg1, %mul3A : i32
    %add3A = arith.addi %mul3A_0, %arg0 : i32
    %mul3A_1 = arith.constant 624 : i32
    %mul3A_2 = arith.muli %arg1, %mul3A_1 : i32
    %mul3A_3 = arith.constant 624 : i32
    %mul3A_4 = arith.muli %arg1, %mul3A_3 : i32
    "tpu.region"() ({
      %run_scoped3A = tpu.sem_alloc : memref<!tpu.dma_semaphore, #tpu.memory_space<semaphore_mem>>
      %dma_start3A = arith.constant 0 : i32
      %dma_start3A_22 = tpu.memref_slice %arg11[%mul3A_4, %dma_start3A] : memref<10016x128xf32, #tpu.memory_space<vmem_shared>> -> memref<624x128xf32, #tpu.memory_space<vmem_shared>>
      %dma_start3A_23 = arith.constant 0 : i32
      %dma_start3A_24 = tpu.memref_slice %arg5[%mul3A_2, %dma_start3A_23] : memref<10016x128xf32, #tpu.memory_space<hbm>> -> memref<624x128xf32, #tpu.memory_space<hbm>>
      tpu.enqueue_dma source(%dma_start3A_24 : memref<624x128xf32, #tpu.memory_space<hbm>>) target(%dma_start3A_22 : memref<624x128xf32, #tpu.memory_space<vmem_shared>>) target_semaphore(%run_scoped3A : memref<!tpu.dma_semaphore, #tpu.memory_space<semaphore_mem>>)
      %dma_wait3A = arith.constant 0 : i32
      %dma_wait3A_25 = tpu.memref_slice %arg11[%mul3A_4, %dma_wait3A] : memref<10016x128xf32, #tpu.memory_space<vmem_shared>> -> memref<624x128xf32, #tpu.memory_space<vmem_shared>>
      %dma_wait3A_26 = arith.constant 0 : i32
      %dma_wait3A_27 = tpu.memref_slice %arg5[%mul3A_2, %dma_wait3A_26] : memref<10016x128xf32, #tpu.memory_space<hbm>> -> memref<624x128xf32, #tpu.memory_space<hbm>>
      tpu.wait_dma2 semaphore(%run_scoped3A : memref<!tpu.dma_semaphore, #tpu.memory_space<semaphore_mem>>) src(%dma_wait3A_27 : memref<624x128xf32, #tpu.memory_space<hbm>>) dst(%dma_wait3A_25 : memref<624x128xf32, #tpu.memory_space<vmem_shared>>)
      tpu.yield
    }) : () -> ()
    %eq3A = arith.constant 15 : i32
    %eq3A_5 = arith.cmpi eq, %arg1, %eq3A : i32
    %convert_element_type3A = arith.extui %eq3A_5 : i1 to i32
    %cond3A = arith.constant 0 : i32
    %cond3A_6 = arith.cmpi ne, %convert_element_type3A, %cond3A : i32
    scf.if %cond3A_6 {
      "tpu.region"() ({
        %run_scoped3A = tpu.sem_alloc : memref<!tpu.dma_semaphore, #tpu.memory_space<semaphore_mem>>
        %dma_start3A = arith.constant 9984 : i32
        %dma_start3A_22 = arith.constant 0 : i32
        %dma_start3A_23 = tpu.memref_slice %arg11[%dma_start3A, %dma_start3A_22] : memref<10016x128xf32, #tpu.memory_space<vmem_shared>> -> memref<32x128xf32, #tpu.memory_space<vmem_shared>>
        %dma_start3A_24 = arith.constant 9984 : i32
        %dma_start3A_25 = arith.constant 0 : i32
        %dma_start3A_26 = tpu.memref_slice %arg5[%dma_start3A_24, %dma_start3A_25] : memref<10016x128xf32, #tpu.memory_space<hbm>> -> memref<32x128xf32, #tpu.memory_space<hbm>>
        tpu.enqueue_dma source(%dma_start3A_26 : memref<32x128xf32, #tpu.memory_space<hbm>>) target(%dma_start3A_23 : memref<32x128xf32, #tpu.memory_space<vmem_shared>>) target_semaphore(%run_scoped3A : memref<!tpu.dma_semaphore, #tpu.memory_space<semaphore_mem>>)
        %dma_wait3A = arith.constant 9984 : i32
        %dma_wait3A_27 = arith.constant 0 : i32
        %dma_wait3A_28 = tpu.memref_slice %arg11[%dma_wait3A, %dma_wait3A_27] : memref<10016x128xf32, #tpu.memory_space<vmem_shared>> -> memref<32x128xf32, #tpu.memory_space<vmem_shared>>
        %dma_wait3A_29 = arith.constant 9984 : i32
        %dma_wait3A_30 = arith.constant 0 : i32
        %dma_wait3A_31 = tpu.memref_slice %arg5[%dma_wait3A_29, %dma_wait3A_30] : memref<10016x128xf32, #tpu.memory_space<hbm>> -> memref<32x128xf32, #tpu.memory_space<hbm>>
        tpu.wait_dma2 semaphore(%run_scoped3A : memref<!tpu.dma_semaphore, #tpu.memory_space<semaphore_mem>>) src(%dma_wait3A_31 : memref<32x128xf32, #tpu.memory_space<hbm>>) dst(%dma_wait3A_28 : memref<32x128xf32, #tpu.memory_space<vmem_shared>>)
        tpu.yield
      }) : () -> ()
    } else {
    }
    %barrier3A = arith.constant 0 : index
    tpu.barrier barrier_id(%barrier3A)
    %scan3A = arith.constant 0 : i32
    %scan3A_7 = arith.constant 0 : i32
    %scan3A_8 = arith.constant 11 : i32
    %scan3A_9 = arith.addi %scan3A_7, %scan3A_8 : i32
    %scan3A_10 = arith.constant 1 : i32
    scf.for %scan3A_22 = %scan3A_7 to %scan3A_9 step %scan3A_10  : i32 {
      "tpu.region"() ({
        %run_scoped3A_140 = tpu.sem_alloc : memref<!tpu.dma_semaphore, #tpu.memory_space<semaphore_mem>>
        %dma_start3A_141 = arith.constant 0 : i32
        %dma_start3A_142 = arith.constant 0 : i32
        %dma_start3A_143 = tpu.memref_slice %arg3[%add3A, %scan3A_22, %dma_start3A_141, %dma_start3A_142] : memref<32x11x8x125xi32, #tpu.memory_space<hbm>> -> memref<1x1x8x125xi32, #tpu.memory_space<hbm>>
        %dma_start3A_144 = tpu.memref_squeeze %dma_start3A_143 : memref<1x1x8x125xi32, #tpu.memory_space<hbm>> -> memref<8x125xi32, #tpu.memory_space<hbm>>
        %dma_start3A_145 = arith.constant 0 : i32
        %dma_start3A_146 = arith.constant 0 : i32
        %dma_start3A_147 = tpu.memref_slice %arg3[%add3A, %scan3A_22, %dma_start3A_145, %dma_start3A_146] : memref<32x11x8x125xi32, #tpu.memory_space<hbm>> -> memref<1x1x8x125xi32, #tpu.memory_space<hbm>>
        %dma_start3A_148 = tpu.memref_squeeze %dma_start3A_147 : memref<1x1x8x125xi32, #tpu.memory_space<hbm>> -> memref<8x125xi32, #tpu.memory_space<hbm>>
        tpu.enqueue_dma source(%dma_start3A_148 : memref<8x125xi32, #tpu.memory_space<hbm>>) target(%arg7 : memref<8x125xi32, #tpu.memory_space<vmem>>) target_semaphore(%run_scoped3A_140 : memref<!tpu.dma_semaphore, #tpu.memory_space<semaphore_mem>>)
        %dma_wait3A_149 = arith.constant 0 : i32
        %dma_wait3A_150 = arith.constant 0 : i32
        %dma_wait3A_151 = tpu.memref_slice %arg3[%add3A, %scan3A_22, %dma_wait3A_149, %dma_wait3A_150] : memref<32x11x8x125xi32, #tpu.memory_space<hbm>> -> memref<1x1x8x125xi32, #tpu.memory_space<hbm>>
        %dma_wait3A_152 = tpu.memref_squeeze %dma_wait3A_151 : memref<1x1x8x125xi32, #tpu.memory_space<hbm>> -> memref<8x125xi32, #tpu.memory_space<hbm>>
        %dma_wait3A_153 = arith.constant 0 : i32
        %dma_wait3A_154 = arith.constant 0 : i32
        %dma_wait3A_155 = tpu.memref_slice %arg3[%add3A, %scan3A_22, %dma_wait3A_153, %dma_wait3A_154] : memref<32x11x8x125xi32, #tpu.memory_space<hbm>> -> memref<1x1x8x125xi32, #tpu.memory_space<hbm>>
        %dma_wait3A_156 = tpu.memref_squeeze %dma_wait3A_155 : memref<1x1x8x125xi32, #tpu.memory_space<hbm>> -> memref<8x125xi32, #tpu.memory_space<hbm>>
        tpu.wait_dma2 semaphore(%run_scoped3A_140 : memref<!tpu.dma_semaphore, #tpu.memory_space<semaphore_mem>>) src(%dma_wait3A_156 : memref<8x125xi32, #tpu.memory_space<hbm>>) dst(%arg7 : memref<8x125xi32, #tpu.memory_space<vmem>>)
        tpu.yield
      }) : () -> ()
      "tpu.region"() ({
        %run_scoped3A_140 = tpu.sem_alloc : memref<!tpu.dma_semaphore, #tpu.memory_space<semaphore_mem>>
        %dma_start3A_141 = arith.constant 0 : i32
        %dma_start3A_142 = arith.constant 0 : i32
        %dma_start3A_143 = tpu.memref_slice %arg4[%add3A, %scan3A_22, %dma_start3A_141, %dma_start3A_142] : memref<32x11x8x125xi32, #tpu.memory_space<hbm>> -> memref<1x1x8x125xi32, #tpu.memory_space<hbm>>
        %dma_start3A_144 = tpu.memref_squeeze %dma_start3A_143 : memref<1x1x8x125xi32, #tpu.memory_space<hbm>> -> memref<8x125xi32, #tpu.memory_space<hbm>>
        %dma_start3A_145 = arith.constant 0 : i32
        %dma_start3A_146 = arith.constant 0 : i32
        %dma_start3A_147 = tpu.memref_slice %arg4[%add3A, %scan3A_22, %dma_start3A_145, %dma_start3A_146] : memref<32x11x8x125xi32, #tpu.memory_space<hbm>> -> memref<1x1x8x125xi32, #tpu.memory_space<hbm>>
        %dma_start3A_148 = tpu.memref_squeeze %dma_start3A_147 : memref<1x1x8x125xi32, #tpu.memory_space<hbm>> -> memref<8x125xi32, #tpu.memory_space<hbm>>
        tpu.enqueue_dma source(%dma_start3A_148 : memref<8x125xi32, #tpu.memory_space<hbm>>) target(%arg8 : memref<8x125xi32, #tpu.memory_space<vmem>>) target_semaphore(%run_scoped3A_140 : memref<!tpu.dma_semaphore, #tpu.memory_space<semaphore_mem>>)
        %dma_wait3A_149 = arith.constant 0 : i32
        %dma_wait3A_150 = arith.constant 0 : i32
        %dma_wait3A_151 = tpu.memref_slice %arg4[%add3A, %scan3A_22, %dma_wait3A_149, %dma_wait3A_150] : memref<32x11x8x125xi32, #tpu.memory_space<hbm>> -> memref<1x1x8x125xi32, #tpu.memory_space<hbm>>
        %dma_wait3A_152 = tpu.memref_squeeze %dma_wait3A_151 : memref<1x1x8x125xi32, #tpu.memory_space<hbm>> -> memref<8x125xi32, #tpu.memory_space<hbm>>
        %dma_wait3A_153 = arith.constant 0 : i32
        %dma_wait3A_154 = arith.constant 0 : i32
        %dma_wait3A_155 = tpu.memref_slice %arg4[%add3A, %scan3A_22, %dma_wait3A_153, %dma_wait3A_154] : memref<32x11x8x125xi32, #tpu.memory_space<hbm>> -> memref<1x1x8x125xi32, #tpu.memory_space<hbm>>
        %dma_wait3A_156 = tpu.memref_squeeze %dma_wait3A_155 : memref<1x1x8x125xi32, #tpu.memory_space<hbm>> -> memref<8x125xi32, #tpu.memory_space<hbm>>
        tpu.wait_dma2 semaphore(%run_scoped3A_140 : memref<!tpu.dma_semaphore, #tpu.memory_space<semaphore_mem>>) src(%dma_wait3A_156 : memref<8x125xi32, #tpu.memory_space<hbm>>) dst(%arg8 : memref<8x125xi32, #tpu.memory_space<vmem>>)
        tpu.yield
      }) : () -> ()
      %dma_start3A = arith.constant 0 : i32
      %dma_start3A_23 = arith.constant 0 : i32
      %dma_start3A_24 = tpu.memref_slice %arg7[%dma_start3A, %dma_start3A_23] : memref<8x125xi32, #tpu.memory_space<vmem>> -> memref<1x125xi32, #tpu.memory_space<vmem>>
      %dma_start3A_25 = tpu.memref_squeeze %dma_start3A_24 : memref<1x125xi32, #tpu.memory_space<vmem>> -> memref<125xi32, #tpu.memory_space<vmem>>
      %dma_start3A_26 = arith.constant 0 : i32
      %dma_start3A_27 = arith.constant 0 : i32
      %dma_start3A_28 = tpu.memref_slice %arg2[%dma_start3A_26, %dma_start3A_27] : memref<10000x128xf32, #tpu.memory_space<hbm>> -> memref<10000x128xf32, #tpu.memory_space<hbm>>
      tpu.enqueue_indirect_dma source(%dma_start3A_28 : memref<10000x128xf32, #tpu.memory_space<hbm>>) target(%arg9 : memref<125x128xf32, #tpu.memory_space<vmem>>) offsets(%dma_start3A_25 : memref<125xi32, #tpu.memory_space<vmem>>) semaphore(%arg12 : memref<!tpu.dma_semaphore, #tpu.memory_space<semaphore_mem>>)
      %dma_start3A_29 = arith.constant 1 : i32
      %dma_start3A_30 = arith.constant 0 : i32
      %dma_start3A_31 = tpu.memref_slice %arg7[%dma_start3A_29, %dma_start3A_30] : memref<8x125xi32, #tpu.memory_space<vmem>> -> memref<1x125xi32, #tpu.memory_space<vmem>>
      %dma_start3A_32 = tpu.memref_squeeze %dma_start3A_31 : memref<1x125xi32, #tpu.memory_space<vmem>> -> memref<125xi32, #tpu.memory_space<vmem>>
      %dma_start3A_33 = arith.constant 0 : i32
      %dma_start3A_34 = arith.constant 0 : i32
      %dma_start3A_35 = tpu.memref_slice %arg2[%dma_start3A_33, %dma_start3A_34] : memref<10000x128xf32, #tpu.memory_space<hbm>> -> memref<10000x128xf32, #tpu.memory_space<hbm>>
      tpu.enqueue_indirect_dma source(%dma_start3A_35 : memref<10000x128xf32, #tpu.memory_space<hbm>>) target(%arg10 : memref<125x128xf32, #tpu.memory_space<vmem>>) offsets(%dma_start3A_32 : memref<125xi32, #tpu.memory_space<vmem>>) semaphore(%arg13 : memref<!tpu.dma_semaphore, #tpu.memory_space<semaphore_mem>>)
      %dma_wait3A = arith.constant 0 : i32
      %dma_wait3A_36 = arith.constant 0 : i32
      %dma_wait3A_37 = tpu.memref_slice %arg7[%dma_wait3A, %dma_wait3A_36] : memref<8x125xi32, #tpu.memory_space<vmem>> -> memref<1x125xi32, #tpu.memory_space<vmem>>
      %dma_wait3A_38 = tpu.memref_squeeze %dma_wait3A_37 : memref<1x125xi32, #tpu.memory_space<vmem>> -> memref<125xi32, #tpu.memory_space<vmem>>
      %dma_wait3A_39 = arith.constant 0 : i32
      %dma_wait3A_40 = arith.constant 0 : i32
      %dma_wait3A_41 = tpu.memref_slice %arg2[%dma_wait3A_39, %dma_wait3A_40] : memref<10000x128xf32, #tpu.memory_space<hbm>> -> memref<10000x128xf32, #tpu.memory_space<hbm>>
      tpu.wait_indirect_dma semaphore(%arg12 : memref<!tpu.dma_semaphore, #tpu.memory_space<semaphore_mem>>) src(%dma_wait3A_41 : memref<10000x128xf32, #tpu.memory_space<hbm>>) dst(%arg9 : memref<125x128xf32, #tpu.memory_space<vmem>>)
      %run_scoped3A = arith.constant 0 : i32
      "tpu.region"() ({
        %run_scoped3A_140 = tpu.sem_alloc : memref<!tpu.dma_semaphore, #tpu.memory_space<semaphore_mem>>
        %dma_start3A_141 = arith.constant 0 : i32
        %dma_start3A_142 = tpu.memref_slice %arg8[%run_scoped3A, %dma_start3A_141] : memref<8x125xi32, #tpu.memory_space<vmem>> -> memref<1x125xi32, #tpu.memory_space<vmem>>
        %dma_start3A_143 = tpu.memref_squeeze %dma_start3A_142 : memref<1x125xi32, #tpu.memory_space<vmem>> -> memref<125xi32, #tpu.memory_space<vmem>>
        %dma_start3A_144 = arith.constant 0 : i32
        %dma_start3A_145 = arith.constant 0 : i32
        %dma_start3A_146 = tpu.memref_slice %arg11[%dma_start3A_144, %dma_start3A_145] : memref<10016x128xf32, #tpu.memory_space<vmem_shared>> -> memref<10016x128xf32, #tpu.memory_space<vmem_shared>>
        tpu.enqueue_indirect_dma source(%arg9 : memref<125x128xf32, #tpu.memory_space<vmem>>) target(%dma_start3A_146 : memref<10016x128xf32, #tpu.memory_space<vmem_shared>>) offsets(%dma_start3A_143 : memref<125xi32, #tpu.memory_space<vmem>>) semaphore(%run_scoped3A_140 : memref<!tpu.dma_semaphore, #tpu.memory_space<semaphore_mem>>) {add = true}
        %dma_wait3A_147 = arith.constant 0 : i32
        %dma_wait3A_148 = tpu.memref_slice %arg8[%run_scoped3A, %dma_wait3A_147] : memref<8x125xi32, #tpu.memory_space<vmem>> -> memref<1x125xi32, #tpu.memory_space<vmem>>
        %dma_wait3A_149 = tpu.memref_squeeze %dma_wait3A_148 : memref<1x125xi32, #tpu.memory_space<vmem>> -> memref<125xi32, #tpu.memory_space<vmem>>
        %dma_wait3A_150 = arith.constant 0 : i32
        %dma_wait3A_151 = arith.constant 0 : i32
        %dma_wait3A_152 = tpu.memref_slice %arg11[%dma_wait3A_150, %dma_wait3A_151] : memref<10016x128xf32, #tpu.memory_space<vmem_shared>> -> memref<10016x128xf32, #tpu.memory_space<vmem_shared>>
        tpu.wait_indirect_dma semaphore(%run_scoped3A_140 : memref<!tpu.dma_semaphore, #tpu.memory_space<semaphore_mem>>) src(%arg9 : memref<125x128xf32, #tpu.memory_space<vmem>>) dst(%dma_wait3A_152 : memref<10016x128xf32, #tpu.memory_space<vmem_shared>>)
        tpu.yield
      }) : () -> ()
      %dma_start3A_42 = arith.constant 2 : i32
      %dma_start3A_43 = arith.constant 0 : i32
      %dma_start3A_44 = tpu.memref_slice %arg7[%dma_start3A_42, %dma_start3A_43] : memref<8x125xi32, #tpu.memory_space<vmem>> -> memref<1x125xi32, #tpu.memory_space<vmem>>
      %dma_start3A_45 = tpu.memref_squeeze %dma_start3A_44 : memref<1x125xi32, #tpu.memory_space<vmem>> -> memref<125xi32, #tpu.memory_space<vmem>>
      %dma_start3A_46 = arith.constant 0 : i32
      %dma_start3A_47 = arith.constant 0 : i32
      %dma_start3A_48 = tpu.memref_slice %arg2[%dma_start3A_46, %dma_start3A_47] : memref<10000x128xf32, #tpu.memory_space<hbm>> -> memref<10000x128xf32, #tpu.memory_space<hbm>>
      tpu.enqueue_indirect_dma source(%dma_start3A_48 : memref<10000x128xf32, #tpu.memory_space<hbm>>) target(%arg9 : memref<125x128xf32, #tpu.memory_space<vmem>>) offsets(%dma_start3A_45 : memref<125xi32, #tpu.memory_space<vmem>>) semaphore(%arg12 : memref<!tpu.dma_semaphore, #tpu.memory_space<semaphore_mem>>)
      %dma_wait3A_49 = arith.constant 1 : i32
      %dma_wait3A_50 = arith.constant 0 : i32
      %dma_wait3A_51 = tpu.memref_slice %arg7[%dma_wait3A_49, %dma_wait3A_50] : memref<8x125xi32, #tpu.memory_space<vmem>> -> memref<1x125xi32, #tpu.memory_space<vmem>>
      %dma_wait3A_52 = tpu.memref_squeeze %dma_wait3A_51 : memref<1x125xi32, #tpu.memory_space<vmem>> -> memref<125xi32, #tpu.memory_space<vmem>>
      %dma_wait3A_53 = arith.constant 0 : i32
      %dma_wait3A_54 = arith.constant 0 : i32
      %dma_wait3A_55 = tpu.memref_slice %arg2[%dma_wait3A_53, %dma_wait3A_54] : memref<10000x128xf32, #tpu.memory_space<hbm>> -> memref<10000x128xf32, #tpu.memory_space<hbm>>
      tpu.wait_indirect_dma semaphore(%arg13 : memref<!tpu.dma_semaphore, #tpu.memory_space<semaphore_mem>>) src(%dma_wait3A_55 : memref<10000x128xf32, #tpu.memory_space<hbm>>) dst(%arg10 : memref<125x128xf32, #tpu.memory_space<vmem>>)
      %run_scoped3A_56 = arith.constant 1 : i32
      "tpu.region"() ({
        %run_scoped3A_140 = tpu.sem_alloc : memref<!tpu.dma_semaphore, #tpu.memory_space<semaphore_mem>>
        %dma_start3A_141 = arith.constant 0 : i32
        %dma_start3A_142 = tpu.memref_slice %arg8[%run_scoped3A_56, %dma_start3A_141] : memref<8x125xi32, #tpu.memory_space<vmem>> -> memref<1x125xi32, #tpu.memory_space<vmem>>
        %dma_start3A_143 = tpu.memref_squeeze %dma_start3A_142 : memref<1x125xi32, #tpu.memory_space<vmem>> -> memref<125xi32, #tpu.memory_space<vmem>>
        %dma_start3A_144 = arith.constant 0 : i32
        %dma_start3A_145 = arith.constant 0 : i32
        %dma_start3A_146 = tpu.memref_slice %arg11[%dma_start3A_144, %dma_start3A_145] : memref<10016x128xf32, #tpu.memory_space<vmem_shared>> -> memref<10016x128xf32, #tpu.memory_space<vmem_shared>>
        tpu.enqueue_indirect_dma source(%arg10 : memref<125x128xf32, #tpu.memory_space<vmem>>) target(%dma_start3A_146 : memref<10016x128xf32, #tpu.memory_space<vmem_shared>>) offsets(%dma_start3A_143 : memref<125xi32, #tpu.memory_space<vmem>>) semaphore(%run_scoped3A_140 : memref<!tpu.dma_semaphore, #tpu.memory_space<semaphore_mem>>) {add = true}
        %dma_wait3A_147 = arith.constant 0 : i32
        %dma_wait3A_148 = tpu.memref_slice %arg8[%run_scoped3A_56, %dma_wait3A_147] : memref<8x125xi32, #tpu.memory_space<vmem>> -> memref<1x125xi32, #tpu.memory_space<vmem>>
        %dma_wait3A_149 = tpu.memref_squeeze %dma_wait3A_148 : memref<1x125xi32, #tpu.memory_space<vmem>> -> memref<125xi32, #tpu.memory_space<vmem>>
        %dma_wait3A_150 = arith.constant 0 : i32
        %dma_wait3A_151 = arith.constant 0 : i32
        %dma_wait3A_152 = tpu.memref_slice %arg11[%dma_wait3A_150, %dma_wait3A_151] : memref<10016x128xf32, #tpu.memory_space<vmem_shared>> -> memref<10016x128xf32, #tpu.memory_space<vmem_shared>>
        tpu.wait_indirect_dma semaphore(%run_scoped3A_140 : memref<!tpu.dma_semaphore, #tpu.memory_space<semaphore_mem>>) src(%arg10 : memref<125x128xf32, #tpu.memory_space<vmem>>) dst(%dma_wait3A_152 : memref<10016x128xf32, #tpu.memory_space<vmem_shared>>)
        tpu.yield
      }) : () -> ()
      %dma_start3A_57 = arith.constant 3 : i32
      %dma_start3A_58 = arith.constant 0 : i32
      %dma_start3A_59 = tpu.memref_slice %arg7[%dma_start3A_57, %dma_start3A_58] : memref<8x125xi32, #tpu.memory_space<vmem>> -> memref<1x125xi32, #tpu.memory_space<vmem>>
      %dma_start3A_60 = tpu.memref_squeeze %dma_start3A_59 : memref<1x125xi32, #tpu.memory_space<vmem>> -> memref<125xi32, #tpu.memory_space<vmem>>
      %dma_start3A_61 = arith.constant 0 : i32
      %dma_start3A_62 = arith.constant 0 : i32
      %dma_start3A_63 = tpu.memref_slice %arg2[%dma_start3A_61, %dma_start3A_62] : memref<10000x128xf32, #tpu.memory_space<hbm>> -> memref<10000x128xf32, #tpu.memory_space<hbm>>
      tpu.enqueue_indirect_dma source(%dma_start3A_63 : memref<10000x128xf32, #tpu.memory_space<hbm>>) target(%arg10 : memref<125x128xf32, #tpu.memory_space<vmem>>) offsets(%dma_start3A_60 : memref<125xi32, #tpu.memory_space<vmem>>) semaphore(%arg13 : memref<!tpu.dma_semaphore, #tpu.memory_space<semaphore_mem>>)
      %dma_wait3A_64 = arith.constant 2 : i32
      %dma_wait3A_65 = arith.constant 0 : i32
      %dma_wait3A_66 = tpu.memref_slice %arg7[%dma_wait3A_64, %dma_wait3A_65] : memref<8x125xi32, #tpu.memory_space<vmem>> -> memref<1x125xi32, #tpu.memory_space<vmem>>
      %dma_wait3A_67 = tpu.memref_squeeze %dma_wait3A_66 : memref<1x125xi32, #tpu.memory_space<vmem>> -> memref<125xi32, #tpu.memory_space<vmem>>
      %dma_wait3A_68 = arith.constant 0 : i32
      %dma_wait3A_69 = arith.constant 0 : i32
      %dma_wait3A_70 = tpu.memref_slice %arg2[%dma_wait3A_68, %dma_wait3A_69] : memref<10000x128xf32, #tpu.memory_space<hbm>> -> memref<10000x128xf32, #tpu.memory_space<hbm>>
      tpu.wait_indirect_dma semaphore(%arg12 : memref<!tpu.dma_semaphore, #tpu.memory_space<semaphore_mem>>) src(%dma_wait3A_70 : memref<10000x128xf32, #tpu.memory_space<hbm>>) dst(%arg9 : memref<125x128xf32, #tpu.memory_space<vmem>>)
      %run_scoped3A_71 = arith.constant 2 : i32
      "tpu.region"() ({
        %run_scoped3A_140 = tpu.sem_alloc : memref<!tpu.dma_semaphore, #tpu.memory_space<semaphore_mem>>
        %dma_start3A_141 = arith.constant 0 : i32
        %dma_start3A_142 = tpu.memref_slice %arg8[%run_scoped3A_71, %dma_start3A_141] : memref<8x125xi32, #tpu.memory_space<vmem>> -> memref<1x125xi32, #tpu.memory_space<vmem>>
        %dma_start3A_143 = tpu.memref_squeeze %dma_start3A_142 : memref<1x125xi32, #tpu.memory_space<vmem>> -> memref<125xi32, #tpu.memory_space<vmem>>
        %dma_start3A_144 = arith.constant 0 : i32
        %dma_start3A_145 = arith.constant 0 : i32
        %dma_start3A_146 = tpu.memref_slice %arg11[%dma_start3A_144, %dma_start3A_145] : memref<10016x128xf32, #tpu.memory_space<vmem_shared>> -> memref<10016x128xf32, #tpu.memory_space<vmem_shared>>
        tpu.enqueue_indirect_dma source(%arg9 : memref<125x128xf32, #tpu.memory_space<vmem>>) target(%dma_start3A_146 : memref<10016x128xf32, #tpu.memory_space<vmem_shared>>) offsets(%dma_start3A_143 : memref<125xi32, #tpu.memory_space<vmem>>) semaphore(%run_scoped3A_140 : memref<!tpu.dma_semaphore, #tpu.memory_space<semaphore_mem>>) {add = true}
        %dma_wait3A_147 = arith.constant 0 : i32
        %dma_wait3A_148 = tpu.memref_slice %arg8[%run_scoped3A_71, %dma_wait3A_147] : memref<8x125xi32, #tpu.memory_space<vmem>> -> memref<1x125xi32, #tpu.memory_space<vmem>>
        %dma_wait3A_149 = tpu.memref_squeeze %dma_wait3A_148 : memref<1x125xi32, #tpu.memory_space<vmem>> -> memref<125xi32, #tpu.memory_space<vmem>>
        %dma_wait3A_150 = arith.constant 0 : i32
        %dma_wait3A_151 = arith.constant 0 : i32
        %dma_wait3A_152 = tpu.memref_slice %arg11[%dma_wait3A_150, %dma_wait3A_151] : memref<10016x128xf32, #tpu.memory_space<vmem_shared>> -> memref<10016x128xf32, #tpu.memory_space<vmem_shared>>
        tpu.wait_indirect_dma semaphore(%run_scoped3A_140 : memref<!tpu.dma_semaphore, #tpu.memory_space<semaphore_mem>>) src(%arg9 : memref<125x128xf32, #tpu.memory_space<vmem>>) dst(%dma_wait3A_152 : memref<10016x128xf32, #tpu.memory_space<vmem_shared>>)
        tpu.yield
      }) : () -> ()
      %dma_start3A_72 = arith.constant 4 : i32
      %dma_start3A_73 = arith.constant 0 : i32
      %dma_start3A_74 = tpu.memref_slice %arg7[%dma_start3A_72, %dma_start3A_73] : memref<8x125xi32, #tpu.memory_space<vmem>> -> memref<1x125xi32, #tpu.memory_space<vmem>>
      %dma_start3A_75 = tpu.memref_squeeze %dma_start3A_74 : memref<1x125xi32, #tpu.memory_space<vmem>> -> memref<125xi32, #tpu.memory_space<vmem>>
      %dma_start3A_76 = arith.constant 0 : i32
      %dma_start3A_77 = arith.constant 0 : i32
      %dma_start3A_78 = tpu.memref_slice %arg2[%dma_start3A_76, %dma_start3A_77] : memref<10000x128xf32, #tpu.memory_space<hbm>> -> memref<10000x128xf32, #tpu.memory_space<hbm>>
      tpu.enqueue_indirect_dma source(%dma_start3A_78 : memref<10000x128xf32, #tpu.memory_space<hbm>>) target(%arg9 : memref<125x128xf32, #tpu.memory_space<vmem>>) offsets(%dma_start3A_75 : memref<125xi32, #tpu.memory_space<vmem>>) semaphore(%arg12 : memref<!tpu.dma_semaphore, #tpu.memory_space<semaphore_mem>>)
      %dma_wait3A_79 = arith.constant 3 : i32
      %dma_wait3A_80 = arith.constant 0 : i32
      %dma_wait3A_81 = tpu.memref_slice %arg7[%dma_wait3A_79, %dma_wait3A_80] : memref<8x125xi32, #tpu.memory_space<vmem>> -> memref<1x125xi32, #tpu.memory_space<vmem>>
      %dma_wait3A_82 = tpu.memref_squeeze %dma_wait3A_81 : memref<1x125xi32, #tpu.memory_space<vmem>> -> memref<125xi32, #tpu.memory_space<vmem>>
      %dma_wait3A_83 = arith.constant 0 : i32
      %dma_wait3A_84 = arith.constant 0 : i32
      %dma_wait3A_85 = tpu.memref_slice %arg2[%dma_wait3A_83, %dma_wait3A_84] : memref<10000x128xf32, #tpu.memory_space<hbm>> -> memref<10000x128xf32, #tpu.memory_space<hbm>>
      tpu.wait_indirect_dma semaphore(%arg13 : memref<!tpu.dma_semaphore, #tpu.memory_space<semaphore_mem>>) src(%dma_wait3A_85 : memref<10000x128xf32, #tpu.memory_space<hbm>>) dst(%arg10 : memref<125x128xf32, #tpu.memory_space<vmem>>)
      %run_scoped3A_86 = arith.constant 3 : i32
      "tpu.region"() ({
        %run_scoped3A_140 = tpu.sem_alloc : memref<!tpu.dma_semaphore, #tpu.memory_space<semaphore_mem>>
        %dma_start3A_141 = arith.constant 0 : i32
        %dma_start3A_142 = tpu.memref_slice %arg8[%run_scoped3A_86, %dma_start3A_141] : memref<8x125xi32, #tpu.memory_space<vmem>> -> memref<1x125xi32, #tpu.memory_space<vmem>>
        %dma_start3A_143 = tpu.memref_squeeze %dma_start3A_142 : memref<1x125xi32, #tpu.memory_space<vmem>> -> memref<125xi32, #tpu.memory_space<vmem>>
        %dma_start3A_144 = arith.constant 0 : i32
        %dma_start3A_145 = arith.constant 0 : i32
        %dma_start3A_146 = tpu.memref_slice %arg11[%dma_start3A_144, %dma_start3A_145] : memref<10016x128xf32, #tpu.memory_space<vmem_shared>> -> memref<10016x128xf32, #tpu.memory_space<vmem_shared>>
        tpu.enqueue_indirect_dma source(%arg10 : memref<125x128xf32, #tpu.memory_space<vmem>>) target(%dma_start3A_146 : memref<10016x128xf32, #tpu.memory_space<vmem_shared>>) offsets(%dma_start3A_143 : memref<125xi32, #tpu.memory_space<vmem>>) semaphore(%run_scoped3A_140 : memref<!tpu.dma_semaphore, #tpu.memory_space<semaphore_mem>>) {add = true}
        %dma_wait3A_147 = arith.constant 0 : i32
        %dma_wait3A_148 = tpu.memref_slice %arg8[%run_scoped3A_86, %dma_wait3A_147] : memref<8x125xi32, #tpu.memory_space<vmem>> -> memref<1x125xi32, #tpu.memory_space<vmem>>
        %dma_wait3A_149 = tpu.memref_squeeze %dma_wait3A_148 : memref<1x125xi32, #tpu.memory_space<vmem>> -> memref<125xi32, #tpu.memory_space<vmem>>
        %dma_wait3A_150 = arith.constant 0 : i32
        %dma_wait3A_151 = arith.constant 0 : i32
        %dma_wait3A_152 = tpu.memref_slice %arg11[%dma_wait3A_150, %dma_wait3A_151] : memref<10016x128xf32, #tpu.memory_space<vmem_shared>> -> memref<10016x128xf32, #tpu.memory_space<vmem_shared>>
        tpu.wait_indirect_dma semaphore(%run_scoped3A_140 : memref<!tpu.dma_semaphore, #tpu.memory_space<semaphore_mem>>) src(%arg10 : memref<125x128xf32, #tpu.memory_space<vmem>>) dst(%dma_wait3A_152 : memref<10016x128xf32, #tpu.memory_space<vmem_shared>>)
        tpu.yield
      }) : () -> ()
      %dma_start3A_87 = arith.constant 5 : i32
      %dma_start3A_88 = arith.constant 0 : i32
      %dma_start3A_89 = tpu.memref_slice %arg7[%dma_start3A_87, %dma_start3A_88] : memref<8x125xi32, #tpu.memory_space<vmem>> -> memref<1x125xi32, #tpu.memory_space<vmem>>
      %dma_start3A_90 = tpu.memref_squeeze %dma_start3A_89 : memref<1x125xi32, #tpu.memory_space<vmem>> -> memref<125xi32, #tpu.memory_space<vmem>>
      %dma_start3A_91 = arith.constant 0 : i32
      %dma_start3A_92 = arith.constant 0 : i32
      %dma_start3A_93 = tpu.memref_slice %arg2[%dma_start3A_91, %dma_start3A_92] : memref<10000x128xf32, #tpu.memory_space<hbm>> -> memref<10000x128xf32, #tpu.memory_space<hbm>>
      tpu.enqueue_indirect_dma source(%dma_start3A_93 : memref<10000x128xf32, #tpu.memory_space<hbm>>) target(%arg10 : memref<125x128xf32, #tpu.memory_space<vmem>>) offsets(%dma_start3A_90 : memref<125xi32, #tpu.memory_space<vmem>>) semaphore(%arg13 : memref<!tpu.dma_semaphore, #tpu.memory_space<semaphore_mem>>)
      %dma_wait3A_94 = arith.constant 4 : i32
      %dma_wait3A_95 = arith.constant 0 : i32
      %dma_wait3A_96 = tpu.memref_slice %arg7[%dma_wait3A_94, %dma_wait3A_95] : memref<8x125xi32, #tpu.memory_space<vmem>> -> memref<1x125xi32, #tpu.memory_space<vmem>>
      %dma_wait3A_97 = tpu.memref_squeeze %dma_wait3A_96 : memref<1x125xi32, #tpu.memory_space<vmem>> -> memref<125xi32, #tpu.memory_space<vmem>>
      %dma_wait3A_98 = arith.constant 0 : i32
      %dma_wait3A_99 = arith.constant 0 : i32
      %dma_wait3A_100 = tpu.memref_slice %arg2[%dma_wait3A_98, %dma_wait3A_99] : memref<10000x128xf32, #tpu.memory_space<hbm>> -> memref<10000x128xf32, #tpu.memory_space<hbm>>
      tpu.wait_indirect_dma semaphore(%arg12 : memref<!tpu.dma_semaphore, #tpu.memory_space<semaphore_mem>>) src(%dma_wait3A_100 : memref<10000x128xf32, #tpu.memory_space<hbm>>) dst(%arg9 : memref<125x128xf32, #tpu.memory_space<vmem>>)
      %run_scoped3A_101 = arith.constant 4 : i32
      "tpu.region"() ({
        %run_scoped3A_140 = tpu.sem_alloc : memref<!tpu.dma_semaphore, #tpu.memory_space<semaphore_mem>>
        %dma_start3A_141 = arith.constant 0 : i32
        %dma_start3A_142 = tpu.memref_slice %arg8[%run_scoped3A_101, %dma_start3A_141] : memref<8x125xi32, #tpu.memory_space<vmem>> -> memref<1x125xi32, #tpu.memory_space<vmem>>
        %dma_start3A_143 = tpu.memref_squeeze %dma_start3A_142 : memref<1x125xi32, #tpu.memory_space<vmem>> -> memref<125xi32, #tpu.memory_space<vmem>>
        %dma_start3A_144 = arith.constant 0 : i32
        %dma_start3A_145 = arith.constant 0 : i32
        %dma_start3A_146 = tpu.memref_slice %arg11[%dma_start3A_144, %dma_start3A_145] : memref<10016x128xf32, #tpu.memory_space<vmem_shared>> -> memref<10016x128xf32, #tpu.memory_space<vmem_shared>>
        tpu.enqueue_indirect_dma source(%arg9 : memref<125x128xf32, #tpu.memory_space<vmem>>) target(%dma_start3A_146 : memref<10016x128xf32, #tpu.memory_space<vmem_shared>>) offsets(%dma_start3A_143 : memref<125xi32, #tpu.memory_space<vmem>>) semaphore(%run_scoped3A_140 : memref<!tpu.dma_semaphore, #tpu.memory_space<semaphore_mem>>) {add = true}
        %dma_wait3A_147 = arith.constant 0 : i32
        %dma_wait3A_148 = tpu.memref_slice %arg8[%run_scoped3A_101, %dma_wait3A_147] : memref<8x125xi32, #tpu.memory_space<vmem>> -> memref<1x125xi32, #tpu.memory_space<vmem>>
        %dma_wait3A_149 = tpu.memref_squeeze %dma_wait3A_148 : memref<1x125xi32, #tpu.memory_space<vmem>> -> memref<125xi32, #tpu.memory_space<vmem>>
        %dma_wait3A_150 = arith.constant 0 : i32
        %dma_wait3A_151 = arith.constant 0 : i32
        %dma_wait3A_152 = tpu.memref_slice %arg11[%dma_wait3A_150, %dma_wait3A_151] : memref<10016x128xf32, #tpu.memory_space<vmem_shared>> -> memref<10016x128xf32, #tpu.memory_space<vmem_shared>>
        tpu.wait_indirect_dma semaphore(%run_scoped3A_140 : memref<!tpu.dma_semaphore, #tpu.memory_space<semaphore_mem>>) src(%arg9 : memref<125x128xf32, #tpu.memory_space<vmem>>) dst(%dma_wait3A_152 : memref<10016x128xf32, #tpu.memory_space<vmem_shared>>)
        tpu.yield
      }) : () -> ()
      %dma_start3A_102 = arith.constant 6 : i32
      %dma_start3A_103 = arith.constant 0 : i32
      %dma_start3A_104 = tpu.memref_slice %arg7[%dma_start3A_102, %dma_start3A_103] : memref<8x125xi32, #tpu.memory_space<vmem>> -> memref<1x125xi32, #tpu.memory_space<vmem>>
      %dma_start3A_105 = tpu.memref_squeeze %dma_start3A_104 : memref<1x125xi32, #tpu.memory_space<vmem>> -> memref<125xi32, #tpu.memory_space<vmem>>
      %dma_start3A_106 = arith.constant 0 : i32
      %dma_start3A_107 = arith.constant 0 : i32
      %dma_start3A_108 = tpu.memref_slice %arg2[%dma_start3A_106, %dma_start3A_107] : memref<10000x128xf32, #tpu.memory_space<hbm>> -> memref<10000x128xf32, #tpu.memory_space<hbm>>
      tpu.enqueue_indirect_dma source(%dma_start3A_108 : memref<10000x128xf32, #tpu.memory_space<hbm>>) target(%arg9 : memref<125x128xf32, #tpu.memory_space<vmem>>) offsets(%dma_start3A_105 : memref<125xi32, #tpu.memory_space<vmem>>) semaphore(%arg12 : memref<!tpu.dma_semaphore, #tpu.memory_space<semaphore_mem>>)
      %dma_wait3A_109 = arith.constant 5 : i32
      %dma_wait3A_110 = arith.constant 0 : i32
      %dma_wait3A_111 = tpu.memref_slice %arg7[%dma_wait3A_109, %dma_wait3A_110] : memref<8x125xi32, #tpu.memory_space<vmem>> -> memref<1x125xi32, #tpu.memory_space<vmem>>
      %dma_wait3A_112 = tpu.memref_squeeze %dma_wait3A_111 : memref<1x125xi32, #tpu.memory_space<vmem>> -> memref<125xi32, #tpu.memory_space<vmem>>
      %dma_wait3A_113 = arith.constant 0 : i32
      %dma_wait3A_114 = arith.constant 0 : i32
      %dma_wait3A_115 = tpu.memref_slice %arg2[%dma_wait3A_113, %dma_wait3A_114] : memref<10000x128xf32, #tpu.memory_space<hbm>> -> memref<10000x128xf32, #tpu.memory_space<hbm>>
      tpu.wait_indirect_dma semaphore(%arg13 : memref<!tpu.dma_semaphore, #tpu.memory_space<semaphore_mem>>) src(%dma_wait3A_115 : memref<10000x128xf32, #tpu.memory_space<hbm>>) dst(%arg10 : memref<125x128xf32, #tpu.memory_space<vmem>>)
      %run_scoped3A_116 = arith.constant 5 : i32
      "tpu.region"() ({
        %run_scoped3A_140 = tpu.sem_alloc : memref<!tpu.dma_semaphore, #tpu.memory_space<semaphore_mem>>
        %dma_start3A_141 = arith.constant 0 : i32
        %dma_start3A_142 = tpu.memref_slice %arg8[%run_scoped3A_116, %dma_start3A_141] : memref<8x125xi32, #tpu.memory_space<vmem>> -> memref<1x125xi32, #tpu.memory_space<vmem>>
        %dma_start3A_143 = tpu.memref_squeeze %dma_start3A_142 : memref<1x125xi32, #tpu.memory_space<vmem>> -> memref<125xi32, #tpu.memory_space<vmem>>
        %dma_start3A_144 = arith.constant 0 : i32
        %dma_start3A_145 = arith.constant 0 : i32
        %dma_start3A_146 = tpu.memref_slice %arg11[%dma_start3A_144, %dma_start3A_145] : memref<10016x128xf32, #tpu.memory_space<vmem_shared>> -> memref<10016x128xf32, #tpu.memory_space<vmem_shared>>
        tpu.enqueue_indirect_dma source(%arg10 : memref<125x128xf32, #tpu.memory_space<vmem>>) target(%dma_start3A_146 : memref<10016x128xf32, #tpu.memory_space<vmem_shared>>) offsets(%dma_start3A_143 : memref<125xi32, #tpu.memory_space<vmem>>) semaphore(%run_scoped3A_140 : memref<!tpu.dma_semaphore, #tpu.memory_space<semaphore_mem>>) {add = true}
        %dma_wait3A_147 = arith.constant 0 : i32
        %dma_wait3A_148 = tpu.memref_slice %arg8[%run_scoped3A_116, %dma_wait3A_147] : memref<8x125xi32, #tpu.memory_space<vmem>> -> memref<1x125xi32, #tpu.memory_space<vmem>>
        %dma_wait3A_149 = tpu.memref_squeeze %dma_wait3A_148 : memref<1x125xi32, #tpu.memory_space<vmem>> -> memref<125xi32, #tpu.memory_space<vmem>>
        %dma_wait3A_150 = arith.constant 0 : i32
        %dma_wait3A_151 = arith.constant 0 : i32
        %dma_wait3A_152 = tpu.memref_slice %arg11[%dma_wait3A_150, %dma_wait3A_151] : memref<10016x128xf32, #tpu.memory_space<vmem_shared>> -> memref<10016x128xf32, #tpu.memory_space<vmem_shared>>
        tpu.wait_indirect_dma semaphore(%run_scoped3A_140 : memref<!tpu.dma_semaphore, #tpu.memory_space<semaphore_mem>>) src(%arg10 : memref<125x128xf32, #tpu.memory_space<vmem>>) dst(%dma_wait3A_152 : memref<10016x128xf32, #tpu.memory_space<vmem_shared>>)
        tpu.yield
      }) : () -> ()
      %dma_start3A_117 = arith.constant 7 : i32
      %dma_start3A_118 = arith.constant 0 : i32
      %dma_start3A_119 = tpu.memref_slice %arg7[%dma_start3A_117, %dma_start3A_118] : memref<8x125xi32, #tpu.memory_space<vmem>> -> memref<1x125xi32, #tpu.memory_space<vmem>>
      %dma_start3A_120 = tpu.memref_squeeze %dma_start3A_119 : memref<1x125xi32, #tpu.memory_space<vmem>> -> memref<125xi32, #tpu.memory_space<vmem>>
      %dma_start3A_121 = arith.constant 0 : i32
      %dma_start3A_122 = arith.constant 0 : i32
      %dma_start3A_123 = tpu.memref_slice %arg2[%dma_start3A_121, %dma_start3A_122] : memref<10000x128xf32, #tpu.memory_space<hbm>> -> memref<10000x128xf32, #tpu.memory_space<hbm>>
      tpu.enqueue_indirect_dma source(%dma_start3A_123 : memref<10000x128xf32, #tpu.memory_space<hbm>>) target(%arg10 : memref<125x128xf32, #tpu.memory_space<vmem>>) offsets(%dma_start3A_120 : memref<125xi32, #tpu.memory_space<vmem>>) semaphore(%arg13 : memref<!tpu.dma_semaphore, #tpu.memory_space<semaphore_mem>>)
      %dma_wait3A_124 = arith.constant 6 : i32
      %dma_wait3A_125 = arith.constant 0 : i32
      %dma_wait3A_126 = tpu.memref_slice %arg7[%dma_wait3A_124, %dma_wait3A_125] : memref<8x125xi32, #tpu.memory_space<vmem>> -> memref<1x125xi32, #tpu.memory_space<vmem>>
      %dma_wait3A_127 = tpu.memref_squeeze %dma_wait3A_126 : memref<1x125xi32, #tpu.memory_space<vmem>> -> memref<125xi32, #tpu.memory_space<vmem>>
      %dma_wait3A_128 = arith.constant 0 : i32
      %dma_wait3A_129 = arith.constant 0 : i32
      %dma_wait3A_130 = tpu.memref_slice %arg2[%dma_wait3A_128, %dma_wait3A_129] : memref<10000x128xf32, #tpu.memory_space<hbm>> -> memref<10000x128xf32, #tpu.memory_space<hbm>>
      tpu.wait_indirect_dma semaphore(%arg12 : memref<!tpu.dma_semaphore, #tpu.memory_space<semaphore_mem>>) src(%dma_wait3A_130 : memref<10000x128xf32, #tpu.memory_space<hbm>>) dst(%arg9 : memref<125x128xf32, #tpu.memory_space<vmem>>)
      %run_scoped3A_131 = arith.constant 6 : i32
      "tpu.region"() ({
        %run_scoped3A_140 = tpu.sem_alloc : memref<!tpu.dma_semaphore, #tpu.memory_space<semaphore_mem>>
        %dma_start3A_141 = arith.constant 0 : i32
        %dma_start3A_142 = tpu.memref_slice %arg8[%run_scoped3A_131, %dma_start3A_141] : memref<8x125xi32, #tpu.memory_space<vmem>> -> memref<1x125xi32, #tpu.memory_space<vmem>>
        %dma_start3A_143 = tpu.memref_squeeze %dma_start3A_142 : memref<1x125xi32, #tpu.memory_space<vmem>> -> memref<125xi32, #tpu.memory_space<vmem>>
        %dma_start3A_144 = arith.constant 0 : i32
        %dma_start3A_145 = arith.constant 0 : i32
        %dma_start3A_146 = tpu.memref_slice %arg11[%dma_start3A_144, %dma_start3A_145] : memref<10016x128xf32, #tpu.memory_space<vmem_shared>> -> memref<10016x128xf32, #tpu.memory_space<vmem_shared>>
        tpu.enqueue_indirect_dma source(%arg9 : memref<125x128xf32, #tpu.memory_space<vmem>>) target(%dma_start3A_146 : memref<10016x128xf32, #tpu.memory_space<vmem_shared>>) offsets(%dma_start3A_143 : memref<125xi32, #tpu.memory_space<vmem>>) semaphore(%run_scoped3A_140 : memref<!tpu.dma_semaphore, #tpu.memory_space<semaphore_mem>>) {add = true}
        %dma_wait3A_147 = arith.constant 0 : i32
        %dma_wait3A_148 = tpu.memref_slice %arg8[%run_scoped3A_131, %dma_wait3A_147] : memref<8x125xi32, #tpu.memory_space<vmem>> -> memref<1x125xi32, #tpu.memory_space<vmem>>
        %dma_wait3A_149 = tpu.memref_squeeze %dma_wait3A_148 : memref<1x125xi32, #tpu.memory_space<vmem>> -> memref<125xi32, #tpu.memory_space<vmem>>
        %dma_wait3A_150 = arith.constant 0 : i32
        %dma_wait3A_151 = arith.constant 0 : i32
        %dma_wait3A_152 = tpu.memref_slice %arg11[%dma_wait3A_150, %dma_wait3A_151] : memref<10016x128xf32, #tpu.memory_space<vmem_shared>> -> memref<10016x128xf32, #tpu.memory_space<vmem_shared>>
        tpu.wait_indirect_dma semaphore(%run_scoped3A_140 : memref<!tpu.dma_semaphore, #tpu.memory_space<semaphore_mem>>) src(%arg9 : memref<125x128xf32, #tpu.memory_space<vmem>>) dst(%dma_wait3A_152 : memref<10016x128xf32, #tpu.memory_space<vmem_shared>>)
        tpu.yield
      }) : () -> ()
      %dma_wait3A_132 = arith.constant 7 : i32
      %dma_wait3A_133 = arith.constant 0 : i32
      %dma_wait3A_134 = tpu.memref_slice %arg7[%dma_wait3A_132, %dma_wait3A_133] : memref<8x125xi32, #tpu.memory_space<vmem>> -> memref<1x125xi32, #tpu.memory_space<vmem>>
      %dma_wait3A_135 = tpu.memref_squeeze %dma_wait3A_134 : memref<1x125xi32, #tpu.memory_space<vmem>> -> memref<125xi32, #tpu.memory_space<vmem>>
      %dma_wait3A_136 = arith.constant 0 : i32
      %dma_wait3A_137 = arith.constant 0 : i32
      %dma_wait3A_138 = tpu.memref_slice %arg2[%dma_wait3A_136, %dma_wait3A_137] : memref<10000x128xf32, #tpu.memory_space<hbm>> -> memref<10000x128xf32, #tpu.memory_space<hbm>>
      tpu.wait_indirect_dma semaphore(%arg13 : memref<!tpu.dma_semaphore, #tpu.memory_space<semaphore_mem>>) src(%dma_wait3A_138 : memref<10000x128xf32, #tpu.memory_space<hbm>>) dst(%arg10 : memref<125x128xf32, #tpu.memory_space<vmem>>)
      %run_scoped3A_139 = arith.constant 7 : i32
      "tpu.region"() ({
        %run_scoped3A_140 = tpu.sem_alloc : memref<!tpu.dma_semaphore, #tpu.memory_space<semaphore_mem>>
        %dma_start3A_141 = arith.constant 0 : i32
        %dma_start3A_142 = tpu.memref_slice %arg8[%run_scoped3A_139, %dma_start3A_141] : memref<8x125xi32, #tpu.memory_space<vmem>> -> memref<1x125xi32, #tpu.memory_space<vmem>>
        %dma_start3A_143 = tpu.memref_squeeze %dma_start3A_142 : memref<1x125xi32, #tpu.memory_space<vmem>> -> memref<125xi32, #tpu.memory_space<vmem>>
        %dma_start3A_144 = arith.constant 0 : i32
        %dma_start3A_145 = arith.constant 0 : i32
        %dma_start3A_146 = tpu.memref_slice %arg11[%dma_start3A_144, %dma_start3A_145] : memref<10016x128xf32, #tpu.memory_space<vmem_shared>> -> memref<10016x128xf32, #tpu.memory_space<vmem_shared>>
        tpu.enqueue_indirect_dma source(%arg10 : memref<125x128xf32, #tpu.memory_space<vmem>>) target(%dma_start3A_146 : memref<10016x128xf32, #tpu.memory_space<vmem_shared>>) offsets(%dma_start3A_143 : memref<125xi32, #tpu.memory_space<vmem>>) semaphore(%run_scoped3A_140 : memref<!tpu.dma_semaphore, #tpu.memory_space<semaphore_mem>>) {add = true}
        %dma_wait3A_147 = arith.constant 0 : i32
        %dma_wait3A_148 = tpu.memref_slice %arg8[%run_scoped3A_139, %dma_wait3A_147] : memref<8x125xi32, #tpu.memory_space<vmem>> -> memref<1x125xi32, #tpu.memory_space<vmem>>
        %dma_wait3A_149 = tpu.memref_squeeze %dma_wait3A_148 : memref<1x125xi32, #tpu.memory_space<vmem>> -> memref<125xi32, #tpu.memory_space<vmem>>
        %dma_wait3A_150 = arith.constant 0 : i32
        %dma_wait3A_151 = arith.constant 0 : i32
        %dma_wait3A_152 = tpu.memref_slice %arg11[%dma_wait3A_150, %dma_wait3A_151] : memref<10016x128xf32, #tpu.memory_space<vmem_shared>> -> memref<10016x128xf32, #tpu.memory_space<vmem_shared>>
        tpu.wait_indirect_dma semaphore(%run_scoped3A_140 : memref<!tpu.dma_semaphore, #tpu.memory_space<semaphore_mem>>) src(%arg10 : memref<125x128xf32, #tpu.memory_space<vmem>>) dst(%dma_wait3A_152 : memref<10016x128xf32, #tpu.memory_space<vmem_shared>>)
        tpu.yield
      }) : () -> ()
    }
    %scan3A_11 = arith.constant 11 : i32
    %barrier3A_12 = arith.constant 0 : index
    tpu.barrier barrier_id(%barrier3A_12)
    %mul3A_13 = arith.constant 624 : i32
    %mul3A_14 = arith.muli %arg1, %mul3A_13 : i32
    %mul3A_15 = arith.constant 624 : i32
    %mul3A_16 = arith.muli %arg1, %mul3A_15 : i32
    "tpu.region"() ({
      %run_scoped3A = tpu.sem_alloc : memref<!tpu.dma_semaphore, #tpu.memory_space<semaphore_mem>>
      %dma_start3A = arith.constant 0 : i32
      %dma_start3A_22 = tpu.memref_slice %arg6[%arg0, %mul3A_16, %dma_start3A] : memref<2x10016x128xf32, #tpu.memory_space<hbm>> -> memref<1x624x128xf32, #tpu.memory_space<hbm>>
      %dma_start3A_23 = tpu.memref_squeeze %dma_start3A_22 : memref<1x624x128xf32, #tpu.memory_space<hbm>> -> memref<624x128xf32, #tpu.memory_space<hbm>>
      %dma_start3A_24 = arith.constant 0 : i32
      %dma_start3A_25 = tpu.memref_slice %arg11[%mul3A_14, %dma_start3A_24] : memref<10016x128xf32, #tpu.memory_space<vmem_shared>> -> memref<624x128xf32, #tpu.memory_space<vmem_shared>>
      tpu.enqueue_dma source(%dma_start3A_25 : memref<624x128xf32, #tpu.memory_space<vmem_shared>>) target(%dma_start3A_23 : memref<624x128xf32, #tpu.memory_space<hbm>>) target_semaphore(%run_scoped3A : memref<!tpu.dma_semaphore, #tpu.memory_space<semaphore_mem>>)
      %dma_wait3A = arith.constant 0 : i32
      %dma_wait3A_26 = tpu.memref_slice %arg6[%arg0, %mul3A_16, %dma_wait3A] : memref<2x10016x128xf32, #tpu.memory_space<hbm>> -> memref<1x624x128xf32, #tpu.memory_space<hbm>>
      %dma_wait3A_27 = tpu.memref_squeeze %dma_wait3A_26 : memref<1x624x128xf32, #tpu.memory_space<hbm>> -> memref<624x128xf32, #tpu.memory_space<hbm>>
      %dma_wait3A_28 = arith.constant 0 : i32
      %dma_wait3A_29 = tpu.memref_slice %arg11[%mul3A_14, %dma_wait3A_28] : memref<10016x128xf32, #tpu.memory_space<vmem_shared>> -> memref<624x128xf32, #tpu.memory_space<vmem_shared>>
      tpu.wait_dma2 semaphore(%run_scoped3A : memref<!tpu.dma_semaphore, #tpu.memory_space<semaphore_mem>>) src(%dma_wait3A_29 : memref<624x128xf32, #tpu.memory_space<vmem_shared>>) dst(%dma_wait3A_27 : memref<624x128xf32, #tpu.memory_space<hbm>>)
      tpu.yield
    }) : () -> ()
    %eq3A_17 = arith.constant 15 : i32
    %eq3A_18 = arith.cmpi eq, %arg1, %eq3A_17 : i32
    %convert_element_type3A_19 = arith.extui %eq3A_18 : i1 to i32
    %cond3A_20 = arith.constant 0 : i32
    %cond3A_21 = arith.cmpi ne, %convert_element_type3A_19, %cond3A_20 : i32
    scf.if %cond3A_21 {
      "tpu.region"() ({
        %run_scoped3A = tpu.sem_alloc : memref<!tpu.dma_semaphore, #tpu.memory_space<semaphore_mem>>
        %dma_start3A = arith.constant 9984 : i32
        %dma_start3A_22 = arith.constant 0 : i32
        %dma_start3A_23 = tpu.memref_slice %arg6[%arg0, %dma_start3A, %dma_start3A_22] : memref<2x10016x128xf32, #tpu.memory_space<hbm>> -> memref<1x32x128xf32, #tpu.memory_space<hbm>>
        %dma_start3A_24 = tpu.memref_squeeze %dma_start3A_23 : memref<1x32x128xf32, #tpu.memory_space<hbm>> -> memref<32x128xf32, #tpu.memory_space<hbm>>
        %dma_start3A_25 = arith.constant 9984 : i32
        %dma_start3A_26 = arith.constant 0 : i32
        %dma_start3A_27 = tpu.memref_slice %arg11[%dma_start3A_25, %dma_start3A_26] : memref<10016x128xf32, #tpu.memory_space<vmem_shared>> -> memref<32x128xf32, #tpu.memory_space<vmem_shared>>
        tpu.enqueue_dma source(%dma_start3A_27 : memref<32x128xf32, #tpu.memory_space<vmem_shared>>) target(%dma_start3A_24 : memref<32x128xf32, #tpu.memory_space<hbm>>) target_semaphore(%run_scoped3A : memref<!tpu.dma_semaphore, #tpu.memory_space<semaphore_mem>>)
        %dma_wait3A = arith.constant 9984 : i32
        %dma_wait3A_28 = arith.constant 0 : i32
        %dma_wait3A_29 = tpu.memref_slice %arg6[%arg0, %dma_wait3A, %dma_wait3A_28] : memref<2x10016x128xf32, #tpu.memory_space<hbm>> -> memref<1x32x128xf32, #tpu.memory_space<hbm>>
        %dma_wait3A_30 = tpu.memref_squeeze %dma_wait3A_29 : memref<1x32x128xf32, #tpu.memory_space<hbm>> -> memref<32x128xf32, #tpu.memory_space<hbm>>
        %dma_wait3A_31 = arith.constant 9984 : i32
        %dma_wait3A_32 = arith.constant 0 : i32
        %dma_wait3A_33 = tpu.memref_slice %arg11[%dma_wait3A_31, %dma_wait3A_32] : memref<10016x128xf32, #tpu.memory_space<vmem_shared>> -> memref<32x128xf32, #tpu.memory_space<vmem_shared>>
        tpu.wait_dma2 semaphore(%run_scoped3A : memref<!tpu.dma_semaphore, #tpu.memory_space<semaphore_mem>>) src(%dma_wait3A_33 : memref<32x128xf32, #tpu.memory_space<vmem_shared>>) dst(%dma_wait3A_30 : memref<32x128xf32, #tpu.memory_space<hbm>>)
        tpu.yield
      }) : () -> ()
    } else {
    }
    return
  }
}

#map = affine_map<(d0, d1) -> (0, 0)>
#map1 = affine_map<(d0, d1) -> (0, 0, 0, 0)>
#map2 = affine_map<(d0, d1) -> (0, 0, 0)>
module attributes {stable_mosaic.version = 14 : i64} {
  func.func @body(%arg0: i32, %arg1: i32, %arg2: memref<10000x128xf32, #tpu.memory_space<hbm>>, %arg3: memref<32x11x8x125xi32, #tpu.memory_space<hbm>>, %arg4: memref<32x11x8x125xi32, #tpu.memory_space<hbm>>, %arg5: memref<10016x128xf32, #tpu.memory_space<hbm>>, %arg6: memref<2x10016x128xf32, #tpu.memory_space<hbm>>, %arg7: memref<8x125xi32, #tpu.memory_space<vmem>>, %arg8: memref<8x125xi32, #tpu.memory_space<vmem>>, %arg9: memref<125x128xf32, #tpu.memory_space<vmem>>, %arg10: memref<125x128xf32, #tpu.memory_space<vmem>>, %arg11: memref<10016x128xf32, #tpu.memory_space<vmem_shared>>, %arg12: memref<!tpu.dma_semaphore, #tpu.memory_space<semaphore_mem>>, %arg13: memref<!tpu.dma_semaphore, #tpu.memory_space<semaphore_mem>>) attributes {dimension_semantics = [#tpu.dimension_semantics<core_parallel>, #tpu.dimension_semantics<subcore_parallel>], iteration_bounds = array<i64: 2, 16>, scalar_prefetch = 0 : i64, scratch_operands = 7 : i64, tpu.core_type = #tpu.core_type<sc_vector_subcore>, window_params = [{transform_indices = #map}, {transform_indices = #map1}, {transform_indices = #map1}, {transform_indices = #map}, {transform_indices = #map2}]} {
    %mul3A = arith.constant 2 : i32
    %mul3A_0 = arith.muli %arg1, %mul3A : i32
    %add3A = arith.addi %mul3A_0, %arg0 : i32
    %mul3A_1 = arith.constant 624 : i32
    %mul3A_2 = arith.muli %arg1, %mul3A_1 : i32
    %mul3A_3 = arith.constant 624 : i32
    %mul3A_4 = arith.muli %arg1, %mul3A_3 : i32
    "tpu.region"() ({
      %run_scoped3A = tpu.sem_alloc : memref<!tpu.dma_semaphore, #tpu.memory_space<semaphore_mem>>
      %dma_start3A = arith.constant 0 : i32
      %dma_start3A_22 = tpu.memref_slice %arg11[%mul3A_4, %dma_start3A] : memref<10016x128xf32, #tpu.memory_space<vmem_shared>> -> memref<624x128xf32, #tpu.memory_space<vmem_shared>>
      %dma_start3A_23 = arith.constant 0 : i32
      %dma_start3A_24 = tpu.memref_slice %arg5[%mul3A_2, %dma_start3A_23] : memref<10016x128xf32, #tpu.memory_space<hbm>> -> memref<624x128xf32, #tpu.memory_space<hbm>>
      tpu.enqueue_dma source(%dma_start3A_24 : memref<624x128xf32, #tpu.memory_space<hbm>>) target(%dma_start3A_22 : memref<624x128xf32, #tpu.memory_space<vmem_shared>>) target_semaphore(%run_scoped3A : memref<!tpu.dma_semaphore, #tpu.memory_space<semaphore_mem>>)
      %dma_wait3A = arith.constant 0 : i32
      %dma_wait3A_25 = tpu.memref_slice %arg11[%mul3A_4, %dma_wait3A] : memref<10016x128xf32, #tpu.memory_space<vmem_shared>> -> memref<624x128xf32, #tpu.memory_space<vmem_shared>>
      %dma_wait3A_26 = arith.constant 0 : i32
      %dma_wait3A_27 = tpu.memref_slice %arg5[%mul3A_2, %dma_wait3A_26] : memref<10016x128xf32, #tpu.memory_space<hbm>> -> memref<624x128xf32, #tpu.memory_space<hbm>>
      tpu.wait_dma2 semaphore(%run_scoped3A : memref<!tpu.dma_semaphore, #tpu.memory_space<semaphore_mem>>) src(%dma_wait3A_27 : memref<624x128xf32, #tpu.memory_space<hbm>>) dst(%dma_wait3A_25 : memref<624x128xf32, #tpu.memory_space<vmem_shared>>)
      tpu.yield
    }) : () -> ()
    %eq3A = arith.constant 15 : i32
    %eq3A_5 = arith.cmpi eq, %arg1, %eq3A : i32
    %convert_element_type3A = arith.extui %eq3A_5 : i1 to i32
    %cond3A = arith.constant 0 : i32
    %cond3A_6 = arith.cmpi ne, %convert_element_type3A, %cond3A : i32
    scf.if %cond3A_6 {
      "tpu.region"() ({
        %run_scoped3A = tpu.sem_alloc : memref<!tpu.dma_semaphore, #tpu.memory_space<semaphore_mem>>
        %dma_start3A = arith.constant 9984 : i32
        %dma_start3A_22 = arith.constant 0 : i32
        %dma_start3A_23 = tpu.memref_slice %arg11[%dma_start3A, %dma_start3A_22] : memref<10016x128xf32, #tpu.memory_space<vmem_shared>> -> memref<32x128xf32, #tpu.memory_space<vmem_shared>>
        %dma_start3A_24 = arith.constant 9984 : i32
        %dma_start3A_25 = arith.constant 0 : i32
        %dma_start3A_26 = tpu.memref_slice %arg5[%dma_start3A_24, %dma_start3A_25] : memref<10016x128xf32, #tpu.memory_space<hbm>> -> memref<32x128xf32, #tpu.memory_space<hbm>>
        tpu.enqueue_dma source(%dma_start3A_26 : memref<32x128xf32, #tpu.memory_space<hbm>>) target(%dma_start3A_23 : memref<32x128xf32, #tpu.memory_space<vmem_shared>>) target_semaphore(%run_scoped3A : memref<!tpu.dma_semaphore, #tpu.memory_space<semaphore_mem>>)
        %dma_wait3A = arith.constant 9984 : i32
        %dma_wait3A_27 = arith.constant 0 : i32
        %dma_wait3A_28 = tpu.memref_slice %arg11[%dma_wait3A, %dma_wait3A_27] : memref<10016x128xf32, #tpu.memory_space<vmem_shared>> -> memref<32x128xf32, #tpu.memory_space<vmem_shared>>
        %dma_wait3A_29 = arith.constant 9984 : i32
        %dma_wait3A_30 = arith.constant 0 : i32
        %dma_wait3A_31 = tpu.memref_slice %arg5[%dma_wait3A_29, %dma_wait3A_30] : memref<10016x128xf32, #tpu.memory_space<hbm>> -> memref<32x128xf32, #tpu.memory_space<hbm>>
        tpu.wait_dma2 semaphore(%run_scoped3A : memref<!tpu.dma_semaphore, #tpu.memory_space<semaphore_mem>>) src(%dma_wait3A_31 : memref<32x128xf32, #tpu.memory_space<hbm>>) dst(%dma_wait3A_28 : memref<32x128xf32, #tpu.memory_space<vmem_shared>>)
        tpu.yield
      }) : () -> ()
    } else {
    }
    %barrier3A = arith.constant 0 : index
    tpu.barrier barrier_id(%barrier3A)
    %scan3A = arith.constant 0 : i32
    %scan3A_7 = arith.constant 0 : i32
    %scan3A_8 = arith.constant 11 : i32
    %scan3A_9 = arith.addi %scan3A_7, %scan3A_8 : i32
    %scan3A_10 = arith.constant 1 : i32
    scf.for %scan3A_22 = %scan3A_7 to %scan3A_9 step %scan3A_10  : i32 {
      "tpu.region"() ({
        %run_scoped3A_140 = tpu.sem_alloc : memref<!tpu.dma_semaphore, #tpu.memory_space<semaphore_mem>>
        %dma_start3A_141 = arith.constant 0 : i32
        %dma_start3A_142 = arith.constant 0 : i32
        %dma_start3A_143 = tpu.memref_slice %arg3[%add3A, %scan3A_22, %dma_start3A_141, %dma_start3A_142] : memref<32x11x8x125xi32, #tpu.memory_space<hbm>> -> memref<1x1x8x125xi32, #tpu.memory_space<hbm>>
        %dma_start3A_144 = tpu.memref_squeeze %dma_start3A_143 : memref<1x1x8x125xi32, #tpu.memory_space<hbm>> -> memref<8x125xi32, #tpu.memory_space<hbm>>
        %dma_start3A_145 = arith.constant 0 : i32
        %dma_start3A_146 = arith.constant 0 : i32
        %dma_start3A_147 = tpu.memref_slice %arg3[%add3A, %scan3A_22, %dma_start3A_145, %dma_start3A_146] : memref<32x11x8x125xi32, #tpu.memory_space<hbm>> -> memref<1x1x8x125xi32, #tpu.memory_space<hbm>>
        %dma_start3A_148 = tpu.memref_squeeze %dma_start3A_147 : memref<1x1x8x125xi32, #tpu.memory_space<hbm>> -> memref<8x125xi32, #tpu.memory_space<hbm>>
        tpu.enqueue_dma source(%dma_start3A_148 : memref<8x125xi32, #tpu.memory_space<hbm>>) target(%arg7 : memref<8x125xi32, #tpu.memory_space<vmem>>) target_semaphore(%run_scoped3A_140 : memref<!tpu.dma_semaphore, #tpu.memory_space<semaphore_mem>>)
        %dma_wait3A_149 = arith.constant 0 : i32
        %dma_wait3A_150 = arith.constant 0 : i32
        %dma_wait3A_151 = tpu.memref_slice %arg3[%add3A, %scan3A_22, %dma_wait3A_149, %dma_wait3A_150] : memref<32x11x8x125xi32, #tpu.memory_space<hbm>> -> memref<1x1x8x125xi32, #tpu.memory_space<hbm>>
        %dma_wait3A_152 = tpu.memref_squeeze %dma_wait3A_151 : memref<1x1x8x125xi32, #tpu.memory_space<hbm>> -> memref<8x125xi32, #tpu.memory_space<hbm>>
        %dma_wait3A_153 = arith.constant 0 : i32
        %dma_wait3A_154 = arith.constant 0 : i32
        %dma_wait3A_155 = tpu.memref_slice %arg3[%add3A, %scan3A_22, %dma_wait3A_153, %dma_wait3A_154] : memref<32x11x8x125xi32, #tpu.memory_space<hbm>> -> memref<1x1x8x125xi32, #tpu.memory_space<hbm>>
        %dma_wait3A_156 = tpu.memref_squeeze %dma_wait3A_155 : memref<1x1x8x125xi32, #tpu.memory_space<hbm>> -> memref<8x125xi32, #tpu.memory_space<hbm>>
        tpu.wait_dma2 semaphore(%run_scoped3A_140 : memref<!tpu.dma_semaphore, #tpu.memory_space<semaphore_mem>>) src(%dma_wait3A_156 : memref<8x125xi32, #tpu.memory_space<hbm>>) dst(%arg7 : memref<8x125xi32, #tpu.memory_space<vmem>>)
        tpu.yield
      }) : () -> ()
      "tpu.region"() ({
        %run_scoped3A_140 = tpu.sem_alloc : memref<!tpu.dma_semaphore, #tpu.memory_space<semaphore_mem>>
        %dma_start3A_141 = arith.constant 0 : i32
        %dma_start3A_142 = arith.constant 0 : i32
        %dma_start3A_143 = tpu.memref_slice %arg4[%add3A, %scan3A_22, %dma_start3A_141, %dma_start3A_142] : memref<32x11x8x125xi32, #tpu.memory_space<hbm>> -> memref<1x1x8x125xi32, #tpu.memory_space<hbm>>
        %dma_start3A_144 = tpu.memref_squeeze %dma_start3A_143 : memref<1x1x8x125xi32, #tpu.memory_space<hbm>> -> memref<8x125xi32, #tpu.memory_space<hbm>>
        %dma_start3A_145 = arith.constant 0 : i32
        %dma_start3A_146 = arith.constant 0 : i32
        %dma_start3A_147 = tpu.memref_slice %arg4[%add3A, %scan3A_22, %dma_start3A_145, %dma_start3A_146] : memref<32x11x8x125xi32, #tpu.memory_space<hbm>> -> memref<1x1x8x125xi32, #tpu.memory_space<hbm>>
        %dma_start3A_148 = tpu.memref_squeeze %dma_start3A_147 : memref<1x1x8x125xi32, #tpu.memory_space<hbm>> -> memref<8x125xi32, #tpu.memory_space<hbm>>
        tpu.enqueue_dma source(%dma_start3A_148 : memref<8x125xi32, #tpu.memory_space<hbm>>) target(%arg8 : memref<8x125xi32, #tpu.memory_space<vmem>>) target_semaphore(%run_scoped3A_140 : memref<!tpu.dma_semaphore, #tpu.memory_space<semaphore_mem>>)
        %dma_wait3A_149 = arith.constant 0 : i32
        %dma_wait3A_150 = arith.constant 0 : i32
        %dma_wait3A_151 = tpu.memref_slice %arg4[%add3A, %scan3A_22, %dma_wait3A_149, %dma_wait3A_150] : memref<32x11x8x125xi32, #tpu.memory_space<hbm>> -> memref<1x1x8x125xi32, #tpu.memory_space<hbm>>
        %dma_wait3A_152 = tpu.memref_squeeze %dma_wait3A_151 : memref<1x1x8x125xi32, #tpu.memory_space<hbm>> -> memref<8x125xi32, #tpu.memory_space<hbm>>
        %dma_wait3A_153 = arith.constant 0 : i32
        %dma_wait3A_154 = arith.constant 0 : i32
        %dma_wait3A_155 = tpu.memref_slice %arg4[%add3A, %scan3A_22, %dma_wait3A_153, %dma_wait3A_154] : memref<32x11x8x125xi32, #tpu.memory_space<hbm>> -> memref<1x1x8x125xi32, #tpu.memory_space<hbm>>
        %dma_wait3A_156 = tpu.memref_squeeze %dma_wait3A_155 : memref<1x1x8x125xi32, #tpu.memory_space<hbm>> -> memref<8x125xi32, #tpu.memory_space<hbm>>
        tpu.wait_dma2 semaphore(%run_scoped3A_140 : memref<!tpu.dma_semaphore, #tpu.memory_space<semaphore_mem>>) src(%dma_wait3A_156 : memref<8x125xi32, #tpu.memory_space<hbm>>) dst(%arg8 : memref<8x125xi32, #tpu.memory_space<vmem>>)
        tpu.yield
      }) : () -> ()
      %dma_start3A = arith.constant 0 : i32
      %dma_start3A_23 = arith.constant 0 : i32
      %dma_start3A_24 = tpu.memref_slice %arg7[%dma_start3A, %dma_start3A_23] : memref<8x125xi32, #tpu.memory_space<vmem>> -> memref<1x125xi32, #tpu.memory_space<vmem>>
      %dma_start3A_25 = tpu.memref_squeeze %dma_start3A_24 : memref<1x125xi32, #tpu.memory_space<vmem>> -> memref<125xi32, #tpu.memory_space<vmem>>
      %dma_start3A_26 = arith.constant 0 : i32
      %dma_start3A_27 = arith.constant 0 : i32
      %dma_start3A_28 = tpu.memref_slice %arg2[%dma_start3A_26, %dma_start3A_27] : memref<10000x128xf32, #tpu.memory_space<hbm>> -> memref<10000x128xf32, #tpu.memory_space<hbm>>
      tpu.enqueue_indirect_dma source(%dma_start3A_28 : memref<10000x128xf32, #tpu.memory_space<hbm>>) target(%arg9 : memref<125x128xf32, #tpu.memory_space<vmem>>) offsets(%dma_start3A_25 : memref<125xi32, #tpu.memory_space<vmem>>) semaphore(%arg12 : memref<!tpu.dma_semaphore, #tpu.memory_space<semaphore_mem>>)
      %dma_start3A_29 = arith.constant 1 : i32
      %dma_start3A_30 = arith.constant 0 : i32
      %dma_start3A_31 = tpu.memref_slice %arg7[%dma_start3A_29, %dma_start3A_30] : memref<8x125xi32, #tpu.memory_space<vmem>> -> memref<1x125xi32, #tpu.memory_space<vmem>>
      %dma_start3A_32 = tpu.memref_squeeze %dma_start3A_31 : memref<1x125xi32, #tpu.memory_space<vmem>> -> memref<125xi32, #tpu.memory_space<vmem>>
      %dma_start3A_33 = arith.constant 0 : i32
      %dma_start3A_34 = arith.constant 0 : i32
      %dma_start3A_35 = tpu.memref_slice %arg2[%dma_start3A_33, %dma_start3A_34] : memref<10000x128xf32, #tpu.memory_space<hbm>> -> memref<10000x128xf32, #tpu.memory_space<hbm>>
      tpu.enqueue_indirect_dma source(%dma_start3A_35 : memref<10000x128xf32, #tpu.memory_space<hbm>>) target(%arg10 : memref<125x128xf32, #tpu.memory_space<vmem>>) offsets(%dma_start3A_32 : memref<125xi32, #tpu.memory_space<vmem>>) semaphore(%arg13 : memref<!tpu.dma_semaphore, #tpu.memory_space<semaphore_mem>>)
      %dma_wait3A = arith.constant 0 : i32
      %dma_wait3A_36 = arith.constant 0 : i32
      %dma_wait3A_37 = tpu.memref_slice %arg7[%dma_wait3A, %dma_wait3A_36] : memref<8x125xi32, #tpu.memory_space<vmem>> -> memref<1x125xi32, #tpu.memory_space<vmem>>
      %dma_wait3A_38 = tpu.memref_squeeze %dma_wait3A_37 : memref<1x125xi32, #tpu.memory_space<vmem>> -> memref<125xi32, #tpu.memory_space<vmem>>
      %dma_wait3A_39 = arith.constant 0 : i32
      %dma_wait3A_40 = arith.constant 0 : i32
      %dma_wait3A_41 = tpu.memref_slice %arg2[%dma_wait3A_39, %dma_wait3A_40] : memref<10000x128xf32, #tpu.memory_space<hbm>> -> memref<10000x128xf32, #tpu.memory_space<hbm>>
      tpu.wait_indirect_dma semaphore(%arg12 : memref<!tpu.dma_semaphore, #tpu.memory_space<semaphore_mem>>) src(%dma_wait3A_41 : memref<10000x128xf32, #tpu.memory_space<hbm>>) dst(%arg9 : memref<125x128xf32, #tpu.memory_space<vmem>>)
      %run_scoped3A = arith.constant 0 : i32
      "tpu.region"() ({
        %run_scoped3A_140 = tpu.sem_alloc : memref<!tpu.dma_semaphore, #tpu.memory_space<semaphore_mem>>
        %dma_start3A_141 = arith.constant 0 : i32
        %dma_start3A_142 = tpu.memref_slice %arg8[%run_scoped3A, %dma_start3A_141] : memref<8x125xi32, #tpu.memory_space<vmem>> -> memref<1x125xi32, #tpu.memory_space<vmem>>
        %dma_start3A_143 = tpu.memref_squeeze %dma_start3A_142 : memref<1x125xi32, #tpu.memory_space<vmem>> -> memref<125xi32, #tpu.memory_space<vmem>>
        %dma_start3A_144 = arith.constant 0 : i32
        %dma_start3A_145 = arith.constant 0 : i32
        %dma_start3A_146 = tpu.memref_slice %arg11[%dma_start3A_144, %dma_start3A_145] : memref<10016x128xf32, #tpu.memory_space<vmem_shared>> -> memref<10016x128xf32, #tpu.memory_space<vmem_shared>>
        tpu.enqueue_indirect_dma source(%arg9 : memref<125x128xf32, #tpu.memory_space<vmem>>) target(%dma_start3A_146 : memref<10016x128xf32, #tpu.memory_space<vmem_shared>>) offsets(%dma_start3A_143 : memref<125xi32, #tpu.memory_space<vmem>>) semaphore(%run_scoped3A_140 : memref<!tpu.dma_semaphore, #tpu.memory_space<semaphore_mem>>) {add = true}
        %dma_wait3A_147 = arith.constant 0 : i32
        %dma_wait3A_148 = tpu.memref_slice %arg8[%run_scoped3A, %dma_wait3A_147] : memref<8x125xi32, #tpu.memory_space<vmem>> -> memref<1x125xi32, #tpu.memory_space<vmem>>
        %dma_wait3A_149 = tpu.memref_squeeze %dma_wait3A_148 : memref<1x125xi32, #tpu.memory_space<vmem>> -> memref<125xi32, #tpu.memory_space<vmem>>
        %dma_wait3A_150 = arith.constant 0 : i32
        %dma_wait3A_151 = arith.constant 0 : i32
        %dma_wait3A_152 = tpu.memref_slice %arg11[%dma_wait3A_150, %dma_wait3A_151] : memref<10016x128xf32, #tpu.memory_space<vmem_shared>> -> memref<10016x128xf32, #tpu.memory_space<vmem_shared>>
        tpu.wait_indirect_dma semaphore(%run_scoped3A_140 : memref<!tpu.dma_semaphore, #tpu.memory_space<semaphore_mem>>) src(%arg9 : memref<125x128xf32, #tpu.memory_space<vmem>>) dst(%dma_wait3A_152 : memref<10016x128xf32, #tpu.memory_space<vmem_shared>>)
        tpu.yield
      }) : () -> ()
      %dma_start3A_42 = arith.constant 2 : i32
      %dma_start3A_43 = arith.constant 0 : i32
      %dma_start3A_44 = tpu.memref_slice %arg7[%dma_start3A_42, %dma_start3A_43] : memref<8x125xi32, #tpu.memory_space<vmem>> -> memref<1x125xi32, #tpu.memory_space<vmem>>
      %dma_start3A_45 = tpu.memref_squeeze %dma_start3A_44 : memref<1x125xi32, #tpu.memory_space<vmem>> -> memref<125xi32, #tpu.memory_space<vmem>>
      %dma_start3A_46 = arith.constant 0 : i32
      %dma_start3A_47 = arith.constant 0 : i32
      %dma_start3A_48 = tpu.memref_slice %arg2[%dma_start3A_46, %dma_start3A_47] : memref<10000x128xf32, #tpu.memory_space<hbm>> -> memref<10000x128xf32, #tpu.memory_space<hbm>>
      tpu.enqueue_indirect_dma source(%dma_start3A_48 : memref<10000x128xf32, #tpu.memory_space<hbm>>) target(%arg9 : memref<125x128xf32, #tpu.memory_space<vmem>>) offsets(%dma_start3A_45 : memref<125xi32, #tpu.memory_space<vmem>>) semaphore(%arg12 : memref<!tpu.dma_semaphore, #tpu.memory_space<semaphore_mem>>)
      %dma_wait3A_49 = arith.constant 1 : i32
      %dma_wait3A_50 = arith.constant 0 : i32
      %dma_wait3A_51 = tpu.memref_slice %arg7[%dma_wait3A_49, %dma_wait3A_50] : memref<8x125xi32, #tpu.memory_space<vmem>> -> memref<1x125xi32, #tpu.memory_space<vmem>>
      %dma_wait3A_52 = tpu.memref_squeeze %dma_wait3A_51 : memref<1x125xi32, #tpu.memory_space<vmem>> -> memref<125xi32, #tpu.memory_space<vmem>>
      %dma_wait3A_53 = arith.constant 0 : i32
      %dma_wait3A_54 = arith.constant 0 : i32
      %dma_wait3A_55 = tpu.memref_slice %arg2[%dma_wait3A_53, %dma_wait3A_54] : memref<10000x128xf32, #tpu.memory_space<hbm>> -> memref<10000x128xf32, #tpu.memory_space<hbm>>
      tpu.wait_indirect_dma semaphore(%arg13 : memref<!tpu.dma_semaphore, #tpu.memory_space<semaphore_mem>>) src(%dma_wait3A_55 : memref<10000x128xf32, #tpu.memory_space<hbm>>) dst(%arg10 : memref<125x128xf32, #tpu.memory_space<vmem>>)
      %run_scoped3A_56 = arith.constant 1 : i32
      "tpu.region"() ({
        %run_scoped3A_140 = tpu.sem_alloc : memref<!tpu.dma_semaphore, #tpu.memory_space<semaphore_mem>>
        %dma_start3A_141 = arith.constant 0 : i32
        %dma_start3A_142 = tpu.memref_slice %arg8[%run_scoped3A_56, %dma_start3A_141] : memref<8x125xi32, #tpu.memory_space<vmem>> -> memref<1x125xi32, #tpu.memory_space<vmem>>
        %dma_start3A_143 = tpu.memref_squeeze %dma_start3A_142 : memref<1x125xi32, #tpu.memory_space<vmem>> -> memref<125xi32, #tpu.memory_space<vmem>>
        %dma_start3A_144 = arith.constant 0 : i32
        %dma_start3A_145 = arith.constant 0 : i32
        %dma_start3A_146 = tpu.memref_slice %arg11[%dma_start3A_144, %dma_start3A_145] : memref<10016x128xf32, #tpu.memory_space<vmem_shared>> -> memref<10016x128xf32, #tpu.memory_space<vmem_shared>>
        tpu.enqueue_indirect_dma source(%arg10 : memref<125x128xf32, #tpu.memory_space<vmem>>) target(%dma_start3A_146 : memref<10016x128xf32, #tpu.memory_space<vmem_shared>>) offsets(%dma_start3A_143 : memref<125xi32, #tpu.memory_space<vmem>>) semaphore(%run_scoped3A_140 : memref<!tpu.dma_semaphore, #tpu.memory_space<semaphore_mem>>) {add = true}
        %dma_wait3A_147 = arith.constant 0 : i32
        %dma_wait3A_148 = tpu.memref_slice %arg8[%run_scoped3A_56, %dma_wait3A_147] : memref<8x125xi32, #tpu.memory_space<vmem>> -> memref<1x125xi32, #tpu.memory_space<vmem>>
        %dma_wait3A_149 = tpu.memref_squeeze %dma_wait3A_148 : memref<1x125xi32, #tpu.memory_space<vmem>> -> memref<125xi32, #tpu.memory_space<vmem>>
        %dma_wait3A_150 = arith.constant 0 : i32
        %dma_wait3A_151 = arith.constant 0 : i32
        %dma_wait3A_152 = tpu.memref_slice %arg11[%dma_wait3A_150, %dma_wait3A_151] : memref<10016x128xf32, #tpu.memory_space<vmem_shared>> -> memref<10016x128xf32, #tpu.memory_space<vmem_shared>>
        tpu.wait_indirect_dma semaphore(%run_scoped3A_140 : memref<!tpu.dma_semaphore, #tpu.memory_space<semaphore_mem>>) src(%arg10 : memref<125x128xf32, #tpu.memory_space<vmem>>) dst(%dma_wait3A_152 : memref<10016x128xf32, #tpu.memory_space<vmem_shared>>)
        tpu.yield
      }) : () -> ()
      %dma_start3A_57 = arith.constant 3 : i32
      %dma_start3A_58 = arith.constant 0 : i32
      %dma_start3A_59 = tpu.memref_slice %arg7[%dma_start3A_57, %dma_start3A_58] : memref<8x125xi32, #tpu.memory_space<vmem>> -> memref<1x125xi32, #tpu.memory_space<vmem>>
      %dma_start3A_60 = tpu.memref_squeeze %dma_start3A_59 : memref<1x125xi32, #tpu.memory_space<vmem>> -> memref<125xi32, #tpu.memory_space<vmem>>
      %dma_start3A_61 = arith.constant 0 : i32
      %dma_start3A_62 = arith.constant 0 : i32
      %dma_start3A_63 = tpu.memref_slice %arg2[%dma_start3A_61, %dma_start3A_62] : memref<10000x128xf32, #tpu.memory_space<hbm>> -> memref<10000x128xf32, #tpu.memory_space<hbm>>
      tpu.enqueue_indirect_dma source(%dma_start3A_63 : memref<10000x128xf32, #tpu.memory_space<hbm>>) target(%arg10 : memref<125x128xf32, #tpu.memory_space<vmem>>) offsets(%dma_start3A_60 : memref<125xi32, #tpu.memory_space<vmem>>) semaphore(%arg13 : memref<!tpu.dma_semaphore, #tpu.memory_space<semaphore_mem>>)
      %dma_wait3A_64 = arith.constant 2 : i32
      %dma_wait3A_65 = arith.constant 0 : i32
      %dma_wait3A_66 = tpu.memref_slice %arg7[%dma_wait3A_64, %dma_wait3A_65] : memref<8x125xi32, #tpu.memory_space<vmem>> -> memref<1x125xi32, #tpu.memory_space<vmem>>
      %dma_wait3A_67 = tpu.memref_squeeze %dma_wait3A_66 : memref<1x125xi32, #tpu.memory_space<vmem>> -> memref<125xi32, #tpu.memory_space<vmem>>
      %dma_wait3A_68 = arith.constant 0 : i32
      %dma_wait3A_69 = arith.constant 0 : i32
      %dma_wait3A_70 = tpu.memref_slice %arg2[%dma_wait3A_68, %dma_wait3A_69] : memref<10000x128xf32, #tpu.memory_space<hbm>> -> memref<10000x128xf32, #tpu.memory_space<hbm>>
      tpu.wait_indirect_dma semaphore(%arg12 : memref<!tpu.dma_semaphore, #tpu.memory_space<semaphore_mem>>) src(%dma_wait3A_70 : memref<10000x128xf32, #tpu.memory_space<hbm>>) dst(%arg9 : memref<125x128xf32, #tpu.memory_space<vmem>>)
      %run_scoped3A_71 = arith.constant 2 : i32
      "tpu.region"() ({
        %run_scoped3A_140 = tpu.sem_alloc : memref<!tpu.dma_semaphore, #tpu.memory_space<semaphore_mem>>
        %dma_start3A_141 = arith.constant 0 : i32
        %dma_start3A_142 = tpu.memref_slice %arg8[%run_scoped3A_71, %dma_start3A_141] : memref<8x125xi32, #tpu.memory_space<vmem>> -> memref<1x125xi32, #tpu.memory_space<vmem>>
        %dma_start3A_143 = tpu.memref_squeeze %dma_start3A_142 : memref<1x125xi32, #tpu.memory_space<vmem>> -> memref<125xi32, #tpu.memory_space<vmem>>
        %dma_start3A_144 = arith.constant 0 : i32
        %dma_start3A_145 = arith.constant 0 : i32
        %dma_start3A_146 = tpu.memref_slice %arg11[%dma_start3A_144, %dma_start3A_145] : memref<10016x128xf32, #tpu.memory_space<vmem_shared>> -> memref<10016x128xf32, #tpu.memory_space<vmem_shared>>
        tpu.enqueue_indirect_dma source(%arg9 : memref<125x128xf32, #tpu.memory_space<vmem>>) target(%dma_start3A_146 : memref<10016x128xf32, #tpu.memory_space<vmem_shared>>) offsets(%dma_start3A_143 : memref<125xi32, #tpu.memory_space<vmem>>) semaphore(%run_scoped3A_140 : memref<!tpu.dma_semaphore, #tpu.memory_space<semaphore_mem>>) {add = true}
        %dma_wait3A_147 = arith.constant 0 : i32
        %dma_wait3A_148 = tpu.memref_slice %arg8[%run_scoped3A_71, %dma_wait3A_147] : memref<8x125xi32, #tpu.memory_space<vmem>> -> memref<1x125xi32, #tpu.memory_space<vmem>>
        %dma_wait3A_149 = tpu.memref_squeeze %dma_wait3A_148 : memref<1x125xi32, #tpu.memory_space<vmem>> -> memref<125xi32, #tpu.memory_space<vmem>>
        %dma_wait3A_150 = arith.constant 0 : i32
        %dma_wait3A_151 = arith.constant 0 : i32
        %dma_wait3A_152 = tpu.memref_slice %arg11[%dma_wait3A_150, %dma_wait3A_151] : memref<10016x128xf32, #tpu.memory_space<vmem_shared>> -> memref<10016x128xf32, #tpu.memory_space<vmem_shared>>
        tpu.wait_indirect_dma semaphore(%run_scoped3A_140 : memref<!tpu.dma_semaphore, #tpu.memory_space<semaphore_mem>>) src(%arg9 : memref<125x128xf32, #tpu.memory_space<vmem>>) dst(%dma_wait3A_152 : memref<10016x128xf32, #tpu.memory_space<vmem_shared>>)
        tpu.yield
      }) : () -> ()
      %dma_start3A_72 = arith.constant 4 : i32
      %dma_start3A_73 = arith.constant 0 : i32
      %dma_start3A_74 = tpu.memref_slice %arg7[%dma_start3A_72, %dma_start3A_73] : memref<8x125xi32, #tpu.memory_space<vmem>> -> memref<1x125xi32, #tpu.memory_space<vmem>>
      %dma_start3A_75 = tpu.memref_squeeze %dma_start3A_74 : memref<1x125xi32, #tpu.memory_space<vmem>> -> memref<125xi32, #tpu.memory_space<vmem>>
      %dma_start3A_76 = arith.constant 0 : i32
      %dma_start3A_77 = arith.constant 0 : i32
      %dma_start3A_78 = tpu.memref_slice %arg2[%dma_start3A_76, %dma_start3A_77] : memref<10000x128xf32, #tpu.memory_space<hbm>> -> memref<10000x128xf32, #tpu.memory_space<hbm>>
      tpu.enqueue_indirect_dma source(%dma_start3A_78 : memref<10000x128xf32, #tpu.memory_space<hbm>>) target(%arg9 : memref<125x128xf32, #tpu.memory_space<vmem>>) offsets(%dma_start3A_75 : memref<125xi32, #tpu.memory_space<vmem>>) semaphore(%arg12 : memref<!tpu.dma_semaphore, #tpu.memory_space<semaphore_mem>>)
      %dma_wait3A_79 = arith.constant 3 : i32
      %dma_wait3A_80 = arith.constant 0 : i32
      %dma_wait3A_81 = tpu.memref_slice %arg7[%dma_wait3A_79, %dma_wait3A_80] : memref<8x125xi32, #tpu.memory_space<vmem>> -> memref<1x125xi32, #tpu.memory_space<vmem>>
      %dma_wait3A_82 = tpu.memref_squeeze %dma_wait3A_81 : memref<1x125xi32, #tpu.memory_space<vmem>> -> memref<125xi32, #tpu.memory_space<vmem>>
      %dma_wait3A_83 = arith.constant 0 : i32
      %dma_wait3A_84 = arith.constant 0 : i32
      %dma_wait3A_85 = tpu.memref_slice %arg2[%dma_wait3A_83, %dma_wait3A_84] : memref<10000x128xf32, #tpu.memory_space<hbm>> -> memref<10000x128xf32, #tpu.memory_space<hbm>>
      tpu.wait_indirect_dma semaphore(%arg13 : memref<!tpu.dma_semaphore, #tpu.memory_space<semaphore_mem>>) src(%dma_wait3A_85 : memref<10000x128xf32, #tpu.memory_space<hbm>>) dst(%arg10 : memref<125x128xf32, #tpu.memory_space<vmem>>)
      %run_scoped3A_86 = arith.constant 3 : i32
      "tpu.region"() ({
        %run_scoped3A_140 = tpu.sem_alloc : memref<!tpu.dma_semaphore, #tpu.memory_space<semaphore_mem>>
        %dma_start3A_141 = arith.constant 0 : i32
        %dma_start3A_142 = tpu.memref_slice %arg8[%run_scoped3A_86, %dma_start3A_141] : memref<8x125xi32, #tpu.memory_space<vmem>> -> memref<1x125xi32, #tpu.memory_space<vmem>>
        %dma_start3A_143 = tpu.memref_squeeze %dma_start3A_142 : memref<1x125xi32, #tpu.memory_space<vmem>> -> memref<125xi32, #tpu.memory_space<vmem>>
        %dma_start3A_144 = arith.constant 0 : i32
        %dma_start3A_145 = arith.constant 0 : i32
        %dma_start3A_146 = tpu.memref_slice %arg11[%dma_start3A_144, %dma_start3A_145] : memref<10016x128xf32, #tpu.memory_space<vmem_shared>> -> memref<10016x128xf32, #tpu.memory_space<vmem_shared>>
        tpu.enqueue_indirect_dma source(%arg10 : memref<125x128xf32, #tpu.memory_space<vmem>>) target(%dma_start3A_146 : memref<10016x128xf32, #tpu.memory_space<vmem_shared>>) offsets(%dma_start3A_143 : memref<125xi32, #tpu.memory_space<vmem>>) semaphore(%run_scoped3A_140 : memref<!tpu.dma_semaphore, #tpu.memory_space<semaphore_mem>>) {add = true}
        %dma_wait3A_147 = arith.constant 0 : i32
        %dma_wait3A_148 = tpu.memref_slice %arg8[%run_scoped3A_86, %dma_wait3A_147] : memref<8x125xi32, #tpu.memory_space<vmem>> -> memref<1x125xi32, #tpu.memory_space<vmem>>
        %dma_wait3A_149 = tpu.memref_squeeze %dma_wait3A_148 : memref<1x125xi32, #tpu.memory_space<vmem>> -> memref<125xi32, #tpu.memory_space<vmem>>
        %dma_wait3A_150 = arith.constant 0 : i32
        %dma_wait3A_151 = arith.constant 0 : i32
        %dma_wait3A_152 = tpu.memref_slice %arg11[%dma_wait3A_150, %dma_wait3A_151] : memref<10016x128xf32, #tpu.memory_space<vmem_shared>> -> memref<10016x128xf32, #tpu.memory_space<vmem_shared>>
        tpu.wait_indirect_dma semaphore(%run_scoped3A_140 : memref<!tpu.dma_semaphore, #tpu.memory_space<semaphore_mem>>) src(%arg10 : memref<125x128xf32, #tpu.memory_space<vmem>>) dst(%dma_wait3A_152 : memref<10016x128xf32, #tpu.memory_space<vmem_shared>>)
        tpu.yield
      }) : () -> ()
      %dma_start3A_87 = arith.constant 5 : i32
      %dma_start3A_88 = arith.constant 0 : i32
      %dma_start3A_89 = tpu.memref_slice %arg7[%dma_start3A_87, %dma_start3A_88] : memref<8x125xi32, #tpu.memory_space<vmem>> -> memref<1x125xi32, #tpu.memory_space<vmem>>
      %dma_start3A_90 = tpu.memref_squeeze %dma_start3A_89 : memref<1x125xi32, #tpu.memory_space<vmem>> -> memref<125xi32, #tpu.memory_space<vmem>>
      %dma_start3A_91 = arith.constant 0 : i32
      %dma_start3A_92 = arith.constant 0 : i32
      %dma_start3A_93 = tpu.memref_slice %arg2[%dma_start3A_91, %dma_start3A_92] : memref<10000x128xf32, #tpu.memory_space<hbm>> -> memref<10000x128xf32, #tpu.memory_space<hbm>>
      tpu.enqueue_indirect_dma source(%dma_start3A_93 : memref<10000x128xf32, #tpu.memory_space<hbm>>) target(%arg10 : memref<125x128xf32, #tpu.memory_space<vmem>>) offsets(%dma_start3A_90 : memref<125xi32, #tpu.memory_space<vmem>>) semaphore(%arg13 : memref<!tpu.dma_semaphore, #tpu.memory_space<semaphore_mem>>)
      %dma_wait3A_94 = arith.constant 4 : i32
      %dma_wait3A_95 = arith.constant 0 : i32
      %dma_wait3A_96 = tpu.memref_slice %arg7[%dma_wait3A_94, %dma_wait3A_95] : memref<8x125xi32, #tpu.memory_space<vmem>> -> memref<1x125xi32, #tpu.memory_space<vmem>>
      %dma_wait3A_97 = tpu.memref_squeeze %dma_wait3A_96 : memref<1x125xi32, #tpu.memory_space<vmem>> -> memref<125xi32, #tpu.memory_space<vmem>>
      %dma_wait3A_98 = arith.constant 0 : i32
      %dma_wait3A_99 = arith.constant 0 : i32
      %dma_wait3A_100 = tpu.memref_slice %arg2[%dma_wait3A_98, %dma_wait3A_99] : memref<10000x128xf32, #tpu.memory_space<hbm>> -> memref<10000x128xf32, #tpu.memory_space<hbm>>
      tpu.wait_indirect_dma semaphore(%arg12 : memref<!tpu.dma_semaphore, #tpu.memory_space<semaphore_mem>>) src(%dma_wait3A_100 : memref<10000x128xf32, #tpu.memory_space<hbm>>) dst(%arg9 : memref<125x128xf32, #tpu.memory_space<vmem>>)
      %run_scoped3A_101 = arith.constant 4 : i32
      "tpu.region"() ({
        %run_scoped3A_140 = tpu.sem_alloc : memref<!tpu.dma_semaphore, #tpu.memory_space<semaphore_mem>>
        %dma_start3A_141 = arith.constant 0 : i32
        %dma_start3A_142 = tpu.memref_slice %arg8[%run_scoped3A_101, %dma_start3A_141] : memref<8x125xi32, #tpu.memory_space<vmem>> -> memref<1x125xi32, #tpu.memory_space<vmem>>
        %dma_start3A_143 = tpu.memref_squeeze %dma_start3A_142 : memref<1x125xi32, #tpu.memory_space<vmem>> -> memref<125xi32, #tpu.memory_space<vmem>>
        %dma_start3A_144 = arith.constant 0 : i32
        %dma_start3A_145 = arith.constant 0 : i32
        %dma_start3A_146 = tpu.memref_slice %arg11[%dma_start3A_144, %dma_start3A_145] : memref<10016x128xf32, #tpu.memory_space<vmem_shared>> -> memref<10016x128xf32, #tpu.memory_space<vmem_shared>>
        tpu.enqueue_indirect_dma source(%arg9 : memref<125x128xf32, #tpu.memory_space<vmem>>) target(%dma_start3A_146 : memref<10016x128xf32, #tpu.memory_space<vmem_shared>>) offsets(%dma_start3A_143 : memref<125xi32, #tpu.memory_space<vmem>>) semaphore(%run_scoped3A_140 : memref<!tpu.dma_semaphore, #tpu.memory_space<semaphore_mem>>) {add = true}
        %dma_wait3A_147 = arith.constant 0 : i32
        %dma_wait3A_148 = tpu.memref_slice %arg8[%run_scoped3A_101, %dma_wait3A_147] : memref<8x125xi32, #tpu.memory_space<vmem>> -> memref<1x125xi32, #tpu.memory_space<vmem>>
        %dma_wait3A_149 = tpu.memref_squeeze %dma_wait3A_148 : memref<1x125xi32, #tpu.memory_space<vmem>> -> memref<125xi32, #tpu.memory_space<vmem>>
        %dma_wait3A_150 = arith.constant 0 : i32
        %dma_wait3A_151 = arith.constant 0 : i32
        %dma_wait3A_152 = tpu.memref_slice %arg11[%dma_wait3A_150, %dma_wait3A_151] : memref<10016x128xf32, #tpu.memory_space<vmem_shared>> -> memref<10016x128xf32, #tpu.memory_space<vmem_shared>>
        tpu.wait_indirect_dma semaphore(%run_scoped3A_140 : memref<!tpu.dma_semaphore, #tpu.memory_space<semaphore_mem>>) src(%arg9 : memref<125x128xf32, #tpu.memory_space<vmem>>) dst(%dma_wait3A_152 : memref<10016x128xf32, #tpu.memory_space<vmem_shared>>)
        tpu.yield
      }) : () -> ()
      %dma_start3A_102 = arith.constant 6 : i32
      %dma_start3A_103 = arith.constant 0 : i32
      %dma_start3A_104 = tpu.memref_slice %arg7[%dma_start3A_102, %dma_start3A_103] : memref<8x125xi32, #tpu.memory_space<vmem>> -> memref<1x125xi32, #tpu.memory_space<vmem>>
      %dma_start3A_105 = tpu.memref_squeeze %dma_start3A_104 : memref<1x125xi32, #tpu.memory_space<vmem>> -> memref<125xi32, #tpu.memory_space<vmem>>
      %dma_start3A_106 = arith.constant 0 : i32
      %dma_start3A_107 = arith.constant 0 : i32
      %dma_start3A_108 = tpu.memref_slice %arg2[%dma_start3A_106, %dma_start3A_107] : memref<10000x128xf32, #tpu.memory_space<hbm>> -> memref<10000x128xf32, #tpu.memory_space<hbm>>
      tpu.enqueue_indirect_dma source(%dma_start3A_108 : memref<10000x128xf32, #tpu.memory_space<hbm>>) target(%arg9 : memref<125x128xf32, #tpu.memory_space<vmem>>) offsets(%dma_start3A_105 : memref<125xi32, #tpu.memory_space<vmem>>) semaphore(%arg12 : memref<!tpu.dma_semaphore, #tpu.memory_space<semaphore_mem>>)
      %dma_wait3A_109 = arith.constant 5 : i32
      %dma_wait3A_110 = arith.constant 0 : i32
      %dma_wait3A_111 = tpu.memref_slice %arg7[%dma_wait3A_109, %dma_wait3A_110] : memref<8x125xi32, #tpu.memory_space<vmem>> -> memref<1x125xi32, #tpu.memory_space<vmem>>
      %dma_wait3A_112 = tpu.memref_squeeze %dma_wait3A_111 : memref<1x125xi32, #tpu.memory_space<vmem>> -> memref<125xi32, #tpu.memory_space<vmem>>
      %dma_wait3A_113 = arith.constant 0 : i32
      %dma_wait3A_114 = arith.constant 0 : i32
      %dma_wait3A_115 = tpu.memref_slice %arg2[%dma_wait3A_113, %dma_wait3A_114] : memref<10000x128xf32, #tpu.memory_space<hbm>> -> memref<10000x128xf32, #tpu.memory_space<hbm>>
      tpu.wait_indirect_dma semaphore(%arg13 : memref<!tpu.dma_semaphore, #tpu.memory_space<semaphore_mem>>) src(%dma_wait3A_115 : memref<10000x128xf32, #tpu.memory_space<hbm>>) dst(%arg10 : memref<125x128xf32, #tpu.memory_space<vmem>>)
      %run_scoped3A_116 = arith.constant 5 : i32
      "tpu.region"() ({
        %run_scoped3A_140 = tpu.sem_alloc : memref<!tpu.dma_semaphore, #tpu.memory_space<semaphore_mem>>
        %dma_start3A_141 = arith.constant 0 : i32
        %dma_start3A_142 = tpu.memref_slice %arg8[%run_scoped3A_116, %dma_start3A_141] : memref<8x125xi32, #tpu.memory_space<vmem>> -> memref<1x125xi32, #tpu.memory_space<vmem>>
        %dma_start3A_143 = tpu.memref_squeeze %dma_start3A_142 : memref<1x125xi32, #tpu.memory_space<vmem>> -> memref<125xi32, #tpu.memory_space<vmem>>
        %dma_start3A_144 = arith.constant 0 : i32
        %dma_start3A_145 = arith.constant 0 : i32
        %dma_start3A_146 = tpu.memref_slice %arg11[%dma_start3A_144, %dma_start3A_145] : memref<10016x128xf32, #tpu.memory_space<vmem_shared>> -> memref<10016x128xf32, #tpu.memory_space<vmem_shared>>
        tpu.enqueue_indirect_dma source(%arg10 : memref<125x128xf32, #tpu.memory_space<vmem>>) target(%dma_start3A_146 : memref<10016x128xf32, #tpu.memory_space<vmem_shared>>) offsets(%dma_start3A_143 : memref<125xi32, #tpu.memory_space<vmem>>) semaphore(%run_scoped3A_140 : memref<!tpu.dma_semaphore, #tpu.memory_space<semaphore_mem>>) {add = true}
        %dma_wait3A_147 = arith.constant 0 : i32
        %dma_wait3A_148 = tpu.memref_slice %arg8[%run_scoped3A_116, %dma_wait3A_147] : memref<8x125xi32, #tpu.memory_space<vmem>> -> memref<1x125xi32, #tpu.memory_space<vmem>>
        %dma_wait3A_149 = tpu.memref_squeeze %dma_wait3A_148 : memref<1x125xi32, #tpu.memory_space<vmem>> -> memref<125xi32, #tpu.memory_space<vmem>>
        %dma_wait3A_150 = arith.constant 0 : i32
        %dma_wait3A_151 = arith.constant 0 : i32
        %dma_wait3A_152 = tpu.memref_slice %arg11[%dma_wait3A_150, %dma_wait3A_151] : memref<10016x128xf32, #tpu.memory_space<vmem_shared>> -> memref<10016x128xf32, #tpu.memory_space<vmem_shared>>
        tpu.wait_indirect_dma semaphore(%run_scoped3A_140 : memref<!tpu.dma_semaphore, #tpu.memory_space<semaphore_mem>>) src(%arg10 : memref<125x128xf32, #tpu.memory_space<vmem>>) dst(%dma_wait3A_152 : memref<10016x128xf32, #tpu.memory_space<vmem_shared>>)
        tpu.yield
      }) : () -> ()
      %dma_start3A_117 = arith.constant 7 : i32
      %dma_start3A_118 = arith.constant 0 : i32
      %dma_start3A_119 = tpu.memref_slice %arg7[%dma_start3A_117, %dma_start3A_118] : memref<8x125xi32, #tpu.memory_space<vmem>> -> memref<1x125xi32, #tpu.memory_space<vmem>>
      %dma_start3A_120 = tpu.memref_squeeze %dma_start3A_119 : memref<1x125xi32, #tpu.memory_space<vmem>> -> memref<125xi32, #tpu.memory_space<vmem>>
      %dma_start3A_121 = arith.constant 0 : i32
      %dma_start3A_122 = arith.constant 0 : i32
      %dma_start3A_123 = tpu.memref_slice %arg2[%dma_start3A_121, %dma_start3A_122] : memref<10000x128xf32, #tpu.memory_space<hbm>> -> memref<10000x128xf32, #tpu.memory_space<hbm>>
      tpu.enqueue_indirect_dma source(%dma_start3A_123 : memref<10000x128xf32, #tpu.memory_space<hbm>>) target(%arg10 : memref<125x128xf32, #tpu.memory_space<vmem>>) offsets(%dma_start3A_120 : memref<125xi32, #tpu.memory_space<vmem>>) semaphore(%arg13 : memref<!tpu.dma_semaphore, #tpu.memory_space<semaphore_mem>>)
      %dma_wait3A_124 = arith.constant 6 : i32
      %dma_wait3A_125 = arith.constant 0 : i32
      %dma_wait3A_126 = tpu.memref_slice %arg7[%dma_wait3A_124, %dma_wait3A_125] : memref<8x125xi32, #tpu.memory_space<vmem>> -> memref<1x125xi32, #tpu.memory_space<vmem>>
      %dma_wait3A_127 = tpu.memref_squeeze %dma_wait3A_126 : memref<1x125xi32, #tpu.memory_space<vmem>> -> memref<125xi32, #tpu.memory_space<vmem>>
      %dma_wait3A_128 = arith.constant 0 : i32
      %dma_wait3A_129 = arith.constant 0 : i32
      %dma_wait3A_130 = tpu.memref_slice %arg2[%dma_wait3A_128, %dma_wait3A_129] : memref<10000x128xf32, #tpu.memory_space<hbm>> -> memref<10000x128xf32, #tpu.memory_space<hbm>>
      tpu.wait_indirect_dma semaphore(%arg12 : memref<!tpu.dma_semaphore, #tpu.memory_space<semaphore_mem>>) src(%dma_wait3A_130 : memref<10000x128xf32, #tpu.memory_space<hbm>>) dst(%arg9 : memref<125x128xf32, #tpu.memory_space<vmem>>)
      %run_scoped3A_131 = arith.constant 6 : i32
      "tpu.region"() ({
        %run_scoped3A_140 = tpu.sem_alloc : memref<!tpu.dma_semaphore, #tpu.memory_space<semaphore_mem>>
        %dma_start3A_141 = arith.constant 0 : i32
        %dma_start3A_142 = tpu.memref_slice %arg8[%run_scoped3A_131, %dma_start3A_141] : memref<8x125xi32, #tpu.memory_space<vmem>> -> memref<1x125xi32, #tpu.memory_space<vmem>>
        %dma_start3A_143 = tpu.memref_squeeze %dma_start3A_142 : memref<1x125xi32, #tpu.memory_space<vmem>> -> memref<125xi32, #tpu.memory_space<vmem>>
        %dma_start3A_144 = arith.constant 0 : i32
        %dma_start3A_145 = arith.constant 0 : i32
        %dma_start3A_146 = tpu.memref_slice %arg11[%dma_start3A_144, %dma_start3A_145] : memref<10016x128xf32, #tpu.memory_space<vmem_shared>> -> memref<10016x128xf32, #tpu.memory_space<vmem_shared>>
        tpu.enqueue_indirect_dma source(%arg9 : memref<125x128xf32, #tpu.memory_space<vmem>>) target(%dma_start3A_146 : memref<10016x128xf32, #tpu.memory_space<vmem_shared>>) offsets(%dma_start3A_143 : memref<125xi32, #tpu.memory_space<vmem>>) semaphore(%run_scoped3A_140 : memref<!tpu.dma_semaphore, #tpu.memory_space<semaphore_mem>>) {add = true}
        %dma_wait3A_147 = arith.constant 0 : i32
        %dma_wait3A_148 = tpu.memref_slice %arg8[%run_scoped3A_131, %dma_wait3A_147] : memref<8x125xi32, #tpu.memory_space<vmem>> -> memref<1x125xi32, #tpu.memory_space<vmem>>
        %dma_wait3A_149 = tpu.memref_squeeze %dma_wait3A_148 : memref<1x125xi32, #tpu.memory_space<vmem>> -> memref<125xi32, #tpu.memory_space<vmem>>
        %dma_wait3A_150 = arith.constant 0 : i32
        %dma_wait3A_151 = arith.constant 0 : i32
        %dma_wait3A_152 = tpu.memref_slice %arg11[%dma_wait3A_150, %dma_wait3A_151] : memref<10016x128xf32, #tpu.memory_space<vmem_shared>> -> memref<10016x128xf32, #tpu.memory_space<vmem_shared>>
        tpu.wait_indirect_dma semaphore(%run_scoped3A_140 : memref<!tpu.dma_semaphore, #tpu.memory_space<semaphore_mem>>) src(%arg9 : memref<125x128xf32, #tpu.memory_space<vmem>>) dst(%dma_wait3A_152 : memref<10016x128xf32, #tpu.memory_space<vmem_shared>>)
        tpu.yield
      }) : () -> ()
      %dma_wait3A_132 = arith.constant 7 : i32
      %dma_wait3A_133 = arith.constant 0 : i32
      %dma_wait3A_134 = tpu.memref_slice %arg7[%dma_wait3A_132, %dma_wait3A_133] : memref<8x125xi32, #tpu.memory_space<vmem>> -> memref<1x125xi32, #tpu.memory_space<vmem>>
      %dma_wait3A_135 = tpu.memref_squeeze %dma_wait3A_134 : memref<1x125xi32, #tpu.memory_space<vmem>> -> memref<125xi32, #tpu.memory_space<vmem>>
      %dma_wait3A_136 = arith.constant 0 : i32
      %dma_wait3A_137 = arith.constant 0 : i32
      %dma_wait3A_138 = tpu.memref_slice %arg2[%dma_wait3A_136, %dma_wait3A_137] : memref<10000x128xf32, #tpu.memory_space<hbm>> -> memref<10000x128xf32, #tpu.memory_space<hbm>>
      tpu.wait_indirect_dma semaphore(%arg13 : memref<!tpu.dma_semaphore, #tpu.memory_space<semaphore_mem>>) src(%dma_wait3A_138 : memref<10000x128xf32, #tpu.memory_space<hbm>>) dst(%arg10 : memref<125x128xf32, #tpu.memory_space<vmem>>)
      %run_scoped3A_139 = arith.constant 7 : i32
      "tpu.region"() ({
        %run_scoped3A_140 = tpu.sem_alloc : memref<!tpu.dma_semaphore, #tpu.memory_space<semaphore_mem>>
        %dma_start3A_141 = arith.constant 0 : i32
        %dma_start3A_142 = tpu.memref_slice %arg8[%run_scoped3A_139, %dma_start3A_141] : memref<8x125xi32, #tpu.memory_space<vmem>> -> memref<1x125xi32, #tpu.memory_space<vmem>>
        %dma_start3A_143 = tpu.memref_squeeze %dma_start3A_142 : memref<1x125xi32, #tpu.memory_space<vmem>> -> memref<125xi32, #tpu.memory_space<vmem>>
        %dma_start3A_144 = arith.constant 0 : i32
        %dma_start3A_145 = arith.constant 0 : i32
        %dma_start3A_146 = tpu.memref_slice %arg11[%dma_start3A_144, %dma_start3A_145] : memref<10016x128xf32, #tpu.memory_space<vmem_shared>> -> memref<10016x128xf32, #tpu.memory_space<vmem_shared>>
        tpu.enqueue_indirect_dma source(%arg10 : memref<125x128xf32, #tpu.memory_space<vmem>>) target(%dma_start3A_146 : memref<10016x128xf32, #tpu.memory_space<vmem_shared>>) offsets(%dma_start3A_143 : memref<125xi32, #tpu.memory_space<vmem>>) semaphore(%run_scoped3A_140 : memref<!tpu.dma_semaphore, #tpu.memory_space<semaphore_mem>>) {add = true}
        %dma_wait3A_147 = arith.constant 0 : i32
        %dma_wait3A_148 = tpu.memref_slice %arg8[%run_scoped3A_139, %dma_wait3A_147] : memref<8x125xi32, #tpu.memory_space<vmem>> -> memref<1x125xi32, #tpu.memory_space<vmem>>
        %dma_wait3A_149 = tpu.memref_squeeze %dma_wait3A_148 : memref<1x125xi32, #tpu.memory_space<vmem>> -> memref<125xi32, #tpu.memory_space<vmem>>
        %dma_wait3A_150 = arith.constant 0 : i32
        %dma_wait3A_151 = arith.constant 0 : i32
        %dma_wait3A_152 = tpu.memref_slice %arg11[%dma_wait3A_150, %dma_wait3A_151] : memref<10016x128xf32, #tpu.memory_space<vmem_shared>> -> memref<10016x128xf32, #tpu.memory_space<vmem_shared>>
        tpu.wait_indirect_dma semaphore(%run_scoped3A_140 : memref<!tpu.dma_semaphore, #tpu.memory_space<semaphore_mem>>) src(%arg10 : memref<125x128xf32, #tpu.memory_space<vmem>>) dst(%dma_wait3A_152 : memref<10016x128xf32, #tpu.memory_space<vmem_shared>>)
        tpu.yield
      }) : () -> ()
    }
    %scan3A_11 = arith.constant 11 : i32
    %barrier3A_12 = arith.constant 0 : index
    tpu.barrier barrier_id(%barrier3A_12)
    %mul3A_13 = arith.constant 624 : i32
    %mul3A_14 = arith.muli %arg1, %mul3A_13 : i32
    %mul3A_15 = arith.constant 624 : i32
    %mul3A_16 = arith.muli %arg1, %mul3A_15 : i32
    "tpu.region"() ({
      %run_scoped3A = tpu.sem_alloc : memref<!tpu.dma_semaphore, #tpu.memory_space<semaphore_mem>>
      %dma_start3A = arith.constant 0 : i32
      %dma_start3A_22 = tpu.memref_slice %arg6[%arg0, %mul3A_16, %dma_start3A] : memref<2x10016x128xf32, #tpu.memory_space<hbm>> -> memref<1x624x128xf32, #tpu.memory_space<hbm>>
      %dma_start3A_23 = tpu.memref_squeeze %dma_start3A_22 : memref<1x624x128xf32, #tpu.memory_space<hbm>> -> memref<624x128xf32, #tpu.memory_space<hbm>>
      %dma_start3A_24 = arith.constant 0 : i32
      %dma_start3A_25 = tpu.memref_slice %arg11[%mul3A_14, %dma_start3A_24] : memref<10016x128xf32, #tpu.memory_space<vmem_shared>> -> memref<624x128xf32, #tpu.memory_space<vmem_shared>>
      tpu.enqueue_dma source(%dma_start3A_25 : memref<624x128xf32, #tpu.memory_space<vmem_shared>>) target(%dma_start3A_23 : memref<624x128xf32, #tpu.memory_space<hbm>>) target_semaphore(%run_scoped3A : memref<!tpu.dma_semaphore, #tpu.memory_space<semaphore_mem>>)
      %dma_wait3A = arith.constant 0 : i32
      %dma_wait3A_26 = tpu.memref_slice %arg6[%arg0, %mul3A_16, %dma_wait3A] : memref<2x10016x128xf32, #tpu.memory_space<hbm>> -> memref<1x624x128xf32, #tpu.memory_space<hbm>>
      %dma_wait3A_27 = tpu.memref_squeeze %dma_wait3A_26 : memref<1x624x128xf32, #tpu.memory_space<hbm>> -> memref<624x128xf32, #tpu.memory_space<hbm>>
      %dma_wait3A_28 = arith.constant 0 : i32
      %dma_wait3A_29 = tpu.memref_slice %arg11[%mul3A_14, %dma_wait3A_28] : memref<10016x128xf32, #tpu.memory_space<vmem_shared>> -> memref<624x128xf32, #tpu.memory_space<vmem_shared>>
      tpu.wait_dma2 semaphore(%run_scoped3A : memref<!tpu.dma_semaphore, #tpu.memory_space<semaphore_mem>>) src(%dma_wait3A_29 : memref<624x128xf32, #tpu.memory_space<vmem_shared>>) dst(%dma_wait3A_27 : memref<624x128xf32, #tpu.memory_space<hbm>>)
      tpu.yield
    }) : () -> ()
    %eq3A_17 = arith.constant 15 : i32
    %eq3A_18 = arith.cmpi eq, %arg1, %eq3A_17 : i32
    %convert_element_type3A_19 = arith.extui %eq3A_18 : i1 to i32
    %cond3A_20 = arith.constant 0 : i32
    %cond3A_21 = arith.cmpi ne, %convert_element_type3A_19, %cond3A_20 : i32
    scf.if %cond3A_21 {
      "tpu.region"() ({
        %run_scoped3A = tpu.sem_alloc : memref<!tpu.dma_semaphore, #tpu.memory_space<semaphore_mem>>
        %dma_start3A = arith.constant 9984 : i32
        %dma_start3A_22 = arith.constant 0 : i32
        %dma_start3A_23 = tpu.memref_slice %arg6[%arg0, %dma_start3A, %dma_start3A_22] : memref<2x10016x128xf32, #tpu.memory_space<hbm>> -> memref<1x32x128xf32, #tpu.memory_space<hbm>>
        %dma_start3A_24 = tpu.memref_squeeze %dma_start3A_23 : memref<1x32x128xf32, #tpu.memory_space<hbm>> -> memref<32x128xf32, #tpu.memory_space<hbm>>
        %dma_start3A_25 = arith.constant 9984 : i32
        %dma_start3A_26 = arith.constant 0 : i32
        %dma_start3A_27 = tpu.memref_slice %arg11[%dma_start3A_25, %dma_start3A_26] : memref<10016x128xf32, #tpu.memory_space<vmem_shared>> -> memref<32x128xf32, #tpu.memory_space<vmem_shared>>
        tpu.enqueue_dma source(%dma_start3A_27 : memref<32x128xf32, #tpu.memory_space<vmem_shared>>) target(%dma_start3A_24 : memref<32x128xf32, #tpu.memory_space<hbm>>) target_semaphore(%run_scoped3A : memref<!tpu.dma_semaphore, #tpu.memory_space<semaphore_mem>>)
        %dma_wait3A = arith.constant 9984 : i32
        %dma_wait3A_28 = arith.constant 0 : i32
        %dma_wait3A_29 = tpu.memref_slice %arg6[%arg0, %dma_wait3A, %dma_wait3A_28] : memref<2x10016x128xf32, #tpu.memory_space<hbm>> -> memref<1x32x128xf32, #tpu.memory_space<hbm>>
        %dma_wait3A_30 = tpu.memref_squeeze %dma_wait3A_29 : memref<1x32x128xf32, #tpu.memory_space<hbm>> -> memref<32x128xf32, #tpu.memory_space<hbm>>
        %dma_wait3A_31 = arith.constant 9984 : i32
        %dma_wait3A_32 = arith.constant 0 : i32
        %dma_wait3A_33 = tpu.memref_slice %arg11[%dma_wait3A_31, %dma_wait3A_32] : memref<10016x128xf32, #tpu.memory_space<vmem_shared>> -> memref<32x128xf32, #tpu.memory_space<vmem_shared>>
        tpu.wait_dma2 semaphore(%run_scoped3A : memref<!tpu.dma_semaphore, #tpu.memory_space<semaphore_mem>>) src(%dma_wait3A_33 : memref<32x128xf32, #tpu.memory_space<vmem_shared>>) dst(%dma_wait3A_30 : memref<32x128xf32, #tpu.memory_space<hbm>>)
        tpu.yield
      }) : () -> ()
    } else {
    }
    return
  }
}

#map = affine_map<(d0, d1) -> (0, 0)>
#map1 = affine_map<(d0, d1) -> (0, 0, 0, 0)>
#map2 = affine_map<(d0, d1) -> (0, 0, 0)>
module attributes {stable_mosaic.version = 14 : i64} {
  func.func @body(%arg0: i32, %arg1: i32, %arg2: memref<10000x128xf32, #tpu.memory_space<hbm>>, %arg3: memref<32x11x8x125xi32, #tpu.memory_space<hbm>>, %arg4: memref<32x11x8x125xi32, #tpu.memory_space<hbm>>, %arg5: memref<10016x128xf32, #tpu.memory_space<hbm>>, %arg6: memref<2x10016x128xf32, #tpu.memory_space<hbm>>, %arg7: memref<8x125xi32, #tpu.memory_space<vmem>>, %arg8: memref<8x125xi32, #tpu.memory_space<vmem>>, %arg9: memref<125x128xf32, #tpu.memory_space<vmem>>, %arg10: memref<125x128xf32, #tpu.memory_space<vmem>>, %arg11: memref<10016x128xf32, #tpu.memory_space<vmem_shared>>, %arg12: memref<!tpu.dma_semaphore, #tpu.memory_space<semaphore_mem>>, %arg13: memref<!tpu.dma_semaphore, #tpu.memory_space<semaphore_mem>>) attributes {dimension_semantics = [#tpu.dimension_semantics<core_parallel>, #tpu.dimension_semantics<subcore_parallel>], iteration_bounds = array<i64: 2, 16>, scalar_prefetch = 0 : i64, scratch_operands = 7 : i64, tpu.core_type = #tpu.core_type<sc_vector_subcore>, window_params = [{transform_indices = #map}, {transform_indices = #map1}, {transform_indices = #map1}, {transform_indices = #map}, {transform_indices = #map2}]} {
    %mul3A = arith.constant 2 : i32
    %mul3A_0 = arith.muli %arg1, %mul3A : i32
    %add3A = arith.addi %mul3A_0, %arg0 : i32
    %mul3A_1 = arith.constant 624 : i32
    %mul3A_2 = arith.muli %arg1, %mul3A_1 : i32
    %mul3A_3 = arith.constant 624 : i32
    %mul3A_4 = arith.muli %arg1, %mul3A_3 : i32
    "tpu.region"() ({
      %run_scoped3A = tpu.sem_alloc : memref<!tpu.dma_semaphore, #tpu.memory_space<semaphore_mem>>
      %dma_start3A = arith.constant 0 : i32
      %dma_start3A_22 = tpu.memref_slice %arg11[%mul3A_4, %dma_start3A] : memref<10016x128xf32, #tpu.memory_space<vmem_shared>> -> memref<624x128xf32, #tpu.memory_space<vmem_shared>>
      %dma_start3A_23 = arith.constant 0 : i32
      %dma_start3A_24 = tpu.memref_slice %arg5[%mul3A_2, %dma_start3A_23] : memref<10016x128xf32, #tpu.memory_space<hbm>> -> memref<624x128xf32, #tpu.memory_space<hbm>>
      tpu.enqueue_dma source(%dma_start3A_24 : memref<624x128xf32, #tpu.memory_space<hbm>>) target(%dma_start3A_22 : memref<624x128xf32, #tpu.memory_space<vmem_shared>>) target_semaphore(%run_scoped3A : memref<!tpu.dma_semaphore, #tpu.memory_space<semaphore_mem>>)
      %dma_wait3A = arith.constant 0 : i32
      %dma_wait3A_25 = tpu.memref_slice %arg11[%mul3A_4, %dma_wait3A] : memref<10016x128xf32, #tpu.memory_space<vmem_shared>> -> memref<624x128xf32, #tpu.memory_space<vmem_shared>>
      %dma_wait3A_26 = arith.constant 0 : i32
      %dma_wait3A_27 = tpu.memref_slice %arg5[%mul3A_2, %dma_wait3A_26] : memref<10016x128xf32, #tpu.memory_space<hbm>> -> memref<624x128xf32, #tpu.memory_space<hbm>>
      tpu.wait_dma2 semaphore(%run_scoped3A : memref<!tpu.dma_semaphore, #tpu.memory_space<semaphore_mem>>) src(%dma_wait3A_27 : memref<624x128xf32, #tpu.memory_space<hbm>>) dst(%dma_wait3A_25 : memref<624x128xf32, #tpu.memory_space<vmem_shared>>)
      tpu.yield
    }) : () -> ()
    %eq3A = arith.constant 15 : i32
    %eq3A_5 = arith.cmpi eq, %arg1, %eq3A : i32
    %convert_element_type3A = arith.extui %eq3A_5 : i1 to i32
    %cond3A = arith.constant 0 : i32
    %cond3A_6 = arith.cmpi ne, %convert_element_type3A, %cond3A : i32
    scf.if %cond3A_6 {
      "tpu.region"() ({
        %run_scoped3A = tpu.sem_alloc : memref<!tpu.dma_semaphore, #tpu.memory_space<semaphore_mem>>
        %dma_start3A = arith.constant 9984 : i32
        %dma_start3A_22 = arith.constant 0 : i32
        %dma_start3A_23 = tpu.memref_slice %arg11[%dma_start3A, %dma_start3A_22] : memref<10016x128xf32, #tpu.memory_space<vmem_shared>> -> memref<32x128xf32, #tpu.memory_space<vmem_shared>>
        %dma_start3A_24 = arith.constant 9984 : i32
        %dma_start3A_25 = arith.constant 0 : i32
        %dma_start3A_26 = tpu.memref_slice %arg5[%dma_start3A_24, %dma_start3A_25] : memref<10016x128xf32, #tpu.memory_space<hbm>> -> memref<32x128xf32, #tpu.memory_space<hbm>>
        tpu.enqueue_dma source(%dma_start3A_26 : memref<32x128xf32, #tpu.memory_space<hbm>>) target(%dma_start3A_23 : memref<32x128xf32, #tpu.memory_space<vmem_shared>>) target_semaphore(%run_scoped3A : memref<!tpu.dma_semaphore, #tpu.memory_space<semaphore_mem>>)
        %dma_wait3A = arith.constant 9984 : i32
        %dma_wait3A_27 = arith.constant 0 : i32
        %dma_wait3A_28 = tpu.memref_slice %arg11[%dma_wait3A, %dma_wait3A_27] : memref<10016x128xf32, #tpu.memory_space<vmem_shared>> -> memref<32x128xf32, #tpu.memory_space<vmem_shared>>
        %dma_wait3A_29 = arith.constant 9984 : i32
        %dma_wait3A_30 = arith.constant 0 : i32
        %dma_wait3A_31 = tpu.memref_slice %arg5[%dma_wait3A_29, %dma_wait3A_30] : memref<10016x128xf32, #tpu.memory_space<hbm>> -> memref<32x128xf32, #tpu.memory_space<hbm>>
        tpu.wait_dma2 semaphore(%run_scoped3A : memref<!tpu.dma_semaphore, #tpu.memory_space<semaphore_mem>>) src(%dma_wait3A_31 : memref<32x128xf32, #tpu.memory_space<hbm>>) dst(%dma_wait3A_28 : memref<32x128xf32, #tpu.memory_space<vmem_shared>>)
        tpu.yield
      }) : () -> ()
    } else {
    }
    %barrier3A = arith.constant 0 : index
    tpu.barrier barrier_id(%barrier3A)
    %scan3A = arith.constant 0 : i32
    %scan3A_7 = arith.constant 0 : i32
    %scan3A_8 = arith.constant 11 : i32
    %scan3A_9 = arith.addi %scan3A_7, %scan3A_8 : i32
    %scan3A_10 = arith.constant 1 : i32
    scf.for %scan3A_22 = %scan3A_7 to %scan3A_9 step %scan3A_10  : i32 {
      "tpu.region"() ({
        %run_scoped3A_140 = tpu.sem_alloc : memref<!tpu.dma_semaphore, #tpu.memory_space<semaphore_mem>>
        %dma_start3A_141 = arith.constant 0 : i32
        %dma_start3A_142 = arith.constant 0 : i32
        %dma_start3A_143 = tpu.memref_slice %arg3[%add3A, %scan3A_22, %dma_start3A_141, %dma_start3A_142] : memref<32x11x8x125xi32, #tpu.memory_space<hbm>> -> memref<1x1x8x125xi32, #tpu.memory_space<hbm>>
        %dma_start3A_144 = tpu.memref_squeeze %dma_start3A_143 : memref<1x1x8x125xi32, #tpu.memory_space<hbm>> -> memref<8x125xi32, #tpu.memory_space<hbm>>
        %dma_start3A_145 = arith.constant 0 : i32
        %dma_start3A_146 = arith.constant 0 : i32
        %dma_start3A_147 = tpu.memref_slice %arg3[%add3A, %scan3A_22, %dma_start3A_145, %dma_start3A_146] : memref<32x11x8x125xi32, #tpu.memory_space<hbm>> -> memref<1x1x8x125xi32, #tpu.memory_space<hbm>>
        %dma_start3A_148 = tpu.memref_squeeze %dma_start3A_147 : memref<1x1x8x125xi32, #tpu.memory_space<hbm>> -> memref<8x125xi32, #tpu.memory_space<hbm>>
        tpu.enqueue_dma source(%dma_start3A_148 : memref<8x125xi32, #tpu.memory_space<hbm>>) target(%arg7 : memref<8x125xi32, #tpu.memory_space<vmem>>) target_semaphore(%run_scoped3A_140 : memref<!tpu.dma_semaphore, #tpu.memory_space<semaphore_mem>>)
        %dma_wait3A_149 = arith.constant 0 : i32
        %dma_wait3A_150 = arith.constant 0 : i32
        %dma_wait3A_151 = tpu.memref_slice %arg3[%add3A, %scan3A_22, %dma_wait3A_149, %dma_wait3A_150] : memref<32x11x8x125xi32, #tpu.memory_space<hbm>> -> memref<1x1x8x125xi32, #tpu.memory_space<hbm>>
        %dma_wait3A_152 = tpu.memref_squeeze %dma_wait3A_151 : memref<1x1x8x125xi32, #tpu.memory_space<hbm>> -> memref<8x125xi32, #tpu.memory_space<hbm>>
        %dma_wait3A_153 = arith.constant 0 : i32
        %dma_wait3A_154 = arith.constant 0 : i32
        %dma_wait3A_155 = tpu.memref_slice %arg3[%add3A, %scan3A_22, %dma_wait3A_153, %dma_wait3A_154] : memref<32x11x8x125xi32, #tpu.memory_space<hbm>> -> memref<1x1x8x125xi32, #tpu.memory_space<hbm>>
        %dma_wait3A_156 = tpu.memref_squeeze %dma_wait3A_155 : memref<1x1x8x125xi32, #tpu.memory_space<hbm>> -> memref<8x125xi32, #tpu.memory_space<hbm>>
        tpu.wait_dma2 semaphore(%run_scoped3A_140 : memref<!tpu.dma_semaphore, #tpu.memory_space<semaphore_mem>>) src(%dma_wait3A_156 : memref<8x125xi32, #tpu.memory_space<hbm>>) dst(%arg7 : memref<8x125xi32, #tpu.memory_space<vmem>>)
        tpu.yield
      }) : () -> ()
      "tpu.region"() ({
        %run_scoped3A_140 = tpu.sem_alloc : memref<!tpu.dma_semaphore, #tpu.memory_space<semaphore_mem>>
        %dma_start3A_141 = arith.constant 0 : i32
        %dma_start3A_142 = arith.constant 0 : i32
        %dma_start3A_143 = tpu.memref_slice %arg4[%add3A, %scan3A_22, %dma_start3A_141, %dma_start3A_142] : memref<32x11x8x125xi32, #tpu.memory_space<hbm>> -> memref<1x1x8x125xi32, #tpu.memory_space<hbm>>
        %dma_start3A_144 = tpu.memref_squeeze %dma_start3A_143 : memref<1x1x8x125xi32, #tpu.memory_space<hbm>> -> memref<8x125xi32, #tpu.memory_space<hbm>>
        %dma_start3A_145 = arith.constant 0 : i32
        %dma_start3A_146 = arith.constant 0 : i32
        %dma_start3A_147 = tpu.memref_slice %arg4[%add3A, %scan3A_22, %dma_start3A_145, %dma_start3A_146] : memref<32x11x8x125xi32, #tpu.memory_space<hbm>> -> memref<1x1x8x125xi32, #tpu.memory_space<hbm>>
        %dma_start3A_148 = tpu.memref_squeeze %dma_start3A_147 : memref<1x1x8x125xi32, #tpu.memory_space<hbm>> -> memref<8x125xi32, #tpu.memory_space<hbm>>
        tpu.enqueue_dma source(%dma_start3A_148 : memref<8x125xi32, #tpu.memory_space<hbm>>) target(%arg8 : memref<8x125xi32, #tpu.memory_space<vmem>>) target_semaphore(%run_scoped3A_140 : memref<!tpu.dma_semaphore, #tpu.memory_space<semaphore_mem>>)
        %dma_wait3A_149 = arith.constant 0 : i32
        %dma_wait3A_150 = arith.constant 0 : i32
        %dma_wait3A_151 = tpu.memref_slice %arg4[%add3A, %scan3A_22, %dma_wait3A_149, %dma_wait3A_150] : memref<32x11x8x125xi32, #tpu.memory_space<hbm>> -> memref<1x1x8x125xi32, #tpu.memory_space<hbm>>
        %dma_wait3A_152 = tpu.memref_squeeze %dma_wait3A_151 : memref<1x1x8x125xi32, #tpu.memory_space<hbm>> -> memref<8x125xi32, #tpu.memory_space<hbm>>
        %dma_wait3A_153 = arith.constant 0 : i32
        %dma_wait3A_154 = arith.constant 0 : i32
        %dma_wait3A_155 = tpu.memref_slice %arg4[%add3A, %scan3A_22, %dma_wait3A_153, %dma_wait3A_154] : memref<32x11x8x125xi32, #tpu.memory_space<hbm>> -> memref<1x1x8x125xi32, #tpu.memory_space<hbm>>
        %dma_wait3A_156 = tpu.memref_squeeze %dma_wait3A_155 : memref<1x1x8x125xi32, #tpu.memory_space<hbm>> -> memref<8x125xi32, #tpu.memory_space<hbm>>
        tpu.wait_dma2 semaphore(%run_scoped3A_140 : memref<!tpu.dma_semaphore, #tpu.memory_space<semaphore_mem>>) src(%dma_wait3A_156 : memref<8x125xi32, #tpu.memory_space<hbm>>) dst(%arg8 : memref<8x125xi32, #tpu.memory_space<vmem>>)
        tpu.yield
      }) : () -> ()
      %dma_start3A = arith.constant 0 : i32
      %dma_start3A_23 = arith.constant 0 : i32
      %dma_start3A_24 = tpu.memref_slice %arg7[%dma_start3A, %dma_start3A_23] : memref<8x125xi32, #tpu.memory_space<vmem>> -> memref<1x125xi32, #tpu.memory_space<vmem>>
      %dma_start3A_25 = tpu.memref_squeeze %dma_start3A_24 : memref<1x125xi32, #tpu.memory_space<vmem>> -> memref<125xi32, #tpu.memory_space<vmem>>
      %dma_start3A_26 = arith.constant 0 : i32
      %dma_start3A_27 = arith.constant 0 : i32
      %dma_start3A_28 = tpu.memref_slice %arg2[%dma_start3A_26, %dma_start3A_27] : memref<10000x128xf32, #tpu.memory_space<hbm>> -> memref<10000x128xf32, #tpu.memory_space<hbm>>
      tpu.enqueue_indirect_dma source(%dma_start3A_28 : memref<10000x128xf32, #tpu.memory_space<hbm>>) target(%arg9 : memref<125x128xf32, #tpu.memory_space<vmem>>) offsets(%dma_start3A_25 : memref<125xi32, #tpu.memory_space<vmem>>) semaphore(%arg12 : memref<!tpu.dma_semaphore, #tpu.memory_space<semaphore_mem>>)
      %dma_start3A_29 = arith.constant 1 : i32
      %dma_start3A_30 = arith.constant 0 : i32
      %dma_start3A_31 = tpu.memref_slice %arg7[%dma_start3A_29, %dma_start3A_30] : memref<8x125xi32, #tpu.memory_space<vmem>> -> memref<1x125xi32, #tpu.memory_space<vmem>>
      %dma_start3A_32 = tpu.memref_squeeze %dma_start3A_31 : memref<1x125xi32, #tpu.memory_space<vmem>> -> memref<125xi32, #tpu.memory_space<vmem>>
      %dma_start3A_33 = arith.constant 0 : i32
      %dma_start3A_34 = arith.constant 0 : i32
      %dma_start3A_35 = tpu.memref_slice %arg2[%dma_start3A_33, %dma_start3A_34] : memref<10000x128xf32, #tpu.memory_space<hbm>> -> memref<10000x128xf32, #tpu.memory_space<hbm>>
      tpu.enqueue_indirect_dma source(%dma_start3A_35 : memref<10000x128xf32, #tpu.memory_space<hbm>>) target(%arg10 : memref<125x128xf32, #tpu.memory_space<vmem>>) offsets(%dma_start3A_32 : memref<125xi32, #tpu.memory_space<vmem>>) semaphore(%arg13 : memref<!tpu.dma_semaphore, #tpu.memory_space<semaphore_mem>>)
      %dma_wait3A = arith.constant 0 : i32
      %dma_wait3A_36 = arith.constant 0 : i32
      %dma_wait3A_37 = tpu.memref_slice %arg7[%dma_wait3A, %dma_wait3A_36] : memref<8x125xi32, #tpu.memory_space<vmem>> -> memref<1x125xi32, #tpu.memory_space<vmem>>
      %dma_wait3A_38 = tpu.memref_squeeze %dma_wait3A_37 : memref<1x125xi32, #tpu.memory_space<vmem>> -> memref<125xi32, #tpu.memory_space<vmem>>
      %dma_wait3A_39 = arith.constant 0 : i32
      %dma_wait3A_40 = arith.constant 0 : i32
      %dma_wait3A_41 = tpu.memref_slice %arg2[%dma_wait3A_39, %dma_wait3A_40] : memref<10000x128xf32, #tpu.memory_space<hbm>> -> memref<10000x128xf32, #tpu.memory_space<hbm>>
      tpu.wait_indirect_dma semaphore(%arg12 : memref<!tpu.dma_semaphore, #tpu.memory_space<semaphore_mem>>) src(%dma_wait3A_41 : memref<10000x128xf32, #tpu.memory_space<hbm>>) dst(%arg9 : memref<125x128xf32, #tpu.memory_space<vmem>>)
      %run_scoped3A = arith.constant 0 : i32
      "tpu.region"() ({
        %run_scoped3A_140 = tpu.sem_alloc : memref<!tpu.dma_semaphore, #tpu.memory_space<semaphore_mem>>
        %dma_start3A_141 = arith.constant 0 : i32
        %dma_start3A_142 = tpu.memref_slice %arg8[%run_scoped3A, %dma_start3A_141] : memref<8x125xi32, #tpu.memory_space<vmem>> -> memref<1x125xi32, #tpu.memory_space<vmem>>
        %dma_start3A_143 = tpu.memref_squeeze %dma_start3A_142 : memref<1x125xi32, #tpu.memory_space<vmem>> -> memref<125xi32, #tpu.memory_space<vmem>>
        %dma_start3A_144 = arith.constant 0 : i32
        %dma_start3A_145 = arith.constant 0 : i32
        %dma_start3A_146 = tpu.memref_slice %arg11[%dma_start3A_144, %dma_start3A_145] : memref<10016x128xf32, #tpu.memory_space<vmem_shared>> -> memref<10016x128xf32, #tpu.memory_space<vmem_shared>>
        tpu.enqueue_indirect_dma source(%arg9 : memref<125x128xf32, #tpu.memory_space<vmem>>) target(%dma_start3A_146 : memref<10016x128xf32, #tpu.memory_space<vmem_shared>>) offsets(%dma_start3A_143 : memref<125xi32, #tpu.memory_space<vmem>>) semaphore(%run_scoped3A_140 : memref<!tpu.dma_semaphore, #tpu.memory_space<semaphore_mem>>) {add = true}
        %dma_wait3A_147 = arith.constant 0 : i32
        %dma_wait3A_148 = tpu.memref_slice %arg8[%run_scoped3A, %dma_wait3A_147] : memref<8x125xi32, #tpu.memory_space<vmem>> -> memref<1x125xi32, #tpu.memory_space<vmem>>
        %dma_wait3A_149 = tpu.memref_squeeze %dma_wait3A_148 : memref<1x125xi32, #tpu.memory_space<vmem>> -> memref<125xi32, #tpu.memory_space<vmem>>
        %dma_wait3A_150 = arith.constant 0 : i32
        %dma_wait3A_151 = arith.constant 0 : i32
        %dma_wait3A_152 = tpu.memref_slice %arg11[%dma_wait3A_150, %dma_wait3A_151] : memref<10016x128xf32, #tpu.memory_space<vmem_shared>> -> memref<10016x128xf32, #tpu.memory_space<vmem_shared>>
        tpu.wait_indirect_dma semaphore(%run_scoped3A_140 : memref<!tpu.dma_semaphore, #tpu.memory_space<semaphore_mem>>) src(%arg9 : memref<125x128xf32, #tpu.memory_space<vmem>>) dst(%dma_wait3A_152 : memref<10016x128xf32, #tpu.memory_space<vmem_shared>>)
        tpu.yield
      }) : () -> ()
      %dma_start3A_42 = arith.constant 2 : i32
      %dma_start3A_43 = arith.constant 0 : i32
      %dma_start3A_44 = tpu.memref_slice %arg7[%dma_start3A_42, %dma_start3A_43] : memref<8x125xi32, #tpu.memory_space<vmem>> -> memref<1x125xi32, #tpu.memory_space<vmem>>
      %dma_start3A_45 = tpu.memref_squeeze %dma_start3A_44 : memref<1x125xi32, #tpu.memory_space<vmem>> -> memref<125xi32, #tpu.memory_space<vmem>>
      %dma_start3A_46 = arith.constant 0 : i32
      %dma_start3A_47 = arith.constant 0 : i32
      %dma_start3A_48 = tpu.memref_slice %arg2[%dma_start3A_46, %dma_start3A_47] : memref<10000x128xf32, #tpu.memory_space<hbm>> -> memref<10000x128xf32, #tpu.memory_space<hbm>>
      tpu.enqueue_indirect_dma source(%dma_start3A_48 : memref<10000x128xf32, #tpu.memory_space<hbm>>) target(%arg9 : memref<125x128xf32, #tpu.memory_space<vmem>>) offsets(%dma_start3A_45 : memref<125xi32, #tpu.memory_space<vmem>>) semaphore(%arg12 : memref<!tpu.dma_semaphore, #tpu.memory_space<semaphore_mem>>)
      %dma_wait3A_49 = arith.constant 1 : i32
      %dma_wait3A_50 = arith.constant 0 : i32
      %dma_wait3A_51 = tpu.memref_slice %arg7[%dma_wait3A_49, %dma_wait3A_50] : memref<8x125xi32, #tpu.memory_space<vmem>> -> memref<1x125xi32, #tpu.memory_space<vmem>>
      %dma_wait3A_52 = tpu.memref_squeeze %dma_wait3A_51 : memref<1x125xi32, #tpu.memory_space<vmem>> -> memref<125xi32, #tpu.memory_space<vmem>>
      %dma_wait3A_53 = arith.constant 0 : i32
      %dma_wait3A_54 = arith.constant 0 : i32
      %dma_wait3A_55 = tpu.memref_slice %arg2[%dma_wait3A_53, %dma_wait3A_54] : memref<10000x128xf32, #tpu.memory_space<hbm>> -> memref<10000x128xf32, #tpu.memory_space<hbm>>
      tpu.wait_indirect_dma semaphore(%arg13 : memref<!tpu.dma_semaphore, #tpu.memory_space<semaphore_mem>>) src(%dma_wait3A_55 : memref<10000x128xf32, #tpu.memory_space<hbm>>) dst(%arg10 : memref<125x128xf32, #tpu.memory_space<vmem>>)
      %run_scoped3A_56 = arith.constant 1 : i32
      "tpu.region"() ({
        %run_scoped3A_140 = tpu.sem_alloc : memref<!tpu.dma_semaphore, #tpu.memory_space<semaphore_mem>>
        %dma_start3A_141 = arith.constant 0 : i32
        %dma_start3A_142 = tpu.memref_slice %arg8[%run_scoped3A_56, %dma_start3A_141] : memref<8x125xi32, #tpu.memory_space<vmem>> -> memref<1x125xi32, #tpu.memory_space<vmem>>
        %dma_start3A_143 = tpu.memref_squeeze %dma_start3A_142 : memref<1x125xi32, #tpu.memory_space<vmem>> -> memref<125xi32, #tpu.memory_space<vmem>>
        %dma_start3A_144 = arith.constant 0 : i32
        %dma_start3A_145 = arith.constant 0 : i32
        %dma_start3A_146 = tpu.memref_slice %arg11[%dma_start3A_144, %dma_start3A_145] : memref<10016x128xf32, #tpu.memory_space<vmem_shared>> -> memref<10016x128xf32, #tpu.memory_space<vmem_shared>>
        tpu.enqueue_indirect_dma source(%arg10 : memref<125x128xf32, #tpu.memory_space<vmem>>) target(%dma_start3A_146 : memref<10016x128xf32, #tpu.memory_space<vmem_shared>>) offsets(%dma_start3A_143 : memref<125xi32, #tpu.memory_space<vmem>>) semaphore(%run_scoped3A_140 : memref<!tpu.dma_semaphore, #tpu.memory_space<semaphore_mem>>) {add = true}
        %dma_wait3A_147 = arith.constant 0 : i32
        %dma_wait3A_148 = tpu.memref_slice %arg8[%run_scoped3A_56, %dma_wait3A_147] : memref<8x125xi32, #tpu.memory_space<vmem>> -> memref<1x125xi32, #tpu.memory_space<vmem>>
        %dma_wait3A_149 = tpu.memref_squeeze %dma_wait3A_148 : memref<1x125xi32, #tpu.memory_space<vmem>> -> memref<125xi32, #tpu.memory_space<vmem>>
        %dma_wait3A_150 = arith.constant 0 : i32
        %dma_wait3A_151 = arith.constant 0 : i32
        %dma_wait3A_152 = tpu.memref_slice %arg11[%dma_wait3A_150, %dma_wait3A_151] : memref<10016x128xf32, #tpu.memory_space<vmem_shared>> -> memref<10016x128xf32, #tpu.memory_space<vmem_shared>>
        tpu.wait_indirect_dma semaphore(%run_scoped3A_140 : memref<!tpu.dma_semaphore, #tpu.memory_space<semaphore_mem>>) src(%arg10 : memref<125x128xf32, #tpu.memory_space<vmem>>) dst(%dma_wait3A_152 : memref<10016x128xf32, #tpu.memory_space<vmem_shared>>)
        tpu.yield
      }) : () -> ()
      %dma_start3A_57 = arith.constant 3 : i32
      %dma_start3A_58 = arith.constant 0 : i32
      %dma_start3A_59 = tpu.memref_slice %arg7[%dma_start3A_57, %dma_start3A_58] : memref<8x125xi32, #tpu.memory_space<vmem>> -> memref<1x125xi32, #tpu.memory_space<vmem>>
      %dma_start3A_60 = tpu.memref_squeeze %dma_start3A_59 : memref<1x125xi32, #tpu.memory_space<vmem>> -> memref<125xi32, #tpu.memory_space<vmem>>
      %dma_start3A_61 = arith.constant 0 : i32
      %dma_start3A_62 = arith.constant 0 : i32
      %dma_start3A_63 = tpu.memref_slice %arg2[%dma_start3A_61, %dma_start3A_62] : memref<10000x128xf32, #tpu.memory_space<hbm>> -> memref<10000x128xf32, #tpu.memory_space<hbm>>
      tpu.enqueue_indirect_dma source(%dma_start3A_63 : memref<10000x128xf32, #tpu.memory_space<hbm>>) target(%arg10 : memref<125x128xf32, #tpu.memory_space<vmem>>) offsets(%dma_start3A_60 : memref<125xi32, #tpu.memory_space<vmem>>) semaphore(%arg13 : memref<!tpu.dma_semaphore, #tpu.memory_space<semaphore_mem>>)
      %dma_wait3A_64 = arith.constant 2 : i32
      %dma_wait3A_65 = arith.constant 0 : i32
      %dma_wait3A_66 = tpu.memref_slice %arg7[%dma_wait3A_64, %dma_wait3A_65] : memref<8x125xi32, #tpu.memory_space<vmem>> -> memref<1x125xi32, #tpu.memory_space<vmem>>
      %dma_wait3A_67 = tpu.memref_squeeze %dma_wait3A_66 : memref<1x125xi32, #tpu.memory_space<vmem>> -> memref<125xi32, #tpu.memory_space<vmem>>
      %dma_wait3A_68 = arith.constant 0 : i32
      %dma_wait3A_69 = arith.constant 0 : i32
      %dma_wait3A_70 = tpu.memref_slice %arg2[%dma_wait3A_68, %dma_wait3A_69] : memref<10000x128xf32, #tpu.memory_space<hbm>> -> memref<10000x128xf32, #tpu.memory_space<hbm>>
      tpu.wait_indirect_dma semaphore(%arg12 : memref<!tpu.dma_semaphore, #tpu.memory_space<semaphore_mem>>) src(%dma_wait3A_70 : memref<10000x128xf32, #tpu.memory_space<hbm>>) dst(%arg9 : memref<125x128xf32, #tpu.memory_space<vmem>>)
      %run_scoped3A_71 = arith.constant 2 : i32
      "tpu.region"() ({
        %run_scoped3A_140 = tpu.sem_alloc : memref<!tpu.dma_semaphore, #tpu.memory_space<semaphore_mem>>
        %dma_start3A_141 = arith.constant 0 : i32
        %dma_start3A_142 = tpu.memref_slice %arg8[%run_scoped3A_71, %dma_start3A_141] : memref<8x125xi32, #tpu.memory_space<vmem>> -> memref<1x125xi32, #tpu.memory_space<vmem>>
        %dma_start3A_143 = tpu.memref_squeeze %dma_start3A_142 : memref<1x125xi32, #tpu.memory_space<vmem>> -> memref<125xi32, #tpu.memory_space<vmem>>
        %dma_start3A_144 = arith.constant 0 : i32
        %dma_start3A_145 = arith.constant 0 : i32
        %dma_start3A_146 = tpu.memref_slice %arg11[%dma_start3A_144, %dma_start3A_145] : memref<10016x128xf32, #tpu.memory_space<vmem_shared>> -> memref<10016x128xf32, #tpu.memory_space<vmem_shared>>
        tpu.enqueue_indirect_dma source(%arg9 : memref<125x128xf32, #tpu.memory_space<vmem>>) target(%dma_start3A_146 : memref<10016x128xf32, #tpu.memory_space<vmem_shared>>) offsets(%dma_start3A_143 : memref<125xi32, #tpu.memory_space<vmem>>) semaphore(%run_scoped3A_140 : memref<!tpu.dma_semaphore, #tpu.memory_space<semaphore_mem>>) {add = true}
        %dma_wait3A_147 = arith.constant 0 : i32
        %dma_wait3A_148 = tpu.memref_slice %arg8[%run_scoped3A_71, %dma_wait3A_147] : memref<8x125xi32, #tpu.memory_space<vmem>> -> memref<1x125xi32, #tpu.memory_space<vmem>>
        %dma_wait3A_149 = tpu.memref_squeeze %dma_wait3A_148 : memref<1x125xi32, #tpu.memory_space<vmem>> -> memref<125xi32, #tpu.memory_space<vmem>>
        %dma_wait3A_150 = arith.constant 0 : i32
        %dma_wait3A_151 = arith.constant 0 : i32
        %dma_wait3A_152 = tpu.memref_slice %arg11[%dma_wait3A_150, %dma_wait3A_151] : memref<10016x128xf32, #tpu.memory_space<vmem_shared>> -> memref<10016x128xf32, #tpu.memory_space<vmem_shared>>
        tpu.wait_indirect_dma semaphore(%run_scoped3A_140 : memref<!tpu.dma_semaphore, #tpu.memory_space<semaphore_mem>>) src(%arg9 : memref<125x128xf32, #tpu.memory_space<vmem>>) dst(%dma_wait3A_152 : memref<10016x128xf32, #tpu.memory_space<vmem_shared>>)
        tpu.yield
      }) : () -> ()
      %dma_start3A_72 = arith.constant 4 : i32
      %dma_start3A_73 = arith.constant 0 : i32
      %dma_start3A_74 = tpu.memref_slice %arg7[%dma_start3A_72, %dma_start3A_73] : memref<8x125xi32, #tpu.memory_space<vmem>> -> memref<1x125xi32, #tpu.memory_space<vmem>>
      %dma_start3A_75 = tpu.memref_squeeze %dma_start3A_74 : memref<1x125xi32, #tpu.memory_space<vmem>> -> memref<125xi32, #tpu.memory_space<vmem>>
      %dma_start3A_76 = arith.constant 0 : i32
      %dma_start3A_77 = arith.constant 0 : i32
      %dma_start3A_78 = tpu.memref_slice %arg2[%dma_start3A_76, %dma_start3A_77] : memref<10000x128xf32, #tpu.memory_space<hbm>> -> memref<10000x128xf32, #tpu.memory_space<hbm>>
      tpu.enqueue_indirect_dma source(%dma_start3A_78 : memref<10000x128xf32, #tpu.memory_space<hbm>>) target(%arg9 : memref<125x128xf32, #tpu.memory_space<vmem>>) offsets(%dma_start3A_75 : memref<125xi32, #tpu.memory_space<vmem>>) semaphore(%arg12 : memref<!tpu.dma_semaphore, #tpu.memory_space<semaphore_mem>>)
      %dma_wait3A_79 = arith.constant 3 : i32
      %dma_wait3A_80 = arith.constant 0 : i32
      %dma_wait3A_81 = tpu.memref_slice %arg7[%dma_wait3A_79, %dma_wait3A_80] : memref<8x125xi32, #tpu.memory_space<vmem>> -> memref<1x125xi32, #tpu.memory_space<vmem>>
      %dma_wait3A_82 = tpu.memref_squeeze %dma_wait3A_81 : memref<1x125xi32, #tpu.memory_space<vmem>> -> memref<125xi32, #tpu.memory_space<vmem>>
      %dma_wait3A_83 = arith.constant 0 : i32
      %dma_wait3A_84 = arith.constant 0 : i32
      %dma_wait3A_85 = tpu.memref_slice %arg2[%dma_wait3A_83, %dma_wait3A_84] : memref<10000x128xf32, #tpu.memory_space<hbm>> -> memref<10000x128xf32, #tpu.memory_space<hbm>>
      tpu.wait_indirect_dma semaphore(%arg13 : memref<!tpu.dma_semaphore, #tpu.memory_space<semaphore_mem>>) src(%dma_wait3A_85 : memref<10000x128xf32, #tpu.memory_space<hbm>>) dst(%arg10 : memref<125x128xf32, #tpu.memory_space<vmem>>)
      %run_scoped3A_86 = arith.constant 3 : i32
      "tpu.region"() ({
        %run_scoped3A_140 = tpu.sem_alloc : memref<!tpu.dma_semaphore, #tpu.memory_space<semaphore_mem>>
        %dma_start3A_141 = arith.constant 0 : i32
        %dma_start3A_142 = tpu.memref_slice %arg8[%run_scoped3A_86, %dma_start3A_141] : memref<8x125xi32, #tpu.memory_space<vmem>> -> memref<1x125xi32, #tpu.memory_space<vmem>>
        %dma_start3A_143 = tpu.memref_squeeze %dma_start3A_142 : memref<1x125xi32, #tpu.memory_space<vmem>> -> memref<125xi32, #tpu.memory_space<vmem>>
        %dma_start3A_144 = arith.constant 0 : i32
        %dma_start3A_145 = arith.constant 0 : i32
        %dma_start3A_146 = tpu.memref_slice %arg11[%dma_start3A_144, %dma_start3A_145] : memref<10016x128xf32, #tpu.memory_space<vmem_shared>> -> memref<10016x128xf32, #tpu.memory_space<vmem_shared>>
        tpu.enqueue_indirect_dma source(%arg10 : memref<125x128xf32, #tpu.memory_space<vmem>>) target(%dma_start3A_146 : memref<10016x128xf32, #tpu.memory_space<vmem_shared>>) offsets(%dma_start3A_143 : memref<125xi32, #tpu.memory_space<vmem>>) semaphore(%run_scoped3A_140 : memref<!tpu.dma_semaphore, #tpu.memory_space<semaphore_mem>>) {add = true}
        %dma_wait3A_147 = arith.constant 0 : i32
        %dma_wait3A_148 = tpu.memref_slice %arg8[%run_scoped3A_86, %dma_wait3A_147] : memref<8x125xi32, #tpu.memory_space<vmem>> -> memref<1x125xi32, #tpu.memory_space<vmem>>
        %dma_wait3A_149 = tpu.memref_squeeze %dma_wait3A_148 : memref<1x125xi32, #tpu.memory_space<vmem>> -> memref<125xi32, #tpu.memory_space<vmem>>
        %dma_wait3A_150 = arith.constant 0 : i32
        %dma_wait3A_151 = arith.constant 0 : i32
        %dma_wait3A_152 = tpu.memref_slice %arg11[%dma_wait3A_150, %dma_wait3A_151] : memref<10016x128xf32, #tpu.memory_space<vmem_shared>> -> memref<10016x128xf32, #tpu.memory_space<vmem_shared>>
        tpu.wait_indirect_dma semaphore(%run_scoped3A_140 : memref<!tpu.dma_semaphore, #tpu.memory_space<semaphore_mem>>) src(%arg10 : memref<125x128xf32, #tpu.memory_space<vmem>>) dst(%dma_wait3A_152 : memref<10016x128xf32, #tpu.memory_space<vmem_shared>>)
        tpu.yield
      }) : () -> ()
      %dma_start3A_87 = arith.constant 5 : i32
      %dma_start3A_88 = arith.constant 0 : i32
      %dma_start3A_89 = tpu.memref_slice %arg7[%dma_start3A_87, %dma_start3A_88] : memref<8x125xi32, #tpu.memory_space<vmem>> -> memref<1x125xi32, #tpu.memory_space<vmem>>
      %dma_start3A_90 = tpu.memref_squeeze %dma_start3A_89 : memref<1x125xi32, #tpu.memory_space<vmem>> -> memref<125xi32, #tpu.memory_space<vmem>>
      %dma_start3A_91 = arith.constant 0 : i32
      %dma_start3A_92 = arith.constant 0 : i32
      %dma_start3A_93 = tpu.memref_slice %arg2[%dma_start3A_91, %dma_start3A_92] : memref<10000x128xf32, #tpu.memory_space<hbm>> -> memref<10000x128xf32, #tpu.memory_space<hbm>>
      tpu.enqueue_indirect_dma source(%dma_start3A_93 : memref<10000x128xf32, #tpu.memory_space<hbm>>) target(%arg10 : memref<125x128xf32, #tpu.memory_space<vmem>>) offsets(%dma_start3A_90 : memref<125xi32, #tpu.memory_space<vmem>>) semaphore(%arg13 : memref<!tpu.dma_semaphore, #tpu.memory_space<semaphore_mem>>)
      %dma_wait3A_94 = arith.constant 4 : i32
      %dma_wait3A_95 = arith.constant 0 : i32
      %dma_wait3A_96 = tpu.memref_slice %arg7[%dma_wait3A_94, %dma_wait3A_95] : memref<8x125xi32, #tpu.memory_space<vmem>> -> memref<1x125xi32, #tpu.memory_space<vmem>>
      %dma_wait3A_97 = tpu.memref_squeeze %dma_wait3A_96 : memref<1x125xi32, #tpu.memory_space<vmem>> -> memref<125xi32, #tpu.memory_space<vmem>>
      %dma_wait3A_98 = arith.constant 0 : i32
      %dma_wait3A_99 = arith.constant 0 : i32
      %dma_wait3A_100 = tpu.memref_slice %arg2[%dma_wait3A_98, %dma_wait3A_99] : memref<10000x128xf32, #tpu.memory_space<hbm>> -> memref<10000x128xf32, #tpu.memory_space<hbm>>
      tpu.wait_indirect_dma semaphore(%arg12 : memref<!tpu.dma_semaphore, #tpu.memory_space<semaphore_mem>>) src(%dma_wait3A_100 : memref<10000x128xf32, #tpu.memory_space<hbm>>) dst(%arg9 : memref<125x128xf32, #tpu.memory_space<vmem>>)
      %run_scoped3A_101 = arith.constant 4 : i32
      "tpu.region"() ({
        %run_scoped3A_140 = tpu.sem_alloc : memref<!tpu.dma_semaphore, #tpu.memory_space<semaphore_mem>>
        %dma_start3A_141 = arith.constant 0 : i32
        %dma_start3A_142 = tpu.memref_slice %arg8[%run_scoped3A_101, %dma_start3A_141] : memref<8x125xi32, #tpu.memory_space<vmem>> -> memref<1x125xi32, #tpu.memory_space<vmem>>
        %dma_start3A_143 = tpu.memref_squeeze %dma_start3A_142 : memref<1x125xi32, #tpu.memory_space<vmem>> -> memref<125xi32, #tpu.memory_space<vmem>>
        %dma_start3A_144 = arith.constant 0 : i32
        %dma_start3A_145 = arith.constant 0 : i32
        %dma_start3A_146 = tpu.memref_slice %arg11[%dma_start3A_144, %dma_start3A_145] : memref<10016x128xf32, #tpu.memory_space<vmem_shared>> -> memref<10016x128xf32, #tpu.memory_space<vmem_shared>>
        tpu.enqueue_indirect_dma source(%arg9 : memref<125x128xf32, #tpu.memory_space<vmem>>) target(%dma_start3A_146 : memref<10016x128xf32, #tpu.memory_space<vmem_shared>>) offsets(%dma_start3A_143 : memref<125xi32, #tpu.memory_space<vmem>>) semaphore(%run_scoped3A_140 : memref<!tpu.dma_semaphore, #tpu.memory_space<semaphore_mem>>) {add = true}
        %dma_wait3A_147 = arith.constant 0 : i32
        %dma_wait3A_148 = tpu.memref_slice %arg8[%run_scoped3A_101, %dma_wait3A_147] : memref<8x125xi32, #tpu.memory_space<vmem>> -> memref<1x125xi32, #tpu.memory_space<vmem>>
        %dma_wait3A_149 = tpu.memref_squeeze %dma_wait3A_148 : memref<1x125xi32, #tpu.memory_space<vmem>> -> memref<125xi32, #tpu.memory_space<vmem>>
        %dma_wait3A_150 = arith.constant 0 : i32
        %dma_wait3A_151 = arith.constant 0 : i32
        %dma_wait3A_152 = tpu.memref_slice %arg11[%dma_wait3A_150, %dma_wait3A_151] : memref<10016x128xf32, #tpu.memory_space<vmem_shared>> -> memref<10016x128xf32, #tpu.memory_space<vmem_shared>>
        tpu.wait_indirect_dma semaphore(%run_scoped3A_140 : memref<!tpu.dma_semaphore, #tpu.memory_space<semaphore_mem>>) src(%arg9 : memref<125x128xf32, #tpu.memory_space<vmem>>) dst(%dma_wait3A_152 : memref<10016x128xf32, #tpu.memory_space<vmem_shared>>)
        tpu.yield
      }) : () -> ()
      %dma_start3A_102 = arith.constant 6 : i32
      %dma_start3A_103 = arith.constant 0 : i32
      %dma_start3A_104 = tpu.memref_slice %arg7[%dma_start3A_102, %dma_start3A_103] : memref<8x125xi32, #tpu.memory_space<vmem>> -> memref<1x125xi32, #tpu.memory_space<vmem>>
      %dma_start3A_105 = tpu.memref_squeeze %dma_start3A_104 : memref<1x125xi32, #tpu.memory_space<vmem>> -> memref<125xi32, #tpu.memory_space<vmem>>
      %dma_start3A_106 = arith.constant 0 : i32
      %dma_start3A_107 = arith.constant 0 : i32
      %dma_start3A_108 = tpu.memref_slice %arg2[%dma_start3A_106, %dma_start3A_107] : memref<10000x128xf32, #tpu.memory_space<hbm>> -> memref<10000x128xf32, #tpu.memory_space<hbm>>
      tpu.enqueue_indirect_dma source(%dma_start3A_108 : memref<10000x128xf32, #tpu.memory_space<hbm>>) target(%arg9 : memref<125x128xf32, #tpu.memory_space<vmem>>) offsets(%dma_start3A_105 : memref<125xi32, #tpu.memory_space<vmem>>) semaphore(%arg12 : memref<!tpu.dma_semaphore, #tpu.memory_space<semaphore_mem>>)
      %dma_wait3A_109 = arith.constant 5 : i32
      %dma_wait3A_110 = arith.constant 0 : i32
      %dma_wait3A_111 = tpu.memref_slice %arg7[%dma_wait3A_109, %dma_wait3A_110] : memref<8x125xi32, #tpu.memory_space<vmem>> -> memref<1x125xi32, #tpu.memory_space<vmem>>
      %dma_wait3A_112 = tpu.memref_squeeze %dma_wait3A_111 : memref<1x125xi32, #tpu.memory_space<vmem>> -> memref<125xi32, #tpu.memory_space<vmem>>
      %dma_wait3A_113 = arith.constant 0 : i32
      %dma_wait3A_114 = arith.constant 0 : i32
      %dma_wait3A_115 = tpu.memref_slice %arg2[%dma_wait3A_113, %dma_wait3A_114] : memref<10000x128xf32, #tpu.memory_space<hbm>> -> memref<10000x128xf32, #tpu.memory_space<hbm>>
      tpu.wait_indirect_dma semaphore(%arg13 : memref<!tpu.dma_semaphore, #tpu.memory_space<semaphore_mem>>) src(%dma_wait3A_115 : memref<10000x128xf32, #tpu.memory_space<hbm>>) dst(%arg10 : memref<125x128xf32, #tpu.memory_space<vmem>>)
      %run_scoped3A_116 = arith.constant 5 : i32
      "tpu.region"() ({
        %run_scoped3A_140 = tpu.sem_alloc : memref<!tpu.dma_semaphore, #tpu.memory_space<semaphore_mem>>
        %dma_start3A_141 = arith.constant 0 : i32
        %dma_start3A_142 = tpu.memref_slice %arg8[%run_scoped3A_116, %dma_start3A_141] : memref<8x125xi32, #tpu.memory_space<vmem>> -> memref<1x125xi32, #tpu.memory_space<vmem>>
        %dma_start3A_143 = tpu.memref_squeeze %dma_start3A_142 : memref<1x125xi32, #tpu.memory_space<vmem>> -> memref<125xi32, #tpu.memory_space<vmem>>
        %dma_start3A_144 = arith.constant 0 : i32
        %dma_start3A_145 = arith.constant 0 : i32
        %dma_start3A_146 = tpu.memref_slice %arg11[%dma_start3A_144, %dma_start3A_145] : memref<10016x128xf32, #tpu.memory_space<vmem_shared>> -> memref<10016x128xf32, #tpu.memory_space<vmem_shared>>
        tpu.enqueue_indirect_dma source(%arg10 : memref<125x128xf32, #tpu.memory_space<vmem>>) target(%dma_start3A_146 : memref<10016x128xf32, #tpu.memory_space<vmem_shared>>) offsets(%dma_start3A_143 : memref<125xi32, #tpu.memory_space<vmem>>) semaphore(%run_scoped3A_140 : memref<!tpu.dma_semaphore, #tpu.memory_space<semaphore_mem>>) {add = true}
        %dma_wait3A_147 = arith.constant 0 : i32
        %dma_wait3A_148 = tpu.memref_slice %arg8[%run_scoped3A_116, %dma_wait3A_147] : memref<8x125xi32, #tpu.memory_space<vmem>> -> memref<1x125xi32, #tpu.memory_space<vmem>>
        %dma_wait3A_149 = tpu.memref_squeeze %dma_wait3A_148 : memref<1x125xi32, #tpu.memory_space<vmem>> -> memref<125xi32, #tpu.memory_space<vmem>>
        %dma_wait3A_150 = arith.constant 0 : i32
        %dma_wait3A_151 = arith.constant 0 : i32
        %dma_wait3A_152 = tpu.memref_slice %arg11[%dma_wait3A_150, %dma_wait3A_151] : memref<10016x128xf32, #tpu.memory_space<vmem_shared>> -> memref<10016x128xf32, #tpu.memory_space<vmem_shared>>
        tpu.wait_indirect_dma semaphore(%run_scoped3A_140 : memref<!tpu.dma_semaphore, #tpu.memory_space<semaphore_mem>>) src(%arg10 : memref<125x128xf32, #tpu.memory_space<vmem>>) dst(%dma_wait3A_152 : memref<10016x128xf32, #tpu.memory_space<vmem_shared>>)
        tpu.yield
      }) : () -> ()
      %dma_start3A_117 = arith.constant 7 : i32
      %dma_start3A_118 = arith.constant 0 : i32
      %dma_start3A_119 = tpu.memref_slice %arg7[%dma_start3A_117, %dma_start3A_118] : memref<8x125xi32, #tpu.memory_space<vmem>> -> memref<1x125xi32, #tpu.memory_space<vmem>>
      %dma_start3A_120 = tpu.memref_squeeze %dma_start3A_119 : memref<1x125xi32, #tpu.memory_space<vmem>> -> memref<125xi32, #tpu.memory_space<vmem>>
      %dma_start3A_121 = arith.constant 0 : i32
      %dma_start3A_122 = arith.constant 0 : i32
      %dma_start3A_123 = tpu.memref_slice %arg2[%dma_start3A_121, %dma_start3A_122] : memref<10000x128xf32, #tpu.memory_space<hbm>> -> memref<10000x128xf32, #tpu.memory_space<hbm>>
      tpu.enqueue_indirect_dma source(%dma_start3A_123 : memref<10000x128xf32, #tpu.memory_space<hbm>>) target(%arg10 : memref<125x128xf32, #tpu.memory_space<vmem>>) offsets(%dma_start3A_120 : memref<125xi32, #tpu.memory_space<vmem>>) semaphore(%arg13 : memref<!tpu.dma_semaphore, #tpu.memory_space<semaphore_mem>>)
      %dma_wait3A_124 = arith.constant 6 : i32
      %dma_wait3A_125 = arith.constant 0 : i32
      %dma_wait3A_126 = tpu.memref_slice %arg7[%dma_wait3A_124, %dma_wait3A_125] : memref<8x125xi32, #tpu.memory_space<vmem>> -> memref<1x125xi32, #tpu.memory_space<vmem>>
      %dma_wait3A_127 = tpu.memref_squeeze %dma_wait3A_126 : memref<1x125xi32, #tpu.memory_space<vmem>> -> memref<125xi32, #tpu.memory_space<vmem>>
      %dma_wait3A_128 = arith.constant 0 : i32
      %dma_wait3A_129 = arith.constant 0 : i32
      %dma_wait3A_130 = tpu.memref_slice %arg2[%dma_wait3A_128, %dma_wait3A_129] : memref<10000x128xf32, #tpu.memory_space<hbm>> -> memref<10000x128xf32, #tpu.memory_space<hbm>>
      tpu.wait_indirect_dma semaphore(%arg12 : memref<!tpu.dma_semaphore, #tpu.memory_space<semaphore_mem>>) src(%dma_wait3A_130 : memref<10000x128xf32, #tpu.memory_space<hbm>>) dst(%arg9 : memref<125x128xf32, #tpu.memory_space<vmem>>)
      %run_scoped3A_131 = arith.constant 6 : i32
      "tpu.region"() ({
        %run_scoped3A_140 = tpu.sem_alloc : memref<!tpu.dma_semaphore, #tpu.memory_space<semaphore_mem>>
        %dma_start3A_141 = arith.constant 0 : i32
        %dma_start3A_142 = tpu.memref_slice %arg8[%run_scoped3A_131, %dma_start3A_141] : memref<8x125xi32, #tpu.memory_space<vmem>> -> memref<1x125xi32, #tpu.memory_space<vmem>>
        %dma_start3A_143 = tpu.memref_squeeze %dma_start3A_142 : memref<1x125xi32, #tpu.memory_space<vmem>> -> memref<125xi32, #tpu.memory_space<vmem>>
        %dma_start3A_144 = arith.constant 0 : i32
        %dma_start3A_145 = arith.constant 0 : i32
        %dma_start3A_146 = tpu.memref_slice %arg11[%dma_start3A_144, %dma_start3A_145] : memref<10016x128xf32, #tpu.memory_space<vmem_shared>> -> memref<10016x128xf32, #tpu.memory_space<vmem_shared>>
        tpu.enqueue_indirect_dma source(%arg9 : memref<125x128xf32, #tpu.memory_space<vmem>>) target(%dma_start3A_146 : memref<10016x128xf32, #tpu.memory_space<vmem_shared>>) offsets(%dma_start3A_143 : memref<125xi32, #tpu.memory_space<vmem>>) semaphore(%run_scoped3A_140 : memref<!tpu.dma_semaphore, #tpu.memory_space<semaphore_mem>>) {add = true}
        %dma_wait3A_147 = arith.constant 0 : i32
        %dma_wait3A_148 = tpu.memref_slice %arg8[%run_scoped3A_131, %dma_wait3A_147] : memref<8x125xi32, #tpu.memory_space<vmem>> -> memref<1x125xi32, #tpu.memory_space<vmem>>
        %dma_wait3A_149 = tpu.memref_squeeze %dma_wait3A_148 : memref<1x125xi32, #tpu.memory_space<vmem>> -> memref<125xi32, #tpu.memory_space<vmem>>
        %dma_wait3A_150 = arith.constant 0 : i32
        %dma_wait3A_151 = arith.constant 0 : i32
        %dma_wait3A_152 = tpu.memref_slice %arg11[%dma_wait3A_150, %dma_wait3A_151] : memref<10016x128xf32, #tpu.memory_space<vmem_shared>> -> memref<10016x128xf32, #tpu.memory_space<vmem_shared>>
        tpu.wait_indirect_dma semaphore(%run_scoped3A_140 : memref<!tpu.dma_semaphore, #tpu.memory_space<semaphore_mem>>) src(%arg9 : memref<125x128xf32, #tpu.memory_space<vmem>>) dst(%dma_wait3A_152 : memref<10016x128xf32, #tpu.memory_space<vmem_shared>>)
        tpu.yield
      }) : () -> ()
      %dma_wait3A_132 = arith.constant 7 : i32
      %dma_wait3A_133 = arith.constant 0 : i32
      %dma_wait3A_134 = tpu.memref_slice %arg7[%dma_wait3A_132, %dma_wait3A_133] : memref<8x125xi32, #tpu.memory_space<vmem>> -> memref<1x125xi32, #tpu.memory_space<vmem>>
      %dma_wait3A_135 = tpu.memref_squeeze %dma_wait3A_134 : memref<1x125xi32, #tpu.memory_space<vmem>> -> memref<125xi32, #tpu.memory_space<vmem>>
      %dma_wait3A_136 = arith.constant 0 : i32
      %dma_wait3A_137 = arith.constant 0 : i32
      %dma_wait3A_138 = tpu.memref_slice %arg2[%dma_wait3A_136, %dma_wait3A_137] : memref<10000x128xf32, #tpu.memory_space<hbm>> -> memref<10000x128xf32, #tpu.memory_space<hbm>>
      tpu.wait_indirect_dma semaphore(%arg13 : memref<!tpu.dma_semaphore, #tpu.memory_space<semaphore_mem>>) src(%dma_wait3A_138 : memref<10000x128xf32, #tpu.memory_space<hbm>>) dst(%arg10 : memref<125x128xf32, #tpu.memory_space<vmem>>)
      %run_scoped3A_139 = arith.constant 7 : i32
      "tpu.region"() ({
        %run_scoped3A_140 = tpu.sem_alloc : memref<!tpu.dma_semaphore, #tpu.memory_space<semaphore_mem>>
        %dma_start3A_141 = arith.constant 0 : i32
        %dma_start3A_142 = tpu.memref_slice %arg8[%run_scoped3A_139, %dma_start3A_141] : memref<8x125xi32, #tpu.memory_space<vmem>> -> memref<1x125xi32, #tpu.memory_space<vmem>>
        %dma_start3A_143 = tpu.memref_squeeze %dma_start3A_142 : memref<1x125xi32, #tpu.memory_space<vmem>> -> memref<125xi32, #tpu.memory_space<vmem>>
        %dma_start3A_144 = arith.constant 0 : i32
        %dma_start3A_145 = arith.constant 0 : i32
        %dma_start3A_146 = tpu.memref_slice %arg11[%dma_start3A_144, %dma_start3A_145] : memref<10016x128xf32, #tpu.memory_space<vmem_shared>> -> memref<10016x128xf32, #tpu.memory_space<vmem_shared>>
        tpu.enqueue_indirect_dma source(%arg10 : memref<125x128xf32, #tpu.memory_space<vmem>>) target(%dma_start3A_146 : memref<10016x128xf32, #tpu.memory_space<vmem_shared>>) offsets(%dma_start3A_143 : memref<125xi32, #tpu.memory_space<vmem>>) semaphore(%run_scoped3A_140 : memref<!tpu.dma_semaphore, #tpu.memory_space<semaphore_mem>>) {add = true}
        %dma_wait3A_147 = arith.constant 0 : i32
        %dma_wait3A_148 = tpu.memref_slice %arg8[%run_scoped3A_139, %dma_wait3A_147] : memref<8x125xi32, #tpu.memory_space<vmem>> -> memref<1x125xi32, #tpu.memory_space<vmem>>
        %dma_wait3A_149 = tpu.memref_squeeze %dma_wait3A_148 : memref<1x125xi32, #tpu.memory_space<vmem>> -> memref<125xi32, #tpu.memory_space<vmem>>
        %dma_wait3A_150 = arith.constant 0 : i32
        %dma_wait3A_151 = arith.constant 0 : i32
        %dma_wait3A_152 = tpu.memref_slice %arg11[%dma_wait3A_150, %dma_wait3A_151] : memref<10016x128xf32, #tpu.memory_space<vmem_shared>> -> memref<10016x128xf32, #tpu.memory_space<vmem_shared>>
        tpu.wait_indirect_dma semaphore(%run_scoped3A_140 : memref<!tpu.dma_semaphore, #tpu.memory_space<semaphore_mem>>) src(%arg10 : memref<125x128xf32, #tpu.memory_space<vmem>>) dst(%dma_wait3A_152 : memref<10016x128xf32, #tpu.memory_space<vmem_shared>>)
        tpu.yield
      }) : () -> ()
    }
    %scan3A_11 = arith.constant 11 : i32
    %barrier3A_12 = arith.constant 0 : index
    tpu.barrier barrier_id(%barrier3A_12)
    %mul3A_13 = arith.constant 624 : i32
    %mul3A_14 = arith.muli %arg1, %mul3A_13 : i32
    %mul3A_15 = arith.constant 624 : i32
    %mul3A_16 = arith.muli %arg1, %mul3A_15 : i32
    "tpu.region"() ({
      %run_scoped3A = tpu.sem_alloc : memref<!tpu.dma_semaphore, #tpu.memory_space<semaphore_mem>>
      %dma_start3A = arith.constant 0 : i32
      %dma_start3A_22 = tpu.memref_slice %arg6[%arg0, %mul3A_16, %dma_start3A] : memref<2x10016x128xf32, #tpu.memory_space<hbm>> -> memref<1x624x128xf32, #tpu.memory_space<hbm>>
      %dma_start3A_23 = tpu.memref_squeeze %dma_start3A_22 : memref<1x624x128xf32, #tpu.memory_space<hbm>> -> memref<624x128xf32, #tpu.memory_space<hbm>>
      %dma_start3A_24 = arith.constant 0 : i32
      %dma_start3A_25 = tpu.memref_slice %arg11[%mul3A_14, %dma_start3A_24] : memref<10016x128xf32, #tpu.memory_space<vmem_shared>> -> memref<624x128xf32, #tpu.memory_space<vmem_shared>>
      tpu.enqueue_dma source(%dma_start3A_25 : memref<624x128xf32, #tpu.memory_space<vmem_shared>>) target(%dma_start3A_23 : memref<624x128xf32, #tpu.memory_space<hbm>>) target_semaphore(%run_scoped3A : memref<!tpu.dma_semaphore, #tpu.memory_space<semaphore_mem>>)
      %dma_wait3A = arith.constant 0 : i32
      %dma_wait3A_26 = tpu.memref_slice %arg6[%arg0, %mul3A_16, %dma_wait3A] : memref<2x10016x128xf32, #tpu.memory_space<hbm>> -> memref<1x624x128xf32, #tpu.memory_space<hbm>>
      %dma_wait3A_27 = tpu.memref_squeeze %dma_wait3A_26 : memref<1x624x128xf32, #tpu.memory_space<hbm>> -> memref<624x128xf32, #tpu.memory_space<hbm>>
      %dma_wait3A_28 = arith.constant 0 : i32
      %dma_wait3A_29 = tpu.memref_slice %arg11[%mul3A_14, %dma_wait3A_28] : memref<10016x128xf32, #tpu.memory_space<vmem_shared>> -> memref<624x128xf32, #tpu.memory_space<vmem_shared>>
      tpu.wait_dma2 semaphore(%run_scoped3A : memref<!tpu.dma_semaphore, #tpu.memory_space<semaphore_mem>>) src(%dma_wait3A_29 : memref<624x128xf32, #tpu.memory_space<vmem_shared>>) dst(%dma_wait3A_27 : memref<624x128xf32, #tpu.memory_space<hbm>>)
      tpu.yield
    }) : () -> ()
    %eq3A_17 = arith.constant 15 : i32
    %eq3A_18 = arith.cmpi eq, %arg1, %eq3A_17 : i32
    %convert_element_type3A_19 = arith.extui %eq3A_18 : i1 to i32
    %cond3A_20 = arith.constant 0 : i32
    %cond3A_21 = arith.cmpi ne, %convert_element_type3A_19, %cond3A_20 : i32
    scf.if %cond3A_21 {
      "tpu.region"() ({
        %run_scoped3A = tpu.sem_alloc : memref<!tpu.dma_semaphore, #tpu.memory_space<semaphore_mem>>
        %dma_start3A = arith.constant 9984 : i32
        %dma_start3A_22 = arith.constant 0 : i32
        %dma_start3A_23 = tpu.memref_slice %arg6[%arg0, %dma_start3A, %dma_start3A_22] : memref<2x10016x128xf32, #tpu.memory_space<hbm>> -> memref<1x32x128xf32, #tpu.memory_space<hbm>>
        %dma_start3A_24 = tpu.memref_squeeze %dma_start3A_23 : memref<1x32x128xf32, #tpu.memory_space<hbm>> -> memref<32x128xf32, #tpu.memory_space<hbm>>
        %dma_start3A_25 = arith.constant 9984 : i32
        %dma_start3A_26 = arith.constant 0 : i32
        %dma_start3A_27 = tpu.memref_slice %arg11[%dma_start3A_25, %dma_start3A_26] : memref<10016x128xf32, #tpu.memory_space<vmem_shared>> -> memref<32x128xf32, #tpu.memory_space<vmem_shared>>
        tpu.enqueue_dma source(%dma_start3A_27 : memref<32x128xf32, #tpu.memory_space<vmem_shared>>) target(%dma_start3A_24 : memref<32x128xf32, #tpu.memory_space<hbm>>) target_semaphore(%run_scoped3A : memref<!tpu.dma_semaphore, #tpu.memory_space<semaphore_mem>>)
        %dma_wait3A = arith.constant 9984 : i32
        %dma_wait3A_28 = arith.constant 0 : i32
        %dma_wait3A_29 = tpu.memref_slice %arg6[%arg0, %dma_wait3A, %dma_wait3A_28] : memref<2x10016x128xf32, #tpu.memory_space<hbm>> -> memref<1x32x128xf32, #tpu.memory_space<hbm>>
        %dma_wait3A_30 = tpu.memref_squeeze %dma_wait3A_29 : memref<1x32x128xf32, #tpu.memory_space<hbm>> -> memref<32x128xf32, #tpu.memory_space<hbm>>
        %dma_wait3A_31 = arith.constant 9984 : i32
        %dma_wait3A_32 = arith.constant 0 : i32
        %dma_wait3A_33 = tpu.memref_slice %arg11[%dma_wait3A_31, %dma_wait3A_32] : memref<10016x128xf32, #tpu.memory_space<vmem_shared>> -> memref<32x128xf32, #tpu.memory_space<vmem_shared>>
        tpu.wait_dma2 semaphore(%run_scoped3A : memref<!tpu.dma_semaphore, #tpu.memory_space<semaphore_mem>>) src(%dma_wait3A_33 : memref<32x128xf32, #tpu.memory_space<vmem_shared>>) dst(%dma_wait3A_30 : memref<32x128xf32, #tpu.memory_space<hbm>>)
        tpu.yield
      }) : () -> ()
    } else {
    }
    return
  }
}

#map = affine_map<(d0, d1) -> (0, 0)>
#map1 = affine_map<(d0, d1) -> (0, 0, 0, 0)>
#map2 = affine_map<(d0, d1) -> (0, 0, 0)>
module attributes {stable_mosaic.version = 14 : i64} {
  func.func @body(%arg0: i32, %arg1: i32, %arg2: memref<10000x128xf32, #tpu.memory_space<hbm>>, %arg3: memref<32x11x8x125xi32, #tpu.memory_space<hbm>>, %arg4: memref<32x11x8x125xi32, #tpu.memory_space<hbm>>, %arg5: memref<10016x128xf32, #tpu.memory_space<hbm>>, %arg6: memref<2x10016x128xf32, #tpu.memory_space<hbm>>, %arg7: memref<8x125xi32, #tpu.memory_space<vmem>>, %arg8: memref<8x125xi32, #tpu.memory_space<vmem>>, %arg9: memref<125x128xf32, #tpu.memory_space<vmem>>, %arg10: memref<125x128xf32, #tpu.memory_space<vmem>>, %arg11: memref<10016x128xf32, #tpu.memory_space<vmem_shared>>, %arg12: memref<!tpu.dma_semaphore, #tpu.memory_space<semaphore_mem>>, %arg13: memref<!tpu.dma_semaphore, #tpu.memory_space<semaphore_mem>>) attributes {dimension_semantics = [#tpu.dimension_semantics<core_parallel>, #tpu.dimension_semantics<subcore_parallel>], iteration_bounds = array<i64: 2, 16>, scalar_prefetch = 0 : i64, scratch_operands = 7 : i64, tpu.core_type = #tpu.core_type<sc_vector_subcore>, window_params = [{transform_indices = #map}, {transform_indices = #map1}, {transform_indices = #map1}, {transform_indices = #map}, {transform_indices = #map2}]} {
    %mul3A = arith.constant 2 : i32
    %mul3A_0 = arith.muli %arg1, %mul3A : i32
    %add3A = arith.addi %mul3A_0, %arg0 : i32
    %mul3A_1 = arith.constant 624 : i32
    %mul3A_2 = arith.muli %arg1, %mul3A_1 : i32
    %mul3A_3 = arith.constant 624 : i32
    %mul3A_4 = arith.muli %arg1, %mul3A_3 : i32
    "tpu.region"() ({
      %run_scoped3A = tpu.sem_alloc : memref<!tpu.dma_semaphore, #tpu.memory_space<semaphore_mem>>
      %dma_start3A = arith.constant 0 : i32
      %dma_start3A_22 = tpu.memref_slice %arg11[%mul3A_4, %dma_start3A] : memref<10016x128xf32, #tpu.memory_space<vmem_shared>> -> memref<624x128xf32, #tpu.memory_space<vmem_shared>>
      %dma_start3A_23 = arith.constant 0 : i32
      %dma_start3A_24 = tpu.memref_slice %arg5[%mul3A_2, %dma_start3A_23] : memref<10016x128xf32, #tpu.memory_space<hbm>> -> memref<624x128xf32, #tpu.memory_space<hbm>>
      tpu.enqueue_dma source(%dma_start3A_24 : memref<624x128xf32, #tpu.memory_space<hbm>>) target(%dma_start3A_22 : memref<624x128xf32, #tpu.memory_space<vmem_shared>>) target_semaphore(%run_scoped3A : memref<!tpu.dma_semaphore, #tpu.memory_space<semaphore_mem>>)
      %dma_wait3A = arith.constant 0 : i32
      %dma_wait3A_25 = tpu.memref_slice %arg11[%mul3A_4, %dma_wait3A] : memref<10016x128xf32, #tpu.memory_space<vmem_shared>> -> memref<624x128xf32, #tpu.memory_space<vmem_shared>>
      %dma_wait3A_26 = arith.constant 0 : i32
      %dma_wait3A_27 = tpu.memref_slice %arg5[%mul3A_2, %dma_wait3A_26] : memref<10016x128xf32, #tpu.memory_space<hbm>> -> memref<624x128xf32, #tpu.memory_space<hbm>>
      tpu.wait_dma2 semaphore(%run_scoped3A : memref<!tpu.dma_semaphore, #tpu.memory_space<semaphore_mem>>) src(%dma_wait3A_27 : memref<624x128xf32, #tpu.memory_space<hbm>>) dst(%dma_wait3A_25 : memref<624x128xf32, #tpu.memory_space<vmem_shared>>)
      tpu.yield
    }) : () -> ()
    %eq3A = arith.constant 15 : i32
    %eq3A_5 = arith.cmpi eq, %arg1, %eq3A : i32
    %convert_element_type3A = arith.extui %eq3A_5 : i1 to i32
    %cond3A = arith.constant 0 : i32
    %cond3A_6 = arith.cmpi ne, %convert_element_type3A, %cond3A : i32
    scf.if %cond3A_6 {
      "tpu.region"() ({
        %run_scoped3A = tpu.sem_alloc : memref<!tpu.dma_semaphore, #tpu.memory_space<semaphore_mem>>
        %dma_start3A = arith.constant 9984 : i32
        %dma_start3A_22 = arith.constant 0 : i32
        %dma_start3A_23 = tpu.memref_slice %arg11[%dma_start3A, %dma_start3A_22] : memref<10016x128xf32, #tpu.memory_space<vmem_shared>> -> memref<32x128xf32, #tpu.memory_space<vmem_shared>>
        %dma_start3A_24 = arith.constant 9984 : i32
        %dma_start3A_25 = arith.constant 0 : i32
        %dma_start3A_26 = tpu.memref_slice %arg5[%dma_start3A_24, %dma_start3A_25] : memref<10016x128xf32, #tpu.memory_space<hbm>> -> memref<32x128xf32, #tpu.memory_space<hbm>>
        tpu.enqueue_dma source(%dma_start3A_26 : memref<32x128xf32, #tpu.memory_space<hbm>>) target(%dma_start3A_23 : memref<32x128xf32, #tpu.memory_space<vmem_shared>>) target_semaphore(%run_scoped3A : memref<!tpu.dma_semaphore, #tpu.memory_space<semaphore_mem>>)
        %dma_wait3A = arith.constant 9984 : i32
        %dma_wait3A_27 = arith.constant 0 : i32
        %dma_wait3A_28 = tpu.memref_slice %arg11[%dma_wait3A, %dma_wait3A_27] : memref<10016x128xf32, #tpu.memory_space<vmem_shared>> -> memref<32x128xf32, #tpu.memory_space<vmem_shared>>
        %dma_wait3A_29 = arith.constant 9984 : i32
        %dma_wait3A_30 = arith.constant 0 : i32
        %dma_wait3A_31 = tpu.memref_slice %arg5[%dma_wait3A_29, %dma_wait3A_30] : memref<10016x128xf32, #tpu.memory_space<hbm>> -> memref<32x128xf32, #tpu.memory_space<hbm>>
        tpu.wait_dma2 semaphore(%run_scoped3A : memref<!tpu.dma_semaphore, #tpu.memory_space<semaphore_mem>>) src(%dma_wait3A_31 : memref<32x128xf32, #tpu.memory_space<hbm>>) dst(%dma_wait3A_28 : memref<32x128xf32, #tpu.memory_space<vmem_shared>>)
        tpu.yield
      }) : () -> ()
    } else {
    }
    %barrier3A = arith.constant 0 : index
    tpu.barrier barrier_id(%barrier3A)
    %scan3A = arith.constant 0 : i32
    %scan3A_7 = arith.constant 0 : i32
    %scan3A_8 = arith.constant 11 : i32
    %scan3A_9 = arith.addi %scan3A_7, %scan3A_8 : i32
    %scan3A_10 = arith.constant 1 : i32
    scf.for %scan3A_22 = %scan3A_7 to %scan3A_9 step %scan3A_10  : i32 {
      "tpu.region"() ({
        %run_scoped3A_140 = tpu.sem_alloc : memref<!tpu.dma_semaphore, #tpu.memory_space<semaphore_mem>>
        %dma_start3A_141 = arith.constant 0 : i32
        %dma_start3A_142 = arith.constant 0 : i32
        %dma_start3A_143 = tpu.memref_slice %arg3[%add3A, %scan3A_22, %dma_start3A_141, %dma_start3A_142] : memref<32x11x8x125xi32, #tpu.memory_space<hbm>> -> memref<1x1x8x125xi32, #tpu.memory_space<hbm>>
        %dma_start3A_144 = tpu.memref_squeeze %dma_start3A_143 : memref<1x1x8x125xi32, #tpu.memory_space<hbm>> -> memref<8x125xi32, #tpu.memory_space<hbm>>
        %dma_start3A_145 = arith.constant 0 : i32
        %dma_start3A_146 = arith.constant 0 : i32
        %dma_start3A_147 = tpu.memref_slice %arg3[%add3A, %scan3A_22, %dma_start3A_145, %dma_start3A_146] : memref<32x11x8x125xi32, #tpu.memory_space<hbm>> -> memref<1x1x8x125xi32, #tpu.memory_space<hbm>>
        %dma_start3A_148 = tpu.memref_squeeze %dma_start3A_147 : memref<1x1x8x125xi32, #tpu.memory_space<hbm>> -> memref<8x125xi32, #tpu.memory_space<hbm>>
        tpu.enqueue_dma source(%dma_start3A_148 : memref<8x125xi32, #tpu.memory_space<hbm>>) target(%arg7 : memref<8x125xi32, #tpu.memory_space<vmem>>) target_semaphore(%run_scoped3A_140 : memref<!tpu.dma_semaphore, #tpu.memory_space<semaphore_mem>>)
        %dma_wait3A_149 = arith.constant 0 : i32
        %dma_wait3A_150 = arith.constant 0 : i32
        %dma_wait3A_151 = tpu.memref_slice %arg3[%add3A, %scan3A_22, %dma_wait3A_149, %dma_wait3A_150] : memref<32x11x8x125xi32, #tpu.memory_space<hbm>> -> memref<1x1x8x125xi32, #tpu.memory_space<hbm>>
        %dma_wait3A_152 = tpu.memref_squeeze %dma_wait3A_151 : memref<1x1x8x125xi32, #tpu.memory_space<hbm>> -> memref<8x125xi32, #tpu.memory_space<hbm>>
        %dma_wait3A_153 = arith.constant 0 : i32
        %dma_wait3A_154 = arith.constant 0 : i32
        %dma_wait3A_155 = tpu.memref_slice %arg3[%add3A, %scan3A_22, %dma_wait3A_153, %dma_wait3A_154] : memref<32x11x8x125xi32, #tpu.memory_space<hbm>> -> memref<1x1x8x125xi32, #tpu.memory_space<hbm>>
        %dma_wait3A_156 = tpu.memref_squeeze %dma_wait3A_155 : memref<1x1x8x125xi32, #tpu.memory_space<hbm>> -> memref<8x125xi32, #tpu.memory_space<hbm>>
        tpu.wait_dma2 semaphore(%run_scoped3A_140 : memref<!tpu.dma_semaphore, #tpu.memory_space<semaphore_mem>>) src(%dma_wait3A_156 : memref<8x125xi32, #tpu.memory_space<hbm>>) dst(%arg7 : memref<8x125xi32, #tpu.memory_space<vmem>>)
        tpu.yield
      }) : () -> ()
      "tpu.region"() ({
        %run_scoped3A_140 = tpu.sem_alloc : memref<!tpu.dma_semaphore, #tpu.memory_space<semaphore_mem>>
        %dma_start3A_141 = arith.constant 0 : i32
        %dma_start3A_142 = arith.constant 0 : i32
        %dma_start3A_143 = tpu.memref_slice %arg4[%add3A, %scan3A_22, %dma_start3A_141, %dma_start3A_142] : memref<32x11x8x125xi32, #tpu.memory_space<hbm>> -> memref<1x1x8x125xi32, #tpu.memory_space<hbm>>
        %dma_start3A_144 = tpu.memref_squeeze %dma_start3A_143 : memref<1x1x8x125xi32, #tpu.memory_space<hbm>> -> memref<8x125xi32, #tpu.memory_space<hbm>>
        %dma_start3A_145 = arith.constant 0 : i32
        %dma_start3A_146 = arith.constant 0 : i32
        %dma_start3A_147 = tpu.memref_slice %arg4[%add3A, %scan3A_22, %dma_start3A_145, %dma_start3A_146] : memref<32x11x8x125xi32, #tpu.memory_space<hbm>> -> memref<1x1x8x125xi32, #tpu.memory_space<hbm>>
        %dma_start3A_148 = tpu.memref_squeeze %dma_start3A_147 : memref<1x1x8x125xi32, #tpu.memory_space<hbm>> -> memref<8x125xi32, #tpu.memory_space<hbm>>
        tpu.enqueue_dma source(%dma_start3A_148 : memref<8x125xi32, #tpu.memory_space<hbm>>) target(%arg8 : memref<8x125xi32, #tpu.memory_space<vmem>>) target_semaphore(%run_scoped3A_140 : memref<!tpu.dma_semaphore, #tpu.memory_space<semaphore_mem>>)
        %dma_wait3A_149 = arith.constant 0 : i32
        %dma_wait3A_150 = arith.constant 0 : i32
        %dma_wait3A_151 = tpu.memref_slice %arg4[%add3A, %scan3A_22, %dma_wait3A_149, %dma_wait3A_150] : memref<32x11x8x125xi32, #tpu.memory_space<hbm>> -> memref<1x1x8x125xi32, #tpu.memory_space<hbm>>
        %dma_wait3A_152 = tpu.memref_squeeze %dma_wait3A_151 : memref<1x1x8x125xi32, #tpu.memory_space<hbm>> -> memref<8x125xi32, #tpu.memory_space<hbm>>
        %dma_wait3A_153 = arith.constant 0 : i32
        %dma_wait3A_154 = arith.constant 0 : i32
        %dma_wait3A_155 = tpu.memref_slice %arg4[%add3A, %scan3A_22, %dma_wait3A_153, %dma_wait3A_154] : memref<32x11x8x125xi32, #tpu.memory_space<hbm>> -> memref<1x1x8x125xi32, #tpu.memory_space<hbm>>
        %dma_wait3A_156 = tpu.memref_squeeze %dma_wait3A_155 : memref<1x1x8x125xi32, #tpu.memory_space<hbm>> -> memref<8x125xi32, #tpu.memory_space<hbm>>
        tpu.wait_dma2 semaphore(%run_scoped3A_140 : memref<!tpu.dma_semaphore, #tpu.memory_space<semaphore_mem>>) src(%dma_wait3A_156 : memref<8x125xi32, #tpu.memory_space<hbm>>) dst(%arg8 : memref<8x125xi32, #tpu.memory_space<vmem>>)
        tpu.yield
      }) : () -> ()
      %dma_start3A = arith.constant 0 : i32
      %dma_start3A_23 = arith.constant 0 : i32
      %dma_start3A_24 = tpu.memref_slice %arg7[%dma_start3A, %dma_start3A_23] : memref<8x125xi32, #tpu.memory_space<vmem>> -> memref<1x125xi32, #tpu.memory_space<vmem>>
      %dma_start3A_25 = tpu.memref_squeeze %dma_start3A_24 : memref<1x125xi32, #tpu.memory_space<vmem>> -> memref<125xi32, #tpu.memory_space<vmem>>
      %dma_start3A_26 = arith.constant 0 : i32
      %dma_start3A_27 = arith.constant 0 : i32
      %dma_start3A_28 = tpu.memref_slice %arg2[%dma_start3A_26, %dma_start3A_27] : memref<10000x128xf32, #tpu.memory_space<hbm>> -> memref<10000x128xf32, #tpu.memory_space<hbm>>
      tpu.enqueue_indirect_dma source(%dma_start3A_28 : memref<10000x128xf32, #tpu.memory_space<hbm>>) target(%arg9 : memref<125x128xf32, #tpu.memory_space<vmem>>) offsets(%dma_start3A_25 : memref<125xi32, #tpu.memory_space<vmem>>) semaphore(%arg12 : memref<!tpu.dma_semaphore, #tpu.memory_space<semaphore_mem>>)
      %dma_start3A_29 = arith.constant 1 : i32
      %dma_start3A_30 = arith.constant 0 : i32
      %dma_start3A_31 = tpu.memref_slice %arg7[%dma_start3A_29, %dma_start3A_30] : memref<8x125xi32, #tpu.memory_space<vmem>> -> memref<1x125xi32, #tpu.memory_space<vmem>>
      %dma_start3A_32 = tpu.memref_squeeze %dma_start3A_31 : memref<1x125xi32, #tpu.memory_space<vmem>> -> memref<125xi32, #tpu.memory_space<vmem>>
      %dma_start3A_33 = arith.constant 0 : i32
      %dma_start3A_34 = arith.constant 0 : i32
      %dma_start3A_35 = tpu.memref_slice %arg2[%dma_start3A_33, %dma_start3A_34] : memref<10000x128xf32, #tpu.memory_space<hbm>> -> memref<10000x128xf32, #tpu.memory_space<hbm>>
      tpu.enqueue_indirect_dma source(%dma_start3A_35 : memref<10000x128xf32, #tpu.memory_space<hbm>>) target(%arg10 : memref<125x128xf32, #tpu.memory_space<vmem>>) offsets(%dma_start3A_32 : memref<125xi32, #tpu.memory_space<vmem>>) semaphore(%arg13 : memref<!tpu.dma_semaphore, #tpu.memory_space<semaphore_mem>>)
      %dma_wait3A = arith.constant 0 : i32
      %dma_wait3A_36 = arith.constant 0 : i32
      %dma_wait3A_37 = tpu.memref_slice %arg7[%dma_wait3A, %dma_wait3A_36] : memref<8x125xi32, #tpu.memory_space<vmem>> -> memref<1x125xi32, #tpu.memory_space<vmem>>
      %dma_wait3A_38 = tpu.memref_squeeze %dma_wait3A_37 : memref<1x125xi32, #tpu.memory_space<vmem>> -> memref<125xi32, #tpu.memory_space<vmem>>
      %dma_wait3A_39 = arith.constant 0 : i32
      %dma_wait3A_40 = arith.constant 0 : i32
      %dma_wait3A_41 = tpu.memref_slice %arg2[%dma_wait3A_39, %dma_wait3A_40] : memref<10000x128xf32, #tpu.memory_space<hbm>> -> memref<10000x128xf32, #tpu.memory_space<hbm>>
      tpu.wait_indirect_dma semaphore(%arg12 : memref<!tpu.dma_semaphore, #tpu.memory_space<semaphore_mem>>) src(%dma_wait3A_41 : memref<10000x128xf32, #tpu.memory_space<hbm>>) dst(%arg9 : memref<125x128xf32, #tpu.memory_space<vmem>>)
      %run_scoped3A = arith.constant 0 : i32
      "tpu.region"() ({
        %run_scoped3A_140 = tpu.sem_alloc : memref<!tpu.dma_semaphore, #tpu.memory_space<semaphore_mem>>
        %dma_start3A_141 = arith.constant 0 : i32
        %dma_start3A_142 = tpu.memref_slice %arg8[%run_scoped3A, %dma_start3A_141] : memref<8x125xi32, #tpu.memory_space<vmem>> -> memref<1x125xi32, #tpu.memory_space<vmem>>
        %dma_start3A_143 = tpu.memref_squeeze %dma_start3A_142 : memref<1x125xi32, #tpu.memory_space<vmem>> -> memref<125xi32, #tpu.memory_space<vmem>>
        %dma_start3A_144 = arith.constant 0 : i32
        %dma_start3A_145 = arith.constant 0 : i32
        %dma_start3A_146 = tpu.memref_slice %arg11[%dma_start3A_144, %dma_start3A_145] : memref<10016x128xf32, #tpu.memory_space<vmem_shared>> -> memref<10016x128xf32, #tpu.memory_space<vmem_shared>>
        tpu.enqueue_indirect_dma source(%arg9 : memref<125x128xf32, #tpu.memory_space<vmem>>) target(%dma_start3A_146 : memref<10016x128xf32, #tpu.memory_space<vmem_shared>>) offsets(%dma_start3A_143 : memref<125xi32, #tpu.memory_space<vmem>>) semaphore(%run_scoped3A_140 : memref<!tpu.dma_semaphore, #tpu.memory_space<semaphore_mem>>) {add = true}
        %dma_wait3A_147 = arith.constant 0 : i32
        %dma_wait3A_148 = tpu.memref_slice %arg8[%run_scoped3A, %dma_wait3A_147] : memref<8x125xi32, #tpu.memory_space<vmem>> -> memref<1x125xi32, #tpu.memory_space<vmem>>
        %dma_wait3A_149 = tpu.memref_squeeze %dma_wait3A_148 : memref<1x125xi32, #tpu.memory_space<vmem>> -> memref<125xi32, #tpu.memory_space<vmem>>
        %dma_wait3A_150 = arith.constant 0 : i32
        %dma_wait3A_151 = arith.constant 0 : i32
        %dma_wait3A_152 = tpu.memref_slice %arg11[%dma_wait3A_150, %dma_wait3A_151] : memref<10016x128xf32, #tpu.memory_space<vmem_shared>> -> memref<10016x128xf32, #tpu.memory_space<vmem_shared>>
        tpu.wait_indirect_dma semaphore(%run_scoped3A_140 : memref<!tpu.dma_semaphore, #tpu.memory_space<semaphore_mem>>) src(%arg9 : memref<125x128xf32, #tpu.memory_space<vmem>>) dst(%dma_wait3A_152 : memref<10016x128xf32, #tpu.memory_space<vmem_shared>>)
        tpu.yield
      }) : () -> ()
      %dma_start3A_42 = arith.constant 2 : i32
      %dma_start3A_43 = arith.constant 0 : i32
      %dma_start3A_44 = tpu.memref_slice %arg7[%dma_start3A_42, %dma_start3A_43] : memref<8x125xi32, #tpu.memory_space<vmem>> -> memref<1x125xi32, #tpu.memory_space<vmem>>
      %dma_start3A_45 = tpu.memref_squeeze %dma_start3A_44 : memref<1x125xi32, #tpu.memory_space<vmem>> -> memref<125xi32, #tpu.memory_space<vmem>>
      %dma_start3A_46 = arith.constant 0 : i32
      %dma_start3A_47 = arith.constant 0 : i32
      %dma_start3A_48 = tpu.memref_slice %arg2[%dma_start3A_46, %dma_start3A_47] : memref<10000x128xf32, #tpu.memory_space<hbm>> -> memref<10000x128xf32, #tpu.memory_space<hbm>>
      tpu.enqueue_indirect_dma source(%dma_start3A_48 : memref<10000x128xf32, #tpu.memory_space<hbm>>) target(%arg9 : memref<125x128xf32, #tpu.memory_space<vmem>>) offsets(%dma_start3A_45 : memref<125xi32, #tpu.memory_space<vmem>>) semaphore(%arg12 : memref<!tpu.dma_semaphore, #tpu.memory_space<semaphore_mem>>)
      %dma_wait3A_49 = arith.constant 1 : i32
      %dma_wait3A_50 = arith.constant 0 : i32
      %dma_wait3A_51 = tpu.memref_slice %arg7[%dma_wait3A_49, %dma_wait3A_50] : memref<8x125xi32, #tpu.memory_space<vmem>> -> memref<1x125xi32, #tpu.memory_space<vmem>>
      %dma_wait3A_52 = tpu.memref_squeeze %dma_wait3A_51 : memref<1x125xi32, #tpu.memory_space<vmem>> -> memref<125xi32, #tpu.memory_space<vmem>>
      %dma_wait3A_53 = arith.constant 0 : i32
      %dma_wait3A_54 = arith.constant 0 : i32
      %dma_wait3A_55 = tpu.memref_slice %arg2[%dma_wait3A_53, %dma_wait3A_54] : memref<10000x128xf32, #tpu.memory_space<hbm>> -> memref<10000x128xf32, #tpu.memory_space<hbm>>
      tpu.wait_indirect_dma semaphore(%arg13 : memref<!tpu.dma_semaphore, #tpu.memory_space<semaphore_mem>>) src(%dma_wait3A_55 : memref<10000x128xf32, #tpu.memory_space<hbm>>) dst(%arg10 : memref<125x128xf32, #tpu.memory_space<vmem>>)
      %run_scoped3A_56 = arith.constant 1 : i32
      "tpu.region"() ({
        %run_scoped3A_140 = tpu.sem_alloc : memref<!tpu.dma_semaphore, #tpu.memory_space<semaphore_mem>>
        %dma_start3A_141 = arith.constant 0 : i32
        %dma_start3A_142 = tpu.memref_slice %arg8[%run_scoped3A_56, %dma_start3A_141] : memref<8x125xi32, #tpu.memory_space<vmem>> -> memref<1x125xi32, #tpu.memory_space<vmem>>
        %dma_start3A_143 = tpu.memref_squeeze %dma_start3A_142 : memref<1x125xi32, #tpu.memory_space<vmem>> -> memref<125xi32, #tpu.memory_space<vmem>>
        %dma_start3A_144 = arith.constant 0 : i32
        %dma_start3A_145 = arith.constant 0 : i32
        %dma_start3A_146 = tpu.memref_slice %arg11[%dma_start3A_144, %dma_start3A_145] : memref<10016x128xf32, #tpu.memory_space<vmem_shared>> -> memref<10016x128xf32, #tpu.memory_space<vmem_shared>>
        tpu.enqueue_indirect_dma source(%arg10 : memref<125x128xf32, #tpu.memory_space<vmem>>) target(%dma_start3A_146 : memref<10016x128xf32, #tpu.memory_space<vmem_shared>>) offsets(%dma_start3A_143 : memref<125xi32, #tpu.memory_space<vmem>>) semaphore(%run_scoped3A_140 : memref<!tpu.dma_semaphore, #tpu.memory_space<semaphore_mem>>) {add = true}
        %dma_wait3A_147 = arith.constant 0 : i32
        %dma_wait3A_148 = tpu.memref_slice %arg8[%run_scoped3A_56, %dma_wait3A_147] : memref<8x125xi32, #tpu.memory_space<vmem>> -> memref<1x125xi32, #tpu.memory_space<vmem>>
        %dma_wait3A_149 = tpu.memref_squeeze %dma_wait3A_148 : memref<1x125xi32, #tpu.memory_space<vmem>> -> memref<125xi32, #tpu.memory_space<vmem>>
        %dma_wait3A_150 = arith.constant 0 : i32
        %dma_wait3A_151 = arith.constant 0 : i32
        %dma_wait3A_152 = tpu.memref_slice %arg11[%dma_wait3A_150, %dma_wait3A_151] : memref<10016x128xf32, #tpu.memory_space<vmem_shared>> -> memref<10016x128xf32, #tpu.memory_space<vmem_shared>>
        tpu.wait_indirect_dma semaphore(%run_scoped3A_140 : memref<!tpu.dma_semaphore, #tpu.memory_space<semaphore_mem>>) src(%arg10 : memref<125x128xf32, #tpu.memory_space<vmem>>) dst(%dma_wait3A_152 : memref<10016x128xf32, #tpu.memory_space<vmem_shared>>)
        tpu.yield
      }) : () -> ()
      %dma_start3A_57 = arith.constant 3 : i32
      %dma_start3A_58 = arith.constant 0 : i32
      %dma_start3A_59 = tpu.memref_slice %arg7[%dma_start3A_57, %dma_start3A_58] : memref<8x125xi32, #tpu.memory_space<vmem>> -> memref<1x125xi32, #tpu.memory_space<vmem>>
      %dma_start3A_60 = tpu.memref_squeeze %dma_start3A_59 : memref<1x125xi32, #tpu.memory_space<vmem>> -> memref<125xi32, #tpu.memory_space<vmem>>
      %dma_start3A_61 = arith.constant 0 : i32
      %dma_start3A_62 = arith.constant 0 : i32
      %dma_start3A_63 = tpu.memref_slice %arg2[%dma_start3A_61, %dma_start3A_62] : memref<10000x128xf32, #tpu.memory_space<hbm>> -> memref<10000x128xf32, #tpu.memory_space<hbm>>
      tpu.enqueue_indirect_dma source(%dma_start3A_63 : memref<10000x128xf32, #tpu.memory_space<hbm>>) target(%arg10 : memref<125x128xf32, #tpu.memory_space<vmem>>) offsets(%dma_start3A_60 : memref<125xi32, #tpu.memory_space<vmem>>) semaphore(%arg13 : memref<!tpu.dma_semaphore, #tpu.memory_space<semaphore_mem>>)
      %dma_wait3A_64 = arith.constant 2 : i32
      %dma_wait3A_65 = arith.constant 0 : i32
      %dma_wait3A_66 = tpu.memref_slice %arg7[%dma_wait3A_64, %dma_wait3A_65] : memref<8x125xi32, #tpu.memory_space<vmem>> -> memref<1x125xi32, #tpu.memory_space<vmem>>
      %dma_wait3A_67 = tpu.memref_squeeze %dma_wait3A_66 : memref<1x125xi32, #tpu.memory_space<vmem>> -> memref<125xi32, #tpu.memory_space<vmem>>
      %dma_wait3A_68 = arith.constant 0 : i32
      %dma_wait3A_69 = arith.constant 0 : i32
      %dma_wait3A_70 = tpu.memref_slice %arg2[%dma_wait3A_68, %dma_wait3A_69] : memref<10000x128xf32, #tpu.memory_space<hbm>> -> memref<10000x128xf32, #tpu.memory_space<hbm>>
      tpu.wait_indirect_dma semaphore(%arg12 : memref<!tpu.dma_semaphore, #tpu.memory_space<semaphore_mem>>) src(%dma_wait3A_70 : memref<10000x128xf32, #tpu.memory_space<hbm>>) dst(%arg9 : memref<125x128xf32, #tpu.memory_space<vmem>>)
      %run_scoped3A_71 = arith.constant 2 : i32
      "tpu.region"() ({
        %run_scoped3A_140 = tpu.sem_alloc : memref<!tpu.dma_semaphore, #tpu.memory_space<semaphore_mem>>
        %dma_start3A_141 = arith.constant 0 : i32
        %dma_start3A_142 = tpu.memref_slice %arg8[%run_scoped3A_71, %dma_start3A_141] : memref<8x125xi32, #tpu.memory_space<vmem>> -> memref<1x125xi32, #tpu.memory_space<vmem>>
        %dma_start3A_143 = tpu.memref_squeeze %dma_start3A_142 : memref<1x125xi32, #tpu.memory_space<vmem>> -> memref<125xi32, #tpu.memory_space<vmem>>
        %dma_start3A_144 = arith.constant 0 : i32
        %dma_start3A_145 = arith.constant 0 : i32
        %dma_start3A_146 = tpu.memref_slice %arg11[%dma_start3A_144, %dma_start3A_145] : memref<10016x128xf32, #tpu.memory_space<vmem_shared>> -> memref<10016x128xf32, #tpu.memory_space<vmem_shared>>
        tpu.enqueue_indirect_dma source(%arg9 : memref<125x128xf32, #tpu.memory_space<vmem>>) target(%dma_start3A_146 : memref<10016x128xf32, #tpu.memory_space<vmem_shared>>) offsets(%dma_start3A_143 : memref<125xi32, #tpu.memory_space<vmem>>) semaphore(%run_scoped3A_140 : memref<!tpu.dma_semaphore, #tpu.memory_space<semaphore_mem>>) {add = true}
        %dma_wait3A_147 = arith.constant 0 : i32
        %dma_wait3A_148 = tpu.memref_slice %arg8[%run_scoped3A_71, %dma_wait3A_147] : memref<8x125xi32, #tpu.memory_space<vmem>> -> memref<1x125xi32, #tpu.memory_space<vmem>>
        %dma_wait3A_149 = tpu.memref_squeeze %dma_wait3A_148 : memref<1x125xi32, #tpu.memory_space<vmem>> -> memref<125xi32, #tpu.memory_space<vmem>>
        %dma_wait3A_150 = arith.constant 0 : i32
        %dma_wait3A_151 = arith.constant 0 : i32
        %dma_wait3A_152 = tpu.memref_slice %arg11[%dma_wait3A_150, %dma_wait3A_151] : memref<10016x128xf32, #tpu.memory_space<vmem_shared>> -> memref<10016x128xf32, #tpu.memory_space<vmem_shared>>
        tpu.wait_indirect_dma semaphore(%run_scoped3A_140 : memref<!tpu.dma_semaphore, #tpu.memory_space<semaphore_mem>>) src(%arg9 : memref<125x128xf32, #tpu.memory_space<vmem>>) dst(%dma_wait3A_152 : memref<10016x128xf32, #tpu.memory_space<vmem_shared>>)
        tpu.yield
      }) : () -> ()
      %dma_start3A_72 = arith.constant 4 : i32
      %dma_start3A_73 = arith.constant 0 : i32
      %dma_start3A_74 = tpu.memref_slice %arg7[%dma_start3A_72, %dma_start3A_73] : memref<8x125xi32, #tpu.memory_space<vmem>> -> memref<1x125xi32, #tpu.memory_space<vmem>>
      %dma_start3A_75 = tpu.memref_squeeze %dma_start3A_74 : memref<1x125xi32, #tpu.memory_space<vmem>> -> memref<125xi32, #tpu.memory_space<vmem>>
      %dma_start3A_76 = arith.constant 0 : i32
      %dma_start3A_77 = arith.constant 0 : i32
      %dma_start3A_78 = tpu.memref_slice %arg2[%dma_start3A_76, %dma_start3A_77] : memref<10000x128xf32, #tpu.memory_space<hbm>> -> memref<10000x128xf32, #tpu.memory_space<hbm>>
      tpu.enqueue_indirect_dma source(%dma_start3A_78 : memref<10000x128xf32, #tpu.memory_space<hbm>>) target(%arg9 : memref<125x128xf32, #tpu.memory_space<vmem>>) offsets(%dma_start3A_75 : memref<125xi32, #tpu.memory_space<vmem>>) semaphore(%arg12 : memref<!tpu.dma_semaphore, #tpu.memory_space<semaphore_mem>>)
      %dma_wait3A_79 = arith.constant 3 : i32
      %dma_wait3A_80 = arith.constant 0 : i32
      %dma_wait3A_81 = tpu.memref_slice %arg7[%dma_wait3A_79, %dma_wait3A_80] : memref<8x125xi32, #tpu.memory_space<vmem>> -> memref<1x125xi32, #tpu.memory_space<vmem>>
      %dma_wait3A_82 = tpu.memref_squeeze %dma_wait3A_81 : memref<1x125xi32, #tpu.memory_space<vmem>> -> memref<125xi32, #tpu.memory_space<vmem>>
      %dma_wait3A_83 = arith.constant 0 : i32
      %dma_wait3A_84 = arith.constant 0 : i32
      %dma_wait3A_85 = tpu.memref_slice %arg2[%dma_wait3A_83, %dma_wait3A_84] : memref<10000x128xf32, #tpu.memory_space<hbm>> -> memref<10000x128xf32, #tpu.memory_space<hbm>>
      tpu.wait_indirect_dma semaphore(%arg13 : memref<!tpu.dma_semaphore, #tpu.memory_space<semaphore_mem>>) src(%dma_wait3A_85 : memref<10000x128xf32, #tpu.memory_space<hbm>>) dst(%arg10 : memref<125x128xf32, #tpu.memory_space<vmem>>)
      %run_scoped3A_86 = arith.constant 3 : i32
      "tpu.region"() ({
        %run_scoped3A_140 = tpu.sem_alloc : memref<!tpu.dma_semaphore, #tpu.memory_space<semaphore_mem>>
        %dma_start3A_141 = arith.constant 0 : i32
        %dma_start3A_142 = tpu.memref_slice %arg8[%run_scoped3A_86, %dma_start3A_141] : memref<8x125xi32, #tpu.memory_space<vmem>> -> memref<1x125xi32, #tpu.memory_space<vmem>>
        %dma_start3A_143 = tpu.memref_squeeze %dma_start3A_142 : memref<1x125xi32, #tpu.memory_space<vmem>> -> memref<125xi32, #tpu.memory_space<vmem>>
        %dma_start3A_144 = arith.constant 0 : i32
        %dma_start3A_145 = arith.constant 0 : i32
        %dma_start3A_146 = tpu.memref_slice %arg11[%dma_start3A_144, %dma_start3A_145] : memref<10016x128xf32, #tpu.memory_space<vmem_shared>> -> memref<10016x128xf32, #tpu.memory_space<vmem_shared>>
        tpu.enqueue_indirect_dma source(%arg10 : memref<125x128xf32, #tpu.memory_space<vmem>>) target(%dma_start3A_146 : memref<10016x128xf32, #tpu.memory_space<vmem_shared>>) offsets(%dma_start3A_143 : memref<125xi32, #tpu.memory_space<vmem>>) semaphore(%run_scoped3A_140 : memref<!tpu.dma_semaphore, #tpu.memory_space<semaphore_mem>>) {add = true}
        %dma_wait3A_147 = arith.constant 0 : i32
        %dma_wait3A_148 = tpu.memref_slice %arg8[%run_scoped3A_86, %dma_wait3A_147] : memref<8x125xi32, #tpu.memory_space<vmem>> -> memref<1x125xi32, #tpu.memory_space<vmem>>
        %dma_wait3A_149 = tpu.memref_squeeze %dma_wait3A_148 : memref<1x125xi32, #tpu.memory_space<vmem>> -> memref<125xi32, #tpu.memory_space<vmem>>
        %dma_wait3A_150 = arith.constant 0 : i32
        %dma_wait3A_151 = arith.constant 0 : i32
        %dma_wait3A_152 = tpu.memref_slice %arg11[%dma_wait3A_150, %dma_wait3A_151] : memref<10016x128xf32, #tpu.memory_space<vmem_shared>> -> memref<10016x128xf32, #tpu.memory_space<vmem_shared>>
        tpu.wait_indirect_dma semaphore(%run_scoped3A_140 : memref<!tpu.dma_semaphore, #tpu.memory_space<semaphore_mem>>) src(%arg10 : memref<125x128xf32, #tpu.memory_space<vmem>>) dst(%dma_wait3A_152 : memref<10016x128xf32, #tpu.memory_space<vmem_shared>>)
        tpu.yield
      }) : () -> ()
      %dma_start3A_87 = arith.constant 5 : i32
      %dma_start3A_88 = arith.constant 0 : i32
      %dma_start3A_89 = tpu.memref_slice %arg7[%dma_start3A_87, %dma_start3A_88] : memref<8x125xi32, #tpu.memory_space<vmem>> -> memref<1x125xi32, #tpu.memory_space<vmem>>
      %dma_start3A_90 = tpu.memref_squeeze %dma_start3A_89 : memref<1x125xi32, #tpu.memory_space<vmem>> -> memref<125xi32, #tpu.memory_space<vmem>>
      %dma_start3A_91 = arith.constant 0 : i32
      %dma_start3A_92 = arith.constant 0 : i32
      %dma_start3A_93 = tpu.memref_slice %arg2[%dma_start3A_91, %dma_start3A_92] : memref<10000x128xf32, #tpu.memory_space<hbm>> -> memref<10000x128xf32, #tpu.memory_space<hbm>>
      tpu.enqueue_indirect_dma source(%dma_start3A_93 : memref<10000x128xf32, #tpu.memory_space<hbm>>) target(%arg10 : memref<125x128xf32, #tpu.memory_space<vmem>>) offsets(%dma_start3A_90 : memref<125xi32, #tpu.memory_space<vmem>>) semaphore(%arg13 : memref<!tpu.dma_semaphore, #tpu.memory_space<semaphore_mem>>)
      %dma_wait3A_94 = arith.constant 4 : i32
      %dma_wait3A_95 = arith.constant 0 : i32
      %dma_wait3A_96 = tpu.memref_slice %arg7[%dma_wait3A_94, %dma_wait3A_95] : memref<8x125xi32, #tpu.memory_space<vmem>> -> memref<1x125xi32, #tpu.memory_space<vmem>>
      %dma_wait3A_97 = tpu.memref_squeeze %dma_wait3A_96 : memref<1x125xi32, #tpu.memory_space<vmem>> -> memref<125xi32, #tpu.memory_space<vmem>>
      %dma_wait3A_98 = arith.constant 0 : i32
      %dma_wait3A_99 = arith.constant 0 : i32
      %dma_wait3A_100 = tpu.memref_slice %arg2[%dma_wait3A_98, %dma_wait3A_99] : memref<10000x128xf32, #tpu.memory_space<hbm>> -> memref<10000x128xf32, #tpu.memory_space<hbm>>
      tpu.wait_indirect_dma semaphore(%arg12 : memref<!tpu.dma_semaphore, #tpu.memory_space<semaphore_mem>>) src(%dma_wait3A_100 : memref<10000x128xf32, #tpu.memory_space<hbm>>) dst(%arg9 : memref<125x128xf32, #tpu.memory_space<vmem>>)
      %run_scoped3A_101 = arith.constant 4 : i32
      "tpu.region"() ({
        %run_scoped3A_140 = tpu.sem_alloc : memref<!tpu.dma_semaphore, #tpu.memory_space<semaphore_mem>>
        %dma_start3A_141 = arith.constant 0 : i32
        %dma_start3A_142 = tpu.memref_slice %arg8[%run_scoped3A_101, %dma_start3A_141] : memref<8x125xi32, #tpu.memory_space<vmem>> -> memref<1x125xi32, #tpu.memory_space<vmem>>
        %dma_start3A_143 = tpu.memref_squeeze %dma_start3A_142 : memref<1x125xi32, #tpu.memory_space<vmem>> -> memref<125xi32, #tpu.memory_space<vmem>>
        %dma_start3A_144 = arith.constant 0 : i32
        %dma_start3A_145 = arith.constant 0 : i32
        %dma_start3A_146 = tpu.memref_slice %arg11[%dma_start3A_144, %dma_start3A_145] : memref<10016x128xf32, #tpu.memory_space<vmem_shared>> -> memref<10016x128xf32, #tpu.memory_space<vmem_shared>>
        tpu.enqueue_indirect_dma source(%arg9 : memref<125x128xf32, #tpu.memory_space<vmem>>) target(%dma_start3A_146 : memref<10016x128xf32, #tpu.memory_space<vmem_shared>>) offsets(%dma_start3A_143 : memref<125xi32, #tpu.memory_space<vmem>>) semaphore(%run_scoped3A_140 : memref<!tpu.dma_semaphore, #tpu.memory_space<semaphore_mem>>) {add = true}
        %dma_wait3A_147 = arith.constant 0 : i32
        %dma_wait3A_148 = tpu.memref_slice %arg8[%run_scoped3A_101, %dma_wait3A_147] : memref<8x125xi32, #tpu.memory_space<vmem>> -> memref<1x125xi32, #tpu.memory_space<vmem>>
        %dma_wait3A_149 = tpu.memref_squeeze %dma_wait3A_148 : memref<1x125xi32, #tpu.memory_space<vmem>> -> memref<125xi32, #tpu.memory_space<vmem>>
        %dma_wait3A_150 = arith.constant 0 : i32
        %dma_wait3A_151 = arith.constant 0 : i32
        %dma_wait3A_152 = tpu.memref_slice %arg11[%dma_wait3A_150, %dma_wait3A_151] : memref<10016x128xf32, #tpu.memory_space<vmem_shared>> -> memref<10016x128xf32, #tpu.memory_space<vmem_shared>>
        tpu.wait_indirect_dma semaphore(%run_scoped3A_140 : memref<!tpu.dma_semaphore, #tpu.memory_space<semaphore_mem>>) src(%arg9 : memref<125x128xf32, #tpu.memory_space<vmem>>) dst(%dma_wait3A_152 : memref<10016x128xf32, #tpu.memory_space<vmem_shared>>)
        tpu.yield
      }) : () -> ()
      %dma_start3A_102 = arith.constant 6 : i32
      %dma_start3A_103 = arith.constant 0 : i32
      %dma_start3A_104 = tpu.memref_slice %arg7[%dma_start3A_102, %dma_start3A_103] : memref<8x125xi32, #tpu.memory_space<vmem>> -> memref<1x125xi32, #tpu.memory_space<vmem>>
      %dma_start3A_105 = tpu.memref_squeeze %dma_start3A_104 : memref<1x125xi32, #tpu.memory_space<vmem>> -> memref<125xi32, #tpu.memory_space<vmem>>
      %dma_start3A_106 = arith.constant 0 : i32
      %dma_start3A_107 = arith.constant 0 : i32
      %dma_start3A_108 = tpu.memref_slice %arg2[%dma_start3A_106, %dma_start3A_107] : memref<10000x128xf32, #tpu.memory_space<hbm>> -> memref<10000x128xf32, #tpu.memory_space<hbm>>
      tpu.enqueue_indirect_dma source(%dma_start3A_108 : memref<10000x128xf32, #tpu.memory_space<hbm>>) target(%arg9 : memref<125x128xf32, #tpu.memory_space<vmem>>) offsets(%dma_start3A_105 : memref<125xi32, #tpu.memory_space<vmem>>) semaphore(%arg12 : memref<!tpu.dma_semaphore, #tpu.memory_space<semaphore_mem>>)
      %dma_wait3A_109 = arith.constant 5 : i32
      %dma_wait3A_110 = arith.constant 0 : i32
      %dma_wait3A_111 = tpu.memref_slice %arg7[%dma_wait3A_109, %dma_wait3A_110] : memref<8x125xi32, #tpu.memory_space<vmem>> -> memref<1x125xi32, #tpu.memory_space<vmem>>
      %dma_wait3A_112 = tpu.memref_squeeze %dma_wait3A_111 : memref<1x125xi32, #tpu.memory_space<vmem>> -> memref<125xi32, #tpu.memory_space<vmem>>
      %dma_wait3A_113 = arith.constant 0 : i32
      %dma_wait3A_114 = arith.constant 0 : i32
      %dma_wait3A_115 = tpu.memref_slice %arg2[%dma_wait3A_113, %dma_wait3A_114] : memref<10000x128xf32, #tpu.memory_space<hbm>> -> memref<10000x128xf32, #tpu.memory_space<hbm>>
      tpu.wait_indirect_dma semaphore(%arg13 : memref<!tpu.dma_semaphore, #tpu.memory_space<semaphore_mem>>) src(%dma_wait3A_115 : memref<10000x128xf32, #tpu.memory_space<hbm>>) dst(%arg10 : memref<125x128xf32, #tpu.memory_space<vmem>>)
      %run_scoped3A_116 = arith.constant 5 : i32
      "tpu.region"() ({
        %run_scoped3A_140 = tpu.sem_alloc : memref<!tpu.dma_semaphore, #tpu.memory_space<semaphore_mem>>
        %dma_start3A_141 = arith.constant 0 : i32
        %dma_start3A_142 = tpu.memref_slice %arg8[%run_scoped3A_116, %dma_start3A_141] : memref<8x125xi32, #tpu.memory_space<vmem>> -> memref<1x125xi32, #tpu.memory_space<vmem>>
        %dma_start3A_143 = tpu.memref_squeeze %dma_start3A_142 : memref<1x125xi32, #tpu.memory_space<vmem>> -> memref<125xi32, #tpu.memory_space<vmem>>
        %dma_start3A_144 = arith.constant 0 : i32
        %dma_start3A_145 = arith.constant 0 : i32
        %dma_start3A_146 = tpu.memref_slice %arg11[%dma_start3A_144, %dma_start3A_145] : memref<10016x128xf32, #tpu.memory_space<vmem_shared>> -> memref<10016x128xf32, #tpu.memory_space<vmem_shared>>
        tpu.enqueue_indirect_dma source(%arg10 : memref<125x128xf32, #tpu.memory_space<vmem>>) target(%dma_start3A_146 : memref<10016x128xf32, #tpu.memory_space<vmem_shared>>) offsets(%dma_start3A_143 : memref<125xi32, #tpu.memory_space<vmem>>) semaphore(%run_scoped3A_140 : memref<!tpu.dma_semaphore, #tpu.memory_space<semaphore_mem>>) {add = true}
        %dma_wait3A_147 = arith.constant 0 : i32
        %dma_wait3A_148 = tpu.memref_slice %arg8[%run_scoped3A_116, %dma_wait3A_147] : memref<8x125xi32, #tpu.memory_space<vmem>> -> memref<1x125xi32, #tpu.memory_space<vmem>>
        %dma_wait3A_149 = tpu.memref_squeeze %dma_wait3A_148 : memref<1x125xi32, #tpu.memory_space<vmem>> -> memref<125xi32, #tpu.memory_space<vmem>>
        %dma_wait3A_150 = arith.constant 0 : i32
        %dma_wait3A_151 = arith.constant 0 : i32
        %dma_wait3A_152 = tpu.memref_slice %arg11[%dma_wait3A_150, %dma_wait3A_151] : memref<10016x128xf32, #tpu.memory_space<vmem_shared>> -> memref<10016x128xf32, #tpu.memory_space<vmem_shared>>
        tpu.wait_indirect_dma semaphore(%run_scoped3A_140 : memref<!tpu.dma_semaphore, #tpu.memory_space<semaphore_mem>>) src(%arg10 : memref<125x128xf32, #tpu.memory_space<vmem>>) dst(%dma_wait3A_152 : memref<10016x128xf32, #tpu.memory_space<vmem_shared>>)
        tpu.yield
      }) : () -> ()
      %dma_start3A_117 = arith.constant 7 : i32
      %dma_start3A_118 = arith.constant 0 : i32
      %dma_start3A_119 = tpu.memref_slice %arg7[%dma_start3A_117, %dma_start3A_118] : memref<8x125xi32, #tpu.memory_space<vmem>> -> memref<1x125xi32, #tpu.memory_space<vmem>>
      %dma_start3A_120 = tpu.memref_squeeze %dma_start3A_119 : memref<1x125xi32, #tpu.memory_space<vmem>> -> memref<125xi32, #tpu.memory_space<vmem>>
      %dma_start3A_121 = arith.constant 0 : i32
      %dma_start3A_122 = arith.constant 0 : i32
      %dma_start3A_123 = tpu.memref_slice %arg2[%dma_start3A_121, %dma_start3A_122] : memref<10000x128xf32, #tpu.memory_space<hbm>> -> memref<10000x128xf32, #tpu.memory_space<hbm>>
      tpu.enqueue_indirect_dma source(%dma_start3A_123 : memref<10000x128xf32, #tpu.memory_space<hbm>>) target(%arg10 : memref<125x128xf32, #tpu.memory_space<vmem>>) offsets(%dma_start3A_120 : memref<125xi32, #tpu.memory_space<vmem>>) semaphore(%arg13 : memref<!tpu.dma_semaphore, #tpu.memory_space<semaphore_mem>>)
      %dma_wait3A_124 = arith.constant 6 : i32
      %dma_wait3A_125 = arith.constant 0 : i32
      %dma_wait3A_126 = tpu.memref_slice %arg7[%dma_wait3A_124, %dma_wait3A_125] : memref<8x125xi32, #tpu.memory_space<vmem>> -> memref<1x125xi32, #tpu.memory_space<vmem>>
      %dma_wait3A_127 = tpu.memref_squeeze %dma_wait3A_126 : memref<1x125xi32, #tpu.memory_space<vmem>> -> memref<125xi32, #tpu.memory_space<vmem>>
      %dma_wait3A_128 = arith.constant 0 : i32
      %dma_wait3A_129 = arith.constant 0 : i32
      %dma_wait3A_130 = tpu.memref_slice %arg2[%dma_wait3A_128, %dma_wait3A_129] : memref<10000x128xf32, #tpu.memory_space<hbm>> -> memref<10000x128xf32, #tpu.memory_space<hbm>>
      tpu.wait_indirect_dma semaphore(%arg12 : memref<!tpu.dma_semaphore, #tpu.memory_space<semaphore_mem>>) src(%dma_wait3A_130 : memref<10000x128xf32, #tpu.memory_space<hbm>>) dst(%arg9 : memref<125x128xf32, #tpu.memory_space<vmem>>)
      %run_scoped3A_131 = arith.constant 6 : i32
      "tpu.region"() ({
        %run_scoped3A_140 = tpu.sem_alloc : memref<!tpu.dma_semaphore, #tpu.memory_space<semaphore_mem>>
        %dma_start3A_141 = arith.constant 0 : i32
        %dma_start3A_142 = tpu.memref_slice %arg8[%run_scoped3A_131, %dma_start3A_141] : memref<8x125xi32, #tpu.memory_space<vmem>> -> memref<1x125xi32, #tpu.memory_space<vmem>>
        %dma_start3A_143 = tpu.memref_squeeze %dma_start3A_142 : memref<1x125xi32, #tpu.memory_space<vmem>> -> memref<125xi32, #tpu.memory_space<vmem>>
        %dma_start3A_144 = arith.constant 0 : i32
        %dma_start3A_145 = arith.constant 0 : i32
        %dma_start3A_146 = tpu.memref_slice %arg11[%dma_start3A_144, %dma_start3A_145] : memref<10016x128xf32, #tpu.memory_space<vmem_shared>> -> memref<10016x128xf32, #tpu.memory_space<vmem_shared>>
        tpu.enqueue_indirect_dma source(%arg9 : memref<125x128xf32, #tpu.memory_space<vmem>>) target(%dma_start3A_146 : memref<10016x128xf32, #tpu.memory_space<vmem_shared>>) offsets(%dma_start3A_143 : memref<125xi32, #tpu.memory_space<vmem>>) semaphore(%run_scoped3A_140 : memref<!tpu.dma_semaphore, #tpu.memory_space<semaphore_mem>>) {add = true}
        %dma_wait3A_147 = arith.constant 0 : i32
        %dma_wait3A_148 = tpu.memref_slice %arg8[%run_scoped3A_131, %dma_wait3A_147] : memref<8x125xi32, #tpu.memory_space<vmem>> -> memref<1x125xi32, #tpu.memory_space<vmem>>
        %dma_wait3A_149 = tpu.memref_squeeze %dma_wait3A_148 : memref<1x125xi32, #tpu.memory_space<vmem>> -> memref<125xi32, #tpu.memory_space<vmem>>
        %dma_wait3A_150 = arith.constant 0 : i32
        %dma_wait3A_151 = arith.constant 0 : i32
        %dma_wait3A_152 = tpu.memref_slice %arg11[%dma_wait3A_150, %dma_wait3A_151] : memref<10016x128xf32, #tpu.memory_space<vmem_shared>> -> memref<10016x128xf32, #tpu.memory_space<vmem_shared>>
        tpu.wait_indirect_dma semaphore(%run_scoped3A_140 : memref<!tpu.dma_semaphore, #tpu.memory_space<semaphore_mem>>) src(%arg9 : memref<125x128xf32, #tpu.memory_space<vmem>>) dst(%dma_wait3A_152 : memref<10016x128xf32, #tpu.memory_space<vmem_shared>>)
        tpu.yield
      }) : () -> ()
      %dma_wait3A_132 = arith.constant 7 : i32
      %dma_wait3A_133 = arith.constant 0 : i32
      %dma_wait3A_134 = tpu.memref_slice %arg7[%dma_wait3A_132, %dma_wait3A_133] : memref<8x125xi32, #tpu.memory_space<vmem>> -> memref<1x125xi32, #tpu.memory_space<vmem>>
      %dma_wait3A_135 = tpu.memref_squeeze %dma_wait3A_134 : memref<1x125xi32, #tpu.memory_space<vmem>> -> memref<125xi32, #tpu.memory_space<vmem>>
      %dma_wait3A_136 = arith.constant 0 : i32
      %dma_wait3A_137 = arith.constant 0 : i32
      %dma_wait3A_138 = tpu.memref_slice %arg2[%dma_wait3A_136, %dma_wait3A_137] : memref<10000x128xf32, #tpu.memory_space<hbm>> -> memref<10000x128xf32, #tpu.memory_space<hbm>>
      tpu.wait_indirect_dma semaphore(%arg13 : memref<!tpu.dma_semaphore, #tpu.memory_space<semaphore_mem>>) src(%dma_wait3A_138 : memref<10000x128xf32, #tpu.memory_space<hbm>>) dst(%arg10 : memref<125x128xf32, #tpu.memory_space<vmem>>)
      %run_scoped3A_139 = arith.constant 7 : i32
      "tpu.region"() ({
        %run_scoped3A_140 = tpu.sem_alloc : memref<!tpu.dma_semaphore, #tpu.memory_space<semaphore_mem>>
        %dma_start3A_141 = arith.constant 0 : i32
        %dma_start3A_142 = tpu.memref_slice %arg8[%run_scoped3A_139, %dma_start3A_141] : memref<8x125xi32, #tpu.memory_space<vmem>> -> memref<1x125xi32, #tpu.memory_space<vmem>>
        %dma_start3A_143 = tpu.memref_squeeze %dma_start3A_142 : memref<1x125xi32, #tpu.memory_space<vmem>> -> memref<125xi32, #tpu.memory_space<vmem>>
        %dma_start3A_144 = arith.constant 0 : i32
        %dma_start3A_145 = arith.constant 0 : i32
        %dma_start3A_146 = tpu.memref_slice %arg11[%dma_start3A_144, %dma_start3A_145] : memref<10016x128xf32, #tpu.memory_space<vmem_shared>> -> memref<10016x128xf32, #tpu.memory_space<vmem_shared>>
        tpu.enqueue_indirect_dma source(%arg10 : memref<125x128xf32, #tpu.memory_space<vmem>>) target(%dma_start3A_146 : memref<10016x128xf32, #tpu.memory_space<vmem_shared>>) offsets(%dma_start3A_143 : memref<125xi32, #tpu.memory_space<vmem>>) semaphore(%run_scoped3A_140 : memref<!tpu.dma_semaphore, #tpu.memory_space<semaphore_mem>>) {add = true}
        %dma_wait3A_147 = arith.constant 0 : i32
        %dma_wait3A_148 = tpu.memref_slice %arg8[%run_scoped3A_139, %dma_wait3A_147] : memref<8x125xi32, #tpu.memory_space<vmem>> -> memref<1x125xi32, #tpu.memory_space<vmem>>
        %dma_wait3A_149 = tpu.memref_squeeze %dma_wait3A_148 : memref<1x125xi32, #tpu.memory_space<vmem>> -> memref<125xi32, #tpu.memory_space<vmem>>
        %dma_wait3A_150 = arith.constant 0 : i32
        %dma_wait3A_151 = arith.constant 0 : i32
        %dma_wait3A_152 = tpu.memref_slice %arg11[%dma_wait3A_150, %dma_wait3A_151] : memref<10016x128xf32, #tpu.memory_space<vmem_shared>> -> memref<10016x128xf32, #tpu.memory_space<vmem_shared>>
        tpu.wait_indirect_dma semaphore(%run_scoped3A_140 : memref<!tpu.dma_semaphore, #tpu.memory_space<semaphore_mem>>) src(%arg10 : memref<125x128xf32, #tpu.memory_space<vmem>>) dst(%dma_wait3A_152 : memref<10016x128xf32, #tpu.memory_space<vmem_shared>>)
        tpu.yield
      }) : () -> ()
    }
    %scan3A_11 = arith.constant 11 : i32
    %barrier3A_12 = arith.constant 0 : index
    tpu.barrier barrier_id(%barrier3A_12)
    %mul3A_13 = arith.constant 624 : i32
    %mul3A_14 = arith.muli %arg1, %mul3A_13 : i32
    %mul3A_15 = arith.constant 624 : i32
    %mul3A_16 = arith.muli %arg1, %mul3A_15 : i32
    "tpu.region"() ({
      %run_scoped3A = tpu.sem_alloc : memref<!tpu.dma_semaphore, #tpu.memory_space<semaphore_mem>>
      %dma_start3A = arith.constant 0 : i32
      %dma_start3A_22 = tpu.memref_slice %arg6[%arg0, %mul3A_16, %dma_start3A] : memref<2x10016x128xf32, #tpu.memory_space<hbm>> -> memref<1x624x128xf32, #tpu.memory_space<hbm>>
      %dma_start3A_23 = tpu.memref_squeeze %dma_start3A_22 : memref<1x624x128xf32, #tpu.memory_space<hbm>> -> memref<624x128xf32, #tpu.memory_space<hbm>>
      %dma_start3A_24 = arith.constant 0 : i32
      %dma_start3A_25 = tpu.memref_slice %arg11[%mul3A_14, %dma_start3A_24] : memref<10016x128xf32, #tpu.memory_space<vmem_shared>> -> memref<624x128xf32, #tpu.memory_space<vmem_shared>>
      tpu.enqueue_dma source(%dma_start3A_25 : memref<624x128xf32, #tpu.memory_space<vmem_shared>>) target(%dma_start3A_23 : memref<624x128xf32, #tpu.memory_space<hbm>>) target_semaphore(%run_scoped3A : memref<!tpu.dma_semaphore, #tpu.memory_space<semaphore_mem>>)
      %dma_wait3A = arith.constant 0 : i32
      %dma_wait3A_26 = tpu.memref_slice %arg6[%arg0, %mul3A_16, %dma_wait3A] : memref<2x10016x128xf32, #tpu.memory_space<hbm>> -> memref<1x624x128xf32, #tpu.memory_space<hbm>>
      %dma_wait3A_27 = tpu.memref_squeeze %dma_wait3A_26 : memref<1x624x128xf32, #tpu.memory_space<hbm>> -> memref<624x128xf32, #tpu.memory_space<hbm>>
      %dma_wait3A_28 = arith.constant 0 : i32
      %dma_wait3A_29 = tpu.memref_slice %arg11[%mul3A_14, %dma_wait3A_28] : memref<10016x128xf32, #tpu.memory_space<vmem_shared>> -> memref<624x128xf32, #tpu.memory_space<vmem_shared>>
      tpu.wait_dma2 semaphore(%run_scoped3A : memref<!tpu.dma_semaphore, #tpu.memory_space<semaphore_mem>>) src(%dma_wait3A_29 : memref<624x128xf32, #tpu.memory_space<vmem_shared>>) dst(%dma_wait3A_27 : memref<624x128xf32, #tpu.memory_space<hbm>>)
      tpu.yield
    }) : () -> ()
    %eq3A_17 = arith.constant 15 : i32
    %eq3A_18 = arith.cmpi eq, %arg1, %eq3A_17 : i32
    %convert_element_type3A_19 = arith.extui %eq3A_18 : i1 to i32
    %cond3A_20 = arith.constant 0 : i32
    %cond3A_21 = arith.cmpi ne, %convert_element_type3A_19, %cond3A_20 : i32
    scf.if %cond3A_21 {
      "tpu.region"() ({
        %run_scoped3A = tpu.sem_alloc : memref<!tpu.dma_semaphore, #tpu.memory_space<semaphore_mem>>
        %dma_start3A = arith.constant 9984 : i32
        %dma_start3A_22 = arith.constant 0 : i32
        %dma_start3A_23 = tpu.memref_slice %arg6[%arg0, %dma_start3A, %dma_start3A_22] : memref<2x10016x128xf32, #tpu.memory_space<hbm>> -> memref<1x32x128xf32, #tpu.memory_space<hbm>>
        %dma_start3A_24 = tpu.memref_squeeze %dma_start3A_23 : memref<1x32x128xf32, #tpu.memory_space<hbm>> -> memref<32x128xf32, #tpu.memory_space<hbm>>
        %dma_start3A_25 = arith.constant 9984 : i32
        %dma_start3A_26 = arith.constant 0 : i32
        %dma_start3A_27 = tpu.memref_slice %arg11[%dma_start3A_25, %dma_start3A_26] : memref<10016x128xf32, #tpu.memory_space<vmem_shared>> -> memref<32x128xf32, #tpu.memory_space<vmem_shared>>
        tpu.enqueue_dma source(%dma_start3A_27 : memref<32x128xf32, #tpu.memory_space<vmem_shared>>) target(%dma_start3A_24 : memref<32x128xf32, #tpu.memory_space<hbm>>) target_semaphore(%run_scoped3A : memref<!tpu.dma_semaphore, #tpu.memory_space<semaphore_mem>>)
        %dma_wait3A = arith.constant 9984 : i32
        %dma_wait3A_28 = arith.constant 0 : i32
        %dma_wait3A_29 = tpu.memref_slice %arg6[%arg0, %dma_wait3A, %dma_wait3A_28] : memref<2x10016x128xf32, #tpu.memory_space<hbm>> -> memref<1x32x128xf32, #tpu.memory_space<hbm>>
        %dma_wait3A_30 = tpu.memref_squeeze %dma_wait3A_29 : memref<1x32x128xf32, #tpu.memory_space<hbm>> -> memref<32x128xf32, #tpu.memory_space<hbm>>
        %dma_wait3A_31 = arith.constant 9984 : i32
        %dma_wait3A_32 = arith.constant 0 : i32
        %dma_wait3A_33 = tpu.memref_slice %arg11[%dma_wait3A_31, %dma_wait3A_32] : memref<10016x128xf32, #tpu.memory_space<vmem_shared>> -> memref<32x128xf32, #tpu.memory_space<vmem_shared>>
        tpu.wait_dma2 semaphore(%run_scoped3A : memref<!tpu.dma_semaphore, #tpu.memory_space<semaphore_mem>>) src(%dma_wait3A_33 : memref<32x128xf32, #tpu.memory_space<vmem_shared>>) dst(%dma_wait3A_30 : memref<32x128xf32, #tpu.memory_space<hbm>>)
        tpu.yield
      }) : () -> ()
    } else {
    }
    return
  }
}

#map = affine_map<(d0, d1) -> (0, 0)>
#map1 = affine_map<(d0, d1) -> (0, 0, 0, 0)>
#map2 = affine_map<(d0, d1) -> (0, 0, 0)>
module attributes {stable_mosaic.version = 14 : i64} {
  func.func @body(%arg0: i32, %arg1: i32, %arg2: memref<10000x128xf32, #tpu.memory_space<hbm>>, %arg3: memref<32x11x8x125xi32, #tpu.memory_space<hbm>>, %arg4: memref<32x11x8x125xi32, #tpu.memory_space<hbm>>, %arg5: memref<10016x128xf32, #tpu.memory_space<hbm>>, %arg6: memref<2x10016x128xf32, #tpu.memory_space<hbm>>, %arg7: memref<8x125xi32, #tpu.memory_space<vmem>>, %arg8: memref<8x125xi32, #tpu.memory_space<vmem>>, %arg9: memref<125x128xf32, #tpu.memory_space<vmem>>, %arg10: memref<125x128xf32, #tpu.memory_space<vmem>>, %arg11: memref<10016x128xf32, #tpu.memory_space<vmem_shared>>, %arg12: memref<!tpu.dma_semaphore, #tpu.memory_space<semaphore_mem>>, %arg13: memref<!tpu.dma_semaphore, #tpu.memory_space<semaphore_mem>>) attributes {dimension_semantics = [#tpu.dimension_semantics<core_parallel>, #tpu.dimension_semantics<subcore_parallel>], iteration_bounds = array<i64: 2, 16>, scalar_prefetch = 0 : i64, scratch_operands = 7 : i64, tpu.core_type = #tpu.core_type<sc_vector_subcore>, window_params = [{transform_indices = #map}, {transform_indices = #map1}, {transform_indices = #map1}, {transform_indices = #map}, {transform_indices = #map2}]} {
    %mul3A = arith.constant 2 : i32
    %mul3A_0 = arith.muli %arg1, %mul3A : i32
    %add3A = arith.addi %mul3A_0, %arg0 : i32
    %mul3A_1 = arith.constant 624 : i32
    %mul3A_2 = arith.muli %arg1, %mul3A_1 : i32
    %mul3A_3 = arith.constant 624 : i32
    %mul3A_4 = arith.muli %arg1, %mul3A_3 : i32
    "tpu.region"() ({
      %run_scoped3A = tpu.sem_alloc : memref<!tpu.dma_semaphore, #tpu.memory_space<semaphore_mem>>
      %dma_start3A = arith.constant 0 : i32
      %dma_start3A_22 = tpu.memref_slice %arg11[%mul3A_4, %dma_start3A] : memref<10016x128xf32, #tpu.memory_space<vmem_shared>> -> memref<624x128xf32, #tpu.memory_space<vmem_shared>>
      %dma_start3A_23 = arith.constant 0 : i32
      %dma_start3A_24 = tpu.memref_slice %arg5[%mul3A_2, %dma_start3A_23] : memref<10016x128xf32, #tpu.memory_space<hbm>> -> memref<624x128xf32, #tpu.memory_space<hbm>>
      tpu.enqueue_dma source(%dma_start3A_24 : memref<624x128xf32, #tpu.memory_space<hbm>>) target(%dma_start3A_22 : memref<624x128xf32, #tpu.memory_space<vmem_shared>>) target_semaphore(%run_scoped3A : memref<!tpu.dma_semaphore, #tpu.memory_space<semaphore_mem>>)
      %dma_wait3A = arith.constant 0 : i32
      %dma_wait3A_25 = tpu.memref_slice %arg11[%mul3A_4, %dma_wait3A] : memref<10016x128xf32, #tpu.memory_space<vmem_shared>> -> memref<624x128xf32, #tpu.memory_space<vmem_shared>>
      %dma_wait3A_26 = arith.constant 0 : i32
      %dma_wait3A_27 = tpu.memref_slice %arg5[%mul3A_2, %dma_wait3A_26] : memref<10016x128xf32, #tpu.memory_space<hbm>> -> memref<624x128xf32, #tpu.memory_space<hbm>>
      tpu.wait_dma2 semaphore(%run_scoped3A : memref<!tpu.dma_semaphore, #tpu.memory_space<semaphore_mem>>) src(%dma_wait3A_27 : memref<624x128xf32, #tpu.memory_space<hbm>>) dst(%dma_wait3A_25 : memref<624x128xf32, #tpu.memory_space<vmem_shared>>)
      tpu.yield
    }) : () -> ()
    %eq3A = arith.constant 15 : i32
    %eq3A_5 = arith.cmpi eq, %arg1, %eq3A : i32
    %convert_element_type3A = arith.extui %eq3A_5 : i1 to i32
    %cond3A = arith.constant 0 : i32
    %cond3A_6 = arith.cmpi ne, %convert_element_type3A, %cond3A : i32
    scf.if %cond3A_6 {
      "tpu.region"() ({
        %run_scoped3A = tpu.sem_alloc : memref<!tpu.dma_semaphore, #tpu.memory_space<semaphore_mem>>
        %dma_start3A = arith.constant 9984 : i32
        %dma_start3A_22 = arith.constant 0 : i32
        %dma_start3A_23 = tpu.memref_slice %arg11[%dma_start3A, %dma_start3A_22] : memref<10016x128xf32, #tpu.memory_space<vmem_shared>> -> memref<32x128xf32, #tpu.memory_space<vmem_shared>>
        %dma_start3A_24 = arith.constant 9984 : i32
        %dma_start3A_25 = arith.constant 0 : i32
        %dma_start3A_26 = tpu.memref_slice %arg5[%dma_start3A_24, %dma_start3A_25] : memref<10016x128xf32, #tpu.memory_space<hbm>> -> memref<32x128xf32, #tpu.memory_space<hbm>>
        tpu.enqueue_dma source(%dma_start3A_26 : memref<32x128xf32, #tpu.memory_space<hbm>>) target(%dma_start3A_23 : memref<32x128xf32, #tpu.memory_space<vmem_shared>>) target_semaphore(%run_scoped3A : memref<!tpu.dma_semaphore, #tpu.memory_space<semaphore_mem>>)
        %dma_wait3A = arith.constant 9984 : i32
        %dma_wait3A_27 = arith.constant 0 : i32
        %dma_wait3A_28 = tpu.memref_slice %arg11[%dma_wait3A, %dma_wait3A_27] : memref<10016x128xf32, #tpu.memory_space<vmem_shared>> -> memref<32x128xf32, #tpu.memory_space<vmem_shared>>
        %dma_wait3A_29 = arith.constant 9984 : i32
        %dma_wait3A_30 = arith.constant 0 : i32
        %dma_wait3A_31 = tpu.memref_slice %arg5[%dma_wait3A_29, %dma_wait3A_30] : memref<10016x128xf32, #tpu.memory_space<hbm>> -> memref<32x128xf32, #tpu.memory_space<hbm>>
        tpu.wait_dma2 semaphore(%run_scoped3A : memref<!tpu.dma_semaphore, #tpu.memory_space<semaphore_mem>>) src(%dma_wait3A_31 : memref<32x128xf32, #tpu.memory_space<hbm>>) dst(%dma_wait3A_28 : memref<32x128xf32, #tpu.memory_space<vmem_shared>>)
        tpu.yield
      }) : () -> ()
    } else {
    }
    %barrier3A = arith.constant 0 : index
    tpu.barrier barrier_id(%barrier3A)
    %scan3A = arith.constant 0 : i32
    %scan3A_7 = arith.constant 0 : i32
    %scan3A_8 = arith.constant 11 : i32
    %scan3A_9 = arith.addi %scan3A_7, %scan3A_8 : i32
    %scan3A_10 = arith.constant 1 : i32
    scf.for %scan3A_22 = %scan3A_7 to %scan3A_9 step %scan3A_10  : i32 {
      "tpu.region"() ({
        %run_scoped3A_140 = tpu.sem_alloc : memref<!tpu.dma_semaphore, #tpu.memory_space<semaphore_mem>>
        %dma_start3A_141 = arith.constant 0 : i32
        %dma_start3A_142 = arith.constant 0 : i32
        %dma_start3A_143 = tpu.memref_slice %arg3[%add3A, %scan3A_22, %dma_start3A_141, %dma_start3A_142] : memref<32x11x8x125xi32, #tpu.memory_space<hbm>> -> memref<1x1x8x125xi32, #tpu.memory_space<hbm>>
        %dma_start3A_144 = tpu.memref_squeeze %dma_start3A_143 : memref<1x1x8x125xi32, #tpu.memory_space<hbm>> -> memref<8x125xi32, #tpu.memory_space<hbm>>
        %dma_start3A_145 = arith.constant 0 : i32
        %dma_start3A_146 = arith.constant 0 : i32
        %dma_start3A_147 = tpu.memref_slice %arg3[%add3A, %scan3A_22, %dma_start3A_145, %dma_start3A_146] : memref<32x11x8x125xi32, #tpu.memory_space<hbm>> -> memref<1x1x8x125xi32, #tpu.memory_space<hbm>>
        %dma_start3A_148 = tpu.memref_squeeze %dma_start3A_147 : memref<1x1x8x125xi32, #tpu.memory_space<hbm>> -> memref<8x125xi32, #tpu.memory_space<hbm>>
        tpu.enqueue_dma source(%dma_start3A_148 : memref<8x125xi32, #tpu.memory_space<hbm>>) target(%arg7 : memref<8x125xi32, #tpu.memory_space<vmem>>) target_semaphore(%run_scoped3A_140 : memref<!tpu.dma_semaphore, #tpu.memory_space<semaphore_mem>>)
        %dma_wait3A_149 = arith.constant 0 : i32
        %dma_wait3A_150 = arith.constant 0 : i32
        %dma_wait3A_151 = tpu.memref_slice %arg3[%add3A, %scan3A_22, %dma_wait3A_149, %dma_wait3A_150] : memref<32x11x8x125xi32, #tpu.memory_space<hbm>> -> memref<1x1x8x125xi32, #tpu.memory_space<hbm>>
        %dma_wait3A_152 = tpu.memref_squeeze %dma_wait3A_151 : memref<1x1x8x125xi32, #tpu.memory_space<hbm>> -> memref<8x125xi32, #tpu.memory_space<hbm>>
        %dma_wait3A_153 = arith.constant 0 : i32
        %dma_wait3A_154 = arith.constant 0 : i32
        %dma_wait3A_155 = tpu.memref_slice %arg3[%add3A, %scan3A_22, %dma_wait3A_153, %dma_wait3A_154] : memref<32x11x8x125xi32, #tpu.memory_space<hbm>> -> memref<1x1x8x125xi32, #tpu.memory_space<hbm>>
        %dma_wait3A_156 = tpu.memref_squeeze %dma_wait3A_155 : memref<1x1x8x125xi32, #tpu.memory_space<hbm>> -> memref<8x125xi32, #tpu.memory_space<hbm>>
        tpu.wait_dma2 semaphore(%run_scoped3A_140 : memref<!tpu.dma_semaphore, #tpu.memory_space<semaphore_mem>>) src(%dma_wait3A_156 : memref<8x125xi32, #tpu.memory_space<hbm>>) dst(%arg7 : memref<8x125xi32, #tpu.memory_space<vmem>>)
        tpu.yield
      }) : () -> ()
      "tpu.region"() ({
        %run_scoped3A_140 = tpu.sem_alloc : memref<!tpu.dma_semaphore, #tpu.memory_space<semaphore_mem>>
        %dma_start3A_141 = arith.constant 0 : i32
        %dma_start3A_142 = arith.constant 0 : i32
        %dma_start3A_143 = tpu.memref_slice %arg4[%add3A, %scan3A_22, %dma_start3A_141, %dma_start3A_142] : memref<32x11x8x125xi32, #tpu.memory_space<hbm>> -> memref<1x1x8x125xi32, #tpu.memory_space<hbm>>
        %dma_start3A_144 = tpu.memref_squeeze %dma_start3A_143 : memref<1x1x8x125xi32, #tpu.memory_space<hbm>> -> memref<8x125xi32, #tpu.memory_space<hbm>>
        %dma_start3A_145 = arith.constant 0 : i32
        %dma_start3A_146 = arith.constant 0 : i32
        %dma_start3A_147 = tpu.memref_slice %arg4[%add3A, %scan3A_22, %dma_start3A_145, %dma_start3A_146] : memref<32x11x8x125xi32, #tpu.memory_space<hbm>> -> memref<1x1x8x125xi32, #tpu.memory_space<hbm>>
        %dma_start3A_148 = tpu.memref_squeeze %dma_start3A_147 : memref<1x1x8x125xi32, #tpu.memory_space<hbm>> -> memref<8x125xi32, #tpu.memory_space<hbm>>
        tpu.enqueue_dma source(%dma_start3A_148 : memref<8x125xi32, #tpu.memory_space<hbm>>) target(%arg8 : memref<8x125xi32, #tpu.memory_space<vmem>>) target_semaphore(%run_scoped3A_140 : memref<!tpu.dma_semaphore, #tpu.memory_space<semaphore_mem>>)
        %dma_wait3A_149 = arith.constant 0 : i32
        %dma_wait3A_150 = arith.constant 0 : i32
        %dma_wait3A_151 = tpu.memref_slice %arg4[%add3A, %scan3A_22, %dma_wait3A_149, %dma_wait3A_150] : memref<32x11x8x125xi32, #tpu.memory_space<hbm>> -> memref<1x1x8x125xi32, #tpu.memory_space<hbm>>
        %dma_wait3A_152 = tpu.memref_squeeze %dma_wait3A_151 : memref<1x1x8x125xi32, #tpu.memory_space<hbm>> -> memref<8x125xi32, #tpu.memory_space<hbm>>
        %dma_wait3A_153 = arith.constant 0 : i32
        %dma_wait3A_154 = arith.constant 0 : i32
        %dma_wait3A_155 = tpu.memref_slice %arg4[%add3A, %scan3A_22, %dma_wait3A_153, %dma_wait3A_154] : memref<32x11x8x125xi32, #tpu.memory_space<hbm>> -> memref<1x1x8x125xi32, #tpu.memory_space<hbm>>
        %dma_wait3A_156 = tpu.memref_squeeze %dma_wait3A_155 : memref<1x1x8x125xi32, #tpu.memory_space<hbm>> -> memref<8x125xi32, #tpu.memory_space<hbm>>
        tpu.wait_dma2 semaphore(%run_scoped3A_140 : memref<!tpu.dma_semaphore, #tpu.memory_space<semaphore_mem>>) src(%dma_wait3A_156 : memref<8x125xi32, #tpu.memory_space<hbm>>) dst(%arg8 : memref<8x125xi32, #tpu.memory_space<vmem>>)
        tpu.yield
      }) : () -> ()
      %dma_start3A = arith.constant 0 : i32
      %dma_start3A_23 = arith.constant 0 : i32
      %dma_start3A_24 = tpu.memref_slice %arg7[%dma_start3A, %dma_start3A_23] : memref<8x125xi32, #tpu.memory_space<vmem>> -> memref<1x125xi32, #tpu.memory_space<vmem>>
      %dma_start3A_25 = tpu.memref_squeeze %dma_start3A_24 : memref<1x125xi32, #tpu.memory_space<vmem>> -> memref<125xi32, #tpu.memory_space<vmem>>
      %dma_start3A_26 = arith.constant 0 : i32
      %dma_start3A_27 = arith.constant 0 : i32
      %dma_start3A_28 = tpu.memref_slice %arg2[%dma_start3A_26, %dma_start3A_27] : memref<10000x128xf32, #tpu.memory_space<hbm>> -> memref<10000x128xf32, #tpu.memory_space<hbm>>
      tpu.enqueue_indirect_dma source(%dma_start3A_28 : memref<10000x128xf32, #tpu.memory_space<hbm>>) target(%arg9 : memref<125x128xf32, #tpu.memory_space<vmem>>) offsets(%dma_start3A_25 : memref<125xi32, #tpu.memory_space<vmem>>) semaphore(%arg12 : memref<!tpu.dma_semaphore, #tpu.memory_space<semaphore_mem>>)
      %dma_start3A_29 = arith.constant 1 : i32
      %dma_start3A_30 = arith.constant 0 : i32
      %dma_start3A_31 = tpu.memref_slice %arg7[%dma_start3A_29, %dma_start3A_30] : memref<8x125xi32, #tpu.memory_space<vmem>> -> memref<1x125xi32, #tpu.memory_space<vmem>>
      %dma_start3A_32 = tpu.memref_squeeze %dma_start3A_31 : memref<1x125xi32, #tpu.memory_space<vmem>> -> memref<125xi32, #tpu.memory_space<vmem>>
      %dma_start3A_33 = arith.constant 0 : i32
      %dma_start3A_34 = arith.constant 0 : i32
      %dma_start3A_35 = tpu.memref_slice %arg2[%dma_start3A_33, %dma_start3A_34] : memref<10000x128xf32, #tpu.memory_space<hbm>> -> memref<10000x128xf32, #tpu.memory_space<hbm>>
      tpu.enqueue_indirect_dma source(%dma_start3A_35 : memref<10000x128xf32, #tpu.memory_space<hbm>>) target(%arg10 : memref<125x128xf32, #tpu.memory_space<vmem>>) offsets(%dma_start3A_32 : memref<125xi32, #tpu.memory_space<vmem>>) semaphore(%arg13 : memref<!tpu.dma_semaphore, #tpu.memory_space<semaphore_mem>>)
      %dma_wait3A = arith.constant 0 : i32
      %dma_wait3A_36 = arith.constant 0 : i32
      %dma_wait3A_37 = tpu.memref_slice %arg7[%dma_wait3A, %dma_wait3A_36] : memref<8x125xi32, #tpu.memory_space<vmem>> -> memref<1x125xi32, #tpu.memory_space<vmem>>
      %dma_wait3A_38 = tpu.memref_squeeze %dma_wait3A_37 : memref<1x125xi32, #tpu.memory_space<vmem>> -> memref<125xi32, #tpu.memory_space<vmem>>
      %dma_wait3A_39 = arith.constant 0 : i32
      %dma_wait3A_40 = arith.constant 0 : i32
      %dma_wait3A_41 = tpu.memref_slice %arg2[%dma_wait3A_39, %dma_wait3A_40] : memref<10000x128xf32, #tpu.memory_space<hbm>> -> memref<10000x128xf32, #tpu.memory_space<hbm>>
      tpu.wait_indirect_dma semaphore(%arg12 : memref<!tpu.dma_semaphore, #tpu.memory_space<semaphore_mem>>) src(%dma_wait3A_41 : memref<10000x128xf32, #tpu.memory_space<hbm>>) dst(%arg9 : memref<125x128xf32, #tpu.memory_space<vmem>>)
      %run_scoped3A = arith.constant 0 : i32
      "tpu.region"() ({
        %run_scoped3A_140 = tpu.sem_alloc : memref<!tpu.dma_semaphore, #tpu.memory_space<semaphore_mem>>
        %dma_start3A_141 = arith.constant 0 : i32
        %dma_start3A_142 = tpu.memref_slice %arg8[%run_scoped3A, %dma_start3A_141] : memref<8x125xi32, #tpu.memory_space<vmem>> -> memref<1x125xi32, #tpu.memory_space<vmem>>
        %dma_start3A_143 = tpu.memref_squeeze %dma_start3A_142 : memref<1x125xi32, #tpu.memory_space<vmem>> -> memref<125xi32, #tpu.memory_space<vmem>>
        %dma_start3A_144 = arith.constant 0 : i32
        %dma_start3A_145 = arith.constant 0 : i32
        %dma_start3A_146 = tpu.memref_slice %arg11[%dma_start3A_144, %dma_start3A_145] : memref<10016x128xf32, #tpu.memory_space<vmem_shared>> -> memref<10016x128xf32, #tpu.memory_space<vmem_shared>>
        tpu.enqueue_indirect_dma source(%arg9 : memref<125x128xf32, #tpu.memory_space<vmem>>) target(%dma_start3A_146 : memref<10016x128xf32, #tpu.memory_space<vmem_shared>>) offsets(%dma_start3A_143 : memref<125xi32, #tpu.memory_space<vmem>>) semaphore(%run_scoped3A_140 : memref<!tpu.dma_semaphore, #tpu.memory_space<semaphore_mem>>) {add = true}
        %dma_wait3A_147 = arith.constant 0 : i32
        %dma_wait3A_148 = tpu.memref_slice %arg8[%run_scoped3A, %dma_wait3A_147] : memref<8x125xi32, #tpu.memory_space<vmem>> -> memref<1x125xi32, #tpu.memory_space<vmem>>
        %dma_wait3A_149 = tpu.memref_squeeze %dma_wait3A_148 : memref<1x125xi32, #tpu.memory_space<vmem>> -> memref<125xi32, #tpu.memory_space<vmem>>
        %dma_wait3A_150 = arith.constant 0 : i32
        %dma_wait3A_151 = arith.constant 0 : i32
        %dma_wait3A_152 = tpu.memref_slice %arg11[%dma_wait3A_150, %dma_wait3A_151] : memref<10016x128xf32, #tpu.memory_space<vmem_shared>> -> memref<10016x128xf32, #tpu.memory_space<vmem_shared>>
        tpu.wait_indirect_dma semaphore(%run_scoped3A_140 : memref<!tpu.dma_semaphore, #tpu.memory_space<semaphore_mem>>) src(%arg9 : memref<125x128xf32, #tpu.memory_space<vmem>>) dst(%dma_wait3A_152 : memref<10016x128xf32, #tpu.memory_space<vmem_shared>>)
        tpu.yield
      }) : () -> ()
      %dma_start3A_42 = arith.constant 2 : i32
      %dma_start3A_43 = arith.constant 0 : i32
      %dma_start3A_44 = tpu.memref_slice %arg7[%dma_start3A_42, %dma_start3A_43] : memref<8x125xi32, #tpu.memory_space<vmem>> -> memref<1x125xi32, #tpu.memory_space<vmem>>
      %dma_start3A_45 = tpu.memref_squeeze %dma_start3A_44 : memref<1x125xi32, #tpu.memory_space<vmem>> -> memref<125xi32, #tpu.memory_space<vmem>>
      %dma_start3A_46 = arith.constant 0 : i32
      %dma_start3A_47 = arith.constant 0 : i32
      %dma_start3A_48 = tpu.memref_slice %arg2[%dma_start3A_46, %dma_start3A_47] : memref<10000x128xf32, #tpu.memory_space<hbm>> -> memref<10000x128xf32, #tpu.memory_space<hbm>>
      tpu.enqueue_indirect_dma source(%dma_start3A_48 : memref<10000x128xf32, #tpu.memory_space<hbm>>) target(%arg9 : memref<125x128xf32, #tpu.memory_space<vmem>>) offsets(%dma_start3A_45 : memref<125xi32, #tpu.memory_space<vmem>>) semaphore(%arg12 : memref<!tpu.dma_semaphore, #tpu.memory_space<semaphore_mem>>)
      %dma_wait3A_49 = arith.constant 1 : i32
      %dma_wait3A_50 = arith.constant 0 : i32
      %dma_wait3A_51 = tpu.memref_slice %arg7[%dma_wait3A_49, %dma_wait3A_50] : memref<8x125xi32, #tpu.memory_space<vmem>> -> memref<1x125xi32, #tpu.memory_space<vmem>>
      %dma_wait3A_52 = tpu.memref_squeeze %dma_wait3A_51 : memref<1x125xi32, #tpu.memory_space<vmem>> -> memref<125xi32, #tpu.memory_space<vmem>>
      %dma_wait3A_53 = arith.constant 0 : i32
      %dma_wait3A_54 = arith.constant 0 : i32
      %dma_wait3A_55 = tpu.memref_slice %arg2[%dma_wait3A_53, %dma_wait3A_54] : memref<10000x128xf32, #tpu.memory_space<hbm>> -> memref<10000x128xf32, #tpu.memory_space<hbm>>
      tpu.wait_indirect_dma semaphore(%arg13 : memref<!tpu.dma_semaphore, #tpu.memory_space<semaphore_mem>>) src(%dma_wait3A_55 : memref<10000x128xf32, #tpu.memory_space<hbm>>) dst(%arg10 : memref<125x128xf32, #tpu.memory_space<vmem>>)
      %run_scoped3A_56 = arith.constant 1 : i32
      "tpu.region"() ({
        %run_scoped3A_140 = tpu.sem_alloc : memref<!tpu.dma_semaphore, #tpu.memory_space<semaphore_mem>>
        %dma_start3A_141 = arith.constant 0 : i32
        %dma_start3A_142 = tpu.memref_slice %arg8[%run_scoped3A_56, %dma_start3A_141] : memref<8x125xi32, #tpu.memory_space<vmem>> -> memref<1x125xi32, #tpu.memory_space<vmem>>
        %dma_start3A_143 = tpu.memref_squeeze %dma_start3A_142 : memref<1x125xi32, #tpu.memory_space<vmem>> -> memref<125xi32, #tpu.memory_space<vmem>>
        %dma_start3A_144 = arith.constant 0 : i32
        %dma_start3A_145 = arith.constant 0 : i32
        %dma_start3A_146 = tpu.memref_slice %arg11[%dma_start3A_144, %dma_start3A_145] : memref<10016x128xf32, #tpu.memory_space<vmem_shared>> -> memref<10016x128xf32, #tpu.memory_space<vmem_shared>>
        tpu.enqueue_indirect_dma source(%arg10 : memref<125x128xf32, #tpu.memory_space<vmem>>) target(%dma_start3A_146 : memref<10016x128xf32, #tpu.memory_space<vmem_shared>>) offsets(%dma_start3A_143 : memref<125xi32, #tpu.memory_space<vmem>>) semaphore(%run_scoped3A_140 : memref<!tpu.dma_semaphore, #tpu.memory_space<semaphore_mem>>) {add = true}
        %dma_wait3A_147 = arith.constant 0 : i32
        %dma_wait3A_148 = tpu.memref_slice %arg8[%run_scoped3A_56, %dma_wait3A_147] : memref<8x125xi32, #tpu.memory_space<vmem>> -> memref<1x125xi32, #tpu.memory_space<vmem>>
        %dma_wait3A_149 = tpu.memref_squeeze %dma_wait3A_148 : memref<1x125xi32, #tpu.memory_space<vmem>> -> memref<125xi32, #tpu.memory_space<vmem>>
        %dma_wait3A_150 = arith.constant 0 : i32
        %dma_wait3A_151 = arith.constant 0 : i32
        %dma_wait3A_152 = tpu.memref_slice %arg11[%dma_wait3A_150, %dma_wait3A_151] : memref<10016x128xf32, #tpu.memory_space<vmem_shared>> -> memref<10016x128xf32, #tpu.memory_space<vmem_shared>>
        tpu.wait_indirect_dma semaphore(%run_scoped3A_140 : memref<!tpu.dma_semaphore, #tpu.memory_space<semaphore_mem>>) src(%arg10 : memref<125x128xf32, #tpu.memory_space<vmem>>) dst(%dma_wait3A_152 : memref<10016x128xf32, #tpu.memory_space<vmem_shared>>)
        tpu.yield
      }) : () -> ()
      %dma_start3A_57 = arith.constant 3 : i32
      %dma_start3A_58 = arith.constant 0 : i32
      %dma_start3A_59 = tpu.memref_slice %arg7[%dma_start3A_57, %dma_start3A_58] : memref<8x125xi32, #tpu.memory_space<vmem>> -> memref<1x125xi32, #tpu.memory_space<vmem>>
      %dma_start3A_60 = tpu.memref_squeeze %dma_start3A_59 : memref<1x125xi32, #tpu.memory_space<vmem>> -> memref<125xi32, #tpu.memory_space<vmem>>
      %dma_start3A_61 = arith.constant 0 : i32
      %dma_start3A_62 = arith.constant 0 : i32
      %dma_start3A_63 = tpu.memref_slice %arg2[%dma_start3A_61, %dma_start3A_62] : memref<10000x128xf32, #tpu.memory_space<hbm>> -> memref<10000x128xf32, #tpu.memory_space<hbm>>
      tpu.enqueue_indirect_dma source(%dma_start3A_63 : memref<10000x128xf32, #tpu.memory_space<hbm>>) target(%arg10 : memref<125x128xf32, #tpu.memory_space<vmem>>) offsets(%dma_start3A_60 : memref<125xi32, #tpu.memory_space<vmem>>) semaphore(%arg13 : memref<!tpu.dma_semaphore, #tpu.memory_space<semaphore_mem>>)
      %dma_wait3A_64 = arith.constant 2 : i32
      %dma_wait3A_65 = arith.constant 0 : i32
      %dma_wait3A_66 = tpu.memref_slice %arg7[%dma_wait3A_64, %dma_wait3A_65] : memref<8x125xi32, #tpu.memory_space<vmem>> -> memref<1x125xi32, #tpu.memory_space<vmem>>
      %dma_wait3A_67 = tpu.memref_squeeze %dma_wait3A_66 : memref<1x125xi32, #tpu.memory_space<vmem>> -> memref<125xi32, #tpu.memory_space<vmem>>
      %dma_wait3A_68 = arith.constant 0 : i32
      %dma_wait3A_69 = arith.constant 0 : i32
      %dma_wait3A_70 = tpu.memref_slice %arg2[%dma_wait3A_68, %dma_wait3A_69] : memref<10000x128xf32, #tpu.memory_space<hbm>> -> memref<10000x128xf32, #tpu.memory_space<hbm>>
      tpu.wait_indirect_dma semaphore(%arg12 : memref<!tpu.dma_semaphore, #tpu.memory_space<semaphore_mem>>) src(%dma_wait3A_70 : memref<10000x128xf32, #tpu.memory_space<hbm>>) dst(%arg9 : memref<125x128xf32, #tpu.memory_space<vmem>>)
      %run_scoped3A_71 = arith.constant 2 : i32
      "tpu.region"() ({
        %run_scoped3A_140 = tpu.sem_alloc : memref<!tpu.dma_semaphore, #tpu.memory_space<semaphore_mem>>
        %dma_start3A_141 = arith.constant 0 : i32
        %dma_start3A_142 = tpu.memref_slice %arg8[%run_scoped3A_71, %dma_start3A_141] : memref<8x125xi32, #tpu.memory_space<vmem>> -> memref<1x125xi32, #tpu.memory_space<vmem>>
        %dma_start3A_143 = tpu.memref_squeeze %dma_start3A_142 : memref<1x125xi32, #tpu.memory_space<vmem>> -> memref<125xi32, #tpu.memory_space<vmem>>
        %dma_start3A_144 = arith.constant 0 : i32
        %dma_start3A_145 = arith.constant 0 : i32
        %dma_start3A_146 = tpu.memref_slice %arg11[%dma_start3A_144, %dma_start3A_145] : memref<10016x128xf32, #tpu.memory_space<vmem_shared>> -> memref<10016x128xf32, #tpu.memory_space<vmem_shared>>
        tpu.enqueue_indirect_dma source(%arg9 : memref<125x128xf32, #tpu.memory_space<vmem>>) target(%dma_start3A_146 : memref<10016x128xf32, #tpu.memory_space<vmem_shared>>) offsets(%dma_start3A_143 : memref<125xi32, #tpu.memory_space<vmem>>) semaphore(%run_scoped3A_140 : memref<!tpu.dma_semaphore, #tpu.memory_space<semaphore_mem>>) {add = true}
        %dma_wait3A_147 = arith.constant 0 : i32
        %dma_wait3A_148 = tpu.memref_slice %arg8[%run_scoped3A_71, %dma_wait3A_147] : memref<8x125xi32, #tpu.memory_space<vmem>> -> memref<1x125xi32, #tpu.memory_space<vmem>>
        %dma_wait3A_149 = tpu.memref_squeeze %dma_wait3A_148 : memref<1x125xi32, #tpu.memory_space<vmem>> -> memref<125xi32, #tpu.memory_space<vmem>>
        %dma_wait3A_150 = arith.constant 0 : i32
        %dma_wait3A_151 = arith.constant 0 : i32
        %dma_wait3A_152 = tpu.memref_slice %arg11[%dma_wait3A_150, %dma_wait3A_151] : memref<10016x128xf32, #tpu.memory_space<vmem_shared>> -> memref<10016x128xf32, #tpu.memory_space<vmem_shared>>
        tpu.wait_indirect_dma semaphore(%run_scoped3A_140 : memref<!tpu.dma_semaphore, #tpu.memory_space<semaphore_mem>>) src(%arg9 : memref<125x128xf32, #tpu.memory_space<vmem>>) dst(%dma_wait3A_152 : memref<10016x128xf32, #tpu.memory_space<vmem_shared>>)
        tpu.yield
      }) : () -> ()
      %dma_start3A_72 = arith.constant 4 : i32
      %dma_start3A_73 = arith.constant 0 : i32
      %dma_start3A_74 = tpu.memref_slice %arg7[%dma_start3A_72, %dma_start3A_73] : memref<8x125xi32, #tpu.memory_space<vmem>> -> memref<1x125xi32, #tpu.memory_space<vmem>>
      %dma_start3A_75 = tpu.memref_squeeze %dma_start3A_74 : memref<1x125xi32, #tpu.memory_space<vmem>> -> memref<125xi32, #tpu.memory_space<vmem>>
      %dma_start3A_76 = arith.constant 0 : i32
      %dma_start3A_77 = arith.constant 0 : i32
      %dma_start3A_78 = tpu.memref_slice %arg2[%dma_start3A_76, %dma_start3A_77] : memref<10000x128xf32, #tpu.memory_space<hbm>> -> memref<10000x128xf32, #tpu.memory_space<hbm>>
      tpu.enqueue_indirect_dma source(%dma_start3A_78 : memref<10000x128xf32, #tpu.memory_space<hbm>>) target(%arg9 : memref<125x128xf32, #tpu.memory_space<vmem>>) offsets(%dma_start3A_75 : memref<125xi32, #tpu.memory_space<vmem>>) semaphore(%arg12 : memref<!tpu.dma_semaphore, #tpu.memory_space<semaphore_mem>>)
      %dma_wait3A_79 = arith.constant 3 : i32
      %dma_wait3A_80 = arith.constant 0 : i32
      %dma_wait3A_81 = tpu.memref_slice %arg7[%dma_wait3A_79, %dma_wait3A_80] : memref<8x125xi32, #tpu.memory_space<vmem>> -> memref<1x125xi32, #tpu.memory_space<vmem>>
      %dma_wait3A_82 = tpu.memref_squeeze %dma_wait3A_81 : memref<1x125xi32, #tpu.memory_space<vmem>> -> memref<125xi32, #tpu.memory_space<vmem>>
      %dma_wait3A_83 = arith.constant 0 : i32
      %dma_wait3A_84 = arith.constant 0 : i32
      %dma_wait3A_85 = tpu.memref_slice %arg2[%dma_wait3A_83, %dma_wait3A_84] : memref<10000x128xf32, #tpu.memory_space<hbm>> -> memref<10000x128xf32, #tpu.memory_space<hbm>>
      tpu.wait_indirect_dma semaphore(%arg13 : memref<!tpu.dma_semaphore, #tpu.memory_space<semaphore_mem>>) src(%dma_wait3A_85 : memref<10000x128xf32, #tpu.memory_space<hbm>>) dst(%arg10 : memref<125x128xf32, #tpu.memory_space<vmem>>)
      %run_scoped3A_86 = arith.constant 3 : i32
      "tpu.region"() ({
        %run_scoped3A_140 = tpu.sem_alloc : memref<!tpu.dma_semaphore, #tpu.memory_space<semaphore_mem>>
        %dma_start3A_141 = arith.constant 0 : i32
        %dma_start3A_142 = tpu.memref_slice %arg8[%run_scoped3A_86, %dma_start3A_141] : memref<8x125xi32, #tpu.memory_space<vmem>> -> memref<1x125xi32, #tpu.memory_space<vmem>>
        %dma_start3A_143 = tpu.memref_squeeze %dma_start3A_142 : memref<1x125xi32, #tpu.memory_space<vmem>> -> memref<125xi32, #tpu.memory_space<vmem>>
        %dma_start3A_144 = arith.constant 0 : i32
        %dma_start3A_145 = arith.constant 0 : i32
        %dma_start3A_146 = tpu.memref_slice %arg11[%dma_start3A_144, %dma_start3A_145] : memref<10016x128xf32, #tpu.memory_space<vmem_shared>> -> memref<10016x128xf32, #tpu.memory_space<vmem_shared>>
        tpu.enqueue_indirect_dma source(%arg10 : memref<125x128xf32, #tpu.memory_space<vmem>>) target(%dma_start3A_146 : memref<10016x128xf32, #tpu.memory_space<vmem_shared>>) offsets(%dma_start3A_143 : memref<125xi32, #tpu.memory_space<vmem>>) semaphore(%run_scoped3A_140 : memref<!tpu.dma_semaphore, #tpu.memory_space<semaphore_mem>>) {add = true}
        %dma_wait3A_147 = arith.constant 0 : i32
        %dma_wait3A_148 = tpu.memref_slice %arg8[%run_scoped3A_86, %dma_wait3A_147] : memref<8x125xi32, #tpu.memory_space<vmem>> -> memref<1x125xi32, #tpu.memory_space<vmem>>
        %dma_wait3A_149 = tpu.memref_squeeze %dma_wait3A_148 : memref<1x125xi32, #tpu.memory_space<vmem>> -> memref<125xi32, #tpu.memory_space<vmem>>
        %dma_wait3A_150 = arith.constant 0 : i32
        %dma_wait3A_151 = arith.constant 0 : i32
        %dma_wait3A_152 = tpu.memref_slice %arg11[%dma_wait3A_150, %dma_wait3A_151] : memref<10016x128xf32, #tpu.memory_space<vmem_shared>> -> memref<10016x128xf32, #tpu.memory_space<vmem_shared>>
        tpu.wait_indirect_dma semaphore(%run_scoped3A_140 : memref<!tpu.dma_semaphore, #tpu.memory_space<semaphore_mem>>) src(%arg10 : memref<125x128xf32, #tpu.memory_space<vmem>>) dst(%dma_wait3A_152 : memref<10016x128xf32, #tpu.memory_space<vmem_shared>>)
        tpu.yield
      }) : () -> ()
      %dma_start3A_87 = arith.constant 5 : i32
      %dma_start3A_88 = arith.constant 0 : i32
      %dma_start3A_89 = tpu.memref_slice %arg7[%dma_start3A_87, %dma_start3A_88] : memref<8x125xi32, #tpu.memory_space<vmem>> -> memref<1x125xi32, #tpu.memory_space<vmem>>
      %dma_start3A_90 = tpu.memref_squeeze %dma_start3A_89 : memref<1x125xi32, #tpu.memory_space<vmem>> -> memref<125xi32, #tpu.memory_space<vmem>>
      %dma_start3A_91 = arith.constant 0 : i32
      %dma_start3A_92 = arith.constant 0 : i32
      %dma_start3A_93 = tpu.memref_slice %arg2[%dma_start3A_91, %dma_start3A_92] : memref<10000x128xf32, #tpu.memory_space<hbm>> -> memref<10000x128xf32, #tpu.memory_space<hbm>>
      tpu.enqueue_indirect_dma source(%dma_start3A_93 : memref<10000x128xf32, #tpu.memory_space<hbm>>) target(%arg10 : memref<125x128xf32, #tpu.memory_space<vmem>>) offsets(%dma_start3A_90 : memref<125xi32, #tpu.memory_space<vmem>>) semaphore(%arg13 : memref<!tpu.dma_semaphore, #tpu.memory_space<semaphore_mem>>)
      %dma_wait3A_94 = arith.constant 4 : i32
      %dma_wait3A_95 = arith.constant 0 : i32
      %dma_wait3A_96 = tpu.memref_slice %arg7[%dma_wait3A_94, %dma_wait3A_95] : memref<8x125xi32, #tpu.memory_space<vmem>> -> memref<1x125xi32, #tpu.memory_space<vmem>>
      %dma_wait3A_97 = tpu.memref_squeeze %dma_wait3A_96 : memref<1x125xi32, #tpu.memory_space<vmem>> -> memref<125xi32, #tpu.memory_space<vmem>>
      %dma_wait3A_98 = arith.constant 0 : i32
      %dma_wait3A_99 = arith.constant 0 : i32
      %dma_wait3A_100 = tpu.memref_slice %arg2[%dma_wait3A_98, %dma_wait3A_99] : memref<10000x128xf32, #tpu.memory_space<hbm>> -> memref<10000x128xf32, #tpu.memory_space<hbm>>
      tpu.wait_indirect_dma semaphore(%arg12 : memref<!tpu.dma_semaphore, #tpu.memory_space<semaphore_mem>>) src(%dma_wait3A_100 : memref<10000x128xf32, #tpu.memory_space<hbm>>) dst(%arg9 : memref<125x128xf32, #tpu.memory_space<vmem>>)
      %run_scoped3A_101 = arith.constant 4 : i32
      "tpu.region"() ({
        %run_scoped3A_140 = tpu.sem_alloc : memref<!tpu.dma_semaphore, #tpu.memory_space<semaphore_mem>>
        %dma_start3A_141 = arith.constant 0 : i32
        %dma_start3A_142 = tpu.memref_slice %arg8[%run_scoped3A_101, %dma_start3A_141] : memref<8x125xi32, #tpu.memory_space<vmem>> -> memref<1x125xi32, #tpu.memory_space<vmem>>
        %dma_start3A_143 = tpu.memref_squeeze %dma_start3A_142 : memref<1x125xi32, #tpu.memory_space<vmem>> -> memref<125xi32, #tpu.memory_space<vmem>>
        %dma_start3A_144 = arith.constant 0 : i32
        %dma_start3A_145 = arith.constant 0 : i32
        %dma_start3A_146 = tpu.memref_slice %arg11[%dma_start3A_144, %dma_start3A_145] : memref<10016x128xf32, #tpu.memory_space<vmem_shared>> -> memref<10016x128xf32, #tpu.memory_space<vmem_shared>>
        tpu.enqueue_indirect_dma source(%arg9 : memref<125x128xf32, #tpu.memory_space<vmem>>) target(%dma_start3A_146 : memref<10016x128xf32, #tpu.memory_space<vmem_shared>>) offsets(%dma_start3A_143 : memref<125xi32, #tpu.memory_space<vmem>>) semaphore(%run_scoped3A_140 : memref<!tpu.dma_semaphore, #tpu.memory_space<semaphore_mem>>) {add = true}
        %dma_wait3A_147 = arith.constant 0 : i32
        %dma_wait3A_148 = tpu.memref_slice %arg8[%run_scoped3A_101, %dma_wait3A_147] : memref<8x125xi32, #tpu.memory_space<vmem>> -> memref<1x125xi32, #tpu.memory_space<vmem>>
        %dma_wait3A_149 = tpu.memref_squeeze %dma_wait3A_148 : memref<1x125xi32, #tpu.memory_space<vmem>> -> memref<125xi32, #tpu.memory_space<vmem>>
        %dma_wait3A_150 = arith.constant 0 : i32
        %dma_wait3A_151 = arith.constant 0 : i32
        %dma_wait3A_152 = tpu.memref_slice %arg11[%dma_wait3A_150, %dma_wait3A_151] : memref<10016x128xf32, #tpu.memory_space<vmem_shared>> -> memref<10016x128xf32, #tpu.memory_space<vmem_shared>>
        tpu.wait_indirect_dma semaphore(%run_scoped3A_140 : memref<!tpu.dma_semaphore, #tpu.memory_space<semaphore_mem>>) src(%arg9 : memref<125x128xf32, #tpu.memory_space<vmem>>) dst(%dma_wait3A_152 : memref<10016x128xf32, #tpu.memory_space<vmem_shared>>)
        tpu.yield
      }) : () -> ()
      %dma_start3A_102 = arith.constant 6 : i32
      %dma_start3A_103 = arith.constant 0 : i32
      %dma_start3A_104 = tpu.memref_slice %arg7[%dma_start3A_102, %dma_start3A_103] : memref<8x125xi32, #tpu.memory_space<vmem>> -> memref<1x125xi32, #tpu.memory_space<vmem>>
      %dma_start3A_105 = tpu.memref_squeeze %dma_start3A_104 : memref<1x125xi32, #tpu.memory_space<vmem>> -> memref<125xi32, #tpu.memory_space<vmem>>
      %dma_start3A_106 = arith.constant 0 : i32
      %dma_start3A_107 = arith.constant 0 : i32
      %dma_start3A_108 = tpu.memref_slice %arg2[%dma_start3A_106, %dma_start3A_107] : memref<10000x128xf32, #tpu.memory_space<hbm>> -> memref<10000x128xf32, #tpu.memory_space<hbm>>
      tpu.enqueue_indirect_dma source(%dma_start3A_108 : memref<10000x128xf32, #tpu.memory_space<hbm>>) target(%arg9 : memref<125x128xf32, #tpu.memory_space<vmem>>) offsets(%dma_start3A_105 : memref<125xi32, #tpu.memory_space<vmem>>) semaphore(%arg12 : memref<!tpu.dma_semaphore, #tpu.memory_space<semaphore_mem>>)
      %dma_wait3A_109 = arith.constant 5 : i32
      %dma_wait3A_110 = arith.constant 0 : i32
      %dma_wait3A_111 = tpu.memref_slice %arg7[%dma_wait3A_109, %dma_wait3A_110] : memref<8x125xi32, #tpu.memory_space<vmem>> -> memref<1x125xi32, #tpu.memory_space<vmem>>
      %dma_wait3A_112 = tpu.memref_squeeze %dma_wait3A_111 : memref<1x125xi32, #tpu.memory_space<vmem>> -> memref<125xi32, #tpu.memory_space<vmem>>
      %dma_wait3A_113 = arith.constant 0 : i32
      %dma_wait3A_114 = arith.constant 0 : i32
      %dma_wait3A_115 = tpu.memref_slice %arg2[%dma_wait3A_113, %dma_wait3A_114] : memref<10000x128xf32, #tpu.memory_space<hbm>> -> memref<10000x128xf32, #tpu.memory_space<hbm>>
      tpu.wait_indirect_dma semaphore(%arg13 : memref<!tpu.dma_semaphore, #tpu.memory_space<semaphore_mem>>) src(%dma_wait3A_115 : memref<10000x128xf32, #tpu.memory_space<hbm>>) dst(%arg10 : memref<125x128xf32, #tpu.memory_space<vmem>>)
      %run_scoped3A_116 = arith.constant 5 : i32
      "tpu.region"() ({
        %run_scoped3A_140 = tpu.sem_alloc : memref<!tpu.dma_semaphore, #tpu.memory_space<semaphore_mem>>
        %dma_start3A_141 = arith.constant 0 : i32
        %dma_start3A_142 = tpu.memref_slice %arg8[%run_scoped3A_116, %dma_start3A_141] : memref<8x125xi32, #tpu.memory_space<vmem>> -> memref<1x125xi32, #tpu.memory_space<vmem>>
        %dma_start3A_143 = tpu.memref_squeeze %dma_start3A_142 : memref<1x125xi32, #tpu.memory_space<vmem>> -> memref<125xi32, #tpu.memory_space<vmem>>
        %dma_start3A_144 = arith.constant 0 : i32
        %dma_start3A_145 = arith.constant 0 : i32
        %dma_start3A_146 = tpu.memref_slice %arg11[%dma_start3A_144, %dma_start3A_145] : memref<10016x128xf32, #tpu.memory_space<vmem_shared>> -> memref<10016x128xf32, #tpu.memory_space<vmem_shared>>
        tpu.enqueue_indirect_dma source(%arg10 : memref<125x128xf32, #tpu.memory_space<vmem>>) target(%dma_start3A_146 : memref<10016x128xf32, #tpu.memory_space<vmem_shared>>) offsets(%dma_start3A_143 : memref<125xi32, #tpu.memory_space<vmem>>) semaphore(%run_scoped3A_140 : memref<!tpu.dma_semaphore, #tpu.memory_space<semaphore_mem>>) {add = true}
        %dma_wait3A_147 = arith.constant 0 : i32
        %dma_wait3A_148 = tpu.memref_slice %arg8[%run_scoped3A_116, %dma_wait3A_147] : memref<8x125xi32, #tpu.memory_space<vmem>> -> memref<1x125xi32, #tpu.memory_space<vmem>>
        %dma_wait3A_149 = tpu.memref_squeeze %dma_wait3A_148 : memref<1x125xi32, #tpu.memory_space<vmem>> -> memref<125xi32, #tpu.memory_space<vmem>>
        %dma_wait3A_150 = arith.constant 0 : i32
        %dma_wait3A_151 = arith.constant 0 : i32
        %dma_wait3A_152 = tpu.memref_slice %arg11[%dma_wait3A_150, %dma_wait3A_151] : memref<10016x128xf32, #tpu.memory_space<vmem_shared>> -> memref<10016x128xf32, #tpu.memory_space<vmem_shared>>
        tpu.wait_indirect_dma semaphore(%run_scoped3A_140 : memref<!tpu.dma_semaphore, #tpu.memory_space<semaphore_mem>>) src(%arg10 : memref<125x128xf32, #tpu.memory_space<vmem>>) dst(%dma_wait3A_152 : memref<10016x128xf32, #tpu.memory_space<vmem_shared>>)
        tpu.yield
      }) : () -> ()
      %dma_start3A_117 = arith.constant 7 : i32
      %dma_start3A_118 = arith.constant 0 : i32
      %dma_start3A_119 = tpu.memref_slice %arg7[%dma_start3A_117, %dma_start3A_118] : memref<8x125xi32, #tpu.memory_space<vmem>> -> memref<1x125xi32, #tpu.memory_space<vmem>>
      %dma_start3A_120 = tpu.memref_squeeze %dma_start3A_119 : memref<1x125xi32, #tpu.memory_space<vmem>> -> memref<125xi32, #tpu.memory_space<vmem>>
      %dma_start3A_121 = arith.constant 0 : i32
      %dma_start3A_122 = arith.constant 0 : i32
      %dma_start3A_123 = tpu.memref_slice %arg2[%dma_start3A_121, %dma_start3A_122] : memref<10000x128xf32, #tpu.memory_space<hbm>> -> memref<10000x128xf32, #tpu.memory_space<hbm>>
      tpu.enqueue_indirect_dma source(%dma_start3A_123 : memref<10000x128xf32, #tpu.memory_space<hbm>>) target(%arg10 : memref<125x128xf32, #tpu.memory_space<vmem>>) offsets(%dma_start3A_120 : memref<125xi32, #tpu.memory_space<vmem>>) semaphore(%arg13 : memref<!tpu.dma_semaphore, #tpu.memory_space<semaphore_mem>>)
      %dma_wait3A_124 = arith.constant 6 : i32
      %dma_wait3A_125 = arith.constant 0 : i32
      %dma_wait3A_126 = tpu.memref_slice %arg7[%dma_wait3A_124, %dma_wait3A_125] : memref<8x125xi32, #tpu.memory_space<vmem>> -> memref<1x125xi32, #tpu.memory_space<vmem>>
      %dma_wait3A_127 = tpu.memref_squeeze %dma_wait3A_126 : memref<1x125xi32, #tpu.memory_space<vmem>> -> memref<125xi32, #tpu.memory_space<vmem>>
      %dma_wait3A_128 = arith.constant 0 : i32
      %dma_wait3A_129 = arith.constant 0 : i32
      %dma_wait3A_130 = tpu.memref_slice %arg2[%dma_wait3A_128, %dma_wait3A_129] : memref<10000x128xf32, #tpu.memory_space<hbm>> -> memref<10000x128xf32, #tpu.memory_space<hbm>>
      tpu.wait_indirect_dma semaphore(%arg12 : memref<!tpu.dma_semaphore, #tpu.memory_space<semaphore_mem>>) src(%dma_wait3A_130 : memref<10000x128xf32, #tpu.memory_space<hbm>>) dst(%arg9 : memref<125x128xf32, #tpu.memory_space<vmem>>)
      %run_scoped3A_131 = arith.constant 6 : i32
      "tpu.region"() ({
        %run_scoped3A_140 = tpu.sem_alloc : memref<!tpu.dma_semaphore, #tpu.memory_space<semaphore_mem>>
        %dma_start3A_141 = arith.constant 0 : i32
        %dma_start3A_142 = tpu.memref_slice %arg8[%run_scoped3A_131, %dma_start3A_141] : memref<8x125xi32, #tpu.memory_space<vmem>> -> memref<1x125xi32, #tpu.memory_space<vmem>>
        %dma_start3A_143 = tpu.memref_squeeze %dma_start3A_142 : memref<1x125xi32, #tpu.memory_space<vmem>> -> memref<125xi32, #tpu.memory_space<vmem>>
        %dma_start3A_144 = arith.constant 0 : i32
        %dma_start3A_145 = arith.constant 0 : i32
        %dma_start3A_146 = tpu.memref_slice %arg11[%dma_start3A_144, %dma_start3A_145] : memref<10016x128xf32, #tpu.memory_space<vmem_shared>> -> memref<10016x128xf32, #tpu.memory_space<vmem_shared>>
        tpu.enqueue_indirect_dma source(%arg9 : memref<125x128xf32, #tpu.memory_space<vmem>>) target(%dma_start3A_146 : memref<10016x128xf32, #tpu.memory_space<vmem_shared>>) offsets(%dma_start3A_143 : memref<125xi32, #tpu.memory_space<vmem>>) semaphore(%run_scoped3A_140 : memref<!tpu.dma_semaphore, #tpu.memory_space<semaphore_mem>>) {add = true}
        %dma_wait3A_147 = arith.constant 0 : i32
        %dma_wait3A_148 = tpu.memref_slice %arg8[%run_scoped3A_131, %dma_wait3A_147] : memref<8x125xi32, #tpu.memory_space<vmem>> -> memref<1x125xi32, #tpu.memory_space<vmem>>
        %dma_wait3A_149 = tpu.memref_squeeze %dma_wait3A_148 : memref<1x125xi32, #tpu.memory_space<vmem>> -> memref<125xi32, #tpu.memory_space<vmem>>
        %dma_wait3A_150 = arith.constant 0 : i32
        %dma_wait3A_151 = arith.constant 0 : i32
        %dma_wait3A_152 = tpu.memref_slice %arg11[%dma_wait3A_150, %dma_wait3A_151] : memref<10016x128xf32, #tpu.memory_space<vmem_shared>> -> memref<10016x128xf32, #tpu.memory_space<vmem_shared>>
        tpu.wait_indirect_dma semaphore(%run_scoped3A_140 : memref<!tpu.dma_semaphore, #tpu.memory_space<semaphore_mem>>) src(%arg9 : memref<125x128xf32, #tpu.memory_space<vmem>>) dst(%dma_wait3A_152 : memref<10016x128xf32, #tpu.memory_space<vmem_shared>>)
        tpu.yield
      }) : () -> ()
      %dma_wait3A_132 = arith.constant 7 : i32
      %dma_wait3A_133 = arith.constant 0 : i32
      %dma_wait3A_134 = tpu.memref_slice %arg7[%dma_wait3A_132, %dma_wait3A_133] : memref<8x125xi32, #tpu.memory_space<vmem>> -> memref<1x125xi32, #tpu.memory_space<vmem>>
      %dma_wait3A_135 = tpu.memref_squeeze %dma_wait3A_134 : memref<1x125xi32, #tpu.memory_space<vmem>> -> memref<125xi32, #tpu.memory_space<vmem>>
      %dma_wait3A_136 = arith.constant 0 : i32
      %dma_wait3A_137 = arith.constant 0 : i32
      %dma_wait3A_138 = tpu.memref_slice %arg2[%dma_wait3A_136, %dma_wait3A_137] : memref<10000x128xf32, #tpu.memory_space<hbm>> -> memref<10000x128xf32, #tpu.memory_space<hbm>>
      tpu.wait_indirect_dma semaphore(%arg13 : memref<!tpu.dma_semaphore, #tpu.memory_space<semaphore_mem>>) src(%dma_wait3A_138 : memref<10000x128xf32, #tpu.memory_space<hbm>>) dst(%arg10 : memref<125x128xf32, #tpu.memory_space<vmem>>)
      %run_scoped3A_139 = arith.constant 7 : i32
      "tpu.region"() ({
        %run_scoped3A_140 = tpu.sem_alloc : memref<!tpu.dma_semaphore, #tpu.memory_space<semaphore_mem>>
        %dma_start3A_141 = arith.constant 0 : i32
        %dma_start3A_142 = tpu.memref_slice %arg8[%run_scoped3A_139, %dma_start3A_141] : memref<8x125xi32, #tpu.memory_space<vmem>> -> memref<1x125xi32, #tpu.memory_space<vmem>>
        %dma_start3A_143 = tpu.memref_squeeze %dma_start3A_142 : memref<1x125xi32, #tpu.memory_space<vmem>> -> memref<125xi32, #tpu.memory_space<vmem>>
        %dma_start3A_144 = arith.constant 0 : i32
        %dma_start3A_145 = arith.constant 0 : i32
        %dma_start3A_146 = tpu.memref_slice %arg11[%dma_start3A_144, %dma_start3A_145] : memref<10016x128xf32, #tpu.memory_space<vmem_shared>> -> memref<10016x128xf32, #tpu.memory_space<vmem_shared>>
        tpu.enqueue_indirect_dma source(%arg10 : memref<125x128xf32, #tpu.memory_space<vmem>>) target(%dma_start3A_146 : memref<10016x128xf32, #tpu.memory_space<vmem_shared>>) offsets(%dma_start3A_143 : memref<125xi32, #tpu.memory_space<vmem>>) semaphore(%run_scoped3A_140 : memref<!tpu.dma_semaphore, #tpu.memory_space<semaphore_mem>>) {add = true}
        %dma_wait3A_147 = arith.constant 0 : i32
        %dma_wait3A_148 = tpu.memref_slice %arg8[%run_scoped3A_139, %dma_wait3A_147] : memref<8x125xi32, #tpu.memory_space<vmem>> -> memref<1x125xi32, #tpu.memory_space<vmem>>
        %dma_wait3A_149 = tpu.memref_squeeze %dma_wait3A_148 : memref<1x125xi32, #tpu.memory_space<vmem>> -> memref<125xi32, #tpu.memory_space<vmem>>
        %dma_wait3A_150 = arith.constant 0 : i32
        %dma_wait3A_151 = arith.constant 0 : i32
        %dma_wait3A_152 = tpu.memref_slice %arg11[%dma_wait3A_150, %dma_wait3A_151] : memref<10016x128xf32, #tpu.memory_space<vmem_shared>> -> memref<10016x128xf32, #tpu.memory_space<vmem_shared>>
        tpu.wait_indirect_dma semaphore(%run_scoped3A_140 : memref<!tpu.dma_semaphore, #tpu.memory_space<semaphore_mem>>) src(%arg10 : memref<125x128xf32, #tpu.memory_space<vmem>>) dst(%dma_wait3A_152 : memref<10016x128xf32, #tpu.memory_space<vmem_shared>>)
        tpu.yield
      }) : () -> ()
    }
    %scan3A_11 = arith.constant 11 : i32
    %barrier3A_12 = arith.constant 0 : index
    tpu.barrier barrier_id(%barrier3A_12)
    %mul3A_13 = arith.constant 624 : i32
    %mul3A_14 = arith.muli %arg1, %mul3A_13 : i32
    %mul3A_15 = arith.constant 624 : i32
    %mul3A_16 = arith.muli %arg1, %mul3A_15 : i32
    "tpu.region"() ({
      %run_scoped3A = tpu.sem_alloc : memref<!tpu.dma_semaphore, #tpu.memory_space<semaphore_mem>>
      %dma_start3A = arith.constant 0 : i32
      %dma_start3A_22 = tpu.memref_slice %arg6[%arg0, %mul3A_16, %dma_start3A] : memref<2x10016x128xf32, #tpu.memory_space<hbm>> -> memref<1x624x128xf32, #tpu.memory_space<hbm>>
      %dma_start3A_23 = tpu.memref_squeeze %dma_start3A_22 : memref<1x624x128xf32, #tpu.memory_space<hbm>> -> memref<624x128xf32, #tpu.memory_space<hbm>>
      %dma_start3A_24 = arith.constant 0 : i32
      %dma_start3A_25 = tpu.memref_slice %arg11[%mul3A_14, %dma_start3A_24] : memref<10016x128xf32, #tpu.memory_space<vmem_shared>> -> memref<624x128xf32, #tpu.memory_space<vmem_shared>>
      tpu.enqueue_dma source(%dma_start3A_25 : memref<624x128xf32, #tpu.memory_space<vmem_shared>>) target(%dma_start3A_23 : memref<624x128xf32, #tpu.memory_space<hbm>>) target_semaphore(%run_scoped3A : memref<!tpu.dma_semaphore, #tpu.memory_space<semaphore_mem>>)
      %dma_wait3A = arith.constant 0 : i32
      %dma_wait3A_26 = tpu.memref_slice %arg6[%arg0, %mul3A_16, %dma_wait3A] : memref<2x10016x128xf32, #tpu.memory_space<hbm>> -> memref<1x624x128xf32, #tpu.memory_space<hbm>>
      %dma_wait3A_27 = tpu.memref_squeeze %dma_wait3A_26 : memref<1x624x128xf32, #tpu.memory_space<hbm>> -> memref<624x128xf32, #tpu.memory_space<hbm>>
      %dma_wait3A_28 = arith.constant 0 : i32
      %dma_wait3A_29 = tpu.memref_slice %arg11[%mul3A_14, %dma_wait3A_28] : memref<10016x128xf32, #tpu.memory_space<vmem_shared>> -> memref<624x128xf32, #tpu.memory_space<vmem_shared>>
      tpu.wait_dma2 semaphore(%run_scoped3A : memref<!tpu.dma_semaphore, #tpu.memory_space<semaphore_mem>>) src(%dma_wait3A_29 : memref<624x128xf32, #tpu.memory_space<vmem_shared>>) dst(%dma_wait3A_27 : memref<624x128xf32, #tpu.memory_space<hbm>>)
      tpu.yield
    }) : () -> ()
    %eq3A_17 = arith.constant 15 : i32
    %eq3A_18 = arith.cmpi eq, %arg1, %eq3A_17 : i32
    %convert_element_type3A_19 = arith.extui %eq3A_18 : i1 to i32
    %cond3A_20 = arith.constant 0 : i32
    %cond3A_21 = arith.cmpi ne, %convert_element_type3A_19, %cond3A_20 : i32
    scf.if %cond3A_21 {
      "tpu.region"() ({
        %run_scoped3A = tpu.sem_alloc : memref<!tpu.dma_semaphore, #tpu.memory_space<semaphore_mem>>
        %dma_start3A = arith.constant 9984 : i32
        %dma_start3A_22 = arith.constant 0 : i32
        %dma_start3A_23 = tpu.memref_slice %arg6[%arg0, %dma_start3A, %dma_start3A_22] : memref<2x10016x128xf32, #tpu.memory_space<hbm>> -> memref<1x32x128xf32, #tpu.memory_space<hbm>>
        %dma_start3A_24 = tpu.memref_squeeze %dma_start3A_23 : memref<1x32x128xf32, #tpu.memory_space<hbm>> -> memref<32x128xf32, #tpu.memory_space<hbm>>
        %dma_start3A_25 = arith.constant 9984 : i32
        %dma_start3A_26 = arith.constant 0 : i32
        %dma_start3A_27 = tpu.memref_slice %arg11[%dma_start3A_25, %dma_start3A_26] : memref<10016x128xf32, #tpu.memory_space<vmem_shared>> -> memref<32x128xf32, #tpu.memory_space<vmem_shared>>
        tpu.enqueue_dma source(%dma_start3A_27 : memref<32x128xf32, #tpu.memory_space<vmem_shared>>) target(%dma_start3A_24 : memref<32x128xf32, #tpu.memory_space<hbm>>) target_semaphore(%run_scoped3A : memref<!tpu.dma_semaphore, #tpu.memory_space<semaphore_mem>>)
        %dma_wait3A = arith.constant 9984 : i32
        %dma_wait3A_28 = arith.constant 0 : i32
        %dma_wait3A_29 = tpu.memref_slice %arg6[%arg0, %dma_wait3A, %dma_wait3A_28] : memref<2x10016x128xf32, #tpu.memory_space<hbm>> -> memref<1x32x128xf32, #tpu.memory_space<hbm>>
        %dma_wait3A_30 = tpu.memref_squeeze %dma_wait3A_29 : memref<1x32x128xf32, #tpu.memory_space<hbm>> -> memref<32x128xf32, #tpu.memory_space<hbm>>
        %dma_wait3A_31 = arith.constant 9984 : i32
        %dma_wait3A_32 = arith.constant 0 : i32
        %dma_wait3A_33 = tpu.memref_slice %arg11[%dma_wait3A_31, %dma_wait3A_32] : memref<10016x128xf32, #tpu.memory_space<vmem_shared>> -> memref<32x128xf32, #tpu.memory_space<vmem_shared>>
        tpu.wait_dma2 semaphore(%run_scoped3A : memref<!tpu.dma_semaphore, #tpu.memory_space<semaphore_mem>>) src(%dma_wait3A_33 : memref<32x128xf32, #tpu.memory_space<vmem_shared>>) dst(%dma_wait3A_30 : memref<32x128xf32, #tpu.memory_space<hbm>>)
        tpu.yield
      }) : () -> ()
    } else {
    }
    return
  }
}

module attributes {stable_mosaic.version = 14 : i64} {
  func.func @_mlp_body(%arg0: i32, %arg1: memref<1000x128xf32, #tpu.memory_space<vmem>>, %arg2: memref<2x1000x128xf32, #tpu.memory_space<vmem>>, %arg3: memref<128x256xf32, #tpu.memory_space<vmem>>, %arg4: memref<1x256xf32, #tpu.memory_space<vmem>>, %arg5: memref<256x128xf32, #tpu.memory_space<vmem>>, %arg6: memref<1x128xf32, #tpu.memory_space<vmem>>, %arg7: memref<1000x128xf32, #tpu.memory_space<vmem>>, %arg8: memref<2x128xf32, #tpu.memory_space<vmem>>) attributes {dimension_semantics = [#tpu.dimension_semantics<arbitrary>], iteration_bounds = array<i64: 10>, scalar_prefetch = 0 : i64, scratch_operands = 0 : i64, tpu.core_type = #tpu.core_type<tc>, window_params = [{transform_indices = @transform_0, window_bounds = array<i64: 1000, 128>}, {transform_indices = @transform_1, window_bounds = array<i64: 2, 1000, 128>}, {pipeline_mode = #tpu.pipeline_mode<synchronous>, transform_indices = @transform_2, window_bounds = array<i64: 128, 256>}, {pipeline_mode = #tpu.pipeline_mode<synchronous>, transform_indices = @transform_3, window_bounds = array<i64: 1, 256>}, {pipeline_mode = #tpu.pipeline_mode<synchronous>, transform_indices = @transform_4, window_bounds = array<i64: 256, 128>}, {pipeline_mode = #tpu.pipeline_mode<synchronous>, transform_indices = @transform_5, window_bounds = array<i64: 1, 128>}, {transform_indices = @transform_6, window_bounds = array<i64: 1000, 128>}, {pipeline_mode = #tpu.pipeline_mode<synchronous>, transform_indices = @transform_7, window_bounds = array<i64: 2, 128>}]} {
    %get3A = arith.constant 0 : index
    %get3A_0 = arith.constant 0 : index
    %get3A_1 = vector.load %arg1[%get3A, %get3A_0] : memref<1000x128xf32, #tpu.memory_space<vmem>>, vector<1000x128xf32>
    %get3A_2 = arith.constant 0 : index
    %get3A_3 = arith.constant 0 : index
    %get3A_4 = arith.constant 0 : index
    %get3A_5 = vector.load %arg2[%get3A_2, %get3A_3, %get3A_4] : memref<2x1000x128xf32, #tpu.memory_space<vmem>>, vector<1x1000x128xf32>
    %get3A_6 = vector.shape_cast %get3A_5 : vector<1x1000x128xf32> to vector<1000x128xf32>
    %add3A = arith.addf %get3A_1, %get3A_6 : vector<1000x128xf32>
    %get3A_7 = arith.constant 1 : index
    %get3A_8 = arith.constant 0 : index
    %get3A_9 = arith.constant 0 : index
    %get3A_10 = vector.load %arg2[%get3A_7, %get3A_8, %get3A_9] : memref<2x1000x128xf32, #tpu.memory_space<vmem>>, vector<1x1000x128xf32>
    %get3A_11 = vector.shape_cast %get3A_10 : vector<1x1000x128xf32> to vector<1000x128xf32>
    %add3A_12 = arith.addf %add3A, %get3A_11 : vector<1000x128xf32>
    %get3A_13 = arith.constant 0 : index
    %get3A_14 = arith.constant 0 : index
    %get3A_15 = vector.load %arg3[%get3A_13, %get3A_14] : memref<128x256xf32, #tpu.memory_space<vmem>>, vector<128x256xf32>
    %dot_general3A = arith.constant dense<0.000000e+00> : vector<1000x256xf32>
    %dot_general3A_16 = tpu.matmul %add3A_12, %get3A_15, %dot_general3A {dimension_numbers = #tpu.dot_dimension_numbers<[1], [0], [0], [1], [0, 0, 1, 1], [], []>, transpose_lhs_hint = false} : vector<1000x128xf32>, vector<128x256xf32>, vector<1000x256xf32> -> vector<1000x256xf32>
    %get3A_17 = arith.constant 0 : index
    %get3A_18 = arith.constant 0 : index
    %get3A_19 = vector.load %arg4[%get3A_17, %get3A_18] : memref<1x256xf32, #tpu.memory_space<vmem>>, vector<1x256xf32>
    %add3A_20 = vector.broadcast %get3A_19 : vector<1x256xf32> to vector<1000x256xf32>
    %add3A_21 = arith.addf %dot_general3A_16, %add3A_20 : vector<1000x256xf32>
    %max3A = arith.constant 0.000000e+00 : f32
    %max3A_22 = vector.broadcast %max3A : f32 to vector<1000x256xf32>
    %max3A_23 = arith.maximumf %add3A_21, %max3A_22 : vector<1000x256xf32>
    %get3A_24 = arith.constant 0 : index
    %get3A_25 = arith.constant 0 : index
    %get3A_26 = vector.load %arg5[%get3A_24, %get3A_25] : memref<256x128xf32, #tpu.memory_space<vmem>>, vector<256x128xf32>
    %dot_general3A_27 = arith.constant dense<0.000000e+00> : vector<1000x128xf32>
    %dot_general3A_28 = tpu.matmul %max3A_23, %get3A_26, %dot_general3A_27 {dimension_numbers = #tpu.dot_dimension_numbers<[1], [0], [0], [1], [0, 0, 1, 1], [], []>, transpose_lhs_hint = false} : vector<1000x256xf32>, vector<256x128xf32>, vector<1000x128xf32> -> vector<1000x128xf32>
    %get3A_29 = arith.constant 0 : index
    %get3A_30 = arith.constant 0 : index
    %get3A_31 = vector.load %arg6[%get3A_29, %get3A_30] : memref<1x128xf32, #tpu.memory_space<vmem>>, vector<1x128xf32>
    %add3A_32 = vector.broadcast %get3A_31 : vector<1x128xf32> to vector<1000x128xf32>
    %add3A_33 = arith.addf %dot_general3A_28, %add3A_32 : vector<1000x128xf32>
    %swap3A = arith.constant 0 : index
    %swap3A_34 = arith.constant 0 : index
    %swap3A_35 = vector.load %arg7[%swap3A, %swap3A_34] : memref<1000x128xf32, #tpu.memory_space<vmem>>, vector<1000x128xf32>
    tpu.vector_store %arg7[%swap3A, %swap3A_34], %add3A_33 {strides = array<i32>} : memref<1000x128xf32, #tpu.memory_space<vmem>>, vector<1000x128xf32>,
    %reduce_sum3A = arith.constant dense<0.000000e+00> : vector<128xf32>
    %reduce_sum3A_36 = vector.multi_reduction <add>, %add3A_33, %reduce_sum3A [0] : vector<1000x128xf32> to vector<128xf32>
    %broadcast_in_dim3A = vector.shape_cast %reduce_sum3A_36 : vector<128xf32> to vector<1x128xf32>
    %mul3A = arith.mulf %add3A_33, %add3A_33 : vector<1000x128xf32>
    %reduce_sum3A_37 = arith.constant dense<0.000000e+00> : vector<128xf32>
    %reduce_sum3A_38 = vector.multi_reduction <add>, %mul3A, %reduce_sum3A_37 [0] : vector<1000x128xf32> to vector<128xf32>
    %broadcast_in_dim3A_39 = vector.shape_cast %reduce_sum3A_38 : vector<128xf32> to vector<1x128xf32>
    %concatenate3A = tpu.concatenate %broadcast_in_dim3A, %broadcast_in_dim3A_39 in 0 : vector<1x128xf32>, vector<1x128xf32> -> vector<2x128xf32>
    %eq3A = arith.constant 0 : i32
    %eq3A_40 = arith.cmpi eq, %arg0, %eq3A : i32
    %convert_element_type3A = arith.extui %eq3A_40 : i1 to i32
    %cond3A = arith.constant 0 : i32
    %cond3A_41 = arith.cmpi ne, %convert_element_type3A, %cond3A : i32
    scf.if %cond3A_41 {
      %swap3A_46 = arith.constant 0 : index
      %swap3A_47 = arith.constant 0 : index
      %swap3A_48 = vector.load %arg8[%swap3A_46, %swap3A_47] : memref<2x128xf32, #tpu.memory_space<vmem>>, vector<2x128xf32>
      tpu.vector_store %arg8[%swap3A_46, %swap3A_47], %concatenate3A {strides = array<i32>} : memref<2x128xf32, #tpu.memory_space<vmem>>, vector<2x128xf32>,
    } else {
    }
    %gt3A = arith.constant 0 : i32
    %gt3A_42 = arith.cmpi sgt, %arg0, %gt3A : i32
    %convert_element_type3A_43 = arith.extui %gt3A_42 : i1 to i32
    %cond3A_44 = arith.constant 0 : i32
    %cond3A_45 = arith.cmpi ne, %convert_element_type3A_43, %cond3A_44 : i32
    scf.if %cond3A_45 {
      %get3A_46 = arith.constant 0 : index
      %get3A_47 = arith.constant 0 : index
      %get3A_48 = vector.load %arg8[%get3A_46, %get3A_47] : memref<2x128xf32, #tpu.memory_space<vmem>>, vector<2x128xf32>
      %add3A_49 = arith.addf %get3A_48, %concatenate3A : vector<2x128xf32>
      %swap3A_50 = arith.constant 0 : index
      %swap3A_51 = arith.constant 0 : index
      %swap3A_52 = vector.load %arg8[%swap3A_50, %swap3A_51] : memref<2x128xf32, #tpu.memory_space<vmem>>, vector<2x128xf32>
      tpu.vector_store %arg8[%swap3A_50, %swap3A_51], %add3A_49 {strides = array<i32>} : memref<2x128xf32, #tpu.memory_space<vmem>>, vector<2x128xf32>,
    } else {
    }
    return
  }
  func.func @transform_0(%arg0: i32) -> (i32, i32) {
    %c0_i32 = arith.constant 0 : i32
    %c0_i32_0 = arith.constant 0 : i32
    return %arg0, %c0_i32 : i32, i32
  }
  func.func @transform_1(%arg0: i32) -> (i32, i32, i32) {
    %c0_i32 = arith.constant 0 : i32
    %c0_i32_0 = arith.constant 0 : i32
    %c0_i32_1 = arith.constant 0 : i32
    return %c0_i32, %arg0, %c0_i32_0 : i32, i32, i32
  }
  func.func @transform_2(%arg0: i32) -> (i32, i32) {
    %c0_i32 = arith.constant 0 : i32
    %c0_i32_0 = arith.constant 0 : i32
    %c0_i32_1 = arith.constant 0 : i32
    return %c0_i32, %c0_i32_0 : i32, i32
  }
  func.func @transform_3(%arg0: i32) -> (i32, i32) {
    %c0_i32 = arith.constant 0 : i32
    %c0_i32_0 = arith.constant 0 : i32
    %c0_i32_1 = arith.constant 0 : i32
    return %c0_i32, %c0_i32_0 : i32, i32
  }
  func.func @transform_4(%arg0: i32) -> (i32, i32) {
    %c0_i32 = arith.constant 0 : i32
    %c0_i32_0 = arith.constant 0 : i32
    %c0_i32_1 = arith.constant 0 : i32
    return %c0_i32, %c0_i32_0 : i32, i32
  }
  func.func @transform_5(%arg0: i32) -> (i32, i32) {
    %c0_i32 = arith.constant 0 : i32
    %c0_i32_0 = arith.constant 0 : i32
    %c0_i32_1 = arith.constant 0 : i32
    return %c0_i32, %c0_i32_0 : i32, i32
  }
  func.func @transform_6(%arg0: i32) -> (i32, i32) {
    %c0_i32 = arith.constant 0 : i32
    %c0_i32_0 = arith.constant 0 : i32
    return %arg0, %c0_i32 : i32, i32
  }
  func.func @transform_7(%arg0: i32) -> (i32, i32) {
    %c0_i32 = arith.constant 0 : i32
    %c0_i32_0 = arith.constant 0 : i32
    %c0_i32_1 = arith.constant 0 : i32
    return %c0_i32, %c0_i32_0 : i32, i32
  }
}

module attributes {stable_mosaic.version = 14 : i64} {
  func.func @body(%arg0: i32, %arg1: memref<1000x128xf32, #tpu.memory_space<vmem>>, %arg2: memref<2x128xf32, #tpu.memory_space<vmem>>, %arg3: memref<1x128xf32, #tpu.memory_space<vmem>>, %arg4: memref<1x128xf32, #tpu.memory_space<vmem>>, %arg5: memref<1000x128xf32, #tpu.memory_space<vmem>>) attributes {dimension_semantics = [#tpu.dimension_semantics<arbitrary>], iteration_bounds = array<i64: 10>, scalar_prefetch = 0 : i64, scratch_operands = 0 : i64, tpu.core_type = #tpu.core_type<tc>, window_params = [{transform_indices = @transform_0, window_bounds = array<i64: 1000, 128>}, {pipeline_mode = #tpu.pipeline_mode<synchronous>, transform_indices = @transform_1, window_bounds = array<i64: 2, 128>}, {pipeline_mode = #tpu.pipeline_mode<synchronous>, transform_indices = @transform_2, window_bounds = array<i64: 1, 128>}, {pipeline_mode = #tpu.pipeline_mode<synchronous>, transform_indices = @transform_3, window_bounds = array<i64: 1, 128>}, {transform_indices = @transform_4, window_bounds = array<i64: 1000, 128>}]} {
    %get3A = arith.constant 0 : index
    %get3A_0 = arith.constant 0 : index
    %get3A_1 = vector.load %arg2[%get3A, %get3A_0] : memref<2x128xf32, #tpu.memory_space<vmem>>, vector<1x128xf32>
    %mul3A = arith.constant 9.99999974E-5 : f32
    %mul3A_2 = vector.broadcast %mul3A : f32 to vector<1x128xf32>
    %mul3A_3 = arith.mulf %get3A_1, %mul3A_2 : vector<1x128xf32>
    %get3A_4 = arith.constant 1 : index
    %get3A_5 = arith.constant 0 : index
    %get3A_6 = vector.load %arg2[%get3A_4, %get3A_5] : memref<2x128xf32, #tpu.memory_space<vmem>>, vector<1x128xf32>
    %mul3A_7 = arith.constant 9.99999974E-5 : f32
    %mul3A_8 = vector.broadcast %mul3A_7 : f32 to vector<1x128xf32>
    %mul3A_9 = arith.mulf %get3A_6, %mul3A_8 : vector<1x128xf32>
    %mul3A_10 = arith.mulf %mul3A_3, %mul3A_3 : vector<1x128xf32>
    %sub3A = arith.subf %mul3A_9, %mul3A_10 : vector<1x128xf32>
    %add3A = arith.constant 9.99999974E-6 : f32
    %add3A_11 = vector.broadcast %add3A : f32 to vector<1x128xf32>
    %add3A_12 = arith.addf %sub3A, %add3A_11 : vector<1x128xf32>
    %rsqrt3A = math.rsqrt %add3A_12 : vector<1x128xf32>
    %get3A_13 = arith.constant 0 : index
    %get3A_14 = arith.constant 0 : index
    %get3A_15 = vector.load %arg3[%get3A_13, %get3A_14] : memref<1x128xf32, #tpu.memory_space<vmem>>, vector<1x128xf32>
    %mul3A_16 = arith.mulf %rsqrt3A, %get3A_15 : vector<1x128xf32>
    %get3A_17 = arith.constant 0 : index
    %get3A_18 = arith.constant 0 : index
    %get3A_19 = vector.load %arg1[%get3A_17, %get3A_18] : memref<1000x128xf32, #tpu.memory_space<vmem>>, vector<1000x128xf32>
    %sub3A_20 = vector.broadcast %mul3A_3 : vector<1x128xf32> to vector<1000x128xf32>
    %sub3A_21 = arith.subf %get3A_19, %sub3A_20 : vector<1000x128xf32>
    %mul3A_22 = vector.broadcast %mul3A_16 : vector<1x128xf32> to vector<1000x128xf32>
    %mul3A_23 = arith.mulf %sub3A_21, %mul3A_22 : vector<1000x128xf32>
    %get3A_24 = arith.constant 0 : index
    %get3A_25 = arith.constant 0 : index
    %get3A_26 = vector.load %arg4[%get3A_24, %get3A_25] : memref<1x128xf32, #tpu.memory_space<vmem>>, vector<1x128xf32>
    %add3A_27 = vector.broadcast %get3A_26 : vector<1x128xf32> to vector<1000x128xf32>
    %add3A_28 = arith.addf %mul3A_23, %add3A_27 : vector<1000x128xf32>
    %max3A = arith.constant 0.000000e+00 : f32
    %max3A_29 = vector.broadcast %max3A : f32 to vector<1000x128xf32>
    %max3A_30 = arith.maximumf %add3A_28, %max3A_29 : vector<1000x128xf32>
    %swap3A = arith.constant 0 : index
    %swap3A_31 = arith.constant 0 : index
    %swap3A_32 = vector.load %arg5[%swap3A, %swap3A_31] : memref<1000x128xf32, #tpu.memory_space<vmem>>, vector<1000x128xf32>
    tpu.vector_store %arg5[%swap3A, %swap3A_31], %max3A_30 {strides = array<i32>} : memref<1000x128xf32, #tpu.memory_space<vmem>>, vector<1000x128xf32>,
    return
  }
  func.func @transform_0(%arg0: i32) -> (i32, i32) {
    %c0_i32 = arith.constant 0 : i32
    %c0_i32_0 = arith.constant 0 : i32
    return %arg0, %c0_i32 : i32, i32
  }
  func.func @transform_1(%arg0: i32) -> (i32, i32) {
    %c0_i32 = arith.constant 0 : i32
    %c0_i32_0 = arith.constant 0 : i32
    %c0_i32_1 = arith.constant 0 : i32
    return %c0_i32, %c0_i32_0 : i32, i32
  }
  func.func @transform_2(%arg0: i32) -> (i32, i32) {
    %c0_i32 = arith.constant 0 : i32
    %c0_i32_0 = arith.constant 0 : i32
    %c0_i32_1 = arith.constant 0 : i32
    return %c0_i32, %c0_i32_0 : i32, i32
  }
  func.func @transform_3(%arg0: i32) -> (i32, i32) {
    %c0_i32 = arith.constant 0 : i32
    %c0_i32_0 = arith.constant 0 : i32
    %c0_i32_1 = arith.constant 0 : i32
    return %c0_i32, %c0_i32_0 : i32, i32
  }
  func.func @transform_4(%arg0: i32) -> (i32, i32) {
    %c0_i32 = arith.constant 0 : i32
    %c0_i32_0 = arith.constant 0 : i32
    return %arg0, %c0_i32 : i32, i32
  }
}

module attributes {stable_mosaic.version = 14 : i64} {
  func.func @body(%arg0: i32, %arg1: memref<1000x128xf32, #tpu.memory_space<vmem>>, %arg2: memref<2x128xf32, #tpu.memory_space<vmem>>, %arg3: memref<1x128xf32, #tpu.memory_space<vmem>>, %arg4: memref<1x128xf32, #tpu.memory_space<vmem>>, %arg5: memref<1000x128xf32, #tpu.memory_space<vmem>>) attributes {dimension_semantics = [#tpu.dimension_semantics<arbitrary>], iteration_bounds = array<i64: 10>, scalar_prefetch = 0 : i64, scratch_operands = 0 : i64, tpu.core_type = #tpu.core_type<tc>, window_params = [{transform_indices = @transform_0, window_bounds = array<i64: 1000, 128>}, {pipeline_mode = #tpu.pipeline_mode<synchronous>, transform_indices = @transform_1, window_bounds = array<i64: 2, 128>}, {pipeline_mode = #tpu.pipeline_mode<synchronous>, transform_indices = @transform_2, window_bounds = array<i64: 1, 128>}, {pipeline_mode = #tpu.pipeline_mode<synchronous>, transform_indices = @transform_3, window_bounds = array<i64: 1, 128>}, {transform_indices = @transform_4, window_bounds = array<i64: 1000, 128>}]} {
    %get3A = arith.constant 0 : index
    %get3A_0 = arith.constant 0 : index
    %get3A_1 = vector.load %arg2[%get3A, %get3A_0] : memref<2x128xf32, #tpu.memory_space<vmem>>, vector<1x128xf32>
    %mul3A = arith.constant 9.99999974E-5 : f32
    %mul3A_2 = vector.broadcast %mul3A : f32 to vector<1x128xf32>
    %mul3A_3 = arith.mulf %get3A_1, %mul3A_2 : vector<1x128xf32>
    %get3A_4 = arith.constant 1 : index
    %get3A_5 = arith.constant 0 : index
    %get3A_6 = vector.load %arg2[%get3A_4, %get3A_5] : memref<2x128xf32, #tpu.memory_space<vmem>>, vector<1x128xf32>
    %mul3A_7 = arith.constant 9.99999974E-5 : f32
    %mul3A_8 = vector.broadcast %mul3A_7 : f32 to vector<1x128xf32>
    %mul3A_9 = arith.mulf %get3A_6, %mul3A_8 : vector<1x128xf32>
    %mul3A_10 = arith.mulf %mul3A_3, %mul3A_3 : vector<1x128xf32>
    %sub3A = arith.subf %mul3A_9, %mul3A_10 : vector<1x128xf32>
    %add3A = arith.constant 9.99999974E-6 : f32
    %add3A_11 = vector.broadcast %add3A : f32 to vector<1x128xf32>
    %add3A_12 = arith.addf %sub3A, %add3A_11 : vector<1x128xf32>
    %rsqrt3A = math.rsqrt %add3A_12 : vector<1x128xf32>
    %get3A_13 = arith.constant 0 : index
    %get3A_14 = arith.constant 0 : index
    %get3A_15 = vector.load %arg3[%get3A_13, %get3A_14] : memref<1x128xf32, #tpu.memory_space<vmem>>, vector<1x128xf32>
    %mul3A_16 = arith.mulf %rsqrt3A, %get3A_15 : vector<1x128xf32>
    %get3A_17 = arith.constant 0 : index
    %get3A_18 = arith.constant 0 : index
    %get3A_19 = vector.load %arg1[%get3A_17, %get3A_18] : memref<1000x128xf32, #tpu.memory_space<vmem>>, vector<1000x128xf32>
    %sub3A_20 = vector.broadcast %mul3A_3 : vector<1x128xf32> to vector<1000x128xf32>
    %sub3A_21 = arith.subf %get3A_19, %sub3A_20 : vector<1000x128xf32>
    %mul3A_22 = vector.broadcast %mul3A_16 : vector<1x128xf32> to vector<1000x128xf32>
    %mul3A_23 = arith.mulf %sub3A_21, %mul3A_22 : vector<1000x128xf32>
    %get3A_24 = arith.constant 0 : index
    %get3A_25 = arith.constant 0 : index
    %get3A_26 = vector.load %arg4[%get3A_24, %get3A_25] : memref<1x128xf32, #tpu.memory_space<vmem>>, vector<1x128xf32>
    %add3A_27 = vector.broadcast %get3A_26 : vector<1x128xf32> to vector<1000x128xf32>
    %add3A_28 = arith.addf %mul3A_23, %add3A_27 : vector<1000x128xf32>
    %swap3A = arith.constant 0 : index
    %swap3A_29 = arith.constant 0 : index
    %swap3A_30 = vector.load %arg5[%swap3A, %swap3A_29] : memref<1000x128xf32, #tpu.memory_space<vmem>>, vector<1000x128xf32>
    tpu.vector_store %arg5[%swap3A, %swap3A_29], %add3A_28 {strides = array<i32>} : memref<1000x128xf32, #tpu.memory_space<vmem>>, vector<1000x128xf32>,
    return
  }
  func.func @transform_0(%arg0: i32) -> (i32, i32) {
    %c0_i32 = arith.constant 0 : i32
    %c0_i32_0 = arith.constant 0 : i32
    return %arg0, %c0_i32 : i32, i32
  }
  func.func @transform_1(%arg0: i32) -> (i32, i32) {
    %c0_i32 = arith.constant 0 : i32
    %c0_i32_0 = arith.constant 0 : i32
    %c0_i32_1 = arith.constant 0 : i32
    return %c0_i32, %c0_i32_0 : i32, i32
  }
  func.func @transform_2(%arg0: i32) -> (i32, i32) {
    %c0_i32 = arith.constant 0 : i32
    %c0_i32_0 = arith.constant 0 : i32
    %c0_i32_1 = arith.constant 0 : i32
    return %c0_i32, %c0_i32_0 : i32, i32
  }
  func.func @transform_3(%arg0: i32) -> (i32, i32) {
    %c0_i32 = arith.constant 0 : i32
    %c0_i32_0 = arith.constant 0 : i32
    %c0_i32_1 = arith.constant 0 : i32
    return %c0_i32, %c0_i32_0 : i32, i32
  }
  func.func @transform_4(%arg0: i32) -> (i32, i32) {
    %c0_i32 = arith.constant 0 : i32
    %c0_i32_0 = arith.constant 0 : i32
    return %arg0, %c0_i32 : i32, i32
  }
}

module attributes {stable_mosaic.version = 14 : i64} {
  func.func @_pool_body(%arg0: i32, %arg1: i32, %arg2: memref<1000x128xf32, #tpu.memory_space<vmem>>, %arg3: memref<1x1x1000xi32, #tpu.memory_space<vmem>>, %arg4: memref<1x128xf32, #tpu.memory_space<vmem>>, %arg5: memref<1x1xf32, #tpu.memory_space<vmem>>, %arg6: memref<64x128xf32, #tpu.memory_space<vmem>>, %arg7: memref<64x128xf32, #tpu.memory_space<vmem>>, %arg8: memref<64x128xf32, #tpu.memory_space<vmem>>, %arg9: memref<64x128xf32, #tpu.memory_space<vmem>>) attributes {dimension_semantics = [#tpu.dimension_semantics<arbitrary>, #tpu.dimension_semantics<arbitrary>], iteration_bounds = array<i64: 2, 10>, scalar_prefetch = 0 : i64, scratch_operands = 3 : i64, tpu.core_type = #tpu.core_type<tc>, window_params = [{transform_indices = @transform_0, window_bounds = array<i64: 1000, 128>}, {transform_indices = @transform_1, window_bounds = array<i64: 1, 1, 1000>}, {pipeline_mode = #tpu.pipeline_mode<synchronous>, transform_indices = @transform_2, window_bounds = array<i64: 1, 128>}, {pipeline_mode = #tpu.pipeline_mode<synchronous>, transform_indices = @transform_3, window_bounds = array<i64: 1, 1>}, {pipeline_mode = #tpu.pipeline_mode<synchronous>, transform_indices = @transform_4, window_bounds = array<i64: 64, 128>}]} {
    %get3A = arith.constant 0 : index
    %get3A_0 = arith.constant 0 : index
    %get3A_1 = arith.constant 0 : index
    %get3A_2 = vector.load %arg3[%get3A, %get3A_0, %get3A_1] : memref<1x1x1000xi32, #tpu.memory_space<vmem>>, vector<1x1x1000xi32>
    %get3A_3 = vector.shape_cast %get3A_2 : vector<1x1x1000xi32> to vector<1000xi32>
    %iota3A = tpu.iota {dimensions = array<i32: 0>} : vector<64x1000xi32>
    %broadcast_in_dim3A = vector.shape_cast %get3A_3 : vector<1000xi32> to vector<1x1000xi32>
    %eq3A = vector.broadcast %broadcast_in_dim3A : vector<1x1000xi32> to vector<64x1000xi32>
    %eq3A_4 = arith.cmpi eq, %iota3A, %eq3A : vector<64x1000xi32>
    %get3A_5 = arith.constant 0 : index
    %get3A_6 = arith.constant 0 : index
    %get3A_7 = vector.load %arg2[%get3A_5, %get3A_6] : memref<1000x128xf32, #tpu.memory_space<vmem>>, vector<1000x128xf32>
    %eq3A_8 = arith.constant 0 : i32
    %eq3A_9 = arith.cmpi eq, %arg0, %eq3A_8 : i32
    %convert_element_type3A = arith.extui %eq3A_9 : i1 to i32
    %cond3A = arith.constant 0 : i32
    %cond3A_10 = arith.cmpi ne, %convert_element_type3A, %cond3A : i32
    scf.if %cond3A_10 {
      %get3A_16 = arith.constant 0 : index
      %get3A_17 = arith.constant 0 : index
      %get3A_18 = vector.load %arg4[%get3A_16, %get3A_17] : memref<1x128xf32, #tpu.memory_space<vmem>>, vector<1x128xf32>
      %dot_general3A = arith.constant dense<0.000000e+00> : vector<1x1000xf32>
      %dot_general3A_19 = tpu.matmul %get3A_18, %get3A_7, %dot_general3A {dimension_numbers = #tpu.dot_dimension_numbers<[1], [1], [0], [0], [0, 0, 1, 0], [], []>, transpose_lhs_hint = false} : vector<1x128xf32>, vector<1000x128xf32>, vector<1x1000xf32> -> vector<1x1000xf32>
      %get3A_20 = arith.constant 0 : index
      %get3A_21 = arith.constant 0 : index
      %get3A_22 = vector.load %arg5[%get3A_20, %get3A_21] : memref<1x1xf32, #tpu.memory_space<vmem>>, vector<1x1xf32>
      %get3A_23 = vector.extract %get3A_22[0, 0] : f32 from vector<1x1xf32>
      %add3A = vector.broadcast %get3A_23 : f32 to vector<1x1000xf32>
      %add3A_24 = arith.addf %dot_general3A_19, %add3A : vector<1x1000xf32>
      %jit3A = arith.constant 0xFF800000 : f32
      %broadcast_in_dim3A_25 = vector.shape_cast %add3A_24 : vector<1x1000xf32> to vector<1x1000xf32>
      %broadcast_in_dim3A_26 = vector.broadcast %broadcast_in_dim3A_25 : vector<1x1000xf32> to vector<64x1000xf32>
      %broadcast_in_dim3A_27 = vector.broadcast %jit3A : f32 to vector<64x1000xf32>
      %select_n3A = arith.select %eq3A_4, %broadcast_in_dim3A_26, %broadcast_in_dim3A_27 : vector<64x1000xi1>, vector<64x1000xf32>
      %reduce_max3A = arith.constant dense<0xFF800000> : vector<64xf32>
      %reduce_max3A_28 = vector.multi_reduction <maximumf>, %select_n3A, %reduce_max3A [1] : vector<64x1000xf32> to vector<64xf32>
      %broadcast_in_dim3A_29 = vector.shape_cast %reduce_max3A_28 : vector<64xf32> to vector<64x1xf32>
      %broadcast_in_dim3A_30 = vector.shape_cast %broadcast_in_dim3A_29 : vector<64x1xf32> to vector<64x1xf32>
      %broadcast_in_dim3A_31 = vector.broadcast %broadcast_in_dim3A_30 : vector<64x1xf32> to vector<64x128xf32>
      %eq3A_32 = arith.constant 0 : i32
      %eq3A_33 = arith.cmpi eq, %arg1, %eq3A_32 : i32
      %convert_element_type3A_34 = arith.extui %eq3A_33 : i1 to i32
      %cond3A_35 = arith.constant 0 : i32
      %cond3A_36 = arith.cmpi ne, %convert_element_type3A_34, %cond3A_35 : i32
      scf.if %cond3A_36 {
        %swap3A = arith.constant 0 : index
        %swap3A_41 = arith.constant 0 : index
        %swap3A_42 = vector.load %arg7[%swap3A, %swap3A_41] : memref<64x128xf32, #tpu.memory_space<vmem>>, vector<64x128xf32>
        tpu.vector_store %arg7[%swap3A, %swap3A_41], %broadcast_in_dim3A_31 {strides = array<i32>} : memref<64x128xf32, #tpu.memory_space<vmem>>, vector<64x128xf32>,
      } else {
      }
      %gt3A = arith.constant 0 : i32
      %gt3A_37 = arith.cmpi sgt, %arg1, %gt3A : i32
      %convert_element_type3A_38 = arith.extui %gt3A_37 : i1 to i32
      %cond3A_39 = arith.constant 0 : i32
      %cond3A_40 = arith.cmpi ne, %convert_element_type3A_38, %cond3A_39 : i32
      scf.if %cond3A_40 {
        %get3A_41 = arith.constant 0 : index
        %get3A_42 = arith.constant 0 : index
        %get3A_43 = vector.load %arg7[%get3A_41, %get3A_42] : memref<64x128xf32, #tpu.memory_space<vmem>>, vector<64x128xf32>
        %max3A = arith.maximumf %get3A_43, %broadcast_in_dim3A_31 : vector<64x128xf32>
        %swap3A = arith.constant 0 : index
        %swap3A_44 = arith.constant 0 : index
        %swap3A_45 = vector.load %arg7[%swap3A, %swap3A_44] : memref<64x128xf32, #tpu.memory_space<vmem>>, vector<64x128xf32>
        tpu.vector_store %arg7[%swap3A, %swap3A_44], %max3A {strides = array<i32>} : memref<64x128xf32, #tpu.memory_space<vmem>>, vector<64x128xf32>,
      } else {
      }
    } else {
    }
    %eq3A_11 = arith.constant 1 : i32
    %eq3A_12 = arith.cmpi eq, %arg0, %eq3A_11 : i32
    %convert_element_type3A_13 = arith.extui %eq3A_12 : i1 to i32
    %cond3A_14 = arith.constant 0 : i32
    %cond3A_15 = arith.cmpi ne, %convert_element_type3A_13, %cond3A_14 : i32
    scf.if %cond3A_15 {
      %get3A_16 = arith.constant 0 : index
      %get3A_17 = arith.constant 0 : index
      %get3A_18 = vector.load %arg4[%get3A_16, %get3A_17] : memref<1x128xf32, #tpu.memory_space<vmem>>, vector<1x128xf32>
      %mul3A = vector.broadcast %get3A_18 : vector<1x128xf32> to vector<1000x128xf32>
      %mul3A_19 = arith.mulf %get3A_7, %mul3A : vector<1000x128xf32>
      %reduce_sum3A = arith.constant dense<0.000000e+00> : vector<1000xf32>
      %reduce_sum3A_20 = vector.multi_reduction <add>, %mul3A_19, %reduce_sum3A [1] : vector<1000x128xf32> to vector<1000xf32>
      %broadcast_in_dim3A_21 = vector.shape_cast %reduce_sum3A_20 : vector<1000xf32> to vector<1000x1xf32>
      %get3A_22 = arith.constant 0 : index
      %get3A_23 = arith.constant 0 : index
      %get3A_24 = vector.load %arg5[%get3A_22, %get3A_23] : memref<1x1xf32, #tpu.memory_space<vmem>>, vector<1x1xf32>
      %get3A_25 = vector.extract %get3A_24[0, 0] : f32 from vector<1x1xf32>
      %add3A = vector.broadcast %get3A_25 : f32 to vector<1000x1xf32>
      %add3A_26 = arith.addf %broadcast_in_dim3A_21, %add3A : vector<1000x1xf32>
      %get3A_27 = arith.constant 0 : index
      %get3A_28 = arith.constant 0 : index
      %get3A_29 = vector.load %arg7[%get3A_27, %get3A_28] : memref<64x128xf32, #tpu.memory_space<vmem>>, vector<64x128xf32>
      %is_finite3A = tpu.weird %get3A_29 : vector<64x128xf32> -> vector<64x128xi1>
      %is_finite3A_30 = arith.constant dense<true> : vector<64x128xi1>
      %is_finite3A_31 = arith.xori %is_finite3A, %is_finite3A_30 : vector<64x128xi1>
      %jit3A = arith.constant 0.000000e+00 : f32
      %broadcast_in_dim3A_32 = vector.broadcast %jit3A : f32 to vector<64x128xf32>
      %select_n3A = arith.select %is_finite3A_31, %get3A_29, %broadcast_in_dim3A_32 : vector<64x128xi1>, vector<64x128xf32>
      %broadcast_in_dim3A_33 = vector.shape_cast %get3A_3 : vector<1000xi32> to vector<1000x1xi32>
      %iota3A_34 = tpu.iota {dimensions = array<i32: 1>} : vector<1000x64xi32>
      %eq3A_35 = vector.broadcast %broadcast_in_dim3A_33 : vector<1000x1xi32> to vector<1000x64xi32>
      %eq3A_36 = arith.cmpi eq, %eq3A_35, %iota3A_34 : vector<1000x64xi32>
      %convert_element_type3A_37 = arith.extui %eq3A_36 : vector<1000x64xi1> to vector<1000x64xi32>
      %convert_element_type3A_38 = arith.sitofp %convert_element_type3A_37 : vector<1000x64xi32> to vector<1000x64xf32>
      %convert_element_type3A_39 = arith.extui %eq3A_4 : vector<64x1000xi1> to vector<64x1000xi32>
      %convert_element_type3A_40 = arith.sitofp %convert_element_type3A_39 : vector<64x1000xi32> to vector<64x1000xf32>
      %dot_general3A = arith.constant dense<0.000000e+00> : vector<1000x128xf32>
      %dot_general3A_41 = tpu.matmul %convert_element_type3A_38, %select_n3A, %dot_general3A {dimension_numbers = #tpu.dot_dimension_numbers<[1], [0], [0], [1], [0, 0, 1, 1], [], []>, transpose_lhs_hint = false} : vector<1000x64xf32>, vector<64x128xf32>, vector<1000x128xf32> -> vector<1000x128xf32>
      %sub3A = vector.broadcast %add3A_26 : vector<1000x1xf32> to vector<1000x128xf32>
      %sub3A_42 = arith.subf %sub3A, %dot_general3A_41 : vector<1000x128xf32>
      %exp3A = math.exp %sub3A_42 : vector<1000x128xf32>
      %dot_general3A_43 = arith.constant dense<0.000000e+00> : vector<64x128xf32>
      %dot_general3A_44 = tpu.matmul %convert_element_type3A_40, %exp3A, %dot_general3A_43 {dimension_numbers = #tpu.dot_dimension_numbers<[1], [0], [0], [1], [0, 0, 1, 1], [], []>, transpose_lhs_hint = false} : vector<64x1000xf32>, vector<1000x128xf32>, vector<64x128xf32> -> vector<64x128xf32>
      %mul3A_45 = arith.mulf %get3A_7, %exp3A : vector<1000x128xf32>
      %dot_general3A_46 = arith.constant dense<0.000000e+00> : vector<64x128xf32>
      %dot_general3A_47 = tpu.matmul %convert_element_type3A_40, %mul3A_45, %dot_general3A_46 {dimension_numbers = #tpu.dot_dimension_numbers<[1], [0], [0], [1], [0, 0, 1, 1], [], []>, transpose_lhs_hint = false} : vector<64x1000xf32>, vector<1000x128xf32>, vector<64x128xf32> -> vector<64x128xf32>
      %eq3A_48 = arith.constant 0 : i32
      %eq3A_49 = arith.cmpi eq, %arg1, %eq3A_48 : i32
      %convert_element_type3A_50 = arith.extui %eq3A_49 : i1 to i32
      %cond3A_51 = arith.constant 0 : i32
      %cond3A_52 = arith.cmpi ne, %convert_element_type3A_50, %cond3A_51 : i32
      scf.if %cond3A_52 {
        %swap3A = arith.constant 0 : index
        %swap3A_62 = arith.constant 0 : index
        %swap3A_63 = vector.load %arg8[%swap3A, %swap3A_62] : memref<64x128xf32, #tpu.memory_space<vmem>>, vector<64x128xf32>
        tpu.vector_store %arg8[%swap3A, %swap3A_62], %dot_general3A_44 {strides = array<i32>} : memref<64x128xf32, #tpu.memory_space<vmem>>, vector<64x128xf32>,
        %swap3A_64 = arith.constant 0 : index
        %swap3A_65 = arith.constant 0 : index
        %swap3A_66 = vector.load %arg9[%swap3A_64, %swap3A_65] : memref<64x128xf32, #tpu.memory_space<vmem>>, vector<64x128xf32>
        tpu.vector_store %arg9[%swap3A_64, %swap3A_65], %dot_general3A_47 {strides = array<i32>} : memref<64x128xf32, #tpu.memory_space<vmem>>, vector<64x128xf32>,
      } else {
      }
      %gt3A = arith.constant 0 : i32
      %gt3A_53 = arith.cmpi sgt, %arg1, %gt3A : i32
      %convert_element_type3A_54 = arith.extui %gt3A_53 : i1 to i32
      %cond3A_55 = arith.constant 0 : i32
      %cond3A_56 = arith.cmpi ne, %convert_element_type3A_54, %cond3A_55 : i32
      scf.if %cond3A_56 {
        %get3A_62 = arith.constant 0 : index
        %get3A_63 = arith.constant 0 : index
        %get3A_64 = vector.load %arg8[%get3A_62, %get3A_63] : memref<64x128xf32, #tpu.memory_space<vmem>>, vector<64x128xf32>
        %add3A_65 = arith.addf %get3A_64, %dot_general3A_44 : vector<64x128xf32>
        %swap3A = arith.constant 0 : index
        %swap3A_66 = arith.constant 0 : index
        %swap3A_67 = vector.load %arg8[%swap3A, %swap3A_66] : memref<64x128xf32, #tpu.memory_space<vmem>>, vector<64x128xf32>
        tpu.vector_store %arg8[%swap3A, %swap3A_66], %add3A_65 {strides = array<i32>} : memref<64x128xf32, #tpu.memory_space<vmem>>, vector<64x128xf32>,
        %get3A_68 = arith.constant 0 : index
        %get3A_69 = arith.constant 0 : index
        %get3A_70 = vector.load %arg9[%get3A_68, %get3A_69] : memref<64x128xf32, #tpu.memory_space<vmem>>, vector<64x128xf32>
        %add3A_71 = arith.addf %get3A_70, %dot_general3A_47 : vector<64x128xf32>
        %swap3A_72 = arith.constant 0 : index
        %swap3A_73 = arith.constant 0 : index
        %swap3A_74 = vector.load %arg9[%swap3A_72, %swap3A_73] : memref<64x128xf32, #tpu.memory_space<vmem>>, vector<64x128xf32>
        tpu.vector_store %arg9[%swap3A_72, %swap3A_73], %add3A_71 {strides = array<i32>} : memref<64x128xf32, #tpu.memory_space<vmem>>, vector<64x128xf32>,
      } else {
      }
      %eq3A_57 = arith.constant 9 : i32
      %eq3A_58 = arith.cmpi eq, %arg1, %eq3A_57 : i32
      %convert_element_type3A_59 = arith.extui %eq3A_58 : i1 to i32
      %cond3A_60 = arith.constant 0 : i32
      %cond3A_61 = arith.cmpi ne, %convert_element_type3A_59, %cond3A_60 : i32
      scf.if %cond3A_61 {
        %get3A_62 = arith.constant 0 : index
        %get3A_63 = arith.constant 0 : index
        %get3A_64 = vector.load %arg9[%get3A_62, %get3A_63] : memref<64x128xf32, #tpu.memory_space<vmem>>, vector<64x128xf32>
        %get3A_65 = arith.constant 0 : index
        %get3A_66 = arith.constant 0 : index
        %get3A_67 = vector.load %arg8[%get3A_65, %get3A_66] : memref<64x128xf32, #tpu.memory_space<vmem>>, vector<64x128xf32>
        %add3A_68 = arith.constant 1.000000e-16 : f32
        %add3A_69 = vector.broadcast %add3A_68 : f32 to vector<64x128xf32>
        %add3A_70 = arith.addf %get3A_67, %add3A_69 : vector<64x128xf32>
        %div3A = arith.divf %get3A_64, %add3A_70 : vector<64x128xf32>
        %swap3A = arith.constant 0 : index
        %swap3A_71 = arith.constant 0 : index
        %swap3A_72 = vector.load %arg6[%swap3A, %swap3A_71] : memref<64x128xf32, #tpu.memory_space<vmem>>, vector<64x128xf32>
        tpu.vector_store %arg6[%swap3A, %swap3A_71], %div3A {strides = array<i32>} : memref<64x128xf32, #tpu.memory_space<vmem>>, vector<64x128xf32>,
      } else {
      }
    } else {
    }
    return
  }
  func.func @transform_0(%arg0: i32, %arg1: i32) -> (i32, i32) {
    %c0_i32 = arith.constant 0 : i32
    %c0_i32_0 = arith.constant 0 : i32
    return %arg1, %c0_i32 : i32, i32
  }
  func.func @transform_1(%arg0: i32, %arg1: i32) -> (i32, i32, i32) {
    %c0_i32 = arith.constant 0 : i32
    %c0_i32_0 = arith.constant 0 : i32
    %c0_i32_1 = arith.constant 0 : i32
    return %arg1, %c0_i32, %c0_i32_0 : i32, i32, i32
  }
  func.func @transform_2(%arg0: i32, %arg1: i32) -> (i32, i32) {
    %c0_i32 = arith.constant 0 : i32
    %c0_i32_0 = arith.constant 0 : i32
    %c0_i32_1 = arith.constant 0 : i32
    return %c0_i32, %c0_i32_0 : i32, i32
  }
  func.func @transform_3(%arg0: i32, %arg1: i32) -> (i32, i32) {
    %c0_i32 = arith.constant 0 : i32
    %c0_i32_0 = arith.constant 0 : i32
    %c0_i32_1 = arith.constant 0 : i32
    return %c0_i32, %c0_i32_0 : i32, i32
  }
  func.func @transform_4(%arg0: i32, %arg1: i32) -> (i32, i32) {
    %c0_i32 = arith.constant 0 : i32
    %c0_i32_0 = arith.constant 0 : i32
    %c0_i32_1 = arith.constant 0 : i32
    return %c0_i32, %c0_i32_0 : i32, i32
  }
}

</mosaic_0001>

<sc_bundles>
// kernel: gather_offload_async_start.1
scs
__scs_entry_jumppad:
0x0: {  	(pc) =	sbr.rel $0x88, $3  }
0x1: {  	(tag) =	ssettag $0x0;
	lr =	simm.s32 $0x1  }
0x2: {  	[smem:$0x3F7E] =	sst lr;
	_ =	strace $0xD0000000  }
0x3: {  	_ = 	snop  }
0x4: {  	_ = 	snop  }
0x5: {  	_ = 	snop  }
0x6: {  	_ = 	snop  }
0x7: {  	_ = 	snop  }
__scs_overlays_trampoline_lowered:
0x8: {  	[smem:$0x3F8D] =	sst s0  }
0x9: {  	[smem:$0x3F8E] =	sst s1  }
0xa: {  	[smem:$0x3F8F] =	sst s2  }
0xb: {  	[smem:$0x3F90] =	sst s3  }
0xc: {  	[smem:$0x3F91] =	sst s4  }
0xd: {  	[smem:$0x3F92] =	sst s5  }
0xe: {  	[smem:$0x3F93] =	sst s6  }
0xf: {  	[smem:$0x3F94] =	sst s7  }
0x10: {  	[smem:$0x3F95] =	sst s8  }
0x11: {  	[smem:$0x3F96] =	sst s9;
	s0 =	simm.s32 @!p0 $0x0  }
0x12: {  	s1 =	sld [smem:$0x3F7C];
	s0 =	simm.s32 @p0 $0x1  }
0x13: {  	[smem:$0x3F97] =	sst s0;
	s0 =	simm.s32 @!p1 $0x0  }
0x14: {  	s2 =	sld [smem:$0x3F7B];
	s0 =	simm.s32 @p1 $0x1  }
0x15: {  	[smem:$0x3F98] =	sst s0;
	s0 =	simm.s32 @!p2 $0x0  }
0x16: {  	s3 =	sld [smem:$0x3FDB];
	s0 =	simm.s32 @p2 $0x1  }
0x17: {  	s4 =	simm.s32 $0x1BF5;
	[smem:$0x3F9A] =	sst s0  }
0x18: {  	s0 =	sld [smem:$0x3F7D];
	_ =	swait.ge [sflag:s4], $0x0  }
0x19: {  	s7 =	sld [smem:$0x3F7E]  }
0x1a: {  	s8 =	sadd.s32 $0xFFFFE003, lr  }
0x1b: {  	s9 =	sadd.s32 $0xFFFFFEF7, lr;
	s5 =	simm.s32 $0xFFFFFFFF;
	p2 =	slt.u32 s8, $0xFFFFF086  }
0x1c: {  	p1 =	slt.u32 s9, $0xF7A;
	s5 =	simm.s32 @!p2 $0x0  }
0x1d: {  	s5 =	simm.s32 @p1 $0x1;
	p0 =	seq.s32 s7, s2  }
0x1e: {  	s7 =	smul.u32 @!p0 $0xF7A, s2;
	p2 =	seq.s32 @!p0 s5, $0x0  }
0x1f: {  	s9 =	smul.u32 $0xF7A, s1;
	s8 =	simm.s32 @!p0 $0x1BF5;
	p2 =	por !p2, p0  }
0x20: {  	[sflag:s8] =	ssyncset.s32 @!p0 $0xFFFFF086;
	s6 =	sadd.s32 @!p0 s3, s7;
	s7 =	simm.s32 @!p0 $0x108  }
0x21: {  	s3 =	sadd.s32 s3, s9;
	s6 =	sadd.s32 @!p0 $0x88, s6;
	s7 =	simm.s32 @p2 $0x1082  }
0x22: {  	[simem:s7], [sflag:s8] =	dma.local @!p0 [hbm:s6], $0xF7A  }
0x23: {  	s9 =	sor.u32 $0xD0000000, s2;
	s6 =	simm.s32 $0x108;
	_ =	swait.ge @!p0 [sflag:s8], $0x0  }
0x24: {  	s3 =	sadd.s32 $0x88, s3;
	s6 =	simm.s32 @!p1 $0x1082;
	[sflag:s4] =	ssyncset.s32 $0xFFFFF086  }
0x25: {  	[simem:s6], [sflag:s4] =	dma.local [hbm:s3], $0xF7A  }
0x26: {  	[smem:$0x3F7E] =	sst s1;
	(tag) =	ssettag s2;
	_ =	strace s9  }
0x27: {  	s1 =	sld [smem:$0x3F8E]  }
0x28: {  	s2 =	sld [smem:$0x3F8F]  }
0x29: {  	s4 =	sld [smem:$0x3F91]  }
0x2a: {  	p0 =	seq.s32 s5, $0x0;
	s5 =	sld [smem:$0x3F92]  }
0x2b: {  	s6 =	sld [smem:$0x3F93]  }
0x2c: {  	s7 =	sld [smem:$0x3F94]  }
0x2d: {  	s3 =	simm.s32 $0x108;
	s8 =	sld [smem:$0x3F95]  }
0x2e: {  	s3 =	simm.s32 @!p0 $0x1082;
	s9 =	sld [smem:$0x3F96]  }
0x2f: {  	lr =	sadd.s32 s0, s3;
	s0 =	sld [smem:$0x3F8D]  }
0x30: {  	s3 =	sld [smem:$0x3F90]  }
0x31: {  	[smem:$0x3F99] =	sst s10  }
0x32: {  	s10 =	sld [smem:$0x3F97];
	_ =	sdelay $0x3  }
0x33: {  	p0 =	seq.s32 s10, $0x1;
	s10 =	sld [smem:$0x3F99];
	_ =	sdelay $0x3  }
0x34: {  	[smem:$0x3F99] =	sst s10  }
0x35: {  	s10 =	sld [smem:$0x3F98];
	_ =	sdelay $0x3  }
0x36: {  	p1 =	seq.s32 s10, $0x1;
	s10 =	sld [smem:$0x3F99];
	_ =	sdelay $0x3  }
0x37: {  	[smem:$0x3F99] =	sst s10  }
0x38: {  	s10 =	sld [smem:$0x3F9A]  }
0x39: {  	_ = 	snop;
	(pc) =	sbr.ind lr, $3  }
0x3a: {  	_ = 	snop  }
0x3b: {  	_ = 	snop  }
0x3c: {  	p2 =	seq.s32 s10, $0x1;
	s10 =	sld [smem:$0x3F99]  }
0x3d: {  	_ =	shalt  }
0x3e: {  	_ =	shalt  }
0x3f: {  	_ =	shalt  }
0x40: {  	_ =	shalt  }
0x41: {  	_ =	shalt  }
0x42: {  	_ =	shalt  }
0x43: {  	_ =	shalt  }
0x44: {  	_ =	shalt  }
0x45: {  	_ =	shalt  }
0x46: {  	_ =	shalt  }
0x47: {  	_ =	shalt  }
0x48: {  	_ =	shalt  }
0x49: {  	_ =	shalt  }
0x4a: {  	_ =	shalt  }
0x4b: {  	_ =	shalt  }
0x4c: {  	_ =	shalt  }
0x4d: {  	_ =	shalt  }
0x4e: {  	_ =	shalt  }
0x4f: {  	_ =	shalt  }
0x50: {  	_ =	shalt  }
0x51: {  	_ =	shalt  }
0x52: {  	_ =	shalt  }
0x53: {  	_ =	shalt  }
0x54: {  	_ =	shalt  }
0x55: {  	_ =	shalt  }
0x56: {  	_ =	shalt  }
0x57: {  	_ =	shalt  }
0x58: {  	_ =	shalt  }
0x59: {  	_ =	shalt  }
0x5a: {  	_ =	shalt  }
0x5b: {  	_ =	shalt  }
0x5c: {  	_ =	shalt  }
0x5d: {  	_ =	shalt  }
0x5e: {  	_ =	shalt  }
0x5f: {  	_ =	shalt  }
0x60: {  	_ =	shalt  }
0x61: {  	_ =	shalt  }
0x62: {  	_ =	shalt  }
0x63: {  	_ =	shalt  }
0x64: {  	_ =	shalt  }
0x65: {  	_ =	shalt  }
0x66: {  	_ =	shalt  }
0x67: {  	_ =	shalt  }
0x68: {  	_ =	shalt  }
0x69: {  	_ =	shalt  }
0x6a: {  	_ =	shalt  }
0x6b: {  	_ =	shalt  }
0x6c: {  	_ =	shalt  }
0x6d: {  	_ =	shalt  }
0x6e: {  	_ =	shalt  }
0x6f: {  	_ =	shalt  }
0x70: {  	_ =	shalt  }
0x71: {  	_ =	shalt  }
0x72: {  	_ =	shalt  }
0x73: {  	_ =	shalt  }
0x74: {  	_ =	shalt  }
0x75: {  	_ =	shalt  }
0x76: {  	_ =	shalt  }
0x77: {  	_ =	shalt  }
0x78: {  	_ =	shalt  }
0x79: {  	_ =	shalt  }
0x7a: {  	_ =	shalt  }
0x7b: {  	_ =	shalt  }
0x7c: {  	_ =	shalt  }
0x7d: {  	_ =	shalt  }
0x7e: {  	_ =	shalt  }
0x7f: {  	_ =	shalt  }
0x80: {  	_ =	shalt  }
0x81: {  	_ =	shalt  }
0x82: {  	_ =	shalt  }
0x83: {  	_ =	shalt  }
0x84: {  	_ =	shalt  }
0x85: {  	_ =	shalt  }
0x86: {  	_ =	shalt  }
0x87: {  	_ =	shalt  }
.Lfunc_end0:
.L_simem_size_0:
called_computation.1_lowered:
.L_overlay_start_0:
0x88: {  	s2 =	sld [smem:$0x3FD9]  }
0x89: {  	s3 =	sld [smem:$0x3FFE];
	_ =	sdelay $0x1  }
0x8a: {  	s1 =	srdreg.scid  }
0x8b: {  	s0 =	sand.u32 $0x1, s1  }
0x8c: {  	s16 =	sshll.u32 s0, $0xA;
	s2 =	sadd.s32 s3, s2  }
0x8d: {  	s2 =	sadd.s32 s2, s16  }
0x8e: {  	[smem:$0x3FA5] =	sst s2  }
0x8f: {  	_ = 	snop  }
0x90: {  	(tm) =	ssettm $0x1  }
0x91: {  	s17 =	sld [smem:$0x3FFB];
	_ =	sdelay $0x3  }
0x92: {  	_ =	strace s17  }
0x93: {  	s2 =	sld [smem:$0x3FFC];
	_ =	sdelay $0x3  }
0x94: {  	_ =	strace s2  }
0x95: {  	s2 =	sld [smem:$0x3FFD];
	_ =	sdelay $0x3  }
0x96: {  	_ =	strace s2  }
0x97: {  	_ =	strace $0x8FFFFFFF  }
0x98: {  	s18 =	sld [smem:$0x3FDB];
	_ =	sdelay $0x1  }
0x99: {  	s19 =	simm.s32 $_scs_section_size  }
0x9a: {  	s4 =	simm.s32 $_size__tile_overlayer_lowered;
	s5 =	simm.s32 $_tile_overlayer_lowered  }
0x9b: {  	s22 =	simm.s32 $0x1BFF;
	s21 =	sshll.u32 s5, $0x1;
	s2 =	sadd.s32 s19, s18  }
0x9c: {  	s6 =	simm.s32 $0x0;
	s20 =	sshll.u32 s4, $0x1;
	s4 =	sadd.s32 s21, s2  }
0x9d: {  	[timem:s6], [sflag:s22] =	dma.local [hbm:s4], s20  }
0x9e: {  	_ =	swait.ge [sflag:s22], s20  }
0x9f: {  	s3 =	ssub.s32 $0x0, s20;
	[sflag:s22] =	ssyncset.done $0x0  }
0xa0: {  	[sflag:s22] =	ssyncadd.s32 s3;
	_ =	sdelay $0x1  }
0xa1: {  	s23 =	simm.s32 $0x1B8B  }
0xa2: {  	_ =	swait.ge [sflag:s23], $0x1  }
0xa3: {  	[sflag:s23] =	ssyncset.done $0x0  }
0xa4: {  	s25 =	simm.s32 $0x1B8E;
	s24 =	sld [smem:$0x3FFE];
	[sflag:s23] =	ssyncadd.s32 $0xFFFFFFFF  }
0xa5: {  	s26 =	simm.s32 $execute0_lowered;
	[smem:$0x3FD2] =	sst s25  }
0xa6: {  	s4 =	sshll.u32 s26, $0x1;
	_ =	strace $0x80000046;
	[dreg:$0x1] =	wrdreg $0xFFFFFFFF  }
0xa7: {  	s28 =	simm.s32 $_size_execute0_lowered;
	s2 =	sadd.s32 s2, s4;
	[dreg:$0x0] =	wrdreg $0x0  }
0xa8: {  	s4 =	sshll.u32 s28, $0x1;
	[dreg:$0x2] =	wrdreg s2  }
0xa9: {  	[dreg:$0x3] =	wrdreg s4  }
0xaa: {  	[dreg:$0x4] =	wrdreg $0xC0  }
0xab: {  	_ =	task [dreg:s6], $0x5FFFF  }
0xac: {  	[dreg:$0x1] =	wrdreg $0xFFFFFFFF  }
0xad: {  	[dreg:$0x0] =	wrdreg $0x60  }
0xae: {  	[dreg:$0x2] =	wrdreg s24  }
0xaf: {  	[dreg:$0x3] =	wrdreg $0x9  }
0xb0: {  	_ =	task.clear_ibuf [dreg:s6], $0x4FFFF;
	_ =	strace $0x90000046  }
0xb1: {  	s29 =	simm.s32 $0x9;
	_ =	strace $0x80000048  }
0xb2: {  	_ =	swait.ge [sflag:s29], $0x1  }
0xb3: {  	[sflag:s29] =	ssyncadd.s32 $0xFFFFFFFF  }
0xb4: {  	_ =	strace $0x90000048  }
0xb5: {  	_ =	sfence  }
0xb6: {  	s30 =	sld [smem:$0x0];
	_ =	sdelay $0x2  }
0xb7: {  	s31 =	sshll.u32 s1, $0xD;
	s1 =	sshrl.u32 s1, $0x2  }
0xb8: {  	s3 =	sand.u32 $0x4000, s31;
	s1 =	sadd.s32 s1, s30  }
0xb9: {  	s0 =	sor.u32 s3, s0;
	s1 =	sshll.u32 s1, $0x11  }
0xba: {  	s0 =	sor.u32 s1, s0  }
0xbb: {  	s0 =	sadd.s32 $0x8F2B, s0  }
0xbc: {  	[sflag:s0] =	ssyncadd.remote.s32 $0x1  }
0xbd: {  	_ =	sfence.sel $0xFFFF  }
0xbe: {  	[dreg:$0x0] =	wrdreg $0xFFFFFFFF;
	(pc) =	sbr.abs _section_cstart, $3  }
0xbf: {  	[dreg:$0x1] =	wrdreg $0xFFFFFFFF  }
0xc0: {  	_ =	task.clear_ibuf [dreg:s6], $0x2FFFF;
	_ =	strace $0x9FFFFFFF  }
0xc1: {  	(tm) =	ssettm $0x7FFFFFFF  }
tec
execute0_lowered:
.L_overlay_start_1:
0x0: {  	(tag) =	ssettag $0x1  }
0x1: {  	s8 =	rddreg [dreg:$0x0]  }
0x2: {  	s0 =	rddreg [dreg:$0x1];
	_ =	strace $0x80000047;
	s1 =	stileid.u32  }
0x3: {  	s3 =	srdreg.scid;
	s4 =	simm.s32 $0x1;
	s7 =	simm.s32 $0x1  }
0x4: {  	s9 =	simm.s32 $0x1;
	s10 =	simm.s32 $0x3;
	s13 =	simm.s32 $0x0  }
0x5: {  	s12 =	simm.s32 $0x0;
	s5 =	sand.u32 $0x1, s3;
	s6 =	sshll.u32 s1, $0x1  }
0x6: {  	s2 =	sadd.s32 $0x13000, s8;
	s3 =	sadd.s32 $0x1CE00, s8;
	s5 =	sor.u32 s6, s5  }
.Ltmp0:
0x7: {  	[sflag:s4] =	ssyncpa.u1 $0x0;
	p0 =	slt.u32 s5, $0x9;
	(pc) =	sbr.rel .LBB2_1-.Ltmp0, $4  }
0x8: {  	s6 =	simm.s32 $0x2;
	s7 =	simm.s32 @!p0 $0x0;
	p0 =	sne.s32 s5, $0x8  }
0x9: {  	[sflag:s6] =	ssyncpa.u1 $0x0;
	s5 =	smul.u32 $0x1F40, s5;
	s9 =	simm.s32 @!p0 $0x0  }
0xa: {  	s8 =	sadd.s32 $0x26C00, s8;
	[sflag:s10] =	ssyncpa.u1 $0x0;
	s7 =	sadd.s32 s9, s7  }
0xb: {  	vm0 =	vmmov $0xffff;
	s10 =	simm.s32 $0x0;
	s11 =	smov.u32 s5;
	s9 =	sadd.s32 $0x1, s7  }
.LBB2_4:
0xc: {  	v2 =	vnsel vm1, $0x0, v2  }
0xd: {  	vm1 =	vgt.s32 v0, $0x0;
	v2 =	vmin.u32 v2, $0x4E1FF  }
0xe: {  	v0 =	vnsel vm1, $0x0, v0  }
0xf: {  	v0 =	vmin.u32 v0, $0x4E1FF  }
0x10: {  	[tilespmem:s18], [sflag:$0x1] =	stream.indirect_vreg.gather [hbm4b:s2+s10], $0x1, v1, vm0, $0x4038;
	[tilespmem:$0x7D00] =	vst v63  }
0x11: {  	(ifvalue) =	ssetifvalue $0x7FFFFFFF  }
0x12: {  	[tilespmem:s15], [sflag:$0x1] =	stream.indirect_vreg.gather [hbm4b:s2+s10], $0x1, v2, vm0, $0x4038;
	[tilespmem:$0x7D00] =	vst v63  }
0x13: {  	s29 =	sadd.s32 $0x10, s15;
	(ifvalue) =	ssetifvalue $0x7FFFFFFF  }
0x14: {  	[tilespmem:s29], [sflag:$0x1] =	stream.indirect_vreg.gather [hbm4b:s2+s10], $0x1, v0, vm0, $0x4038;
	[tilespmem:$0x7D00] =	vst v63  }
0x15: {  	_ =	swait.ge [sflag:s4], $0x1F40  }
0x16: {  	s30 =	sshrl.u32 s13, $0x3;
	[sflag:s4] =	ssyncset.done $0x0  }
0x17: {  	s31 =	sand.u32 $0x7, s13;
	s15 =	sadd.s32 s8, s30;
	[sflag:s4] =	ssyncadd.s32 $0xFFFFE0C0  }
0x18: {  	[hbm4b:s15+s31] =	stream.linear.scatter [tilespmem:s14], [sflag:$0x3], $0x1F40, $0x38;
	[tilespmem:$0x7D00] =	vst v63  }
.LBB2_5:
0x19: {  	s15 =	sadd.s32 $0x3E800, s11  }
0x1a: {  	p1 =	sgt.s32 s15, $0x4E1FF  }
0x1b: {  	s15 =	smov.u32 @p1 s5;
	p1 =	sne.s32 s12, s9  }
.Ltmp1:
0x1c: {  	p0 =	slt.u32 s12, $0x2;
	(pc) =	sbr.rel @!p1 .LBB2_6-.Ltmp1, $4  }
0x1d: {  	s14 =	simm.s32 @!p0 $0x3  }
0x1e: {  	_ =	swait.ge @!p0 [sflag:s14], $0x1F40  }
0x1f: {  	s16 =	sadd.s32 $0x1, s12;
	s13 =	smov.u32 s11;
	[sflag:s14] =	ssyncset.done @!p0 $0x0  }
0x20: {  	s12 =	smov.u32 s16;
	s11 =	smov.u32 s15;
	[sflag:s14] =	ssyncadd.s32 @!p0 $0xFFFFE0C0  }
.LBB2_1:
0x21: {  	p0 =	sge.u32 s12, s7  }
0x22: {  	s14 =	sxor.u32 @!p0 $0x1, s12  }
0x23: {  	s14 =	smul.u32 @!p0 $0x7D00, s14  }
0x24: {  	s31 =	sadd.s32 $0xFFFFFFFF, s12;
	s15 =	sshrl.u32 @!p0 s11, $0x3  }
0x25: {  	s16 =	sand.u32 @!p0 $0x7, s11;
	s15 =	sadd.s32 @!p0 s3, s15;
	s14 =	sshra.s32 @!p0 s14, $0x2  }
0x26: {  	[tilespmem:s14], [sflag:$0x2] =	stream.linear.gather @!p0 [hbm4b:s15+s16], $0x1F40, $0x38;
	[tilespmem:$0x7D00] =	vst v63  }
0x27: {  	p0 =	sge.u32 s31, s7  }
.Ltmp2:
0x28: {  	_ = 	snop;
	(pc) =	sbr.rel @p0 .LBB2_5-.Ltmp2, $1  }
0x29: {  	_ =	sdelay $0x3  }
0x2a: {  	s14 =	sand.u32 $0x1, s12  }
0x2b: {  	_ =	swait.ge [sflag:s6], $0x1F40;
	p0 =	seq.s32 s14, $0x1;
	s14 =	simm.s32 $0x1F40  }
0x2c: {  	[sflag:s6] =	ssyncset.done $0x0;
	s14 =	simm.s32 @!p0 $0x0  }
0x2d: {  	[sflag:s6] =	ssyncadd.s32 $0xFFFFE0C0;
	(ifvalue) =	ssetifvalue $0x7FFFFFFF;
	v0 =	vld.msk [tilespmem:s14+$0x0 ss:$0x1], $0xffff;
	_ =	sdelay $0x4  }
0x2e: {  	s15 =	sadd.s32 $0x10, s14;
	vm1 =	vgt.s32 v0, $0x0  }
0x2f: {  	v2 =	vld.msk [tilespmem:s15+$0x0 ss:$0x1], $0xffff;
	v1 =	vnsel vm1, $0x0, v0  }
0x30: {  	v1 =	vmin.u32 v1, $0x4E1FF;
	_ =	sdelay $0x2  }
0x31: {  	s17 =	simm.s32 $0x20;
	s14 =	sadd.s32 $0x3E80, s14;
	s16 =	sadd.s32 $0x10, s15  }
0x32: {  	s15 =	sadd.s32 $0x10, s14;
	s18 =	smov.u32 s14;
	v0 =	vld.msk [tilespmem:s16+$0x0 ss:$0x1], $0xffff;
	vm1 =	vgt.s32 v2, $0x0;
	(ifvalue) =	ssetifvalue $0x7FFFFFFF  }
.LBB2_3:
0x33: {  	[tilespmem:s18], [sflag:$0x1] =	stream.indirect_vreg.gather [hbm4b:s2+s10], $0x1, v1, vm0, $0x4038;
	[tilespmem:$0x7D00] =	vst v63  }
0x34: {  	s17 =	sadd.s32 $0x10, s17  }
0x35: {  	v2 =	vnsel vm1, $0x0, v2;
	p0 =	slt.u32 s17, $0x1F30  }
.Ltmp3:
0x36: {  	s18 =	smov.u32 s15;
	v1 =	vmin.u32 v2, $0x4E1FF;
	(pc) =	sbr.rel @p0 .LBB2_3-.Ltmp3, $3  }
0x37: {  	_ =	sdelay $0x1  }
0x38: {  	s16 =	sadd.s32 $0x10, s16  }
0x39: {  	vm1 =	vgt.s32 v0, $0x0;
	s15 =	sadd.s32 $0x10, s15;
	v2 =	vmov v0;
	(ifvalue) =	ssetifvalue $0x7FFFFFFF;
	v0 =	vld.msk [tilespmem:s16+$0x0 ss:$0x1], $0xffff  }
.Ltmp4:
0x3a: {  	_ = 	snop;
	(pc) =	sbr.rel .LBB2_4-.Ltmp4, $1  }
0x3b: {  	_ =	sdelay $0x3  }
.LBB2_6:
0x3c: {  	_ =	sfence.sel $0x180000  }
0x3d: {  	s2 =	simm.s32 $0x2;
	[bflag:$0x0] =	sbarrier.arrive $0xFFFF  }
0x3e: {  	s30 =	simm.s32 $0x3;
	[sflag:s2] =	ssyncpa.u1 $0x1  }
0x3f: {  	s31 =	simm.s32 $0x1;
	[sflag:s30] =	ssyncpa.u1 $0x1  }
0x40: {  	[sflag:s31] =	ssyncpa.u1 $0x1  }
0x41: {  	p0 =	sne.s32 s1, $0x0;
	_ =	strace $0x90000047  }
0x42: {  	s0 =	sadd.s32 @!p0 $0x100000, s0;
	[bflag:$0x2] =	sbarrier.arrive $0xFFFF  }
0x43: {  	[sflag:s0] =	ssyncadd.tile.s32 @!p0 $0x1;
	_ =	shalt  }
.Lfunc_end2:
_tile_overlayer_lowered:
.L_overlay_start_2:
0x44: {  	(tag) =	ssettag $0x2  }
0x45: {  	s0 =	rddreg [dreg:$0x0];
	s2 =	stileid.u32  }
0x46: {  	s1 =	rddreg [dreg:$0x1];
	p0 =	sne.s32 s2, $0x0  }
0x47: {  	s3 =	rddreg [dreg:$0x2];
	[bflag:$0x3] =	sbarrier.arrive $0xFFFF;
	s2 =	simm.s32 @!p0 $0x1C01  }
0x48: {  	[timem:s3], [sflag:s2] =	dma.local @!p0 [hbm:s0], s1  }
0x49: {  	s0 =	simm.s32 @!p0 $0x1  }
0x4a: {  	_ =	swait.ge @!p0 [sflag:s0], s1  }
0x4b: {  	s1 =	ssub.s32 @!p0 $0x0, s1;
	[sflag:s0] =	ssyncset.done @!p0 $0x0  }
0x4c: {  	[sflag:s0] =	ssyncadd.s32 @!p0 s1  }
0x4d: {  	[bflag:$0x3] =	sbarrier.arrive $0xFFFF  }
0x4e: {  	_ =	shalt  }

// kernel: gather_offload_async_start.2
scs
__scs_entry_jumppad:
0x0: {  	(pc) =	sbr.rel $0x88, $3  }
0x1: {  	(tag) =	ssettag $0x0;
	lr =	simm.s32 $0x1  }
0x2: {  	[smem:$0x3F7E] =	sst lr;
	_ =	strace $0xD0000000  }
0x3: {  	_ = 	snop  }
0x4: {  	_ = 	snop  }
0x5: {  	_ = 	snop  }
0x6: {  	_ = 	snop  }
0x7: {  	_ = 	snop  }
__scs_overlays_trampoline_lowered:
0x8: {  	[smem:$0x3F8D] =	sst s0  }
0x9: {  	[smem:$0x3F8E] =	sst s1  }
0xa: {  	[smem:$0x3F8F] =	sst s2  }
0xb: {  	[smem:$0x3F90] =	sst s3  }
0xc: {  	[smem:$0x3F91] =	sst s4  }
0xd: {  	[smem:$0x3F92] =	sst s5  }
0xe: {  	[smem:$0x3F93] =	sst s6  }
0xf: {  	[smem:$0x3F94] =	sst s7  }
0x10: {  	[smem:$0x3F95] =	sst s8  }
0x11: {  	[smem:$0x3F96] =	sst s9;
	s0 =	simm.s32 @!p0 $0x0  }
0x12: {  	s1 =	sld [smem:$0x3F7C];
	s0 =	simm.s32 @p0 $0x1  }
0x13: {  	[smem:$0x3F97] =	sst s0;
	s0 =	simm.s32 @!p1 $0x0  }
0x14: {  	s2 =	sld [smem:$0x3F7B];
	s0 =	simm.s32 @p1 $0x1  }
0x15: {  	[smem:$0x3F98] =	sst s0;
	s0 =	simm.s32 @!p2 $0x0  }
0x16: {  	s3 =	sld [smem:$0x3FDB];
	s0 =	simm.s32 @p2 $0x1  }
0x17: {  	s4 =	simm.s32 $0x1BF5;
	[smem:$0x3F9A] =	sst s0  }
0x18: {  	s0 =	sld [smem:$0x3F7D];
	_ =	swait.ge [sflag:s4], $0x0  }
0x19: {  	s7 =	sld [smem:$0x3F7E]  }
0x1a: {  	s8 =	sadd.s32 $0xFFFFE003, lr  }
0x1b: {  	s9 =	sadd.s32 $0xFFFFFEF7, lr;
	s5 =	simm.s32 $0xFFFFFFFF;
	p2 =	slt.u32 s8, $0xFFFFF086  }
0x1c: {  	p1 =	slt.u32 s9, $0xF7A;
	s5 =	simm.s32 @!p2 $0x0  }
0x1d: {  	s5 =	simm.s32 @p1 $0x1;
	p0 =	seq.s32 s7, s2  }
0x1e: {  	s7 =	smul.u32 @!p0 $0xF7A, s2;
	p2 =	seq.s32 @!p0 s5, $0x0  }
0x1f: {  	s9 =	smul.u32 $0xF7A, s1;
	s8 =	simm.s32 @!p0 $0x1BF5;
	p2 =	por !p2, p0  }
0x20: {  	[sflag:s8] =	ssyncset.s32 @!p0 $0xFFFFF086;
	s6 =	sadd.s32 @!p0 s3, s7;
	s7 =	simm.s32 @!p0 $0x108  }
0x21: {  	s3 =	sadd.s32 s3, s9;
	s6 =	sadd.s32 @!p0 $0x88, s6;
	s7 =	simm.s32 @p2 $0x1082  }
0x22: {  	[simem:s7], [sflag:s8] =	dma.local @!p0 [hbm:s6], $0xF7A  }
0x23: {  	s9 =	sor.u32 $0xD0000000, s2;
	s6 =	simm.s32 $0x108;
	_ =	swait.ge @!p0 [sflag:s8], $0x0  }
0x24: {  	s3 =	sadd.s32 $0x88, s3;
	s6 =	simm.s32 @!p1 $0x1082;
	[sflag:s4] =	ssyncset.s32 $0xFFFFF086  }
0x25: {  	[simem:s6], [sflag:s4] =	dma.local [hbm:s3], $0xF7A  }
0x26: {  	[smem:$0x3F7E] =	sst s1;
	(tag) =	ssettag s2;
	_ =	strace s9  }
0x27: {  	s1 =	sld [smem:$0x3F8E]  }
0x28: {  	s2 =	sld [smem:$0x3F8F]  }
0x29: {  	s4 =	sld [smem:$0x3F91]  }
0x2a: {  	p0 =	seq.s32 s5, $0x0;
	s5 =	sld [smem:$0x3F92]  }
0x2b: {  	s6 =	sld [smem:$0x3F93]  }
0x2c: {  	s7 =	sld [smem:$0x3F94]  }
0x2d: {  	s3 =	simm.s32 $0x108;
	s8 =	sld [smem:$0x3F95]  }
0x2e: {  	s3 =	simm.s32 @!p0 $0x1082;
	s9 =	sld [smem:$0x3F96]  }
0x2f: {  	lr =	sadd.s32 s0, s3;
	s0 =	sld [smem:$0x3F8D]  }
0x30: {  	s3 =	sld [smem:$0x3F90]  }
0x31: {  	[smem:$0x3F99] =	sst s10  }
0x32: {  	s10 =	sld [smem:$0x3F97];
	_ =	sdelay $0x3  }
0x33: {  	p0 =	seq.s32 s10, $0x1;
	s10 =	sld [smem:$0x3F99];
	_ =	sdelay $0x3  }
0x34: {  	[smem:$0x3F99] =	sst s10  }
0x35: {  	s10 =	sld [smem:$0x3F98];
	_ =	sdelay $0x3  }
0x36: {  	p1 =	seq.s32 s10, $0x1;
	s10 =	sld [smem:$0x3F99];
	_ =	sdelay $0x3  }
0x37: {  	[smem:$0x3F99] =	sst s10  }
0x38: {  	s10 =	sld [smem:$0x3F9A]  }
0x39: {  	_ = 	snop;
	(pc) =	sbr.ind lr, $3  }
0x3a: {  	_ = 	snop  }
0x3b: {  	_ = 	snop  }
0x3c: {  	p2 =	seq.s32 s10, $0x1;
	s10 =	sld [smem:$0x3F99]  }
0x3d: {  	_ =	shalt  }
0x3e: {  	_ =	shalt  }
0x3f: {  	_ =	shalt  }
0x40: {  	_ =	shalt  }
0x41: {  	_ =	shalt  }
0x42: {  	_ =	shalt  }
0x43: {  	_ =	shalt  }
0x44: {  	_ =	shalt  }
0x45: {  	_ =	shalt  }
0x46: {  	_ =	shalt  }
0x47: {  	_ =	shalt  }
0x48: {  	_ =	shalt  }
0x49: {  	_ =	shalt  }
0x4a: {  	_ =	shalt  }
0x4b: {  	_ =	shalt  }
0x4c: {  	_ =	shalt  }
0x4d: {  	_ =	shalt  }
0x4e: {  	_ =	shalt  }
0x4f: {  	_ =	shalt  }
0x50: {  	_ =	shalt  }
0x51: {  	_ =	shalt  }
0x52: {  	_ =	shalt  }
0x53: {  	_ =	shalt  }
0x54: {  	_ =	shalt  }
0x55: {  	_ =	shalt  }
0x56: {  	_ =	shalt  }
0x57: {  	_ =	shalt  }
0x58: {  	_ =	shalt  }
0x59: {  	_ =	shalt  }
0x5a: {  	_ =	shalt  }
0x5b: {  	_ =	shalt  }
0x5c: {  	_ =	shalt  }
0x5d: {  	_ =	shalt  }
0x5e: {  	_ =	shalt  }
0x5f: {  	_ =	shalt  }
0x60: {  	_ =	shalt  }
0x61: {  	_ =	shalt  }
0x62: {  	_ =	shalt  }
0x63: {  	_ =	shalt  }
0x64: {  	_ =	shalt  }
0x65: {  	_ =	shalt  }
0x66: {  	_ =	shalt  }
0x67: {  	_ =	shalt  }
0x68: {  	_ =	shalt  }
0x69: {  	_ =	shalt  }
0x6a: {  	_ =	shalt  }
0x6b: {  	_ =	shalt  }
0x6c: {  	_ =	shalt  }
0x6d: {  	_ =	shalt  }
0x6e: {  	_ =	shalt  }
0x6f: {  	_ =	shalt  }
0x70: {  	_ =	shalt  }
0x71: {  	_ =	shalt  }
0x72: {  	_ =	shalt  }
0x73: {  	_ =	shalt  }
0x74: {  	_ =	shalt  }
0x75: {  	_ =	shalt  }
0x76: {  	_ =	shalt  }
0x77: {  	_ =	shalt  }
0x78: {  	_ =	shalt  }
0x79: {  	_ =	shalt  }
0x7a: {  	_ =	shalt  }
0x7b: {  	_ =	shalt  }
0x7c: {  	_ =	shalt  }
0x7d: {  	_ =	shalt  }
0x7e: {  	_ =	shalt  }
0x7f: {  	_ =	shalt  }
0x80: {  	_ =	shalt  }
0x81: {  	_ =	shalt  }
0x82: {  	_ =	shalt  }
0x83: {  	_ =	shalt  }
0x84: {  	_ =	shalt  }
0x85: {  	_ =	shalt  }
0x86: {  	_ =	shalt  }
0x87: {  	_ =	shalt  }
.Lfunc_end0:
.L_simem_size_0:
called_computation.2_lowered:
.L_overlay_start_0:
0x88: {  	s2 =	sld [smem:$0x3FD9]  }
0x89: {  	s3 =	sld [smem:$0x3FFE];
	_ =	sdelay $0x1  }
0x8a: {  	s1 =	srdreg.scid  }
0x8b: {  	s0 =	sand.u32 $0x1, s1  }
0x8c: {  	s17 =	sshll.u32 s0, $0xA;
	s2 =	sadd.s32 s3, s2  }
0x8d: {  	s2 =	sadd.s32 s2, s17  }
0x8e: {  	[smem:$0x3FA5] =	sst s2  }
0x8f: {  	_ = 	snop  }
0x90: {  	(tm) =	ssettm $0x1  }
0x91: {  	s18 =	sld [smem:$0x3FFB];
	_ =	sdelay $0x3  }
0x92: {  	_ =	strace s18  }
0x93: {  	s2 =	sld [smem:$0x3FFC];
	_ =	sdelay $0x3  }
0x94: {  	_ =	strace s2  }
0x95: {  	s2 =	sld [smem:$0x3FFD];
	_ =	sdelay $0x3  }
0x96: {  	_ =	strace s2  }
0x97: {  	_ =	strace $0x8FFFFFFF  }
0x98: {  	s19 =	sld [smem:$0x3FDB];
	_ =	sdelay $0x1  }
0x99: {  	s20 =	simm.s32 $_scs_section_size  }
0x9a: {  	s4 =	simm.s32 $_size__tile_overlayer_lowered;
	s5 =	simm.s32 $_tile_overlayer_lowered  }
0x9b: {  	s6 =	simm.s32 $0x1BFF;
	s21 =	sshll.u32 s5, $0x1;
	s3 =	sadd.s32 s20, s19  }
0x9c: {  	s22 =	simm.s32 $0x0;
	s4 =	sshll.u32 s4, $0x1;
	s5 =	sadd.s32 s21, s3  }
0x9d: {  	[timem:s22], [sflag:s6] =	dma.local [hbm:s5], s4  }
0x9e: {  	_ =	swait.ge [sflag:s6], s4  }
0x9f: {  	s4 =	ssub.s32 $0x0, s4;
	[sflag:s6] =	ssyncset.done $0x0  }
0xa0: {  	[sflag:s6] =	ssyncadd.s32 s4;
	_ =	sdelay $0x1  }
0xa1: {  	s23 =	simm.s32 $0x1B8B  }
0xa2: {  	_ =	swait.ge [sflag:s23], $0x1  }
0xa3: {  	[sflag:s23] =	ssyncset.done $0x0  }
0xa4: {  	[sflag:s23] =	ssyncadd.s32 $0xFFFFFFFF  }
0xa5: {  	s4 =	sld [smem:$0x0]  }
0xa6: {  	s5 =	sand.u32 $0xFFFFFFFE, s1  }
0xa7: {  	p0 =	sne.s32 s1, s5  }
0xa8: {  	s5 =	sshll.u32 @p0 s5, $0xE  }
0xa9: {  	s5 =	sadd.s32 @p0 $0x11B8D, s5;
	s6 =	sshll.u32 @p0 s4, $0x11  }
0xaa: {  	s5 =	sor.u32 @p0 s6, s5  }
0xab: {  	[sflag:s5] =	ssyncadd.remote.s32 @p0 $0x1;
	_ =	sdelay $0x1  }
0xac: {  	s5 =	simm.s32 @p0 $0x1B8D  }
0xad: {  	_ =	swait.eq @p0 [sflag:s5], $0x1  }
0xae: {  	[sflag:s5] =	ssyncadd.s32 @p0 $0xFFFFFFFF  }
0xaf: {  	s6 =	sshll.u32 @!p0 s1, $0xE  }
0xb0: {  	s6 =	sor.u32 @!p0 $0x4000, s6;
	s5 =	simm.s32 @!p0 $0x1B8D  }
0xb1: {  	s4 =	sshll.u32 @!p0 s4, $0x11;
	s6 =	sadd.s32 @!p0 $0x11B8D, s6;
	_ =	swait.eq @!p0 [sflag:s5], $0x1  }
0xb2: {  	s4 =	sor.u32 @!p0 s4, s6;
	[sflag:s5] =	ssyncadd.s32 @!p0 $0xFFFFFFFF  }
0xb3: {  	s25 =	simm.s32 $0x1B8E;
	s24 =	sld [smem:$0x3FFE];
	[sflag:s4] =	ssyncadd.remote.s32 @!p0 $0x1  }
0xb4: {  	s26 =	simm.s32 $execute0_lowered;
	[smem:$0x3FD2] =	sst s25  }
0xb5: {  	s5 =	sshll.u32 s26, $0x1;
	_ =	strace $0x8000004F;
	[dreg:$0x1] =	wrdreg $0xFFFFFFFF  }
0xb6: {  	s28 =	simm.s32 $_size_execute0_lowered;
	s3 =	sadd.s32 s3, s5;
	[dreg:$0x0] =	wrdreg $0x0  }
0xb7: {  	s5 =	sshll.u32 s28, $0x1;
	[dreg:$0x2] =	wrdreg s3  }
0xb8: {  	[dreg:$0x3] =	wrdreg s5  }
0xb9: {  	[dreg:$0x4] =	wrdreg $0xC0  }
0xba: {  	_ =	task [dreg:s22], $0x5FFFF  }
0xbb: {  	[dreg:$0x1] =	wrdreg $0xFFFFFFFF  }
0xbc: {  	[dreg:$0x0] =	wrdreg $0x60  }
0xbd: {  	[dreg:$0x2] =	wrdreg s24  }
0xbe: {  	[dreg:$0x3] =	wrdreg $0xA  }
0xbf: {  	_ =	task.clear_ibuf [dreg:s22], $0x4FFFF;
	_ =	strace $0x9000004F  }
0xc0: {  	s29 =	simm.s32 $0xA;
	_ =	strace $0x80000051  }
0xc1: {  	_ =	swait.ge [sflag:s29], $0x1  }
0xc2: {  	[sflag:s29] =	ssyncadd.s32 $0xFFFFFFFF  }
0xc3: {  	_ =	strace $0x90000051  }
0xc4: {  	_ =	sfence  }
0xc5: {  	s30 =	sld [smem:$0x0];
	_ =	sdelay $0x2  }
0xc6: {  	s31 =	sshll.u32 s1, $0xD;
	s1 =	sshrl.u32 s1, $0x2  }
0xc7: {  	s4 =	sand.u32 $0x4000, s31;
	s1 =	sadd.s32 s1, s30  }
0xc8: {  	s0 =	sor.u32 s4, s0;
	s1 =	sshll.u32 s1, $0x11  }
0xc9: {  	s0 =	sor.u32 s1, s0  }
0xca: {  	s0 =	sadd.s32 $0x8F2B, s0  }
0xcb: {  	[sflag:s0] =	ssyncadd.remote.s32 $0x1  }
0xcc: {  	_ =	sfence.sel $0xFFFF  }
0xcd: {  	[dreg:$0x0] =	wrdreg $0xFFFFFFFF;
	(pc) =	sbr.abs _section_cstart, $3  }
0xce: {  	[dreg:$0x1] =	wrdreg $0xFFFFFFFF  }
0xcf: {  	_ =	task.clear_ibuf [dreg:s22], $0x2FFFF;
	_ =	strace $0x9FFFFFFF  }
0xd0: {  	(tm) =	ssettm $0x7FFFFFFF  }
0xd1: {  	_ =	shalt  }
tec
execute0_lowered:
.L_overlay_start_1:
0x0: {  	(tag) =	ssettag $0x1  }
0x1: {  	s8 =	rddreg [dreg:$0x0];
	s1 =	stileid.u32  }
0x2: {  	s2 =	srdreg.scid;
	s0 =	rddreg [dreg:$0x1]  }
0x3: {  	_ =	strace $0x80000050;
	s5 =	simm.s32 $0x1;
	s9 =	simm.s32 $0x1  }
0x4: {  	s10 =	simm.s32 $0x3;
	s2 =	sand.u32 $0x1, s2;
	s3 =	sshll.u32 s1, $0x1  }
0x5: {  	s13 =	simm.s32 $0x0;
	s12 =	simm.s32 $0x0;
	s6 =	sor.u32 s3, s2  }
0x6: {  	[sflag:s5] =	ssyncpa.u1 $0x0;
	s2 =	sadd.s32 $0x13000, s8;
	s4 =	smul.u32 $0x2260, s6  }
0x7: {  	s3 =	sadd.s32 $0x30A00, s8;
	p0 =	slt.u32 s6, $0x9;
	s6 =	simm.s32 $0x44C00  }
.Ltmp0:
0x8: {  	s6 =	simm.s32 @!p0 $0x0;
	s7 =	ssub.s32 $0x55F00, s4;
	(pc) =	sbr.rel .LBB2_1-.Ltmp0, $4  }
0x9: {  	s9 =	simm.s32 @!p0 $0x0;
	p0 =	sne.s32 s7, s6;
	s7 =	simm.s32 $0x1  }
0xa: {  	s8 =	sadd.s32 $0x46200, s8;
	s6 =	simm.s32 $0x2;
	s7 =	simm.s32 @!p0 $0x0  }
0xb: {  	s11 =	smov.u32 s4;
	[sflag:s6] =	ssyncpa.u1 $0x0;
	s7 =	sadd.s32 s9, s7  }
0xc: {  	vm0 =	vmmov $0xffff;
	[sflag:s10] =	ssyncpa.u1 $0x0;
	s10 =	simm.s32 $0x0;
	s9 =	sadd.s32 $0x1, s7  }
.LBB2_4:
0xd: {  	v2 =	vnsel vm1, $0x0, v2  }
0xe: {  	vm1 =	vgt.s32 v0, $0x0;
	v2 =	vmin.u32 v2, $0x4E1FF  }
0xf: {  	v0 =	vnsel vm1, $0x0, v0  }
0x10: {  	v0 =	vmin.u32 v0, $0x4E1FF  }
0x11: {  	[tilespmem:s18], [sflag:$0x1] =	stream.indirect_vreg.gather [hbm4b:s2+s10], $0x1, v1, vm0, $0x4038;
	[tilespmem:$0x8980] =	vst v63  }
0x12: {  	(ifvalue) =	ssetifvalue $0x7FFFFFFF  }
0x13: {  	[tilespmem:s15], [sflag:$0x1] =	stream.indirect_vreg.gather [hbm4b:s2+s10], $0x1, v2, vm0, $0x4038;
	[tilespmem:$0x8980] =	vst v63  }
0x14: {  	s29 =	sadd.s32 $0x10, s15;
	(ifvalue) =	ssetifvalue $0x7FFFFFFF  }
0x15: {  	[tilespmem:s29], [sflag:$0x1] =	stream.indirect_vreg.gather [hbm4b:s2+s10], $0x1, v0, vm0, $0x4038;
	[tilespmem:$0x8980] =	vst v63  }
0x16: {  	_ =	swait.ge [sflag:s5], $0x2260  }
0x17: {  	s30 =	sshrl.u32 s13, $0x3;
	[sflag:s5] =	ssyncset.done $0x0  }
0x18: {  	s31 =	sand.u32 $0x7, s13;
	s15 =	sadd.s32 s8, s30;
	[sflag:s5] =	ssyncadd.s32 $0xFFFFDDA0  }
0x19: {  	[hbm4b:s15+s31] =	stream.linear.scatter [tilespmem:s14], [sflag:$0x3], $0x2260, $0x38;
	[tilespmem:$0x8980] =	vst v63  }
.LBB2_5:
0x1a: {  	s15 =	sadd.s32 $0x44C00, s11  }
0x1b: {  	p1 =	sgt.s32 s15, $0x55EFF  }
0x1c: {  	s15 =	smov.u32 @p1 s4;
	p1 =	sne.s32 s12, s9  }
.Ltmp1:
0x1d: {  	p0 =	slt.u32 s12, $0x2;
	(pc) =	sbr.rel @!p1 .LBB2_6-.Ltmp1, $4  }
0x1e: {  	s14 =	simm.s32 @!p0 $0x3  }
0x1f: {  	_ =	swait.ge @!p0 [sflag:s14], $0x2260  }
0x20: {  	s16 =	sadd.s32 $0x1, s12;
	s13 =	smov.u32 s11;
	[sflag:s14] =	ssyncset.done @!p0 $0x0  }
0x21: {  	s12 =	smov.u32 s16;
	s11 =	smov.u32 s15;
	[sflag:s14] =	ssyncadd.s32 @!p0 $0xFFFFDDA0  }
.LBB2_1:
0x22: {  	p0 =	sge.u32 s12, s7  }
0x23: {  	s14 =	sxor.u32 @!p0 $0x1, s12  }
0x24: {  	s14 =	smul.u32 @!p0 $0x8980, s14  }
0x25: {  	s31 =	sadd.s32 $0xFFFFFFFF, s12;
	s15 =	sshrl.u32 @!p0 s11, $0x3  }
0x26: {  	s16 =	sand.u32 @!p0 $0x7, s11;
	s15 =	sadd.s32 @!p0 s3, s15;
	s14 =	sshra.s32 @!p0 s14, $0x2  }
0x27: {  	[tilespmem:s14], [sflag:$0x2] =	stream.linear.gather @!p0 [hbm4b:s15+s16], $0x2260, $0x38;
	[tilespmem:$0x8980] =	vst v63  }
0x28: {  	p0 =	sge.u32 s31, s7  }
.Ltmp2:
0x29: {  	_ = 	snop;
	(pc) =	sbr.rel @p0 .LBB2_5-.Ltmp2, $1  }
0x2a: {  	_ =	sdelay $0x3  }
0x2b: {  	s14 =	sand.u32 $0x1, s12  }
0x2c: {  	_ =	swait.ge [sflag:s6], $0x2260;
	p0 =	seq.s32 s14, $0x1;
	s14 =	simm.s32 $0x2260  }
0x2d: {  	[sflag:s6] =	ssyncset.done $0x0;
	s14 =	simm.s32 @!p0 $0x0  }
0x2e: {  	[sflag:s6] =	ssyncadd.s32 $0xFFFFDDA0;
	(ifvalue) =	ssetifvalue $0x7FFFFFFF;
	v0 =	vld.msk [tilespmem:s14+$0x0 ss:$0x1], $0xffff;
	_ =	sdelay $0x4  }
0x2f: {  	s15 =	sadd.s32 $0x10, s14;
	vm1 =	vgt.s32 v0, $0x0  }
0x30: {  	v2 =	vld.msk [tilespmem:s15+$0x0 ss:$0x1], $0xffff;
	v1 =	vnsel vm1, $0x0, v0  }
0x31: {  	v1 =	vmin.u32 v1, $0x4E1FF;
	_ =	sdelay $0x2  }
0x32: {  	s17 =	simm.s32 $0x20;
	s14 =	sadd.s32 $0x44C0, s14;
	s16 =	sadd.s32 $0x10, s15  }
0x33: {  	s15 =	sadd.s32 $0x10, s14;
	s18 =	smov.u32 s14;
	v0 =	vld.msk [tilespmem:s16+$0x0 ss:$0x1], $0xffff;
	vm1 =	vgt.s32 v2, $0x0;
	(ifvalue) =	ssetifvalue $0x7FFFFFFF  }
.LBB2_3:
0x34: {  	[tilespmem:s18], [sflag:$0x1] =	stream.indirect_vreg.gather [hbm4b:s2+s10], $0x1, v1, vm0, $0x4038;
	[tilespmem:$0x8980] =	vst v63  }
0x35: {  	s17 =	sadd.s32 $0x10, s17  }
0x36: {  	v2 =	vnsel vm1, $0x0, v2;
	p0 =	slt.u32 s17, $0x2250  }
.Ltmp3:
0x37: {  	s18 =	smov.u32 s15;
	v1 =	vmin.u32 v2, $0x4E1FF;
	(pc) =	sbr.rel @p0 .LBB2_3-.Ltmp3, $3  }
0x38: {  	_ =	sdelay $0x1  }
0x39: {  	s16 =	sadd.s32 $0x10, s16  }
0x3a: {  	vm1 =	vgt.s32 v0, $0x0;
	s15 =	sadd.s32 $0x10, s15;
	v2 =	vmov v0;
	(ifvalue) =	ssetifvalue $0x7FFFFFFF;
	v0 =	vld.msk [tilespmem:s16+$0x0 ss:$0x1], $0xffff  }
.Ltmp4:
0x3b: {  	_ = 	snop;
	(pc) =	sbr.rel .LBB2_4-.Ltmp4, $1  }
0x3c: {  	_ =	sdelay $0x3  }
.LBB2_6:
0x3d: {  	_ =	sfence.sel $0x180000  }
0x3e: {  	s2 =	simm.s32 $0x2;
	[bflag:$0x0] =	sbarrier.arrive $0xFFFF  }
0x3f: {  	s30 =	simm.s32 $0x3;
	[sflag:s2] =	ssyncpa.u1 $0x1  }
0x40: {  	s31 =	simm.s32 $0x1;
	[sflag:s30] =	ssyncpa.u1 $0x1  }
0x41: {  	[sflag:s31] =	ssyncpa.u1 $0x1  }
0x42: {  	p0 =	sne.s32 s1, $0x0;
	_ =	strace $0x90000050  }
0x43: {  	s0 =	sadd.s32 @!p0 $0x100000, s0;
	[bflag:$0x2] =	sbarrier.arrive $0xFFFF  }
0x44: {  	[sflag:s0] =	ssyncadd.tile.s32 @!p0 $0x1;
	_ =	shalt  }
.Lfunc_end2:
_tile_overlayer_lowered:
.L_overlay_start_2:
0x45: {  	(tag) =	ssettag $0x2  }
0x46: {  	s0 =	rddreg [dreg:$0x0];
	s2 =	stileid.u32  }
0x47: {  	s1 =	rddreg [dreg:$0x1];
	p0 =	sne.s32 s2, $0x0  }
0x48: {  	s3 =	rddreg [dreg:$0x2];
	[bflag:$0x3] =	sbarrier.arrive $0xFFFF;
	s2 =	simm.s32 @!p0 $0x1C01  }
0x49: {  	[timem:s3], [sflag:s2] =	dma.local @!p0 [hbm:s0], s1  }
0x4a: {  	s0 =	simm.s32 @!p0 $0x1  }
0x4b: {  	_ =	swait.ge @!p0 [sflag:s0], s1  }
0x4c: {  	s1 =	ssub.s32 @!p0 $0x0, s1;
	[sflag:s0] =	ssyncset.done @!p0 $0x0  }
0x4d: {  	[sflag:s0] =	ssyncadd.s32 @!p0 s1  }
0x4e: {  	[bflag:$0x3] =	sbarrier.arrive $0xFFFF  }
0x4f: {  	_ =	shalt  }

// kernel: gather_offload_async_start.3
scs
__scs_entry_jumppad:
0x0: {  	(pc) =	sbr.rel $0x88, $3  }
0x1: {  	(tag) =	ssettag $0x0;
	lr =	simm.s32 $0x1  }
0x2: {  	[smem:$0x3F7E] =	sst lr;
	_ =	strace $0xD0000000  }
0x3: {  	_ = 	snop  }
0x4: {  	_ = 	snop  }
0x5: {  	_ = 	snop  }
0x6: {  	_ = 	snop  }
0x7: {  	_ = 	snop  }
__scs_overlays_trampoline_lowered:
0x8: {  	[smem:$0x3F8D] =	sst s0  }
0x9: {  	[smem:$0x3F8E] =	sst s1  }
0xa: {  	[smem:$0x3F8F] =	sst s2  }
0xb: {  	[smem:$0x3F90] =	sst s3  }
0xc: {  	[smem:$0x3F91] =	sst s4  }
0xd: {  	[smem:$0x3F92] =	sst s5  }
0xe: {  	[smem:$0x3F93] =	sst s6  }
0xf: {  	[smem:$0x3F94] =	sst s7  }
0x10: {  	[smem:$0x3F95] =	sst s8  }
0x11: {  	[smem:$0x3F96] =	sst s9;
	s0 =	simm.s32 @!p0 $0x0  }
0x12: {  	s1 =	sld [smem:$0x3F7C];
	s0 =	simm.s32 @p0 $0x1  }
0x13: {  	[smem:$0x3F97] =	sst s0;
	s0 =	simm.s32 @!p1 $0x0  }
0x14: {  	s2 =	sld [smem:$0x3F7B];
	s0 =	simm.s32 @p1 $0x1  }
0x15: {  	[smem:$0x3F98] =	sst s0;
	s0 =	simm.s32 @!p2 $0x0  }
0x16: {  	s3 =	sld [smem:$0x3FDB];
	s0 =	simm.s32 @p2 $0x1  }
0x17: {  	s4 =	simm.s32 $0x1BF5;
	[smem:$0x3F9A] =	sst s0  }
0x18: {  	s0 =	sld [smem:$0x3F7D];
	_ =	swait.ge [sflag:s4], $0x0  }
0x19: {  	s7 =	sld [smem:$0x3F7E]  }
0x1a: {  	s8 =	sadd.s32 $0xFFFFE003, lr  }
0x1b: {  	s9 =	sadd.s32 $0xFFFFFEF7, lr;
	s5 =	simm.s32 $0xFFFFFFFF;
	p2 =	slt.u32 s8, $0xFFFFF086  }
0x1c: {  	p1 =	slt.u32 s9, $0xF7A;
	s5 =	simm.s32 @!p2 $0x0  }
0x1d: {  	s5 =	simm.s32 @p1 $0x1;
	p0 =	seq.s32 s7, s2  }
0x1e: {  	s7 =	smul.u32 @!p0 $0xF7A, s2;
	p2 =	seq.s32 @!p0 s5, $0x0  }
0x1f: {  	s9 =	smul.u32 $0xF7A, s1;
	s8 =	simm.s32 @!p0 $0x1BF5;
	p2 =	por !p2, p0  }
0x20: {  	[sflag:s8] =	ssyncset.s32 @!p0 $0xFFFFF086;
	s6 =	sadd.s32 @!p0 s3, s7;
	s7 =	simm.s32 @!p0 $0x108  }
0x21: {  	s3 =	sadd.s32 s3, s9;
	s6 =	sadd.s32 @!p0 $0x88, s6;
	s7 =	simm.s32 @p2 $0x1082  }
0x22: {  	[simem:s7], [sflag:s8] =	dma.local @!p0 [hbm:s6], $0xF7A  }
0x23: {  	s9 =	sor.u32 $0xD0000000, s2;
	s6 =	simm.s32 $0x108;
	_ =	swait.ge @!p0 [sflag:s8], $0x0  }
0x24: {  	s3 =	sadd.s32 $0x88, s3;
	s6 =	simm.s32 @!p1 $0x1082;
	[sflag:s4] =	ssyncset.s32 $0xFFFFF086  }
0x25: {  	[simem:s6], [sflag:s4] =	dma.local [hbm:s3], $0xF7A  }
0x26: {  	[smem:$0x3F7E] =	sst s1;
	(tag) =	ssettag s2;
	_ =	strace s9  }
0x27: {  	s1 =	sld [smem:$0x3F8E]  }
0x28: {  	s2 =	sld [smem:$0x3F8F]  }
0x29: {  	s4 =	sld [smem:$0x3F91]  }
0x2a: {  	p0 =	seq.s32 s5, $0x0;
	s5 =	sld [smem:$0x3F92]  }
0x2b: {  	s6 =	sld [smem:$0x3F93]  }
0x2c: {  	s7 =	sld [smem:$0x3F94]  }
0x2d: {  	s3 =	simm.s32 $0x108;
	s8 =	sld [smem:$0x3F95]  }
0x2e: {  	s3 =	simm.s32 @!p0 $0x1082;
	s9 =	sld [smem:$0x3F96]  }
0x2f: {  	lr =	sadd.s32 s0, s3;
	s0 =	sld [smem:$0x3F8D]  }
0x30: {  	s3 =	sld [smem:$0x3F90]  }
0x31: {  	[smem:$0x3F99] =	sst s10  }
0x32: {  	s10 =	sld [smem:$0x3F97];
	_ =	sdelay $0x3  }
0x33: {  	p0 =	seq.s32 s10, $0x1;
	s10 =	sld [smem:$0x3F99];
	_ =	sdelay $0x3  }
0x34: {  	[smem:$0x3F99] =	sst s10  }
0x35: {  	s10 =	sld [smem:$0x3F98];
	_ =	sdelay $0x3  }
0x36: {  	p1 =	seq.s32 s10, $0x1;
	s10 =	sld [smem:$0x3F99];
	_ =	sdelay $0x3  }
0x37: {  	[smem:$0x3F99] =	sst s10  }
0x38: {  	s10 =	sld [smem:$0x3F9A]  }
0x39: {  	_ = 	snop;
	(pc) =	sbr.ind lr, $3  }
0x3a: {  	_ = 	snop  }
0x3b: {  	_ = 	snop  }
0x3c: {  	p2 =	seq.s32 s10, $0x1;
	s10 =	sld [smem:$0x3F99]  }
0x3d: {  	_ =	shalt  }
0x3e: {  	_ =	shalt  }
0x3f: {  	_ =	shalt  }
0x40: {  	_ =	shalt  }
0x41: {  	_ =	shalt  }
0x42: {  	_ =	shalt  }
0x43: {  	_ =	shalt  }
0x44: {  	_ =	shalt  }
0x45: {  	_ =	shalt  }
0x46: {  	_ =	shalt  }
0x47: {  	_ =	shalt  }
0x48: {  	_ =	shalt  }
0x49: {  	_ =	shalt  }
0x4a: {  	_ =	shalt  }
0x4b: {  	_ =	shalt  }
0x4c: {  	_ =	shalt  }
0x4d: {  	_ =	shalt  }
0x4e: {  	_ =	shalt  }
0x4f: {  	_ =	shalt  }
0x50: {  	_ =	shalt  }
0x51: {  	_ =	shalt  }
0x52: {  	_ =	shalt  }
0x53: {  	_ =	shalt  }
0x54: {  	_ =	shalt  }
0x55: {  	_ =	shalt  }
0x56: {  	_ =	shalt  }
0x57: {  	_ =	shalt  }
0x58: {  	_ =	shalt  }
0x59: {  	_ =	shalt  }
0x5a: {  	_ =	shalt  }
0x5b: {  	_ =	shalt  }
0x5c: {  	_ =	shalt  }
0x5d: {  	_ =	shalt  }
0x5e: {  	_ =	shalt  }
0x5f: {  	_ =	shalt  }
0x60: {  	_ =	shalt  }
0x61: {  	_ =	shalt  }
0x62: {  	_ =	shalt  }
0x63: {  	_ =	shalt  }
0x64: {  	_ =	shalt  }
0x65: {  	_ =	shalt  }
0x66: {  	_ =	shalt  }
0x67: {  	_ =	shalt  }
0x68: {  	_ =	shalt  }
0x69: {  	_ =	shalt  }
0x6a: {  	_ =	shalt  }
0x6b: {  	_ =	shalt  }
0x6c: {  	_ =	shalt  }
0x6d: {  	_ =	shalt  }
0x6e: {  	_ =	shalt  }
0x6f: {  	_ =	shalt  }
0x70: {  	_ =	shalt  }
0x71: {  	_ =	shalt  }
0x72: {  	_ =	shalt  }
0x73: {  	_ =	shalt  }
0x74: {  	_ =	shalt  }
0x75: {  	_ =	shalt  }
0x76: {  	_ =	shalt  }
0x77: {  	_ =	shalt  }
0x78: {  	_ =	shalt  }
0x79: {  	_ =	shalt  }
0x7a: {  	_ =	shalt  }
0x7b: {  	_ =	shalt  }
0x7c: {  	_ =	shalt  }
0x7d: {  	_ =	shalt  }
0x7e: {  	_ =	shalt  }
0x7f: {  	_ =	shalt  }
0x80: {  	_ =	shalt  }
0x81: {  	_ =	shalt  }
0x82: {  	_ =	shalt  }
0x83: {  	_ =	shalt  }
0x84: {  	_ =	shalt  }
0x85: {  	_ =	shalt  }
0x86: {  	_ =	shalt  }
0x87: {  	_ =	shalt  }
.Lfunc_end0:
.L_simem_size_0:
called_computation.3_lowered:
.L_overlay_start_0:
0x88: {  	s2 =	sld [smem:$0x3FD9]  }
0x89: {  	s3 =	sld [smem:$0x3FFE];
	_ =	sdelay $0x1  }
0x8a: {  	s1 =	srdreg.scid  }
0x8b: {  	s0 =	sand.u32 $0x1, s1  }
0x8c: {  	s17 =	sshll.u32 s0, $0xA;
	s2 =	sadd.s32 s3, s2  }
0x8d: {  	s2 =	sadd.s32 s2, s17  }
0x8e: {  	[smem:$0x3FA5] =	sst s2  }
0x8f: {  	_ = 	snop  }
0x90: {  	(tm) =	ssettm $0x1  }
0x91: {  	s18 =	sld [smem:$0x3FFB];
	_ =	sdelay $0x3  }
0x92: {  	_ =	strace s18  }
0x93: {  	s2 =	sld [smem:$0x3FFC];
	_ =	sdelay $0x3  }
0x94: {  	_ =	strace s2  }
0x95: {  	s2 =	sld [smem:$0x3FFD];
	_ =	sdelay $0x3  }
0x96: {  	_ =	strace s2  }
0x97: {  	_ =	strace $0x8FFFFFFF  }
0x98: {  	s19 =	sld [smem:$0x3FDB];
	_ =	sdelay $0x1  }
0x99: {  	s20 =	simm.s32 $_scs_section_size  }
0x9a: {  	s4 =	simm.s32 $_size__tile_overlayer_lowered;
	s5 =	simm.s32 $_tile_overlayer_lowered  }
0x9b: {  	s6 =	simm.s32 $0x1BFF;
	s21 =	sshll.u32 s5, $0x1;
	s3 =	sadd.s32 s20, s19  }
0x9c: {  	s22 =	simm.s32 $0x0;
	s4 =	sshll.u32 s4, $0x1;
	s5 =	sadd.s32 s21, s3  }
0x9d: {  	[timem:s22], [sflag:s6] =	dma.local [hbm:s5], s4  }
0x9e: {  	_ =	swait.ge [sflag:s6], s4  }
0x9f: {  	s4 =	ssub.s32 $0x0, s4;
	[sflag:s6] =	ssyncset.done $0x0  }
0xa0: {  	[sflag:s6] =	ssyncadd.s32 s4;
	_ =	sdelay $0x1  }
0xa1: {  	s23 =	simm.s32 $0x1B8B  }
0xa2: {  	_ =	swait.ge [sflag:s23], $0x1  }
0xa3: {  	[sflag:s23] =	ssyncset.done $0x0  }
0xa4: {  	[sflag:s23] =	ssyncadd.s32 $0xFFFFFFFF  }
0xa5: {  	s4 =	sld [smem:$0x0]  }
0xa6: {  	s5 =	sand.u32 $0xFFFFFFFE, s1  }
0xa7: {  	p0 =	sne.s32 s1, s5  }
0xa8: {  	s5 =	sshll.u32 @p0 s5, $0xE  }
0xa9: {  	s5 =	sadd.s32 @p0 $0x11B8D, s5;
	s6 =	sshll.u32 @p0 s4, $0x11  }
0xaa: {  	s5 =	sor.u32 @p0 s6, s5  }
0xab: {  	[sflag:s5] =	ssyncadd.remote.s32 @p0 $0x1;
	_ =	sdelay $0x1  }
0xac: {  	s5 =	simm.s32 @p0 $0x1B8D  }
0xad: {  	_ =	swait.eq @p0 [sflag:s5], $0x1  }
0xae: {  	[sflag:s5] =	ssyncadd.s32 @p0 $0xFFFFFFFF  }
0xaf: {  	s6 =	sshll.u32 @!p0 s1, $0xE  }
0xb0: {  	s6 =	sor.u32 @!p0 $0x4000, s6;
	s5 =	simm.s32 @!p0 $0x1B8D  }
0xb1: {  	s4 =	sshll.u32 @!p0 s4, $0x11;
	s6 =	sadd.s32 @!p0 $0x11B8D, s6;
	_ =	swait.eq @!p0 [sflag:s5], $0x1  }
0xb2: {  	s4 =	sor.u32 @!p0 s4, s6;
	[sflag:s5] =	ssyncadd.s32 @!p0 $0xFFFFFFFF  }
0xb3: {  	s25 =	simm.s32 $0x1B8E;
	s24 =	sld [smem:$0x3FFE];
	[sflag:s4] =	ssyncadd.remote.s32 @!p0 $0x1  }
0xb4: {  	s26 =	simm.s32 $execute0_lowered;
	[smem:$0x3FD2] =	sst s25  }
0xb5: {  	s5 =	sshll.u32 s26, $0x1;
	_ =	strace $0x8000004C;
	[dreg:$0x1] =	wrdreg $0xFFFFFFFF  }
0xb6: {  	s28 =	simm.s32 $_size_execute0_lowered;
	s3 =	sadd.s32 s3, s5;
	[dreg:$0x0] =	wrdreg $0x0  }
0xb7: {  	s5 =	sshll.u32 s28, $0x1;
	[dreg:$0x2] =	wrdreg s3  }
0xb8: {  	[dreg:$0x3] =	wrdreg s5  }
0xb9: {  	[dreg:$0x4] =	wrdreg $0xC0  }
0xba: {  	_ =	task [dreg:s22], $0x5FFFF  }
0xbb: {  	[dreg:$0x1] =	wrdreg $0xFFFFFFFF  }
0xbc: {  	[dreg:$0x0] =	wrdreg $0x60  }
0xbd: {  	[dreg:$0x2] =	wrdreg s24  }
0xbe: {  	[dreg:$0x3] =	wrdreg $0x9  }
0xbf: {  	_ =	task.clear_ibuf [dreg:s22], $0x4FFFF;
	_ =	strace $0x9000004C  }
0xc0: {  	s29 =	simm.s32 $0x9;
	_ =	strace $0x8000004E  }
0xc1: {  	_ =	swait.ge [sflag:s29], $0x1  }
0xc2: {  	[sflag:s29] =	ssyncadd.s32 $0xFFFFFFFF  }
0xc3: {  	_ =	strace $0x9000004E  }
0xc4: {  	_ =	sfence  }
0xc5: {  	s30 =	sld [smem:$0x0];
	_ =	sdelay $0x2  }
0xc6: {  	s31 =	sshll.u32 s1, $0xD;
	s1 =	sshrl.u32 s1, $0x2  }
0xc7: {  	s4 =	sand.u32 $0x4000, s31;
	s1 =	sadd.s32 s1, s30  }
0xc8: {  	s0 =	sor.u32 s4, s0;
	s1 =	sshll.u32 s1, $0x11  }
0xc9: {  	s0 =	sor.u32 s1, s0  }
0xca: {  	s0 =	sadd.s32 $0x8F2B, s0  }
0xcb: {  	[sflag:s0] =	ssyncadd.remote.s32 $0x1  }
0xcc: {  	_ =	sfence.sel $0xFFFF  }
0xcd: {  	[dreg:$0x0] =	wrdreg $0xFFFFFFFF;
	(pc) =	sbr.abs _section_cstart, $3  }
0xce: {  	[dreg:$0x1] =	wrdreg $0xFFFFFFFF  }
0xcf: {  	_ =	task.clear_ibuf [dreg:s22], $0x2FFFF;
	_ =	strace $0x9FFFFFFF  }
0xd0: {  	(tm) =	ssettm $0x7FFFFFFF  }
0xd1: {  	_ =	shalt  }
tec
execute0_lowered:
.L_overlay_start_1:
0x0: {  	(tag) =	ssettag $0x1  }
0x1: {  	s8 =	rddreg [dreg:$0x0];
	s1 =	stileid.u32  }
0x2: {  	s2 =	srdreg.scid;
	s0 =	rddreg [dreg:$0x1]  }
0x3: {  	_ =	strace $0x8000004D;
	s5 =	simm.s32 $0x1;
	s9 =	simm.s32 $0x1  }
0x4: {  	s10 =	simm.s32 $0x3;
	s2 =	sand.u32 $0x1, s2;
	s3 =	sshll.u32 s1, $0x1  }
0x5: {  	s13 =	simm.s32 $0x0;
	s12 =	simm.s32 $0x0;
	s6 =	sor.u32 s3, s2  }
0x6: {  	[sflag:s5] =	ssyncpa.u1 $0x0;
	s2 =	sadd.s32 $0x26C00, s8;
	s4 =	smul.u32 $0x2260, s6  }
0x7: {  	s3 =	sadd.s32 $0x30A00, s8;
	p0 =	slt.u32 s6, $0x9;
	s6 =	simm.s32 $0x44C00  }
.Ltmp0:
0x8: {  	s6 =	simm.s32 @!p0 $0x0;
	s7 =	ssub.s32 $0x55F00, s4;
	(pc) =	sbr.rel .LBB2_1-.Ltmp0, $4  }
0x9: {  	s9 =	simm.s32 @!p0 $0x0;
	p0 =	sne.s32 s7, s6;
	s7 =	simm.s32 $0x1  }
0xa: {  	s8 =	sadd.s32 $0x3B600, s8;
	s6 =	simm.s32 $0x2;
	s7 =	simm.s32 @!p0 $0x0  }
0xb: {  	s11 =	smov.u32 s4;
	[sflag:s6] =	ssyncpa.u1 $0x0;
	s7 =	sadd.s32 s9, s7  }
0xc: {  	vm0 =	vmmov $0xffff;
	[sflag:s10] =	ssyncpa.u1 $0x0;
	s10 =	simm.s32 $0x0;
	s9 =	sadd.s32 $0x1, s7  }
.LBB2_4:
0xd: {  	v2 =	vnsel vm1, $0x0, v2  }
0xe: {  	vm1 =	vgt.s32 v0, $0x0;
	v2 =	vmin.u32 v2, $0x4E1FF  }
0xf: {  	v0 =	vnsel vm1, $0x0, v0  }
0x10: {  	v0 =	vmin.u32 v0, $0x4E1FF  }
0x11: {  	[tilespmem:s18], [sflag:$0x1] =	stream.indirect_vreg.gather [hbm4b:s2+s10], $0x1, v1, vm0, $0x4038;
	[tilespmem:$0x8980] =	vst v63  }
0x12: {  	(ifvalue) =	ssetifvalue $0x7FFFFFFF  }
0x13: {  	[tilespmem:s15], [sflag:$0x1] =	stream.indirect_vreg.gather [hbm4b:s2+s10], $0x1, v2, vm0, $0x4038;
	[tilespmem:$0x8980] =	vst v63  }
0x14: {  	s29 =	sadd.s32 $0x10, s15;
	(ifvalue) =	ssetifvalue $0x7FFFFFFF  }
0x15: {  	[tilespmem:s29], [sflag:$0x1] =	stream.indirect_vreg.gather [hbm4b:s2+s10], $0x1, v0, vm0, $0x4038;
	[tilespmem:$0x8980] =	vst v63  }
0x16: {  	_ =	swait.ge [sflag:s5], $0x2260  }
0x17: {  	s30 =	sshrl.u32 s13, $0x3;
	[sflag:s5] =	ssyncset.done $0x0  }
0x18: {  	s31 =	sand.u32 $0x7, s13;
	s15 =	sadd.s32 s8, s30;
	[sflag:s5] =	ssyncadd.s32 $0xFFFFDDA0  }
0x19: {  	[hbm4b:s15+s31] =	stream.linear.scatter [tilespmem:s14], [sflag:$0x3], $0x2260, $0x38;
	[tilespmem:$0x8980] =	vst v63  }
.LBB2_5:
0x1a: {  	s15 =	sadd.s32 $0x44C00, s11  }
0x1b: {  	p1 =	sgt.s32 s15, $0x55EFF  }
0x1c: {  	s15 =	smov.u32 @p1 s4;
	p1 =	sne.s32 s12, s9  }
.Ltmp1:
0x1d: {  	p0 =	slt.u32 s12, $0x2;
	(pc) =	sbr.rel @!p1 .LBB2_6-.Ltmp1, $4  }
0x1e: {  	s14 =	simm.s32 @!p0 $0x3  }
0x1f: {  	_ =	swait.ge @!p0 [sflag:s14], $0x2260  }
0x20: {  	s16 =	sadd.s32 $0x1, s12;
	s13 =	smov.u32 s11;
	[sflag:s14] =	ssyncset.done @!p0 $0x0  }
0x21: {  	s12 =	smov.u32 s16;
	s11 =	smov.u32 s15;
	[sflag:s14] =	ssyncadd.s32 @!p0 $0xFFFFDDA0  }
.LBB2_1:
0x22: {  	p0 =	sge.u32 s12, s7  }
0x23: {  	s14 =	sxor.u32 @!p0 $0x1, s12  }
0x24: {  	s14 =	smul.u32 @!p0 $0x8980, s14  }
0x25: {  	s31 =	sadd.s32 $0xFFFFFFFF, s12;
	s15 =	sshrl.u32 @!p0 s11, $0x3  }
0x26: {  	s16 =	sand.u32 @!p0 $0x7, s11;
	s15 =	sadd.s32 @!p0 s3, s15;
	s14 =	sshra.s32 @!p0 s14, $0x2  }
0x27: {  	[tilespmem:s14], [sflag:$0x2] =	stream.linear.gather @!p0 [hbm4b:s15+s16], $0x2260, $0x38;
	[tilespmem:$0x8980] =	vst v63  }
0x28: {  	p0 =	sge.u32 s31, s7  }
.Ltmp2:
0x29: {  	_ = 	snop;
	(pc) =	sbr.rel @p0 .LBB2_5-.Ltmp2, $1  }
0x2a: {  	_ =	sdelay $0x3  }
0x2b: {  	s14 =	sand.u32 $0x1, s12  }
0x2c: {  	_ =	swait.ge [sflag:s6], $0x2260;
	p0 =	seq.s32 s14, $0x1;
	s14 =	simm.s32 $0x2260  }
0x2d: {  	[sflag:s6] =	ssyncset.done $0x0;
	s14 =	simm.s32 @!p0 $0x0  }
0x2e: {  	[sflag:s6] =	ssyncadd.s32 $0xFFFFDDA0;
	(ifvalue) =	ssetifvalue $0x7FFFFFFF;
	v0 =	vld.msk [tilespmem:s14+$0x0 ss:$0x1], $0xffff;
	_ =	sdelay $0x4  }
0x2f: {  	s15 =	sadd.s32 $0x10, s14;
	vm1 =	vgt.s32 v0, $0x0  }
0x30: {  	v2 =	vld.msk [tilespmem:s15+$0x0 ss:$0x1], $0xffff;
	v1 =	vnsel vm1, $0x0, v0  }
0x31: {  	v1 =	vmin.u32 v1, $0x4E1FF;
	_ =	sdelay $0x2  }
0x32: {  	s17 =	simm.s32 $0x20;
	s14 =	sadd.s32 $0x44C0, s14;
	s16 =	sadd.s32 $0x10, s15  }
0x33: {  	s15 =	sadd.s32 $0x10, s14;
	s18 =	smov.u32 s14;
	v0 =	vld.msk [tilespmem:s16+$0x0 ss:$0x1], $0xffff;
	vm1 =	vgt.s32 v2, $0x0;
	(ifvalue) =	ssetifvalue $0x7FFFFFFF  }
.LBB2_3:
0x34: {  	[tilespmem:s18], [sflag:$0x1] =	stream.indirect_vreg.gather [hbm4b:s2+s10], $0x1, v1, vm0, $0x4038;
	[tilespmem:$0x8980] =	vst v63  }
0x35: {  	s17 =	sadd.s32 $0x10, s17  }
0x36: {  	v2 =	vnsel vm1, $0x0, v2;
	p0 =	slt.u32 s17, $0x2250  }
.Ltmp3:
0x37: {  	s18 =	smov.u32 s15;
	v1 =	vmin.u32 v2, $0x4E1FF;
	(pc) =	sbr.rel @p0 .LBB2_3-.Ltmp3, $3  }
0x38: {  	_ =	sdelay $0x1  }
0x39: {  	s16 =	sadd.s32 $0x10, s16  }
0x3a: {  	vm1 =	vgt.s32 v0, $0x0;
	s15 =	sadd.s32 $0x10, s15;
	v2 =	vmov v0;
	(ifvalue) =	ssetifvalue $0x7FFFFFFF;
	v0 =	vld.msk [tilespmem:s16+$0x0 ss:$0x1], $0xffff  }
.Ltmp4:
0x3b: {  	_ = 	snop;
	(pc) =	sbr.rel .LBB2_4-.Ltmp4, $1  }
0x3c: {  	_ =	sdelay $0x3  }
.LBB2_6:
0x3d: {  	_ =	sfence.sel $0x180000  }
0x3e: {  	s2 =	simm.s32 $0x2;
	[bflag:$0x0] =	sbarrier.arrive $0xFFFF  }
0x3f: {  	s30 =	simm.s32 $0x3;
	[sflag:s2] =	ssyncpa.u1 $0x1  }
0x40: {  	s31 =	simm.s32 $0x1;
	[sflag:s30] =	ssyncpa.u1 $0x1  }
0x41: {  	[sflag:s31] =	ssyncpa.u1 $0x1  }
0x42: {  	p0 =	sne.s32 s1, $0x0;
	_ =	strace $0x9000004D  }
0x43: {  	s0 =	sadd.s32 @!p0 $0x100000, s0;
	[bflag:$0x2] =	sbarrier.arrive $0xFFFF  }
0x44: {  	[sflag:s0] =	ssyncadd.tile.s32 @!p0 $0x1;
	_ =	shalt  }
.Lfunc_end2:
_tile_overlayer_lowered:
.L_overlay_start_2:
0x45: {  	(tag) =	ssettag $0x2  }
0x46: {  	s0 =	rddreg [dreg:$0x0];
	s2 =	stileid.u32  }
0x47: {  	s1 =	rddreg [dreg:$0x1];
	p0 =	sne.s32 s2, $0x0  }
0x48: {  	s3 =	rddreg [dreg:$0x2];
	[bflag:$0x3] =	sbarrier.arrive $0xFFFF;
	s2 =	simm.s32 @!p0 $0x1C01  }
0x49: {  	[timem:s3], [sflag:s2] =	dma.local @!p0 [hbm:s0], s1  }
0x4a: {  	s0 =	simm.s32 @!p0 $0x1  }
0x4b: {  	_ =	swait.ge @!p0 [sflag:s0], s1  }
0x4c: {  	s1 =	ssub.s32 @!p0 $0x0, s1;
	[sflag:s0] =	ssyncset.done @!p0 $0x0  }
0x4d: {  	[sflag:s0] =	ssyncadd.s32 @!p0 s1  }
0x4e: {  	[bflag:$0x3] =	sbarrier.arrive $0xFFFF  }
0x4f: {  	_ =	shalt  }

// kernel: gather_offload_async_start
scs
__scs_entry_jumppad:
0x0: {  	(pc) =	sbr.rel $0x88, $3  }
0x1: {  	(tag) =	ssettag $0x0;
	lr =	simm.s32 $0x1  }
0x2: {  	[smem:$0x3F7E] =	sst lr;
	_ =	strace $0xD0000000  }
0x3: {  	_ = 	snop  }
0x4: {  	_ = 	snop  }
0x5: {  	_ = 	snop  }
0x6: {  	_ = 	snop  }
0x7: {  	_ = 	snop  }
__scs_overlays_trampoline_lowered:
0x8: {  	[smem:$0x3F8D] =	sst s0  }
0x9: {  	[smem:$0x3F8E] =	sst s1  }
0xa: {  	[smem:$0x3F8F] =	sst s2  }
0xb: {  	[smem:$0x3F90] =	sst s3  }
0xc: {  	[smem:$0x3F91] =	sst s4  }
0xd: {  	[smem:$0x3F92] =	sst s5  }
0xe: {  	[smem:$0x3F93] =	sst s6  }
0xf: {  	[smem:$0x3F94] =	sst s7  }
0x10: {  	[smem:$0x3F95] =	sst s8  }
0x11: {  	[smem:$0x3F96] =	sst s9;
	s0 =	simm.s32 @!p0 $0x0  }
0x12: {  	s1 =	sld [smem:$0x3F7C];
	s0 =	simm.s32 @p0 $0x1  }
0x13: {  	[smem:$0x3F97] =	sst s0;
	s0 =	simm.s32 @!p1 $0x0  }
0x14: {  	s2 =	sld [smem:$0x3F7B];
	s0 =	simm.s32 @p1 $0x1  }
0x15: {  	[smem:$0x3F98] =	sst s0;
	s0 =	simm.s32 @!p2 $0x0  }
0x16: {  	s3 =	sld [smem:$0x3FDB];
	s0 =	simm.s32 @p2 $0x1  }
0x17: {  	s4 =	simm.s32 $0x1BF5;
	[smem:$0x3F9A] =	sst s0  }
0x18: {  	s0 =	sld [smem:$0x3F7D];
	_ =	swait.ge [sflag:s4], $0x0  }
0x19: {  	s7 =	sld [smem:$0x3F7E]  }
0x1a: {  	s8 =	sadd.s32 $0xFFFFE003, lr  }
0x1b: {  	s9 =	sadd.s32 $0xFFFFFEF7, lr;
	s5 =	simm.s32 $0xFFFFFFFF;
	p2 =	slt.u32 s8, $0xFFFFF086  }
0x1c: {  	p1 =	slt.u32 s9, $0xF7A;
	s5 =	simm.s32 @!p2 $0x0  }
0x1d: {  	s5 =	simm.s32 @p1 $0x1;
	p0 =	seq.s32 s7, s2  }
0x1e: {  	s7 =	smul.u32 @!p0 $0xF7A, s2;
	p2 =	seq.s32 @!p0 s5, $0x0  }
0x1f: {  	s9 =	smul.u32 $0xF7A, s1;
	s8 =	simm.s32 @!p0 $0x1BF5;
	p2 =	por !p2, p0  }
0x20: {  	[sflag:s8] =	ssyncset.s32 @!p0 $0xFFFFF086;
	s6 =	sadd.s32 @!p0 s3, s7;
	s7 =	simm.s32 @!p0 $0x108  }
0x21: {  	s3 =	sadd.s32 s3, s9;
	s6 =	sadd.s32 @!p0 $0x88, s6;
	s7 =	simm.s32 @p2 $0x1082  }
0x22: {  	[simem:s7], [sflag:s8] =	dma.local @!p0 [hbm:s6], $0xF7A  }
0x23: {  	s9 =	sor.u32 $0xD0000000, s2;
	s6 =	simm.s32 $0x108;
	_ =	swait.ge @!p0 [sflag:s8], $0x0  }
0x24: {  	s3 =	sadd.s32 $0x88, s3;
	s6 =	simm.s32 @!p1 $0x1082;
	[sflag:s4] =	ssyncset.s32 $0xFFFFF086  }
0x25: {  	[simem:s6], [sflag:s4] =	dma.local [hbm:s3], $0xF7A  }
0x26: {  	[smem:$0x3F7E] =	sst s1;
	(tag) =	ssettag s2;
	_ =	strace s9  }
0x27: {  	s1 =	sld [smem:$0x3F8E]  }
0x28: {  	s2 =	sld [smem:$0x3F8F]  }
0x29: {  	s4 =	sld [smem:$0x3F91]  }
0x2a: {  	p0 =	seq.s32 s5, $0x0;
	s5 =	sld [smem:$0x3F92]  }
0x2b: {  	s6 =	sld [smem:$0x3F93]  }
0x2c: {  	s7 =	sld [smem:$0x3F94]  }
0x2d: {  	s3 =	simm.s32 $0x108;
	s8 =	sld [smem:$0x3F95]  }
0x2e: {  	s3 =	simm.s32 @!p0 $0x1082;
	s9 =	sld [smem:$0x3F96]  }
0x2f: {  	lr =	sadd.s32 s0, s3;
	s0 =	sld [smem:$0x3F8D]  }
0x30: {  	s3 =	sld [smem:$0x3F90]  }
0x31: {  	[smem:$0x3F99] =	sst s10  }
0x32: {  	s10 =	sld [smem:$0x3F97];
	_ =	sdelay $0x3  }
0x33: {  	p0 =	seq.s32 s10, $0x1;
	s10 =	sld [smem:$0x3F99];
	_ =	sdelay $0x3  }
0x34: {  	[smem:$0x3F99] =	sst s10  }
0x35: {  	s10 =	sld [smem:$0x3F98];
	_ =	sdelay $0x3  }
0x36: {  	p1 =	seq.s32 s10, $0x1;
	s10 =	sld [smem:$0x3F99];
	_ =	sdelay $0x3  }
0x37: {  	[smem:$0x3F99] =	sst s10  }
0x38: {  	s10 =	sld [smem:$0x3F9A]  }
0x39: {  	_ = 	snop;
	(pc) =	sbr.ind lr, $3  }
0x3a: {  	_ = 	snop  }
0x3b: {  	_ = 	snop  }
0x3c: {  	p2 =	seq.s32 s10, $0x1;
	s10 =	sld [smem:$0x3F99]  }
0x3d: {  	_ =	shalt  }
0x3e: {  	_ =	shalt  }
0x3f: {  	_ =	shalt  }
0x40: {  	_ =	shalt  }
0x41: {  	_ =	shalt  }
0x42: {  	_ =	shalt  }
0x43: {  	_ =	shalt  }
0x44: {  	_ =	shalt  }
0x45: {  	_ =	shalt  }
0x46: {  	_ =	shalt  }
0x47: {  	_ =	shalt  }
0x48: {  	_ =	shalt  }
0x49: {  	_ =	shalt  }
0x4a: {  	_ =	shalt  }
0x4b: {  	_ =	shalt  }
0x4c: {  	_ =	shalt  }
0x4d: {  	_ =	shalt  }
0x4e: {  	_ =	shalt  }
0x4f: {  	_ =	shalt  }
0x50: {  	_ =	shalt  }
0x51: {  	_ =	shalt  }
0x52: {  	_ =	shalt  }
0x53: {  	_ =	shalt  }
0x54: {  	_ =	shalt  }
0x55: {  	_ =	shalt  }
0x56: {  	_ =	shalt  }
0x57: {  	_ =	shalt  }
0x58: {  	_ =	shalt  }
0x59: {  	_ =	shalt  }
0x5a: {  	_ =	shalt  }
0x5b: {  	_ =	shalt  }
0x5c: {  	_ =	shalt  }
0x5d: {  	_ =	shalt  }
0x5e: {  	_ =	shalt  }
0x5f: {  	_ =	shalt  }
0x60: {  	_ =	shalt  }
0x61: {  	_ =	shalt  }
0x62: {  	_ =	shalt  }
0x63: {  	_ =	shalt  }
0x64: {  	_ =	shalt  }
0x65: {  	_ =	shalt  }
0x66: {  	_ =	shalt  }
0x67: {  	_ =	shalt  }
0x68: {  	_ =	shalt  }
0x69: {  	_ =	shalt  }
0x6a: {  	_ =	shalt  }
0x6b: {  	_ =	shalt  }
0x6c: {  	_ =	shalt  }
0x6d: {  	_ =	shalt  }
0x6e: {  	_ =	shalt  }
0x6f: {  	_ =	shalt  }
0x70: {  	_ =	shalt  }
0x71: {  	_ =	shalt  }
0x72: {  	_ =	shalt  }
0x73: {  	_ =	shalt  }
0x74: {  	_ =	shalt  }
0x75: {  	_ =	shalt  }
0x76: {  	_ =	shalt  }
0x77: {  	_ =	shalt  }
0x78: {  	_ =	shalt  }
0x79: {  	_ =	shalt  }
0x7a: {  	_ =	shalt  }
0x7b: {  	_ =	shalt  }
0x7c: {  	_ =	shalt  }
0x7d: {  	_ =	shalt  }
0x7e: {  	_ =	shalt  }
0x7f: {  	_ =	shalt  }
0x80: {  	_ =	shalt  }
0x81: {  	_ =	shalt  }
0x82: {  	_ =	shalt  }
0x83: {  	_ =	shalt  }
0x84: {  	_ =	shalt  }
0x85: {  	_ =	shalt  }
0x86: {  	_ =	shalt  }
0x87: {  	_ =	shalt  }
.Lfunc_end0:
.L_simem_size_0:
called_computation_lowered:
.L_overlay_start_0:
0x88: {  	s2 =	sld [smem:$0x3FD9]  }
0x89: {  	s3 =	sld [smem:$0x3FFE];
	_ =	sdelay $0x1  }
0x8a: {  	s1 =	srdreg.scid  }
0x8b: {  	s0 =	sand.u32 $0x1, s1  }
0x8c: {  	s16 =	sshll.u32 s0, $0xA;
	s2 =	sadd.s32 s3, s2  }
0x8d: {  	s2 =	sadd.s32 s2, s16  }
0x8e: {  	[smem:$0x3FA5] =	sst s2  }
0x8f: {  	_ = 	snop  }
0x90: {  	(tm) =	ssettm $0x1  }
0x91: {  	s17 =	sld [smem:$0x3FFB];
	_ =	sdelay $0x3  }
0x92: {  	_ =	strace s17  }
0x93: {  	s2 =	sld [smem:$0x3FFC];
	_ =	sdelay $0x3  }
0x94: {  	_ =	strace s2  }
0x95: {  	s2 =	sld [smem:$0x3FFD];
	_ =	sdelay $0x3  }
0x96: {  	_ =	strace s2  }
0x97: {  	_ =	strace $0x8FFFFFFF  }
0x98: {  	s18 =	sld [smem:$0x3FDB];
	_ =	sdelay $0x1  }
0x99: {  	s19 =	simm.s32 $_scs_section_size  }
0x9a: {  	s4 =	simm.s32 $_size__tile_overlayer_lowered;
	s5 =	simm.s32 $_tile_overlayer_lowered  }
0x9b: {  	s22 =	simm.s32 $0x1BFF;
	s21 =	sshll.u32 s5, $0x1;
	s2 =	sadd.s32 s19, s18  }
0x9c: {  	s6 =	simm.s32 $0x0;
	s20 =	sshll.u32 s4, $0x1;
	s4 =	sadd.s32 s21, s2  }
0x9d: {  	[timem:s6], [sflag:s22] =	dma.local [hbm:s4], s20  }
0x9e: {  	_ =	swait.ge [sflag:s22], s20  }
0x9f: {  	s3 =	ssub.s32 $0x0, s20;
	[sflag:s22] =	ssyncset.done $0x0  }
0xa0: {  	[sflag:s22] =	ssyncadd.s32 s3;
	_ =	sdelay $0x1  }
0xa1: {  	s23 =	simm.s32 $0x1B8B  }
0xa2: {  	_ =	swait.ge [sflag:s23], $0x1  }
0xa3: {  	[sflag:s23] =	ssyncset.done $0x0  }
0xa4: {  	s25 =	simm.s32 $0x1B8E;
	s24 =	sld [smem:$0x3FFE];
	[sflag:s23] =	ssyncadd.s32 $0xFFFFFFFF  }
0xa5: {  	s26 =	simm.s32 $execute0_lowered;
	[smem:$0x3FD2] =	sst s25  }
0xa6: {  	s4 =	sshll.u32 s26, $0x1;
	_ =	strace $0x80000049;
	[dreg:$0x1] =	wrdreg $0xFFFFFFFF  }
0xa7: {  	s28 =	simm.s32 $_size_execute0_lowered;
	s2 =	sadd.s32 s2, s4;
	[dreg:$0x0] =	wrdreg $0x0  }
0xa8: {  	s4 =	sshll.u32 s28, $0x1;
	[dreg:$0x2] =	wrdreg s2  }
0xa9: {  	[dreg:$0x3] =	wrdreg s4  }
0xaa: {  	[dreg:$0x4] =	wrdreg $0xC0  }
0xab: {  	_ =	task [dreg:s6], $0x5FFFF  }
0xac: {  	[dreg:$0x1] =	wrdreg $0xFFFFFFFF  }
0xad: {  	[dreg:$0x0] =	wrdreg $0x60  }
0xae: {  	[dreg:$0x2] =	wrdreg s24  }
0xaf: {  	[dreg:$0x3] =	wrdreg $0xA  }
0xb0: {  	_ =	task.clear_ibuf [dreg:s6], $0x4FFFF;
	_ =	strace $0x90000049  }
0xb1: {  	s29 =	simm.s32 $0xA;
	_ =	strace $0x8000004B  }
0xb2: {  	_ =	swait.ge [sflag:s29], $0x1  }
0xb3: {  	[sflag:s29] =	ssyncadd.s32 $0xFFFFFFFF  }
0xb4: {  	_ =	strace $0x9000004B  }
0xb5: {  	_ =	sfence  }
0xb6: {  	s30 =	sld [smem:$0x0];
	_ =	sdelay $0x2  }
0xb7: {  	s31 =	sshll.u32 s1, $0xD;
	s1 =	sshrl.u32 s1, $0x2  }
0xb8: {  	s3 =	sand.u32 $0x4000, s31;
	s1 =	sadd.s32 s1, s30  }
0xb9: {  	s0 =	sor.u32 s3, s0;
	s1 =	sshll.u32 s1, $0x11  }
0xba: {  	s0 =	sor.u32 s1, s0  }
0xbb: {  	s0 =	sadd.s32 $0x8F2B, s0  }
0xbc: {  	[sflag:s0] =	ssyncadd.remote.s32 $0x1  }
0xbd: {  	_ =	sfence.sel $0xFFFF  }
0xbe: {  	[dreg:$0x0] =	wrdreg $0xFFFFFFFF;
	(pc) =	sbr.abs _section_cstart, $3  }
0xbf: {  	[dreg:$0x1] =	wrdreg $0xFFFFFFFF  }
0xc0: {  	_ =	task.clear_ibuf [dreg:s6], $0x2FFFF;
	_ =	strace $0x9FFFFFFF  }
0xc1: {  	(tm) =	ssettm $0x7FFFFFFF  }
tec
execute0_lowered:
.L_overlay_start_1:
0x0: {  	(tag) =	ssettag $0x1  }
0x1: {  	s8 =	rddreg [dreg:$0x0]  }
0x2: {  	s0 =	rddreg [dreg:$0x1];
	_ =	strace $0x8000004A;
	s1 =	stileid.u32  }
0x3: {  	s3 =	srdreg.scid;
	s4 =	simm.s32 $0x1;
	s7 =	simm.s32 $0x1  }
0x4: {  	s9 =	simm.s32 $0x1;
	s10 =	simm.s32 $0x3;
	s13 =	simm.s32 $0x0  }
0x5: {  	s12 =	simm.s32 $0x0;
	s5 =	sand.u32 $0x1, s3;
	s6 =	sshll.u32 s1, $0x1  }
0x6: {  	s2 =	sadd.s32 $0x9200, s8;
	s3 =	sadd.s32 $0x1CE00, s8;
	s5 =	sor.u32 s6, s5  }
.Ltmp0:
0x7: {  	[sflag:s4] =	ssyncpa.u1 $0x0;
	p0 =	slt.u32 s5, $0x9;
	(pc) =	sbr.rel .LBB2_1-.Ltmp0, $4  }
0x8: {  	s6 =	simm.s32 $0x2;
	s7 =	simm.s32 @!p0 $0x0;
	p0 =	sne.s32 s5, $0x8  }
0x9: {  	[sflag:s6] =	ssyncpa.u1 $0x0;
	s5 =	smul.u32 $0x1F40, s5;
	s9 =	simm.s32 @!p0 $0x0  }
0xa: {  	s8 =	sadd.s32 $0x13000, s8;
	[sflag:s10] =	ssyncpa.u1 $0x0;
	s7 =	sadd.s32 s9, s7  }
0xb: {  	vm0 =	vmmov $0xffff;
	s10 =	simm.s32 $0x0;
	s11 =	smov.u32 s5;
	s9 =	sadd.s32 $0x1, s7  }
.LBB2_4:
0xc: {  	v2 =	vnsel vm1, $0x0, v2  }
0xd: {  	vm1 =	vgt.s32 v0, $0x0;
	v2 =	vmin.u32 v2, $0x4E1FF  }
0xe: {  	v0 =	vnsel vm1, $0x0, v0  }
0xf: {  	v0 =	vmin.u32 v0, $0x4E1FF  }
0x10: {  	[tilespmem:s18], [sflag:$0x1] =	stream.indirect_vreg.gather [hbm4b:s2+s10], $0x1, v1, vm0, $0x4038;
	[tilespmem:$0x7D00] =	vst v63  }
0x11: {  	(ifvalue) =	ssetifvalue $0x7FFFFFFF  }
0x12: {  	[tilespmem:s15], [sflag:$0x1] =	stream.indirect_vreg.gather [hbm4b:s2+s10], $0x1, v2, vm0, $0x4038;
	[tilespmem:$0x7D00] =	vst v63  }
0x13: {  	s29 =	sadd.s32 $0x10, s15;
	(ifvalue) =	ssetifvalue $0x7FFFFFFF  }
0x14: {  	[tilespmem:s29], [sflag:$0x1] =	stream.indirect_vreg.gather [hbm4b:s2+s10], $0x1, v0, vm0, $0x4038;
	[tilespmem:$0x7D00] =	vst v63  }
0x15: {  	_ =	swait.ge [sflag:s4], $0x1F40  }
0x16: {  	s30 =	sshrl.u32 s13, $0x3;
	[sflag:s4] =	ssyncset.done $0x0  }
0x17: {  	s31 =	sand.u32 $0x7, s13;
	s15 =	sadd.s32 s8, s30;
	[sflag:s4] =	ssyncadd.s32 $0xFFFFE0C0  }
0x18: {  	[hbm4b:s15+s31] =	stream.linear.scatter [tilespmem:s14], [sflag:$0x3], $0x1F40, $0x38;
	[tilespmem:$0x7D00] =	vst v63  }
.LBB2_5:
0x19: {  	s15 =	sadd.s32 $0x3E800, s11  }
0x1a: {  	p1 =	sgt.s32 s15, $0x4E1FF  }
0x1b: {  	s15 =	smov.u32 @p1 s5;
	p1 =	sne.s32 s12, s9  }
.Ltmp1:
0x1c: {  	p0 =	slt.u32 s12, $0x2;
	(pc) =	sbr.rel @!p1 .LBB2_6-.Ltmp1, $4  }
0x1d: {  	s14 =	simm.s32 @!p0 $0x3  }
0x1e: {  	_ =	swait.ge @!p0 [sflag:s14], $0x1F40  }
0x1f: {  	s16 =	sadd.s32 $0x1, s12;
	s13 =	smov.u32 s11;
	[sflag:s14] =	ssyncset.done @!p0 $0x0  }
0x20: {  	s12 =	smov.u32 s16;
	s11 =	smov.u32 s15;
	[sflag:s14] =	ssyncadd.s32 @!p0 $0xFFFFE0C0  }
.LBB2_1:
0x21: {  	p0 =	sge.u32 s12, s7  }
0x22: {  	s14 =	sxor.u32 @!p0 $0x1, s12  }
0x23: {  	s14 =	smul.u32 @!p0 $0x7D00, s14  }
0x24: {  	s31 =	sadd.s32 $0xFFFFFFFF, s12;
	s15 =	sshrl.u32 @!p0 s11, $0x3  }
0x25: {  	s16 =	sand.u32 @!p0 $0x7, s11;
	s15 =	sadd.s32 @!p0 s3, s15;
	s14 =	sshra.s32 @!p0 s14, $0x2  }
0x26: {  	[tilespmem:s14], [sflag:$0x2] =	stream.linear.gather @!p0 [hbm4b:s15+s16], $0x1F40, $0x38;
	[tilespmem:$0x7D00] =	vst v63  }
0x27: {  	p0 =	sge.u32 s31, s7  }
.Ltmp2:
0x28: {  	_ = 	snop;
	(pc) =	sbr.rel @p0 .LBB2_5-.Ltmp2, $1  }
0x29: {  	_ =	sdelay $0x3  }
0x2a: {  	s14 =	sand.u32 $0x1, s12  }
0x2b: {  	_ =	swait.ge [sflag:s6], $0x1F40;
	p0 =	seq.s32 s14, $0x1;
	s14 =	simm.s32 $0x1F40  }
0x2c: {  	[sflag:s6] =	ssyncset.done $0x0;
	s14 =	simm.s32 @!p0 $0x0  }
0x2d: {  	[sflag:s6] =	ssyncadd.s32 $0xFFFFE0C0;
	(ifvalue) =	ssetifvalue $0x7FFFFFFF;
	v0 =	vld.msk [tilespmem:s14+$0x0 ss:$0x1], $0xffff;
	_ =	sdelay $0x4  }
0x2e: {  	s15 =	sadd.s32 $0x10, s14;
	vm1 =	vgt.s32 v0, $0x0  }
0x2f: {  	v2 =	vld.msk [tilespmem:s15+$0x0 ss:$0x1], $0xffff;
	v1 =	vnsel vm1, $0x0, v0  }
0x30: {  	v1 =	vmin.u32 v1, $0x4E1FF;
	_ =	sdelay $0x2  }
0x31: {  	s17 =	simm.s32 $0x20;
	s14 =	sadd.s32 $0x3E80, s14;
	s16 =	sadd.s32 $0x10, s15  }
0x32: {  	s15 =	sadd.s32 $0x10, s14;
	s18 =	smov.u32 s14;
	v0 =	vld.msk [tilespmem:s16+$0x0 ss:$0x1], $0xffff;
	vm1 =	vgt.s32 v2, $0x0;
	(ifvalue) =	ssetifvalue $0x7FFFFFFF  }
.LBB2_3:
0x33: {  	[tilespmem:s18], [sflag:$0x1] =	stream.indirect_vreg.gather [hbm4b:s2+s10], $0x1, v1, vm0, $0x4038;
	[tilespmem:$0x7D00] =	vst v63  }
0x34: {  	s17 =	sadd.s32 $0x10, s17  }
0x35: {  	v2 =	vnsel vm1, $0x0, v2;
	p0 =	slt.u32 s17, $0x1F30  }
.Ltmp3:
0x36: {  	s18 =	smov.u32 s15;
	v1 =	vmin.u32 v2, $0x4E1FF;
	(pc) =	sbr.rel @p0 .LBB2_3-.Ltmp3, $3  }
0x37: {  	_ =	sdelay $0x1  }
0x38: {  	s16 =	sadd.s32 $0x10, s16  }
0x39: {  	vm1 =	vgt.s32 v0, $0x0;
	s15 =	sadd.s32 $0x10, s15;
	v2 =	vmov v0;
	(ifvalue) =	ssetifvalue $0x7FFFFFFF;
	v0 =	vld.msk [tilespmem:s16+$0x0 ss:$0x1], $0xffff  }
.Ltmp4:
0x3a: {  	_ = 	snop;
	(pc) =	sbr.rel .LBB2_4-.Ltmp4, $1  }
0x3b: {  	_ =	sdelay $0x3  }
.LBB2_6:
0x3c: {  	_ =	sfence.sel $0x180000  }
0x3d: {  	s2 =	simm.s32 $0x2;
	[bflag:$0x0] =	sbarrier.arrive $0xFFFF  }
0x3e: {  	s30 =	simm.s32 $0x3;
	[sflag:s2] =	ssyncpa.u1 $0x1  }
0x3f: {  	s31 =	simm.s32 $0x1;
	[sflag:s30] =	ssyncpa.u1 $0x1  }
0x40: {  	[sflag:s31] =	ssyncpa.u1 $0x1  }
0x41: {  	p0 =	sne.s32 s1, $0x0;
	_ =	strace $0x9000004A  }
0x42: {  	s0 =	sadd.s32 @!p0 $0x100000, s0;
	[bflag:$0x2] =	sbarrier.arrive $0xFFFF  }
0x43: {  	[sflag:s0] =	ssyncadd.tile.s32 @!p0 $0x1;
	_ =	shalt  }
.Lfunc_end2:
_tile_overlayer_lowered:
.L_overlay_start_2:
0x44: {  	(tag) =	ssettag $0x2  }
0x45: {  	s0 =	rddreg [dreg:$0x0];
	s2 =	stileid.u32  }
0x46: {  	s1 =	rddreg [dreg:$0x1];
	p0 =	sne.s32 s2, $0x0  }
0x47: {  	s3 =	rddreg [dreg:$0x2];
	[bflag:$0x3] =	sbarrier.arrive $0xFFFF;
	s2 =	simm.s32 @!p0 $0x1C01  }
0x48: {  	[timem:s3], [sflag:s2] =	dma.local @!p0 [hbm:s0], s1  }
0x49: {  	s0 =	simm.s32 @!p0 $0x1  }
0x4a: {  	_ =	swait.ge @!p0 [sflag:s0], s1  }
0x4b: {  	s1 =	ssub.s32 @!p0 $0x0, s1;
	[sflag:s0] =	ssyncset.done @!p0 $0x0  }
0x4c: {  	[sflag:s0] =	ssyncadd.s32 @!p0 s1  }
0x4d: {  	[bflag:$0x3] =	sbarrier.arrive $0xFFFF  }
0x4e: {  	_ =	shalt  }

// kernel: kernel.18.cloned.1.call-start
scs
__scs_entry_jumppad:
0x0: {  	(pc) =	sbr.rel $0x88, $3  }
0x1: {  	(tag) =	ssettag $0x0;
	lr =	simm.s32 $0x1  }
0x2: {  	[smem:$0x3F7E] =	sst lr;
	_ =	strace $0xD0000000  }
0x3: {  	_ = 	snop  }
0x4: {  	_ = 	snop  }
0x5: {  	_ = 	snop  }
0x6: {  	_ = 	snop  }
0x7: {  	_ = 	snop  }
__scs_overlays_trampoline_lowered:
0x8: {  	[smem:$0x3F8D] =	sst s0  }
0x9: {  	[smem:$0x3F8E] =	sst s1  }
0xa: {  	[smem:$0x3F8F] =	sst s2  }
0xb: {  	[smem:$0x3F90] =	sst s3  }
0xc: {  	[smem:$0x3F91] =	sst s4  }
0xd: {  	[smem:$0x3F92] =	sst s5  }
0xe: {  	[smem:$0x3F93] =	sst s6  }
0xf: {  	[smem:$0x3F94] =	sst s7  }
0x10: {  	[smem:$0x3F95] =	sst s8  }
0x11: {  	[smem:$0x3F96] =	sst s9;
	s0 =	simm.s32 @!p0 $0x0  }
0x12: {  	s1 =	sld [smem:$0x3F7C];
	s0 =	simm.s32 @p0 $0x1  }
0x13: {  	[smem:$0x3F97] =	sst s0;
	s0 =	simm.s32 @!p1 $0x0  }
0x14: {  	s2 =	sld [smem:$0x3F7B];
	s0 =	simm.s32 @p1 $0x1  }
0x15: {  	[smem:$0x3F98] =	sst s0;
	s0 =	simm.s32 @!p2 $0x0  }
0x16: {  	s3 =	sld [smem:$0x3FDB];
	s0 =	simm.s32 @p2 $0x1  }
0x17: {  	s4 =	simm.s32 $0x1BF5;
	[smem:$0x3F9A] =	sst s0  }
0x18: {  	s0 =	sld [smem:$0x3F7D];
	_ =	swait.ge [sflag:s4], $0x0  }
0x19: {  	s7 =	sld [smem:$0x3F7E]  }
0x1a: {  	s8 =	sadd.s32 $0xFFFFE003, lr  }
0x1b: {  	s9 =	sadd.s32 $0xFFFFFEF7, lr;
	s5 =	simm.s32 $0xFFFFFFFF;
	p2 =	slt.u32 s8, $0xFFFFF086  }
0x1c: {  	p1 =	slt.u32 s9, $0xF7A;
	s5 =	simm.s32 @!p2 $0x0  }
0x1d: {  	s5 =	simm.s32 @p1 $0x1;
	p0 =	seq.s32 s7, s2  }
0x1e: {  	s7 =	smul.u32 @!p0 $0xF7A, s2;
	p2 =	seq.s32 @!p0 s5, $0x0  }
0x1f: {  	s9 =	smul.u32 $0xF7A, s1;
	s8 =	simm.s32 @!p0 $0x1BF5;
	p2 =	por !p2, p0  }
0x20: {  	[sflag:s8] =	ssyncset.s32 @!p0 $0xFFFFF086;
	s6 =	sadd.s32 @!p0 s3, s7;
	s7 =	simm.s32 @!p0 $0x108  }
0x21: {  	s3 =	sadd.s32 s3, s9;
	s6 =	sadd.s32 @!p0 $0x88, s6;
	s7 =	simm.s32 @p2 $0x1082  }
0x22: {  	[simem:s7], [sflag:s8] =	dma.local @!p0 [hbm:s6], $0xF7A  }
0x23: {  	s9 =	sor.u32 $0xD0000000, s2;
	s6 =	simm.s32 $0x108;
	_ =	swait.ge @!p0 [sflag:s8], $0x0  }
0x24: {  	s3 =	sadd.s32 $0x88, s3;
	s6 =	simm.s32 @!p1 $0x1082;
	[sflag:s4] =	ssyncset.s32 $0xFFFFF086  }
0x25: {  	[simem:s6], [sflag:s4] =	dma.local [hbm:s3], $0xF7A  }
0x26: {  	[smem:$0x3F7E] =	sst s1;
	(tag) =	ssettag s2;
	_ =	strace s9  }
0x27: {  	s1 =	sld [smem:$0x3F8E]  }
0x28: {  	s2 =	sld [smem:$0x3F8F]  }
0x29: {  	s4 =	sld [smem:$0x3F91]  }
0x2a: {  	p0 =	seq.s32 s5, $0x0;
	s5 =	sld [smem:$0x3F92]  }
0x2b: {  	s6 =	sld [smem:$0x3F93]  }
0x2c: {  	s7 =	sld [smem:$0x3F94]  }
0x2d: {  	s3 =	simm.s32 $0x108;
	s8 =	sld [smem:$0x3F95]  }
0x2e: {  	s3 =	simm.s32 @!p0 $0x1082;
	s9 =	sld [smem:$0x3F96]  }
0x2f: {  	lr =	sadd.s32 s0, s3;
	s0 =	sld [smem:$0x3F8D]  }
0x30: {  	s3 =	sld [smem:$0x3F90]  }
0x31: {  	[smem:$0x3F99] =	sst s10  }
0x32: {  	s10 =	sld [smem:$0x3F97];
	_ =	sdelay $0x3  }
0x33: {  	p0 =	seq.s32 s10, $0x1;
	s10 =	sld [smem:$0x3F99];
	_ =	sdelay $0x3  }
0x34: {  	[smem:$0x3F99] =	sst s10  }
0x35: {  	s10 =	sld [smem:$0x3F98];
	_ =	sdelay $0x3  }
0x36: {  	p1 =	seq.s32 s10, $0x1;
	s10 =	sld [smem:$0x3F99];
	_ =	sdelay $0x3  }
0x37: {  	[smem:$0x3F99] =	sst s10  }
0x38: {  	s10 =	sld [smem:$0x3F9A]  }
0x39: {  	_ = 	snop;
	(pc) =	sbr.ind lr, $3  }
0x3a: {  	_ = 	snop  }
0x3b: {  	_ = 	snop  }
0x3c: {  	p2 =	seq.s32 s10, $0x1;
	s10 =	sld [smem:$0x3F99]  }
0x3d: {  	_ =	shalt  }
0x3e: {  	_ =	shalt  }
0x3f: {  	_ =	shalt  }
0x40: {  	_ =	shalt  }
0x41: {  	_ =	shalt  }
0x42: {  	_ =	shalt  }
0x43: {  	_ =	shalt  }
0x44: {  	_ =	shalt  }
0x45: {  	_ =	shalt  }
0x46: {  	_ =	shalt  }
0x47: {  	_ =	shalt  }
0x48: {  	_ =	shalt  }
0x49: {  	_ =	shalt  }
0x4a: {  	_ =	shalt  }
0x4b: {  	_ =	shalt  }
0x4c: {  	_ =	shalt  }
0x4d: {  	_ =	shalt  }
0x4e: {  	_ =	shalt  }
0x4f: {  	_ =	shalt  }
0x50: {  	_ =	shalt  }
0x51: {  	_ =	shalt  }
0x52: {  	_ =	shalt  }
0x53: {  	_ =	shalt  }
0x54: {  	_ =	shalt  }
0x55: {  	_ =	shalt  }
0x56: {  	_ =	shalt  }
0x57: {  	_ =	shalt  }
0x58: {  	_ =	shalt  }
0x59: {  	_ =	shalt  }
0x5a: {  	_ =	shalt  }
0x5b: {  	_ =	shalt  }
0x5c: {  	_ =	shalt  }
0x5d: {  	_ =	shalt  }
0x5e: {  	_ =	shalt  }
0x5f: {  	_ =	shalt  }
0x60: {  	_ =	shalt  }
0x61: {  	_ =	shalt  }
0x62: {  	_ =	shalt  }
0x63: {  	_ =	shalt  }
0x64: {  	_ =	shalt  }
0x65: {  	_ =	shalt  }
0x66: {  	_ =	shalt  }
0x67: {  	_ =	shalt  }
0x68: {  	_ =	shalt  }
0x69: {  	_ =	shalt  }
0x6a: {  	_ =	shalt  }
0x6b: {  	_ =	shalt  }
0x6c: {  	_ =	shalt  }
0x6d: {  	_ =	shalt  }
0x6e: {  	_ =	shalt  }
0x6f: {  	_ =	shalt  }
0x70: {  	_ =	shalt  }
0x71: {  	_ =	shalt  }
0x72: {  	_ =	shalt  }
0x73: {  	_ =	shalt  }
0x74: {  	_ =	shalt  }
0x75: {  	_ =	shalt  }
0x76: {  	_ =	shalt  }
0x77: {  	_ =	shalt  }
0x78: {  	_ =	shalt  }
0x79: {  	_ =	shalt  }
0x7a: {  	_ =	shalt  }
0x7b: {  	_ =	shalt  }
0x7c: {  	_ =	shalt  }
0x7d: {  	_ =	shalt  }
0x7e: {  	_ =	shalt  }
0x7f: {  	_ =	shalt  }
0x80: {  	_ =	shalt  }
0x81: {  	_ =	shalt  }
0x82: {  	_ =	shalt  }
0x83: {  	_ =	shalt  }
0x84: {  	_ =	shalt  }
0x85: {  	_ =	shalt  }
0x86: {  	_ =	shalt  }
0x87: {  	_ =	shalt  }
.Lfunc_end0:
.L_simem_size_0:
called_computation.4_lowered:
.L_overlay_start_0:
0x88: {  	s2 =	sld [smem:$0x3FD9]  }
0x89: {  	s3 =	sld [smem:$0x3FFE];
	_ =	sdelay $0x1  }
0x8a: {  	s1 =	srdreg.scid  }
0x8b: {  	s0 =	sand.u32 $0x1, s1  }
0x8c: {  	s17 =	sshll.u32 s0, $0xA;
	s2 =	sadd.s32 s3, s2  }
0x8d: {  	s2 =	sadd.s32 s2, s17  }
0x8e: {  	[smem:$0x3FA5] =	sst s2  }
0x8f: {  	_ = 	snop  }
0x90: {  	s2 =	sld [smem:$0x3FC9];
	(tm) =	ssettm $0x1  }
0x91: {  	s18 =	sld [smem:$0x3FFB];
	_ =	sdelay $0x3  }
0x92: {  	_ =	strace s18  }
0x93: {  	s3 =	sld [smem:$0x3FFC];
	_ =	sdelay $0x3  }
0x94: {  	_ =	strace s3  }
0x95: {  	s3 =	sld [smem:$0x3FFD];
	_ =	sdelay $0x3  }
0x96: {  	_ =	strace s3  }
0x97: {  	_ =	strace $0x8FFFFFFF  }
0x98: {  	s19 =	sld [smem:$0x3FDB];
	_ =	sdelay $0x1  }
0x99: {  	s4 =	simm.s32 $_scs_section_size  }
0x9a: {  	s5 =	simm.s32 $_size__tile_overlayer_lowered;
	s6 =	simm.s32 $_tile_overlayer_lowered  }
0x9b: {  	s22 =	simm.s32 $0x1BFF;
	s21 =	sshll.u32 s6, $0x1;
	s3 =	sadd.s32 s4, s19  }
0x9c: {  	s7 =	simm.s32 $0x0;
	s20 =	sshll.u32 s5, $0x1;
	s5 =	sadd.s32 s21, s3  }
0x9d: {  	[timem:s7], [sflag:s22] =	dma.local [hbm:s5], s20  }
0x9e: {  	_ =	swait.ge [sflag:s22], s20  }
0x9f: {  	s4 =	ssub.s32 $0x0, s20;
	[sflag:s22] =	ssyncset.done $0x0  }
0xa0: {  	[sflag:s22] =	ssyncadd.s32 s4;
	_ =	sdelay $0x1  }
0xa1: {  	s23 =	simm.s32 $0x1B8B  }
0xa2: {  	_ =	swait.ge [sflag:s23], $0x1  }
0xa3: {  	[sflag:s23] =	ssyncset.done $0x0  }
0xa4: {  	s25 =	simm.s32 $0x1B8E;
	s24 =	sld [smem:$0x3FFE];
	[sflag:s23] =	ssyncadd.s32 $0xFFFFFFFF  }
0xa5: {  	s26 =	simm.s32 $execute0_lowered;
	[smem:$0x3FD2] =	sst s25  }
0xa6: {  	s5 =	sshll.u32 s26, $0x1;
	_ =	strace $0x80000052;
	[dreg:$0x1] =	wrdreg $0xFFFFFFFF  }
0xa7: {  	s28 =	simm.s32 $_size_execute0_lowered;
	s3 =	sadd.s32 s3, s5;
	[dreg:$0x0] =	wrdreg $0x0  }
0xa8: {  	s5 =	sshll.u32 s28, $0x1;
	[dreg:$0x2] =	wrdreg s3  }
0xa9: {  	[dreg:$0x3] =	wrdreg s5  }
0xaa: {  	[dreg:$0x4] =	wrdreg $0xC0  }
0xab: {  	_ =	task [dreg:s7], $0x5FFFF  }
0xac: {  	[dreg:$0x1] =	wrdreg $0xFFFFFFFF  }
0xad: {  	[dreg:$0x0] =	wrdreg $0x60  }
0xae: {  	[dreg:$0x2] =	wrdreg s2  }
0xaf: {  	[dreg:$0x3] =	wrdreg s24  }
0xb0: {  	[dreg:$0x4] =	wrdreg $0x88000  }
0xb1: {  	[dreg:$0x5] =	wrdreg $0x9  }
0xb2: {  	_ =	task.clear_ibuf [dreg:s7], $0x6FFFF;
	_ =	strace $0x90000052  }
0xb3: {  	s29 =	simm.s32 $0x9;
	_ =	strace $0x80000054  }
0xb4: {  	_ =	swait.ge [sflag:s29], $0x1  }
0xb5: {  	[sflag:s29] =	ssyncadd.s32 $0xFFFFFFFF  }
0xb6: {  	_ =	strace $0x90000054  }
0xb7: {  	_ =	sfence  }
0xb8: {  	s30 =	sld [smem:$0x0];
	_ =	sdelay $0x2  }
0xb9: {  	s31 =	sshll.u32 s1, $0xD;
	s1 =	sshrl.u32 s1, $0x2  }
0xba: {  	s3 =	sand.u32 $0x4000, s31;
	s1 =	sadd.s32 s1, s30  }
0xbb: {  	s0 =	sor.u32 s3, s0;
	s1 =	sshll.u32 s1, $0x11  }
0xbc: {  	s0 =	sor.u32 s1, s0  }
0xbd: {  	s0 =	sadd.s32 $0x8F2B, s0  }
0xbe: {  	[sflag:s0] =	ssyncadd.remote.s32 $0x1  }
0xbf: {  	_ =	sfence.sel $0xFFFF  }
0xc0: {  	[dreg:$0x0] =	wrdreg $0xFFFFFFFF;
	(pc) =	sbr.abs _section_cstart, $3  }
0xc1: {  	[dreg:$0x1] =	wrdreg $0xFFFFFFFF  }
0xc2: {  	_ =	task.clear_ibuf [dreg:s7], $0x2FFFF;
	_ =	strace $0x9FFFFFFF  }
0xc3: {  	(tm) =	ssettm $0x7FFFFFFF  }
tec
execute0_lowered:
.L_overlay_start_1:
0x0: {  	(tag) =	ssettag $0x1  }
0x1: {  	s0 =	srdreg.scid;
	s2 =	rddreg [dreg:$0x0]  }
0x2: {  	s14 =	stileid.u32;
	s5 =	rddreg [dreg:$0x1]  }
0x3: {  	s3 =	rddreg [dreg:$0x2];
	s4 =	simm.s32 $0x0;
	s16 =	simm.s32 $0x400  }
0x4: {  	s17 =	simm.s32 $0x7D;
	s18 =	simm.s32 $0x800;
	s19 =	simm.s32 $0x80  }
0x5: {  	s20 =	simm.s32 $0x4800;
	s21 =	simm.s32 $0x1;
	s22 =	simm.s32 $0x100  }
0x6: {  	s28 =	simm.s32 $0x200;
	s29 =	simm.s32 $0x580;
	s1 =	smul.u32 $0x5800, s14  }
0x7: {  	s30 =	simm.s32 $0x280;
	s31 =	simm.s32 $0x600;
	s7 =	smul.u32 $0x13800, s14  }
0x8: {  	s0 =	sand.u32 $0x1, s0;
	[smem:$0x7FF] =	sst s4;
	s10 =	smul.u32 $0x4E000, s14  }
0x9: {  	s11 =	sadd.s32 $0x45A00, s5;
	s25 =	sshll.u32 s14, $0x6;
	p0 =	sne.s32 s14, $0xF  }
0xa: {  	s14 =	simm.s32 $0x3;
	s6 =	smul.u32 $0x2C00, s0;
	_ =	strace $0x80000053  }
0xb: {  	s23 =	ssub.s32 $0x2, s0;
	s0 =	smul.u32 $0x139000, s0;
	s8 =	sshrl.u32 s7, $0x3  }
0xc: {  	s9 =	sshrl.u32 s23, $0x1;
	s24 =	sshrl.u32 s10, $0x2;
	s10 =	sor.u32 $0x1C03, s25  }
0xd: {  	s25 =	simm.s32 $0x180;
	s1 =	sadd.s32 s6, s1;
	s8 =	sadd.s32 s8, s5  }
0xe: {  	s9 =	ssub.s32 s23, s9;
	s13 =	sadd.s32 s24, s3;
	s7 =	sadd.s32 s7, s0  }
0xf: {  	s0 =	sshrl.u32 s0, $0x3;
	s23 =	simm.s32 $0x2;
	s24 =	simm.s32 $0x480  }
0x10: {  	[dreg:$0x5] =	wrdreg s10;
	s1 =	sshrl.u32 s1, $0x3;
	s26 =	sadd.s32 $0x1E800, s8  }
0x11: {  	s8 =	sadd.s32 $0x138000, s3;
	s6 =	sshrl.u32 s7, $0x3;
	s0 =	sadd.s32 s11, s0  }
0x12: {  	s7 =	smax.u32 s9, $0x1;
	s13 =	sshrl.u32 s13, $0x3;
	[dreg:$0x4] =	wrdreg s26  }
0x13: {  	s9 =	simm.s32 $0x0;
	s1 =	sadd.s32 s1, s5;
	[dreg:$0x9] =	wrdreg s7  }
0x14: {  	s5 =	sadd.s32 $0x45800, s5;
	s0 =	sadd.s32 $0x27000, s0;
	[dreg:$0xc] =	wrdreg s9  }
0x15: {  	s15 =	sshrl.u32 @!p0 s8, $0x3;
	s26 =	simm.s32 $0x500;
	[dreg:$0xa] =	wrdreg s13  }
0x16: {  	s7 =	simm.s32 $0x700;
	s8 =	simm.s32 $0x780;
	[dreg:$0x6] =	wrdreg s5  }
0x17: {  	s5 =	sadd.s32 s11, s6;
	[dreg:$0x8] =	wrdreg s0;
	s11 =	sadd.s32 $0x8800, s1  }
0x18: {  	s12 =	sadd.s32 $0x13800, s1;
	s1 =	simm.s32 $0x300;
	[dreg:$0xb] =	wrdreg s15  }
0x19: {  	s0 =	simm.s32 $0x680;
	[dreg:$0x7] =	wrdreg s5;
	s5 =	simm.s32 $0x380  }
.LBB2_1:
0x1a: {  	s6 =	rddreg [dreg:$0x4]  }
0x1b: {  	[spmem:s13], [sflag:s10] =	dma.local [hbm:s6], $0x2700  }
0x1c: {  	_ =	swait.ge [sflag:s14], $0x2700  }
0x1d: {  	[sflag:s14] =	ssyncset.done $0x0  }
0x1e: {  	s6 =	rddreg [dreg:$0x6];
	[sflag:s14] =	ssyncadd.s32 $0xFFFFD900  }
0x1f: {  	[spmem:s15], [sflag:s10] =	dma.local @!p0 [hbm:s6], $0x200  }
0x20: {  	s10 =	simm.s32 @!p0 $0x3  }
0x21: {  	_ =	swait.ge @!p0 [sflag:s10], $0x200  }
0x22: {  	[sflag:s10] =	ssyncset.done @!p0 $0x0  }
0x23: {  	[sflag:s10] =	ssyncadd.s32 @!p0 $0xFFFFFE00  }
0x24: {  	s13 =	sadd.s32 $0x0, s12;
	[bflag:$0x0] =	sbarrier.arrive $0xFFFF  }
0x25: {  	[tilespmem:s4], [sflag:$0x3] =	stream.linear.gather [hbm4b:s13+s4], $0x400, $0x38;
	[tilespmem:$0x1C100] =	vst v63  }
0x26: {  	_ =	swait.ge [sflag:s14], $0x400  }
0x27: {  	[sflag:s14] =	ssyncset.done $0x0  }
0x28: {  	s15 =	sadd.s32 $0x0, s11;
	[sflag:s14] =	ssyncadd.s32 $0xFFFFFC00  }
0x29: {  	[tilespmem:s16], [sflag:$0x3] =	stream.linear.gather [hbm4b:s15+s4], $0x400, $0x38;
	[tilespmem:$0x1C100] =	vst v63  }
0x2a: {  	_ =	swait.ge [sflag:s14], $0x400  }
0x2b: {  	[sflag:s14] =	ssyncset.done $0x0  }
0x2c: {  	[sflag:s14] =	ssyncadd.s32 $0xFFFFFC00  }
0x2d: {  	[tilespmem:s18], [sflag:$0x1] =	stream.indirect.gather [hbm4b:s2+s17], $0x80, s4, s17, $0xb8;
	[tilespmem:$0x1C100] =	vst v63  }
0x2e: {  	_ = 	snop  }
0x2f: {  	[tilespmem:s20], [sflag:$0x2] =	stream.indirect.gather [hbm4b:s2+s17], $0x80, s19, s17, $0xb8;
	[tilespmem:$0x1C100] =	vst v63  }
0x30: {  	_ =	swait.ge [sflag:s21], $0x3E80  }
0x31: {  	[sflag:s21] =	ssyncset.done $0x0  }
0x32: {  	[sflag:s21] =	ssyncadd.s32 $0xFFFFC180  }
0x33: {  	[spmem:s3] =	stream.indirect.scatter.add.f32 [tilespmem:s18], [sflag:$0x3], $0x80, s16, s17, $0xb8;
	[tilespmem:$0x1C100] =	vst v63  }
0x34: {  	_ =	swait.ge [sflag:s14], $0x3E80  }
0x35: {  	[sflag:s14] =	ssyncset.done $0x0  }
0x36: {  	[sflag:s14] =	ssyncadd.s32 $0xFFFFC180  }
0x37: {  	[tilespmem:s18], [sflag:$0x1] =	stream.indirect.gather [hbm4b:s2+s17], $0x80, s22, s17, $0xb8;
	[tilespmem:$0x1C100] =	vst v63  }
0x38: {  	_ =	swait.ge [sflag:s23], $0x3E80  }
0x39: {  	[sflag:s23] =	ssyncset.done $0x0  }
0x3a: {  	[sflag:s23] =	ssyncadd.s32 $0xFFFFC180  }
0x3b: {  	[spmem:s3] =	stream.indirect.scatter.add.f32 [tilespmem:s20], [sflag:$0x3], $0x80, s24, s17, $0xb8;
	[tilespmem:$0x1C100] =	vst v63  }
0x3c: {  	_ =	swait.ge [sflag:s14], $0x3E80  }
0x3d: {  	[sflag:s14] =	ssyncset.done $0x0  }
0x3e: {  	[sflag:s14] =	ssyncadd.s32 $0xFFFFC180  }
0x3f: {  	[tilespmem:s20], [sflag:$0x2] =	stream.indirect.gather [hbm4b:s2+s17], $0x80, s25, s17, $0xb8;
	[tilespmem:$0x1C100] =	vst v63  }
0x40: {  	_ =	swait.ge [sflag:s21], $0x3E80  }
0x41: {  	[sflag:s21] =	ssyncset.done $0x0  }
0x42: {  	[sflag:s21] =	ssyncadd.s32 $0xFFFFC180  }
0x43: {  	[spmem:s3] =	stream.indirect.scatter.add.f32 [tilespmem:s18], [sflag:$0x3], $0x80, s26, s17, $0xb8;
	[tilespmem:$0x1C100] =	vst v63  }
0x44: {  	_ =	swait.ge [sflag:s14], $0x3E80  }
0x45: {  	[sflag:s14] =	ssyncset.done $0x0  }
0x46: {  	[sflag:s14] =	ssyncadd.s32 $0xFFFFC180  }
0x47: {  	[tilespmem:s18], [sflag:$0x1] =	stream.indirect.gather [hbm4b:s2+s17], $0x80, s28, s17, $0xb8;
	[tilespmem:$0x1C100] =	vst v63  }
0x48: {  	_ =	swait.ge [sflag:s23], $0x3E80  }
0x49: {  	[sflag:s23] =	ssyncset.done $0x0  }
0x4a: {  	[sflag:s23] =	ssyncadd.s32 $0xFFFFC180  }
0x4b: {  	[spmem:s3] =	stream.indirect.scatter.add.f32 [tilespmem:s20], [sflag:$0x3], $0x80, s29, s17, $0xb8;
	[tilespmem:$0x1C100] =	vst v63  }
0x4c: {  	_ =	swait.ge [sflag:s14], $0x3E80  }
0x4d: {  	[sflag:s14] =	ssyncset.done $0x0  }
0x4e: {  	[sflag:s14] =	ssyncadd.s32 $0xFFFFC180  }
0x4f: {  	[tilespmem:s20], [sflag:$0x2] =	stream.indirect.gather [hbm4b:s2+s17], $0x80, s30, s17, $0xb8;
	[tilespmem:$0x1C100] =	vst v63  }
0x50: {  	_ =	swait.ge [sflag:s21], $0x3E80  }
0x51: {  	[sflag:s21] =	ssyncset.done $0x0  }
0x52: {  	[sflag:s21] =	ssyncadd.s32 $0xFFFFC180  }
0x53: {  	[spmem:s3] =	stream.indirect.scatter.add.f32 [tilespmem:s18], [sflag:$0x3], $0x80, s31, s17, $0xb8;
	[tilespmem:$0x1C100] =	vst v63  }
0x54: {  	_ =	swait.ge [sflag:s14], $0x3E80  }
0x55: {  	[sflag:s14] =	ssyncset.done $0x0  }
0x56: {  	[sflag:s14] =	ssyncadd.s32 $0xFFFFC180  }
0x57: {  	[tilespmem:s18], [sflag:$0x1] =	stream.indirect.gather [hbm4b:s2+s17], $0x80, s1, s17, $0xb8;
	[tilespmem:$0x1C100] =	vst v63  }
0x58: {  	_ =	swait.ge [sflag:s23], $0x3E80  }
0x59: {  	[sflag:s23] =	ssyncset.done $0x0  }
0x5a: {  	[sflag:s23] =	ssyncadd.s32 $0xFFFFC180  }
0x5b: {  	[spmem:s3] =	stream.indirect.scatter.add.f32 [tilespmem:s20], [sflag:$0x3], $0x80, s0, s17, $0xb8;
	[tilespmem:$0x1C100] =	vst v63  }
0x5c: {  	_ =	swait.ge [sflag:s14], $0x3E80  }
0x5d: {  	[sflag:s14] =	ssyncset.done $0x0  }
0x5e: {  	[sflag:s14] =	ssyncadd.s32 $0xFFFFC180  }
0x5f: {  	[tilespmem:s20], [sflag:$0x2] =	stream.indirect.gather [hbm4b:s2+s17], $0x80, s5, s17, $0xb8;
	[tilespmem:$0x1C100] =	vst v63  }
0x60: {  	_ =	swait.ge [sflag:s21], $0x3E80  }
0x61: {  	[sflag:s21] =	ssyncset.done $0x0  }
0x62: {  	[sflag:s21] =	ssyncadd.s32 $0xFFFFC180  }
0x63: {  	[spmem:s3] =	stream.indirect.scatter.add.f32 [tilespmem:s18], [sflag:$0x3], $0x80, s7, s17, $0xb8;
	[tilespmem:$0x1C100] =	vst v63  }
0x64: {  	_ =	swait.ge [sflag:s14], $0x3E80  }
0x65: {  	[sflag:s14] =	ssyncset.done $0x0  }
0x66: {  	[sflag:s14] =	ssyncadd.s32 $0xFFFFC180  }
0x67: {  	_ =	swait.ge [sflag:s23], $0x3E80  }
0x68: {  	[sflag:s23] =	ssyncset.done $0x0  }
0x69: {  	[sflag:s23] =	ssyncadd.s32 $0xFFFFC180  }
0x6a: {  	[spmem:s3] =	stream.indirect.scatter.add.f32 [tilespmem:s20], [sflag:$0x3], $0x80, s8, s17, $0xb8;
	[tilespmem:$0x1C100] =	vst v63  }
0x6b: {  	_ =	swait.ge [sflag:s14], $0x3E80  }
0x6c: {  	s10 =	simm.s32 $0x80;
	s13 =	simm.s32 $0x100;
	[sflag:s14] =	ssyncset.done $0x0  }
.LBB2_2:
0x6d: {  	s6 =	sadd.s32 s10, s12  }
0x6e: {  	[sflag:s14] =	ssyncadd.s32 $0xFFFFC180;
	s9 =	smov.u32 s13;
	s15 =	sadd.s32 $0x80, s13  }
0x6f: {  	[tilespmem:s4], [sflag:$0x3] =	stream.linear.gather [hbm4b:s6+s4], $0x400, $0x38;
	[tilespmem:$0x1C100] =	vst v63  }
0x70: {  	p1 =	sne.s32 s13, $0x500;
	_ =	swait.ge [sflag:s14], $0x400  }
0x71: {  	[sflag:s14] =	ssyncset.done $0x0  }
0x72: {  	s6 =	sadd.s32 s10, s11;
	s10 =	smov.u32 s9;
	[sflag:s14] =	ssyncadd.s32 $0xFFFFFC00  }
0x73: {  	[tilespmem:s16], [sflag:$0x3] =	stream.linear.gather [hbm4b:s6+s4], $0x400, $0x38;
	[tilespmem:$0x1C100] =	vst v63  }
0x74: {  	_ =	swait.ge [sflag:s14], $0x400  }
0x75: {  	[sflag:s14] =	ssyncset.done $0x0  }
0x76: {  	[sflag:s14] =	ssyncadd.s32 $0xFFFFFC00  }
0x77: {  	[tilespmem:s18], [sflag:$0x1] =	stream.indirect.gather [hbm4b:s2+s17], $0x80, s4, s17, $0xb8;
	[tilespmem:$0x1C100] =	vst v63  }
0x78: {  	_ = 	snop  }
0x79: {  	[tilespmem:s20], [sflag:$0x2] =	stream.indirect.gather [hbm4b:s2+s17], $0x80, s19, s17, $0xb8;
	[tilespmem:$0x1C100] =	vst v63  }
0x7a: {  	_ =	swait.ge [sflag:s21], $0x3E80  }
0x7b: {  	[sflag:s21] =	ssyncset.done $0x0  }
0x7c: {  	[sflag:s21] =	ssyncadd.s32 $0xFFFFC180  }
0x7d: {  	[spmem:s3] =	stream.indirect.scatter.add.f32 [tilespmem:s18], [sflag:$0x3], $0x80, s16, s17, $0xb8;
	[tilespmem:$0x1C100] =	vst v63  }
0x7e: {  	_ =	swait.ge [sflag:s14], $0x3E80  }
0x7f: {  	[sflag:s14] =	ssyncset.done $0x0  }
0x80: {  	[sflag:s14] =	ssyncadd.s32 $0xFFFFC180  }
0x81: {  	[tilespmem:s18], [sflag:$0x1] =	stream.indirect.gather [hbm4b:s2+s17], $0x80, s22, s17, $0xb8;
	[tilespmem:$0x1C100] =	vst v63  }
0x82: {  	_ =	swait.ge [sflag:s23], $0x3E80  }
0x83: {  	[sflag:s23] =	ssyncset.done $0x0  }
0x84: {  	[sflag:s23] =	ssyncadd.s32 $0xFFFFC180  }
0x85: {  	[spmem:s3] =	stream.indirect.scatter.add.f32 [tilespmem:s20], [sflag:$0x3], $0x80, s24, s17, $0xb8;
	[tilespmem:$0x1C100] =	vst v63  }
0x86: {  	_ =	swait.ge [sflag:s14], $0x3E80  }
0x87: {  	[sflag:s14] =	ssyncset.done $0x0  }
0x88: {  	[sflag:s14] =	ssyncadd.s32 $0xFFFFC180  }
0x89: {  	[tilespmem:s20], [sflag:$0x2] =	stream.indirect.gather [hbm4b:s2+s17], $0x80, s25, s17, $0xb8;
	[tilespmem:$0x1C100] =	vst v63  }
0x8a: {  	_ =	swait.ge [sflag:s21], $0x3E80  }
0x8b: {  	[sflag:s21] =	ssyncset.done $0x0  }
0x8c: {  	[sflag:s21] =	ssyncadd.s32 $0xFFFFC180  }
0x8d: {  	[spmem:s3] =	stream.indirect.scatter.add.f32 [tilespmem:s18], [sflag:$0x3], $0x80, s26, s17, $0xb8;
	[tilespmem:$0x1C100] =	vst v63  }
0x8e: {  	_ =	swait.ge [sflag:s14], $0x3E80  }
0x8f: {  	[sflag:s14] =	ssyncset.done $0x0  }
0x90: {  	[sflag:s14] =	ssyncadd.s32 $0xFFFFC180  }
0x91: {  	[tilespmem:s18], [sflag:$0x1] =	stream.indirect.gather [hbm4b:s2+s17], $0x80, s28, s17, $0xb8;
	[tilespmem:$0x1C100] =	vst v63  }
0x92: {  	_ =	swait.ge [sflag:s23], $0x3E80  }
0x93: {  	[sflag:s23] =	ssyncset.done $0x0  }
0x94: {  	[sflag:s23] =	ssyncadd.s32 $0xFFFFC180  }
0x95: {  	[spmem:s3] =	stream.indirect.scatter.add.f32 [tilespmem:s20], [sflag:$0x3], $0x80, s29, s17, $0xb8;
	[tilespmem:$0x1C100] =	vst v63  }
0x96: {  	_ =	swait.ge [sflag:s14], $0x3E80  }
0x97: {  	[sflag:s14] =	ssyncset.done $0x0  }
0x98: {  	[sflag:s14] =	ssyncadd.s32 $0xFFFFC180  }
0x99: {  	[tilespmem:s20], [sflag:$0x2] =	stream.indirect.gather [hbm4b:s2+s17], $0x80, s30, s17, $0xb8;
	[tilespmem:$0x1C100] =	vst v63  }
0x9a: {  	_ =	swait.ge [sflag:s21], $0x3E80  }
0x9b: {  	[sflag:s21] =	ssyncset.done $0x0  }
0x9c: {  	[sflag:s21] =	ssyncadd.s32 $0xFFFFC180  }
0x9d: {  	[spmem:s3] =	stream.indirect.scatter.add.f32 [tilespmem:s18], [sflag:$0x3], $0x80, s31, s17, $0xb8;
	[tilespmem:$0x1C100] =	vst v63  }
0x9e: {  	_ =	swait.ge [sflag:s14], $0x3E80  }
0x9f: {  	[sflag:s14] =	ssyncset.done $0x0  }
0xa0: {  	[sflag:s14] =	ssyncadd.s32 $0xFFFFC180  }
0xa1: {  	[tilespmem:s18], [sflag:$0x1] =	stream.indirect.gather [hbm4b:s2+s17], $0x80, s1, s17, $0xb8;
	[tilespmem:$0x1C100] =	vst v63  }
0xa2: {  	_ =	swait.ge [sflag:s23], $0x3E80  }
0xa3: {  	[sflag:s23] =	ssyncset.done $0x0  }
0xa4: {  	[sflag:s23] =	ssyncadd.s32 $0xFFFFC180  }
0xa5: {  	[spmem:s3] =	stream.indirect.scatter.add.f32 [tilespmem:s20], [sflag:$0x3], $0x80, s0, s17, $0xb8;
	[tilespmem:$0x1C100] =	vst v63  }
0xa6: {  	_ =	swait.ge [sflag:s14], $0x3E80  }
0xa7: {  	[sflag:s14] =	ssyncset.done $0x0  }
0xa8: {  	[sflag:s14] =	ssyncadd.s32 $0xFFFFC180  }
0xa9: {  	[tilespmem:s20], [sflag:$0x2] =	stream.indirect.gather [hbm4b:s2+s17], $0x80, s5, s17, $0xb8;
	[tilespmem:$0x1C100] =	vst v63  }
0xaa: {  	_ =	swait.ge [sflag:s21], $0x3E80  }
0xab: {  	[sflag:s21] =	ssyncset.done $0x0  }
0xac: {  	[sflag:s21] =	ssyncadd.s32 $0xFFFFC180  }
0xad: {  	[spmem:s3] =	stream.indirect.scatter.add.f32 [tilespmem:s18], [sflag:$0x3], $0x80, s7, s17, $0xb8;
	[tilespmem:$0x1C100] =	vst v63  }
0xae: {  	_ =	swait.ge [sflag:s14], $0x3E80  }
0xaf: {  	[sflag:s14] =	ssyncset.done $0x0  }
0xb0: {  	[sflag:s14] =	ssyncadd.s32 $0xFFFFC180  }
0xb1: {  	_ =	swait.ge [sflag:s23], $0x3E80  }
.Ltmp0:
0xb2: {  	[sflag:s23] =	ssyncset.done $0x0;
	(pc) =	sbr.rel @p1 .LBB2_2-.Ltmp0, $4  }
0xb3: {  	[sflag:s23] =	ssyncadd.s32 $0xFFFFC180  }
0xb4: {  	[spmem:s3] =	stream.indirect.scatter.add.f32 [tilespmem:s20], [sflag:$0x3], $0x80, s8, s17, $0xb8;
	[tilespmem:$0x1C100] =	vst v63  }
0xb5: {  	_ =	swait.ge [sflag:s14], $0x3E80  }
0xb6: {  	s13 =	smov.u32 s15;
	[sflag:s14] =	ssyncset.done $0x0  }
0xb7: {  	s6 =	sadd.s32 s10, s12;
	[sflag:s14] =	ssyncadd.s32 $0xFFFFC180  }
0xb8: {  	[tilespmem:s4], [sflag:$0x3] =	stream.linear.gather [hbm4b:s6+s4], $0x400, $0x38;
	[tilespmem:$0x1C100] =	vst v63  }
0xb9: {  	_ =	swait.ge [sflag:s14], $0x400  }
0xba: {  	[sflag:s14] =	ssyncset.done $0x0  }
0xbb: {  	s13 =	sadd.s32 s10, s11;
	[sflag:s14] =	ssyncadd.s32 $0xFFFFFC00  }
0xbc: {  	[tilespmem:s16], [sflag:$0x3] =	stream.linear.gather [hbm4b:s13+s4], $0x400, $0x38;
	[tilespmem:$0x1C100] =	vst v63  }
0xbd: {  	_ =	swait.ge [sflag:s14], $0x400  }
0xbe: {  	[sflag:s14] =	ssyncset.done $0x0  }
0xbf: {  	[sflag:s14] =	ssyncadd.s32 $0xFFFFFC00  }
0xc0: {  	[tilespmem:s18], [sflag:$0x1] =	stream.indirect.gather [hbm4b:s2+s17], $0x80, s4, s17, $0xb8;
	[tilespmem:$0x1C100] =	vst v63  }
0xc1: {  	_ = 	snop  }
0xc2: {  	[tilespmem:s20], [sflag:$0x2] =	stream.indirect.gather [hbm4b:s2+s17], $0x80, s19, s17, $0xb8;
	[tilespmem:$0x1C100] =	vst v63  }
0xc3: {  	_ =	swait.ge [sflag:s21], $0x3E80  }
0xc4: {  	[sflag:s21] =	ssyncset.done $0x0  }
0xc5: {  	[sflag:s21] =	ssyncadd.s32 $0xFFFFC180  }
0xc6: {  	[spmem:s3] =	stream.indirect.scatter.add.f32 [tilespmem:s18], [sflag:$0x3], $0x80, s16, s17, $0xb8;
	[tilespmem:$0x1C100] =	vst v63  }
0xc7: {  	_ =	swait.ge [sflag:s14], $0x3E80  }
0xc8: {  	[sflag:s14] =	ssyncset.done $0x0  }
0xc9: {  	[sflag:s14] =	ssyncadd.s32 $0xFFFFC180  }
0xca: {  	[tilespmem:s18], [sflag:$0x1] =	stream.indirect.gather [hbm4b:s2+s17], $0x80, s22, s17, $0xb8;
	[tilespmem:$0x1C100] =	vst v63  }
0xcb: {  	_ =	swait.ge [sflag:s23], $0x3E80  }
0xcc: {  	[sflag:s23] =	ssyncset.done $0x0  }
0xcd: {  	[sflag:s23] =	ssyncadd.s32 $0xFFFFC180  }
0xce: {  	[spmem:s3] =	stream.indirect.scatter.add.f32 [tilespmem:s20], [sflag:$0x3], $0x80, s24, s17, $0xb8;
	[tilespmem:$0x1C100] =	vst v63  }
0xcf: {  	_ =	swait.ge [sflag:s14], $0x3E80  }
0xd0: {  	[sflag:s14] =	ssyncset.done $0x0  }
0xd1: {  	[sflag:s14] =	ssyncadd.s32 $0xFFFFC180  }
0xd2: {  	[tilespmem:s20], [sflag:$0x2] =	stream.indirect.gather [hbm4b:s2+s17], $0x80, s25, s17, $0xb8;
	[tilespmem:$0x1C100] =	vst v63  }
0xd3: {  	_ =	swait.ge [sflag:s21], $0x3E80  }
0xd4: {  	[sflag:s21] =	ssyncset.done $0x0  }
0xd5: {  	[sflag:s21] =	ssyncadd.s32 $0xFFFFC180  }
0xd6: {  	[spmem:s3] =	stream.indirect.scatter.add.f32 [tilespmem:s18], [sflag:$0x3], $0x80, s26, s17, $0xb8;
	[tilespmem:$0x1C100] =	vst v63  }
0xd7: {  	_ =	swait.ge [sflag:s14], $0x3E80  }
0xd8: {  	[sflag:s14] =	ssyncset.done $0x0  }
0xd9: {  	[sflag:s14] =	ssyncadd.s32 $0xFFFFC180  }
0xda: {  	[tilespmem:s18], [sflag:$0x1] =	stream.indirect.gather [hbm4b:s2+s17], $0x80, s28, s17, $0xb8;
	[tilespmem:$0x1C100] =	vst v63  }
0xdb: {  	_ =	swait.ge [sflag:s23], $0x3E80  }
0xdc: {  	[sflag:s23] =	ssyncset.done $0x0  }
0xdd: {  	[sflag:s23] =	ssyncadd.s32 $0xFFFFC180  }
0xde: {  	[spmem:s3] =	stream.indirect.scatter.add.f32 [tilespmem:s20], [sflag:$0x3], $0x80, s29, s17, $0xb8;
	[tilespmem:$0x1C100] =	vst v63  }
0xdf: {  	_ =	swait.ge [sflag:s14], $0x3E80  }
0xe0: {  	[sflag:s14] =	ssyncset.done $0x0  }
0xe1: {  	[sflag:s14] =	ssyncadd.s32 $0xFFFFC180  }
0xe2: {  	[tilespmem:s20], [sflag:$0x2] =	stream.indirect.gather [hbm4b:s2+s17], $0x80, s30, s17, $0xb8;
	[tilespmem:$0x1C100] =	vst v63  }
0xe3: {  	_ =	swait.ge [sflag:s21], $0x3E80  }
0xe4: {  	[sflag:s21] =	ssyncset.done $0x0  }
0xe5: {  	[sflag:s21] =	ssyncadd.s32 $0xFFFFC180  }
0xe6: {  	[spmem:s3] =	stream.indirect.scatter.add.f32 [tilespmem:s18], [sflag:$0x3], $0x80, s31, s17, $0xb8;
	[tilespmem:$0x1C100] =	vst v63  }
0xe7: {  	_ =	swait.ge [sflag:s14], $0x3E80  }
0xe8: {  	[sflag:s14] =	ssyncset.done $0x0  }
0xe9: {  	[sflag:s14] =	ssyncadd.s32 $0xFFFFC180  }
0xea: {  	[tilespmem:s18], [sflag:$0x1] =	stream.indirect.gather [hbm4b:s2+s17], $0x80, s1, s17, $0xb8;
	[tilespmem:$0x1C100] =	vst v63  }
0xeb: {  	_ =	swait.ge [sflag:s23], $0x3E80  }
0xec: {  	[sflag:s23] =	ssyncset.done $0x0  }
0xed: {  	[sflag:s23] =	ssyncadd.s32 $0xFFFFC180  }
0xee: {  	[spmem:s3] =	stream.indirect.scatter.add.f32 [tilespmem:s20], [sflag:$0x3], $0x80, s0, s17, $0xb8;
	[tilespmem:$0x1C100] =	vst v63  }
0xef: {  	_ =	swait.ge [sflag:s14], $0x3E80  }
0xf0: {  	[sflag:s14] =	ssyncset.done $0x0  }
0xf1: {  	[sflag:s14] =	ssyncadd.s32 $0xFFFFC180  }
0xf2: {  	[tilespmem:s20], [sflag:$0x2] =	stream.indirect.gather [hbm4b:s2+s17], $0x80, s5, s17, $0xb8;
	[tilespmem:$0x1C100] =	vst v63  }
0xf3: {  	_ =	swait.ge [sflag:s21], $0x3E80  }
0xf4: {  	[sflag:s21] =	ssyncset.done $0x0  }
0xf5: {  	[sflag:s21] =	ssyncadd.s32 $0xFFFFC180  }
0xf6: {  	[spmem:s3] =	stream.indirect.scatter.add.f32 [tilespmem:s18], [sflag:$0x3], $0x80, s7, s17, $0xb8;
	[tilespmem:$0x1C100] =	vst v63  }
0xf7: {  	_ =	swait.ge [sflag:s14], $0x3E80  }
0xf8: {  	[sflag:s14] =	ssyncset.done $0x0  }
0xf9: {  	[sflag:s14] =	ssyncadd.s32 $0xFFFFC180  }
0xfa: {  	_ =	swait.ge [sflag:s23], $0x3E80  }
0xfb: {  	[sflag:s23] =	ssyncset.done $0x0  }
0xfc: {  	[sflag:s23] =	ssyncadd.s32 $0xFFFFC180  }
0xfd: {  	[spmem:s3] =	stream.indirect.scatter.add.f32 [tilespmem:s20], [sflag:$0x3], $0x80, s8, s17, $0xb8;
	[tilespmem:$0x1C100] =	vst v63  }
0xfe: {  	_ =	swait.ge [sflag:s14], $0x3E80  }
0xff: {  	[sflag:s14] =	ssyncset.done $0x0  }
0x100: {  	[sflag:s14] =	ssyncadd.s32 $0xFFFFC180  }
0x101: {  	[bflag:$0x0] =	sbarrier.arrive $0xFFFF  }
0x102: {  	s10 =	rddreg [dreg:$0x5]  }
0x103: {  	s15 =	rddreg [dreg:$0x7]  }
0x104: {  	s13 =	rddreg [dreg:$0xa]  }
0x105: {  	[hbm:s15], [sflag:s10] =	dma.local [spmem:s13], $0x2700  }
0x106: {  	_ =	swait.ge [sflag:s14], $0x2700  }
0x107: {  	[sflag:s14] =	ssyncset.done $0x0;
	s6 =	rddreg [dreg:$0x8]  }
0x108: {  	s9 =	simm.s32 @!p0 $0x3;
	s15 =	rddreg [dreg:$0xb];
	[sflag:s14] =	ssyncadd.s32 $0xFFFFD900  }
0x109: {  	[hbm:s6], [sflag:s10] =	dma.local @!p0 [spmem:s15], $0x200  }
0x10a: {  	_ =	swait.ge @!p0 [sflag:s9], $0x200  }
0x10b: {  	s6 =	rddreg [dreg:$0xc]  }
0x10c: {  	[sflag:s9] =	ssyncset.done @!p0 $0x0;
	s9 =	rddreg [dreg:$0x9];
	s6 =	sadd.s32 $0x1, s6  }
0x10d: {  	p1 =	sne.s32 s6, s9  }
.Ltmp1:
0x10e: {  	_ = 	snop;
	(pc) =	sbr.rel @p1 .LBB2_1-.Ltmp1, $3  }
0x10f: {  	_ =	sdelay $0x1  }
0x110: {  	[dreg:$0xc] =	wrdreg s6;
	s6 =	simm.s32 @!p0 $0x3  }
0x111: {  	[sflag:s6] =	ssyncadd.s32 @!p0 $0xFFFFFE00  }
0x112: {  	_ =	sfence.sel $0x180000  }
0x113: {  	[bflag:$0x0] =	sbarrier.arrive $0xFFFF  }
0x114: {  	_ =	strace $0x90000053  }
0x115: {  	s0 =	stileid.u32;
	[bflag:$0x2] =	sbarrier.arrive $0xFFFF  }
0x116: {  	p0 =	sne.s32 s0, $0x0;
	s0 =	rddreg [dreg:$0x3]  }
0x117: {  	s0 =	sadd.s32 @!p0 $0x100000, s0  }
0x118: {  	[sflag:s0] =	ssyncadd.tile.s32 @!p0 $0x1;
	_ =	shalt  }
.Lfunc_end2:
_tile_overlayer_lowered:
.L_overlay_start_2:
0x119: {  	(tag) =	ssettag $0x2  }
0x11a: {  	s0 =	rddreg [dreg:$0x0];
	s2 =	stileid.u32  }
0x11b: {  	s1 =	rddreg [dreg:$0x1];
	p0 =	sne.s32 s2, $0x0  }
0x11c: {  	s3 =	rddreg [dreg:$0x2];
	[bflag:$0x3] =	sbarrier.arrive $0xFFFF;
	s2 =	simm.s32 @!p0 $0x1C03  }
0x11d: {  	[timem:s3], [sflag:s2] =	dma.local @!p0 [hbm:s0], s1  }
0x11e: {  	s0 =	simm.s32 @!p0 $0x3  }
0x11f: {  	_ =	swait.ge @!p0 [sflag:s0], s1  }
0x120: {  	s1 =	ssub.s32 @!p0 $0x0, s1;
	[sflag:s0] =	ssyncset.done @!p0 $0x0  }
0x121: {  	[sflag:s0] =	ssyncadd.s32 @!p0 s1  }
0x122: {  	[bflag:$0x3] =	sbarrier.arrive $0xFFFF  }
0x123: {  	_ =	shalt  }

// kernel: kernel.21.cloned.1.call-start
scs
__scs_entry_jumppad:
0x0: {  	(pc) =	sbr.rel $0x88, $3  }
0x1: {  	(tag) =	ssettag $0x0;
	lr =	simm.s32 $0x1  }
0x2: {  	[smem:$0x3F7E] =	sst lr;
	_ =	strace $0xD0000000  }
0x3: {  	_ = 	snop  }
0x4: {  	_ = 	snop  }
0x5: {  	_ = 	snop  }
0x6: {  	_ = 	snop  }
0x7: {  	_ = 	snop  }
__scs_overlays_trampoline_lowered:
0x8: {  	[smem:$0x3F8D] =	sst s0  }
0x9: {  	[smem:$0x3F8E] =	sst s1  }
0xa: {  	[smem:$0x3F8F] =	sst s2  }
0xb: {  	[smem:$0x3F90] =	sst s3  }
0xc: {  	[smem:$0x3F91] =	sst s4  }
0xd: {  	[smem:$0x3F92] =	sst s5  }
0xe: {  	[smem:$0x3F93] =	sst s6  }
0xf: {  	[smem:$0x3F94] =	sst s7  }
0x10: {  	[smem:$0x3F95] =	sst s8  }
0x11: {  	[smem:$0x3F96] =	sst s9;
	s0 =	simm.s32 @!p0 $0x0  }
0x12: {  	s1 =	sld [smem:$0x3F7C];
	s0 =	simm.s32 @p0 $0x1  }
0x13: {  	[smem:$0x3F97] =	sst s0;
	s0 =	simm.s32 @!p1 $0x0  }
0x14: {  	s2 =	sld [smem:$0x3F7B];
	s0 =	simm.s32 @p1 $0x1  }
0x15: {  	[smem:$0x3F98] =	sst s0;
	s0 =	simm.s32 @!p2 $0x0  }
0x16: {  	s3 =	sld [smem:$0x3FDB];
	s0 =	simm.s32 @p2 $0x1  }
0x17: {  	s4 =	simm.s32 $0x1BF5;
	[smem:$0x3F9A] =	sst s0  }
0x18: {  	s0 =	sld [smem:$0x3F7D];
	_ =	swait.ge [sflag:s4], $0x0  }
0x19: {  	s7 =	sld [smem:$0x3F7E]  }
0x1a: {  	s8 =	sadd.s32 $0xFFFFE003, lr  }
0x1b: {  	s9 =	sadd.s32 $0xFFFFFEF7, lr;
	s5 =	simm.s32 $0xFFFFFFFF;
	p2 =	slt.u32 s8, $0xFFFFF086  }
0x1c: {  	p1 =	slt.u32 s9, $0xF7A;
	s5 =	simm.s32 @!p2 $0x0  }
0x1d: {  	s5 =	simm.s32 @p1 $0x1;
	p0 =	seq.s32 s7, s2  }
0x1e: {  	s7 =	smul.u32 @!p0 $0xF7A, s2;
	p2 =	seq.s32 @!p0 s5, $0x0  }
0x1f: {  	s9 =	smul.u32 $0xF7A, s1;
	s8 =	simm.s32 @!p0 $0x1BF5;
	p2 =	por !p2, p0  }
0x20: {  	[sflag:s8] =	ssyncset.s32 @!p0 $0xFFFFF086;
	s6 =	sadd.s32 @!p0 s3, s7;
	s7 =	simm.s32 @!p0 $0x108  }
0x21: {  	s3 =	sadd.s32 s3, s9;
	s6 =	sadd.s32 @!p0 $0x88, s6;
	s7 =	simm.s32 @p2 $0x1082  }
0x22: {  	[simem:s7], [sflag:s8] =	dma.local @!p0 [hbm:s6], $0xF7A  }
0x23: {  	s9 =	sor.u32 $0xD0000000, s2;
	s6 =	simm.s32 $0x108;
	_ =	swait.ge @!p0 [sflag:s8], $0x0  }
0x24: {  	s3 =	sadd.s32 $0x88, s3;
	s6 =	simm.s32 @!p1 $0x1082;
	[sflag:s4] =	ssyncset.s32 $0xFFFFF086  }
0x25: {  	[simem:s6], [sflag:s4] =	dma.local [hbm:s3], $0xF7A  }
0x26: {  	[smem:$0x3F7E] =	sst s1;
	(tag) =	ssettag s2;
	_ =	strace s9  }
0x27: {  	s1 =	sld [smem:$0x3F8E]  }
0x28: {  	s2 =	sld [smem:$0x3F8F]  }
0x29: {  	s4 =	sld [smem:$0x3F91]  }
0x2a: {  	p0 =	seq.s32 s5, $0x0;
	s5 =	sld [smem:$0x3F92]  }
0x2b: {  	s6 =	sld [smem:$0x3F93]  }
0x2c: {  	s7 =	sld [smem:$0x3F94]  }
0x2d: {  	s3 =	simm.s32 $0x108;
	s8 =	sld [smem:$0x3F95]  }
0x2e: {  	s3 =	simm.s32 @!p0 $0x1082;
	s9 =	sld [smem:$0x3F96]  }
0x2f: {  	lr =	sadd.s32 s0, s3;
	s0 =	sld [smem:$0x3F8D]  }
0x30: {  	s3 =	sld [smem:$0x3F90]  }
0x31: {  	[smem:$0x3F99] =	sst s10  }
0x32: {  	s10 =	sld [smem:$0x3F97];
	_ =	sdelay $0x3  }
0x33: {  	p0 =	seq.s32 s10, $0x1;
	s10 =	sld [smem:$0x3F99];
	_ =	sdelay $0x3  }
0x34: {  	[smem:$0x3F99] =	sst s10  }
0x35: {  	s10 =	sld [smem:$0x3F98];
	_ =	sdelay $0x3  }
0x36: {  	p1 =	seq.s32 s10, $0x1;
	s10 =	sld [smem:$0x3F99];
	_ =	sdelay $0x3  }
0x37: {  	[smem:$0x3F99] =	sst s10  }
0x38: {  	s10 =	sld [smem:$0x3F9A]  }
0x39: {  	_ = 	snop;
	(pc) =	sbr.ind lr, $3  }
0x3a: {  	_ = 	snop  }
0x3b: {  	_ = 	snop  }
0x3c: {  	p2 =	seq.s32 s10, $0x1;
	s10 =	sld [smem:$0x3F99]  }
0x3d: {  	_ =	shalt  }
0x3e: {  	_ =	shalt  }
0x3f: {  	_ =	shalt  }
0x40: {  	_ =	shalt  }
0x41: {  	_ =	shalt  }
0x42: {  	_ =	shalt  }
0x43: {  	_ =	shalt  }
0x44: {  	_ =	shalt  }
0x45: {  	_ =	shalt  }
0x46: {  	_ =	shalt  }
0x47: {  	_ =	shalt  }
0x48: {  	_ =	shalt  }
0x49: {  	_ =	shalt  }
0x4a: {  	_ =	shalt  }
0x4b: {  	_ =	shalt  }
0x4c: {  	_ =	shalt  }
0x4d: {  	_ =	shalt  }
0x4e: {  	_ =	shalt  }
0x4f: {  	_ =	shalt  }
0x50: {  	_ =	shalt  }
0x51: {  	_ =	shalt  }
0x52: {  	_ =	shalt  }
0x53: {  	_ =	shalt  }
0x54: {  	_ =	shalt  }
0x55: {  	_ =	shalt  }
0x56: {  	_ =	shalt  }
0x57: {  	_ =	shalt  }
0x58: {  	_ =	shalt  }
0x59: {  	_ =	shalt  }
0x5a: {  	_ =	shalt  }
0x5b: {  	_ =	shalt  }
0x5c: {  	_ =	shalt  }
0x5d: {  	_ =	shalt  }
0x5e: {  	_ =	shalt  }
0x5f: {  	_ =	shalt  }
0x60: {  	_ =	shalt  }
0x61: {  	_ =	shalt  }
0x62: {  	_ =	shalt  }
0x63: {  	_ =	shalt  }
0x64: {  	_ =	shalt  }
0x65: {  	_ =	shalt  }
0x66: {  	_ =	shalt  }
0x67: {  	_ =	shalt  }
0x68: {  	_ =	shalt  }
0x69: {  	_ =	shalt  }
0x6a: {  	_ =	shalt  }
0x6b: {  	_ =	shalt  }
0x6c: {  	_ =	shalt  }
0x6d: {  	_ =	shalt  }
0x6e: {  	_ =	shalt  }
0x6f: {  	_ =	shalt  }
0x70: {  	_ =	shalt  }
0x71: {  	_ =	shalt  }
0x72: {  	_ =	shalt  }
0x73: {  	_ =	shalt  }
0x74: {  	_ =	shalt  }
0x75: {  	_ =	shalt  }
0x76: {  	_ =	shalt  }
0x77: {  	_ =	shalt  }
0x78: {  	_ =	shalt  }
0x79: {  	_ =	shalt  }
0x7a: {  	_ =	shalt  }
0x7b: {  	_ =	shalt  }
0x7c: {  	_ =	shalt  }
0x7d: {  	_ =	shalt  }
0x7e: {  	_ =	shalt  }
0x7f: {  	_ =	shalt  }
0x80: {  	_ =	shalt  }
0x81: {  	_ =	shalt  }
0x82: {  	_ =	shalt  }
0x83: {  	_ =	shalt  }
0x84: {  	_ =	shalt  }
0x85: {  	_ =	shalt  }
0x86: {  	_ =	shalt  }
0x87: {  	_ =	shalt  }
.Lfunc_end0:
.L_simem_size_0:
called_computation.5_lowered:
.L_overlay_start_0:
0x88: {  	s2 =	sld [smem:$0x3FD9]  }
0x89: {  	s3 =	sld [smem:$0x3FFE];
	_ =	sdelay $0x1  }
0x8a: {  	s1 =	srdreg.scid  }
0x8b: {  	s0 =	sand.u32 $0x1, s1  }
0x8c: {  	s16 =	sshll.u32 s0, $0xA;
	s2 =	sadd.s32 s3, s2  }
0x8d: {  	s2 =	sadd.s32 s2, s16  }
0x8e: {  	[smem:$0x3FA5] =	sst s2  }
0x8f: {  	_ = 	snop  }
0x90: {  	(tm) =	ssettm $0x1  }
0x91: {  	s17 =	sld [smem:$0x3FFB];
	_ =	sdelay $0x3  }
0x92: {  	_ =	strace s17  }
0x93: {  	s2 =	sld [smem:$0x3FFC];
	_ =	sdelay $0x3  }
0x94: {  	_ =	strace s2  }
0x95: {  	s2 =	sld [smem:$0x3FFD];
	_ =	sdelay $0x3  }
0x96: {  	_ =	strace s2  }
0x97: {  	_ =	strace $0x8FFFFFFF  }
0x98: {  	s18 =	sld [smem:$0x3FDB];
	_ =	sdelay $0x1  }
0x99: {  	s19 =	simm.s32 $_scs_section_size  }
0x9a: {  	s4 =	simm.s32 $_size__tile_overlayer_lowered;
	s5 =	simm.s32 $_tile_overlayer_lowered  }
0x9b: {  	s22 =	simm.s32 $0x1BFF;
	s21 =	sshll.u32 s5, $0x1;
	s2 =	sadd.s32 s19, s18  }
0x9c: {  	s6 =	simm.s32 $0x0;
	s20 =	sshll.u32 s4, $0x1;
	s4 =	sadd.s32 s21, s2  }
0x9d: {  	[timem:s6], [sflag:s22] =	dma.local [hbm:s4], s20  }
0x9e: {  	_ =	swait.ge [sflag:s22], s20  }
0x9f: {  	s3 =	ssub.s32 $0x0, s20;
	[sflag:s22] =	ssyncset.done $0x0  }
0xa0: {  	[sflag:s22] =	ssyncadd.s32 s3;
	_ =	sdelay $0x1  }
0xa1: {  	s23 =	simm.s32 $0x1B8B  }
0xa2: {  	_ =	swait.ge [sflag:s23], $0x1  }
0xa3: {  	[sflag:s23] =	ssyncset.done $0x0  }
0xa4: {  	s25 =	simm.s32 $0x1B8E;
	s24 =	sld [smem:$0x3FFE];
	[sflag:s23] =	ssyncadd.s32 $0xFFFFFFFF  }
0xa5: {  	s26 =	simm.s32 $execute0_lowered;
	[smem:$0x3FD2] =	sst s25  }
0xa6: {  	s4 =	sshll.u32 s26, $0x1;
	_ =	strace $0x80000055;
	[dreg:$0x1] =	wrdreg $0xFFFFFFFF  }
0xa7: {  	s28 =	simm.s32 $_size_execute0_lowered;
	s2 =	sadd.s32 s2, s4;
	[dreg:$0x0] =	wrdreg $0x0  }
0xa8: {  	s4 =	sshll.u32 s28, $0x1;
	[dreg:$0x2] =	wrdreg s2  }
0xa9: {  	[dreg:$0x3] =	wrdreg s4  }
0xaa: {  	[dreg:$0x4] =	wrdreg $0xC0  }
0xab: {  	_ =	task [dreg:s6], $0x5FFFF  }
0xac: {  	[dreg:$0x1] =	wrdreg $0xFFFFFFFF  }
0xad: {  	[dreg:$0x0] =	wrdreg $0x60  }
0xae: {  	[dreg:$0x2] =	wrdreg s24  }
0xaf: {  	[dreg:$0x3] =	wrdreg $0x88000  }
0xb0: {  	[dreg:$0x4] =	wrdreg $0x9  }
0xb1: {  	_ =	task.clear_ibuf [dreg:s6], $0x5FFFF;
	_ =	strace $0x90000055  }
0xb2: {  	s29 =	simm.s32 $0x9;
	_ =	strace $0x80000057  }
0xb3: {  	_ =	swait.ge [sflag:s29], $0x1  }
0xb4: {  	[sflag:s29] =	ssyncadd.s32 $0xFFFFFFFF  }
0xb5: {  	_ =	strace $0x90000057  }
0xb6: {  	_ =	sfence  }
0xb7: {  	s30 =	sld [smem:$0x0];
	_ =	sdelay $0x2  }
0xb8: {  	s31 =	sshll.u32 s1, $0xD;
	s1 =	sshrl.u32 s1, $0x2  }
0xb9: {  	s3 =	sand.u32 $0x4000, s31;
	s1 =	sadd.s32 s1, s30  }
0xba: {  	s0 =	sor.u32 s3, s0;
	s1 =	sshll.u32 s1, $0x11  }
0xbb: {  	s0 =	sor.u32 s1, s0  }
0xbc: {  	s0 =	sadd.s32 $0x8F2B, s0  }
0xbd: {  	[sflag:s0] =	ssyncadd.remote.s32 $0x1  }
0xbe: {  	_ =	sfence.sel $0xFFFF  }
0xbf: {  	[dreg:$0x0] =	wrdreg $0xFFFFFFFF;
	(pc) =	sbr.abs _section_cstart, $3  }
0xc0: {  	[dreg:$0x1] =	wrdreg $0xFFFFFFFF  }
0xc1: {  	_ =	task.clear_ibuf [dreg:s6], $0x2FFFF;
	_ =	strace $0x9FFFFFFF  }
0xc2: {  	(tm) =	ssettm $0x7FFFFFFF  }
0xc3: {  	_ =	shalt  }
tec
execute0_lowered:
.L_overlay_start_1:
0x0: {  	(tag) =	ssettag $0x1  }
0x1: {  	s0 =	srdreg.scid;
	s1 =	rddreg [dreg:$0x0]  }
0x2: {  	s14 =	stileid.u32;
	s2 =	rddreg [dreg:$0x1]  }
0x3: {  	s3 =	simm.s32 $0x0;
	s16 =	simm.s32 $0x400;
	s17 =	simm.s32 $0x7D  }
0x4: {  	s18 =	simm.s32 $0x800;
	s19 =	simm.s32 $0x80;
	s20 =	simm.s32 $0x4800  }
0x5: {  	s21 =	simm.s32 $0x1;
	s22 =	simm.s32 $0x100;
	s23 =	simm.s32 $0x2  }
0x6: {  	s28 =	simm.s32 $0x200;
	s29 =	simm.s32 $0x580;
	s4 =	smul.u32 $0x5800, s14  }
0x7: {  	s30 =	simm.s32 $0x280;
	s31 =	simm.s32 $0x600;
	s7 =	smul.u32 $0x13800, s14  }
0x8: {  	s0 =	sand.u32 $0x1, s0;
	[smem:$0x7FF] =	sst s3;
	s10 =	smul.u32 $0x4E000, s14  }
0x9: {  	s11 =	sadd.s32 $0x6CC00, s1;
	s25 =	sshll.u32 s14, $0x6;
	p0 =	sne.s32 s14, $0xF  }
0xa: {  	s14 =	simm.s32 $0x3;
	s5 =	smul.u32 $0x2C00, s0;
	_ =	strace $0x80000056  }
0xb: {  	s6 =	ssub.s32 $0x2, s0;
	s0 =	smul.u32 $0x139000, s0;
	s8 =	sshrl.u32 s7, $0x3  }
0xc: {  	s9 =	sshrl.u32 s6, $0x1;
	s24 =	sshrl.u32 s10, $0x2;
	s10 =	sor.u32 $0x1C03, s25  }
0xd: {  	s25 =	simm.s32 $0x180;
	s4 =	sadd.s32 s5, s4;
	s8 =	sadd.s32 s8, s1  }
0xe: {  	s9 =	ssub.s32 s6, s9;
	s13 =	sadd.s32 s24, s2;
	s7 =	sadd.s32 s7, s0  }
0xf: {  	s0 =	sshrl.u32 s0, $0x3;
	s24 =	simm.s32 $0x480;
	[dreg:$0x4] =	wrdreg s10  }
0x10: {  	s5 =	sshrl.u32 s4, $0x3;
	s4 =	sadd.s32 $0x45A00, s1;
	s26 =	sadd.s32 $0x1E800, s8  }
0x11: {  	s8 =	sadd.s32 $0x138000, s2;
	s6 =	sshrl.u32 s7, $0x3;
	s0 =	sadd.s32 s11, s0  }
0x12: {  	s7 =	smax.u32 s9, $0x1;
	s13 =	sshrl.u32 s13, $0x3;
	[dreg:$0x3] =	wrdreg s26  }
0x13: {  	s9 =	simm.s32 $0x0;
	s5 =	sadd.s32 s5, s1;
	[dreg:$0x8] =	wrdreg s7  }
0x14: {  	s1 =	sadd.s32 $0x45800, s1;
	s0 =	sadd.s32 $0x27000, s0;
	[dreg:$0xb] =	wrdreg s9  }
0x15: {  	s15 =	sshrl.u32 @!p0 s8, $0x3;
	s26 =	simm.s32 $0x500;
	[dreg:$0x9] =	wrdreg s13  }
0x16: {  	s7 =	simm.s32 $0x700;
	s8 =	simm.s32 $0x780;
	[dreg:$0x5] =	wrdreg s1  }
0x17: {  	s1 =	sadd.s32 s11, s6;
	[dreg:$0x7] =	wrdreg s0;
	s11 =	sadd.s32 $0x8800, s5  }
0x18: {  	s12 =	sadd.s32 $0x13800, s5;
	s0 =	simm.s32 $0x680;
	[dreg:$0xa] =	wrdreg s15  }
0x19: {  	s5 =	simm.s32 $0x380;
	[dreg:$0x6] =	wrdreg s1;
	s1 =	simm.s32 $0x300  }
.LBB2_1:
0x1a: {  	s6 =	rddreg [dreg:$0x3]  }
0x1b: {  	[spmem:s13], [sflag:s10] =	dma.local [hbm:s6], $0x2700  }
0x1c: {  	_ =	swait.ge [sflag:s14], $0x2700  }
0x1d: {  	[sflag:s14] =	ssyncset.done $0x0  }
0x1e: {  	s6 =	rddreg [dreg:$0x5];
	[sflag:s14] =	ssyncadd.s32 $0xFFFFD900  }
0x1f: {  	[spmem:s15], [sflag:s10] =	dma.local @!p0 [hbm:s6], $0x200  }
0x20: {  	s10 =	simm.s32 @!p0 $0x3  }
0x21: {  	_ =	swait.ge @!p0 [sflag:s10], $0x200  }
0x22: {  	[sflag:s10] =	ssyncset.done @!p0 $0x0  }
0x23: {  	[sflag:s10] =	ssyncadd.s32 @!p0 $0xFFFFFE00  }
0x24: {  	s13 =	sadd.s32 $0x0, s12;
	[bflag:$0x0] =	sbarrier.arrive $0xFFFF  }
0x25: {  	[tilespmem:s3], [sflag:$0x3] =	stream.linear.gather [hbm4b:s13+s3], $0x400, $0x38;
	[tilespmem:$0x1C100] =	vst v63  }
0x26: {  	_ =	swait.ge [sflag:s14], $0x400  }
0x27: {  	[sflag:s14] =	ssyncset.done $0x0  }
0x28: {  	s15 =	sadd.s32 $0x0, s11;
	[sflag:s14] =	ssyncadd.s32 $0xFFFFFC00  }
0x29: {  	[tilespmem:s16], [sflag:$0x3] =	stream.linear.gather [hbm4b:s15+s3], $0x400, $0x38;
	[tilespmem:$0x1C100] =	vst v63  }
0x2a: {  	_ =	swait.ge [sflag:s14], $0x400  }
0x2b: {  	[sflag:s14] =	ssyncset.done $0x0  }
0x2c: {  	[sflag:s14] =	ssyncadd.s32 $0xFFFFFC00  }
0x2d: {  	[tilespmem:s18], [sflag:$0x1] =	stream.indirect.gather [hbm4b:s4+s17], $0x80, s3, s17, $0xb8;
	[tilespmem:$0x1C100] =	vst v63  }
0x2e: {  	_ = 	snop  }
0x2f: {  	[tilespmem:s20], [sflag:$0x2] =	stream.indirect.gather [hbm4b:s4+s17], $0x80, s19, s17, $0xb8;
	[tilespmem:$0x1C100] =	vst v63  }
0x30: {  	_ =	swait.ge [sflag:s21], $0x3E80  }
0x31: {  	[sflag:s21] =	ssyncset.done $0x0  }
0x32: {  	[sflag:s21] =	ssyncadd.s32 $0xFFFFC180  }
0x33: {  	[spmem:s2] =	stream.indirect.scatter.add.f32 [tilespmem:s18], [sflag:$0x3], $0x80, s16, s17, $0xb8;
	[tilespmem:$0x1C100] =	vst v63  }
0x34: {  	_ =	swait.ge [sflag:s14], $0x3E80  }
0x35: {  	[sflag:s14] =	ssyncset.done $0x0  }
0x36: {  	[sflag:s14] =	ssyncadd.s32 $0xFFFFC180  }
0x37: {  	[tilespmem:s18], [sflag:$0x1] =	stream.indirect.gather [hbm4b:s4+s17], $0x80, s22, s17, $0xb8;
	[tilespmem:$0x1C100] =	vst v63  }
0x38: {  	_ =	swait.ge [sflag:s23], $0x3E80  }
0x39: {  	[sflag:s23] =	ssyncset.done $0x0  }
0x3a: {  	[sflag:s23] =	ssyncadd.s32 $0xFFFFC180  }
0x3b: {  	[spmem:s2] =	stream.indirect.scatter.add.f32 [tilespmem:s20], [sflag:$0x3], $0x80, s24, s17, $0xb8;
	[tilespmem:$0x1C100] =	vst v63  }
0x3c: {  	_ =	swait.ge [sflag:s14], $0x3E80  }
0x3d: {  	[sflag:s14] =	ssyncset.done $0x0  }
0x3e: {  	[sflag:s14] =	ssyncadd.s32 $0xFFFFC180  }
0x3f: {  	[tilespmem:s20], [sflag:$0x2] =	stream.indirect.gather [hbm4b:s4+s17], $0x80, s25, s17, $0xb8;
	[tilespmem:$0x1C100] =	vst v63  }
0x40: {  	_ =	swait.ge [sflag:s21], $0x3E80  }
0x41: {  	[sflag:s21] =	ssyncset.done $0x0  }
0x42: {  	[sflag:s21] =	ssyncadd.s32 $0xFFFFC180  }
0x43: {  	[spmem:s2] =	stream.indirect.scatter.add.f32 [tilespmem:s18], [sflag:$0x3], $0x80, s26, s17, $0xb8;
	[tilespmem:$0x1C100] =	vst v63  }
0x44: {  	_ =	swait.ge [sflag:s14], $0x3E80  }
0x45: {  	[sflag:s14] =	ssyncset.done $0x0  }
0x46: {  	[sflag:s14] =	ssyncadd.s32 $0xFFFFC180  }
0x47: {  	[tilespmem:s18], [sflag:$0x1] =	stream.indirect.gather [hbm4b:s4+s17], $0x80, s28, s17, $0xb8;
	[tilespmem:$0x1C100] =	vst v63  }
0x48: {  	_ =	swait.ge [sflag:s23], $0x3E80  }
0x49: {  	[sflag:s23] =	ssyncset.done $0x0  }
0x4a: {  	[sflag:s23] =	ssyncadd.s32 $0xFFFFC180  }
0x4b: {  	[spmem:s2] =	stream.indirect.scatter.add.f32 [tilespmem:s20], [sflag:$0x3], $0x80, s29, s17, $0xb8;
	[tilespmem:$0x1C100] =	vst v63  }
0x4c: {  	_ =	swait.ge [sflag:s14], $0x3E80  }
0x4d: {  	[sflag:s14] =	ssyncset.done $0x0  }
0x4e: {  	[sflag:s14] =	ssyncadd.s32 $0xFFFFC180  }
0x4f: {  	[tilespmem:s20], [sflag:$0x2] =	stream.indirect.gather [hbm4b:s4+s17], $0x80, s30, s17, $0xb8;
	[tilespmem:$0x1C100] =	vst v63  }
0x50: {  	_ =	swait.ge [sflag:s21], $0x3E80  }
0x51: {  	[sflag:s21] =	ssyncset.done $0x0  }
0x52: {  	[sflag:s21] =	ssyncadd.s32 $0xFFFFC180  }
0x53: {  	[spmem:s2] =	stream.indirect.scatter.add.f32 [tilespmem:s18], [sflag:$0x3], $0x80, s31, s17, $0xb8;
	[tilespmem:$0x1C100] =	vst v63  }
0x54: {  	_ =	swait.ge [sflag:s14], $0x3E80  }
0x55: {  	[sflag:s14] =	ssyncset.done $0x0  }
0x56: {  	[sflag:s14] =	ssyncadd.s32 $0xFFFFC180  }
0x57: {  	[tilespmem:s18], [sflag:$0x1] =	stream.indirect.gather [hbm4b:s4+s17], $0x80, s1, s17, $0xb8;
	[tilespmem:$0x1C100] =	vst v63  }
0x58: {  	_ =	swait.ge [sflag:s23], $0x3E80  }
0x59: {  	[sflag:s23] =	ssyncset.done $0x0  }
0x5a: {  	[sflag:s23] =	ssyncadd.s32 $0xFFFFC180  }
0x5b: {  	[spmem:s2] =	stream.indirect.scatter.add.f32 [tilespmem:s20], [sflag:$0x3], $0x80, s0, s17, $0xb8;
	[tilespmem:$0x1C100] =	vst v63  }
0x5c: {  	_ =	swait.ge [sflag:s14], $0x3E80  }
0x5d: {  	[sflag:s14] =	ssyncset.done $0x0  }
0x5e: {  	[sflag:s14] =	ssyncadd.s32 $0xFFFFC180  }
0x5f: {  	[tilespmem:s20], [sflag:$0x2] =	stream.indirect.gather [hbm4b:s4+s17], $0x80, s5, s17, $0xb8;
	[tilespmem:$0x1C100] =	vst v63  }
0x60: {  	_ =	swait.ge [sflag:s21], $0x3E80  }
0x61: {  	[sflag:s21] =	ssyncset.done $0x0  }
0x62: {  	[sflag:s21] =	ssyncadd.s32 $0xFFFFC180  }
0x63: {  	[spmem:s2] =	stream.indirect.scatter.add.f32 [tilespmem:s18], [sflag:$0x3], $0x80, s7, s17, $0xb8;
	[tilespmem:$0x1C100] =	vst v63  }
0x64: {  	_ =	swait.ge [sflag:s14], $0x3E80  }
0x65: {  	[sflag:s14] =	ssyncset.done $0x0  }
0x66: {  	[sflag:s14] =	ssyncadd.s32 $0xFFFFC180  }
0x67: {  	_ =	swait.ge [sflag:s23], $0x3E80  }
0x68: {  	[sflag:s23] =	ssyncset.done $0x0  }
0x69: {  	[sflag:s23] =	ssyncadd.s32 $0xFFFFC180  }
0x6a: {  	[spmem:s2] =	stream.indirect.scatter.add.f32 [tilespmem:s20], [sflag:$0x3], $0x80, s8, s17, $0xb8;
	[tilespmem:$0x1C100] =	vst v63  }
0x6b: {  	_ =	swait.ge [sflag:s14], $0x3E80  }
0x6c: {  	s10 =	simm.s32 $0x80;
	s13 =	simm.s32 $0x100;
	[sflag:s14] =	ssyncset.done $0x0  }
.LBB2_2:
0x6d: {  	s6 =	sadd.s32 s10, s12  }
0x6e: {  	[sflag:s14] =	ssyncadd.s32 $0xFFFFC180;
	s9 =	smov.u32 s13;
	s15 =	sadd.s32 $0x80, s13  }
0x6f: {  	[tilespmem:s3], [sflag:$0x3] =	stream.linear.gather [hbm4b:s6+s3], $0x400, $0x38;
	[tilespmem:$0x1C100] =	vst v63  }
0x70: {  	p1 =	sne.s32 s13, $0x500;
	_ =	swait.ge [sflag:s14], $0x400  }
0x71: {  	[sflag:s14] =	ssyncset.done $0x0  }
0x72: {  	s6 =	sadd.s32 s10, s11;
	s10 =	smov.u32 s9;
	[sflag:s14] =	ssyncadd.s32 $0xFFFFFC00  }
0x73: {  	[tilespmem:s16], [sflag:$0x3] =	stream.linear.gather [hbm4b:s6+s3], $0x400, $0x38;
	[tilespmem:$0x1C100] =	vst v63  }
0x74: {  	_ =	swait.ge [sflag:s14], $0x400  }
0x75: {  	[sflag:s14] =	ssyncset.done $0x0  }
0x76: {  	[sflag:s14] =	ssyncadd.s32 $0xFFFFFC00  }
0x77: {  	[tilespmem:s18], [sflag:$0x1] =	stream.indirect.gather [hbm4b:s4+s17], $0x80, s3, s17, $0xb8;
	[tilespmem:$0x1C100] =	vst v63  }
0x78: {  	_ = 	snop  }
0x79: {  	[tilespmem:s20], [sflag:$0x2] =	stream.indirect.gather [hbm4b:s4+s17], $0x80, s19, s17, $0xb8;
	[tilespmem:$0x1C100] =	vst v63  }
0x7a: {  	_ =	swait.ge [sflag:s21], $0x3E80  }
0x7b: {  	[sflag:s21] =	ssyncset.done $0x0  }
0x7c: {  	[sflag:s21] =	ssyncadd.s32 $0xFFFFC180  }
0x7d: {  	[spmem:s2] =	stream.indirect.scatter.add.f32 [tilespmem:s18], [sflag:$0x3], $0x80, s16, s17, $0xb8;
	[tilespmem:$0x1C100] =	vst v63  }
0x7e: {  	_ =	swait.ge [sflag:s14], $0x3E80  }
0x7f: {  	[sflag:s14] =	ssyncset.done $0x0  }
0x80: {  	[sflag:s14] =	ssyncadd.s32 $0xFFFFC180  }
0x81: {  	[tilespmem:s18], [sflag:$0x1] =	stream.indirect.gather [hbm4b:s4+s17], $0x80, s22, s17, $0xb8;
	[tilespmem:$0x1C100] =	vst v63  }
0x82: {  	_ =	swait.ge [sflag:s23], $0x3E80  }
0x83: {  	[sflag:s23] =	ssyncset.done $0x0  }
0x84: {  	[sflag:s23] =	ssyncadd.s32 $0xFFFFC180  }
0x85: {  	[spmem:s2] =	stream.indirect.scatter.add.f32 [tilespmem:s20], [sflag:$0x3], $0x80, s24, s17, $0xb8;
	[tilespmem:$0x1C100] =	vst v63  }
0x86: {  	_ =	swait.ge [sflag:s14], $0x3E80  }
0x87: {  	[sflag:s14] =	ssyncset.done $0x0  }
0x88: {  	[sflag:s14] =	ssyncadd.s32 $0xFFFFC180  }
0x89: {  	[tilespmem:s20], [sflag:$0x2] =	stream.indirect.gather [hbm4b:s4+s17], $0x80, s25, s17, $0xb8;
	[tilespmem:$0x1C100] =	vst v63  }
0x8a: {  	_ =	swait.ge [sflag:s21], $0x3E80  }
0x8b: {  	[sflag:s21] =	ssyncset.done $0x0  }
0x8c: {  	[sflag:s21] =	ssyncadd.s32 $0xFFFFC180  }
0x8d: {  	[spmem:s2] =	stream.indirect.scatter.add.f32 [tilespmem:s18], [sflag:$0x3], $0x80, s26, s17, $0xb8;
	[tilespmem:$0x1C100] =	vst v63  }
0x8e: {  	_ =	swait.ge [sflag:s14], $0x3E80  }
0x8f: {  	[sflag:s14] =	ssyncset.done $0x0  }
0x90: {  	[sflag:s14] =	ssyncadd.s32 $0xFFFFC180  }
0x91: {  	[tilespmem:s18], [sflag:$0x1] =	stream.indirect.gather [hbm4b:s4+s17], $0x80, s28, s17, $0xb8;
	[tilespmem:$0x1C100] =	vst v63  }
0x92: {  	_ =	swait.ge [sflag:s23], $0x3E80  }
0x93: {  	[sflag:s23] =	ssyncset.done $0x0  }
0x94: {  	[sflag:s23] =	ssyncadd.s32 $0xFFFFC180  }
0x95: {  	[spmem:s2] =	stream.indirect.scatter.add.f32 [tilespmem:s20], [sflag:$0x3], $0x80, s29, s17, $0xb8;
	[tilespmem:$0x1C100] =	vst v63  }
0x96: {  	_ =	swait.ge [sflag:s14], $0x3E80  }
0x97: {  	[sflag:s14] =	ssyncset.done $0x0  }
0x98: {  	[sflag:s14] =	ssyncadd.s32 $0xFFFFC180  }
0x99: {  	[tilespmem:s20], [sflag:$0x2] =	stream.indirect.gather [hbm4b:s4+s17], $0x80, s30, s17, $0xb8;
	[tilespmem:$0x1C100] =	vst v63  }
0x9a: {  	_ =	swait.ge [sflag:s21], $0x3E80  }
0x9b: {  	[sflag:s21] =	ssyncset.done $0x0  }
0x9c: {  	[sflag:s21] =	ssyncadd.s32 $0xFFFFC180  }
0x9d: {  	[spmem:s2] =	stream.indirect.scatter.add.f32 [tilespmem:s18], [sflag:$0x3], $0x80, s31, s17, $0xb8;
	[tilespmem:$0x1C100] =	vst v63  }
0x9e: {  	_ =	swait.ge [sflag:s14], $0x3E80  }
0x9f: {  	[sflag:s14] =	ssyncset.done $0x0  }
0xa0: {  	[sflag:s14] =	ssyncadd.s32 $0xFFFFC180  }
0xa1: {  	[tilespmem:s18], [sflag:$0x1] =	stream.indirect.gather [hbm4b:s4+s17], $0x80, s1, s17, $0xb8;
	[tilespmem:$0x1C100] =	vst v63  }
0xa2: {  	_ =	swait.ge [sflag:s23], $0x3E80  }
0xa3: {  	[sflag:s23] =	ssyncset.done $0x0  }
0xa4: {  	[sflag:s23] =	ssyncadd.s32 $0xFFFFC180  }
0xa5: {  	[spmem:s2] =	stream.indirect.scatter.add.f32 [tilespmem:s20], [sflag:$0x3], $0x80, s0, s17, $0xb8;
	[tilespmem:$0x1C100] =	vst v63  }
0xa6: {  	_ =	swait.ge [sflag:s14], $0x3E80  }
0xa7: {  	[sflag:s14] =	ssyncset.done $0x0  }
0xa8: {  	[sflag:s14] =	ssyncadd.s32 $0xFFFFC180  }
0xa9: {  	[tilespmem:s20], [sflag:$0x2] =	stream.indirect.gather [hbm4b:s4+s17], $0x80, s5, s17, $0xb8;
	[tilespmem:$0x1C100] =	vst v63  }
0xaa: {  	_ =	swait.ge [sflag:s21], $0x3E80  }
0xab: {  	[sflag:s21] =	ssyncset.done $0x0  }
0xac: {  	[sflag:s21] =	ssyncadd.s32 $0xFFFFC180  }
0xad: {  	[spmem:s2] =	stream.indirect.scatter.add.f32 [tilespmem:s18], [sflag:$0x3], $0x80, s7, s17, $0xb8;
	[tilespmem:$0x1C100] =	vst v63  }
0xae: {  	_ =	swait.ge [sflag:s14], $0x3E80  }
0xaf: {  	[sflag:s14] =	ssyncset.done $0x0  }
0xb0: {  	[sflag:s14] =	ssyncadd.s32 $0xFFFFC180  }
0xb1: {  	_ =	swait.ge [sflag:s23], $0x3E80  }
.Ltmp0:
0xb2: {  	[sflag:s23] =	ssyncset.done $0x0;
	(pc) =	sbr.rel @p1 .LBB2_2-.Ltmp0, $4  }
0xb3: {  	[sflag:s23] =	ssyncadd.s32 $0xFFFFC180  }
0xb4: {  	[spmem:s2] =	stream.indirect.scatter.add.f32 [tilespmem:s20], [sflag:$0x3], $0x80, s8, s17, $0xb8;
	[tilespmem:$0x1C100] =	vst v63  }
0xb5: {  	_ =	swait.ge [sflag:s14], $0x3E80  }
0xb6: {  	s13 =	smov.u32 s15;
	[sflag:s14] =	ssyncset.done $0x0  }
0xb7: {  	s6 =	sadd.s32 s10, s12;
	[sflag:s14] =	ssyncadd.s32 $0xFFFFC180  }
0xb8: {  	[tilespmem:s3], [sflag:$0x3] =	stream.linear.gather [hbm4b:s6+s3], $0x400, $0x38;
	[tilespmem:$0x1C100] =	vst v63  }
0xb9: {  	_ =	swait.ge [sflag:s14], $0x400  }
0xba: {  	[sflag:s14] =	ssyncset.done $0x0  }
0xbb: {  	s13 =	sadd.s32 s10, s11;
	[sflag:s14] =	ssyncadd.s32 $0xFFFFFC00  }
0xbc: {  	[tilespmem:s16], [sflag:$0x3] =	stream.linear.gather [hbm4b:s13+s3], $0x400, $0x38;
	[tilespmem:$0x1C100] =	vst v63  }
0xbd: {  	_ =	swait.ge [sflag:s14], $0x400  }
0xbe: {  	[sflag:s14] =	ssyncset.done $0x0  }
0xbf: {  	[sflag:s14] =	ssyncadd.s32 $0xFFFFFC00  }
0xc0: {  	[tilespmem:s18], [sflag:$0x1] =	stream.indirect.gather [hbm4b:s4+s17], $0x80, s3, s17, $0xb8;
	[tilespmem:$0x1C100] =	vst v63  }
0xc1: {  	_ = 	snop  }
0xc2: {  	[tilespmem:s20], [sflag:$0x2] =	stream.indirect.gather [hbm4b:s4+s17], $0x80, s19, s17, $0xb8;
	[tilespmem:$0x1C100] =	vst v63  }
0xc3: {  	_ =	swait.ge [sflag:s21], $0x3E80  }
0xc4: {  	[sflag:s21] =	ssyncset.done $0x0  }
0xc5: {  	[sflag:s21] =	ssyncadd.s32 $0xFFFFC180  }
0xc6: {  	[spmem:s2] =	stream.indirect.scatter.add.f32 [tilespmem:s18], [sflag:$0x3], $0x80, s16, s17, $0xb8;
	[tilespmem:$0x1C100] =	vst v63  }
0xc7: {  	_ =	swait.ge [sflag:s14], $0x3E80  }
0xc8: {  	[sflag:s14] =	ssyncset.done $0x0  }
0xc9: {  	[sflag:s14] =	ssyncadd.s32 $0xFFFFC180  }
0xca: {  	[tilespmem:s18], [sflag:$0x1] =	stream.indirect.gather [hbm4b:s4+s17], $0x80, s22, s17, $0xb8;
	[tilespmem:$0x1C100] =	vst v63  }
0xcb: {  	_ =	swait.ge [sflag:s23], $0x3E80  }
0xcc: {  	[sflag:s23] =	ssyncset.done $0x0  }
0xcd: {  	[sflag:s23] =	ssyncadd.s32 $0xFFFFC180  }
0xce: {  	[spmem:s2] =	stream.indirect.scatter.add.f32 [tilespmem:s20], [sflag:$0x3], $0x80, s24, s17, $0xb8;
	[tilespmem:$0x1C100] =	vst v63  }
0xcf: {  	_ =	swait.ge [sflag:s14], $0x3E80  }
0xd0: {  	[sflag:s14] =	ssyncset.done $0x0  }
0xd1: {  	[sflag:s14] =	ssyncadd.s32 $0xFFFFC180  }
0xd2: {  	[tilespmem:s20], [sflag:$0x2] =	stream.indirect.gather [hbm4b:s4+s17], $0x80, s25, s17, $0xb8;
	[tilespmem:$0x1C100] =	vst v63  }
0xd3: {  	_ =	swait.ge [sflag:s21], $0x3E80  }
0xd4: {  	[sflag:s21] =	ssyncset.done $0x0  }
0xd5: {  	[sflag:s21] =	ssyncadd.s32 $0xFFFFC180  }
0xd6: {  	[spmem:s2] =	stream.indirect.scatter.add.f32 [tilespmem:s18], [sflag:$0x3], $0x80, s26, s17, $0xb8;
	[tilespmem:$0x1C100] =	vst v63  }
0xd7: {  	_ =	swait.ge [sflag:s14], $0x3E80  }
0xd8: {  	[sflag:s14] =	ssyncset.done $0x0  }
0xd9: {  	[sflag:s14] =	ssyncadd.s32 $0xFFFFC180  }
0xda: {  	[tilespmem:s18], [sflag:$0x1] =	stream.indirect.gather [hbm4b:s4+s17], $0x80, s28, s17, $0xb8;
	[tilespmem:$0x1C100] =	vst v63  }
0xdb: {  	_ =	swait.ge [sflag:s23], $0x3E80  }
0xdc: {  	[sflag:s23] =	ssyncset.done $0x0  }
0xdd: {  	[sflag:s23] =	ssyncadd.s32 $0xFFFFC180  }
0xde: {  	[spmem:s2] =	stream.indirect.scatter.add.f32 [tilespmem:s20], [sflag:$0x3], $0x80, s29, s17, $0xb8;
	[tilespmem:$0x1C100] =	vst v63  }
0xdf: {  	_ =	swait.ge [sflag:s14], $0x3E80  }
0xe0: {  	[sflag:s14] =	ssyncset.done $0x0  }
0xe1: {  	[sflag:s14] =	ssyncadd.s32 $0xFFFFC180  }
0xe2: {  	[tilespmem:s20], [sflag:$0x2] =	stream.indirect.gather [hbm4b:s4+s17], $0x80, s30, s17, $0xb8;
	[tilespmem:$0x1C100] =	vst v63  }
0xe3: {  	_ =	swait.ge [sflag:s21], $0x3E80  }
0xe4: {  	[sflag:s21] =	ssyncset.done $0x0  }
0xe5: {  	[sflag:s21] =	ssyncadd.s32 $0xFFFFC180  }
0xe6: {  	[spmem:s2] =	stream.indirect.scatter.add.f32 [tilespmem:s18], [sflag:$0x3], $0x80, s31, s17, $0xb8;
	[tilespmem:$0x1C100] =	vst v63  }
0xe7: {  	_ =	swait.ge [sflag:s14], $0x3E80  }
0xe8: {  	[sflag:s14] =	ssyncset.done $0x0  }
0xe9: {  	[sflag:s14] =	ssyncadd.s32 $0xFFFFC180  }
0xea: {  	[tilespmem:s18], [sflag:$0x1] =	stream.indirect.gather [hbm4b:s4+s17], $0x80, s1, s17, $0xb8;
	[tilespmem:$0x1C100] =	vst v63  }
0xeb: {  	_ =	swait.ge [sflag:s23], $0x3E80  }
0xec: {  	[sflag:s23] =	ssyncset.done $0x0  }
0xed: {  	[sflag:s23] =	ssyncadd.s32 $0xFFFFC180  }
0xee: {  	[spmem:s2] =	stream.indirect.scatter.add.f32 [tilespmem:s20], [sflag:$0x3], $0x80, s0, s17, $0xb8;
	[tilespmem:$0x1C100] =	vst v63  }
0xef: {  	_ =	swait.ge [sflag:s14], $0x3E80  }
0xf0: {  	[sflag:s14] =	ssyncset.done $0x0  }
0xf1: {  	[sflag:s14] =	ssyncadd.s32 $0xFFFFC180  }
0xf2: {  	[tilespmem:s20], [sflag:$0x2] =	stream.indirect.gather [hbm4b:s4+s17], $0x80, s5, s17, $0xb8;
	[tilespmem:$0x1C100] =	vst v63  }
0xf3: {  	_ =	swait.ge [sflag:s21], $0x3E80  }
0xf4: {  	[sflag:s21] =	ssyncset.done $0x0  }
0xf5: {  	[sflag:s21] =	ssyncadd.s32 $0xFFFFC180  }
0xf6: {  	[spmem:s2] =	stream.indirect.scatter.add.f32 [tilespmem:s18], [sflag:$0x3], $0x80, s7, s17, $0xb8;
	[tilespmem:$0x1C100] =	vst v63  }
0xf7: {  	_ =	swait.ge [sflag:s14], $0x3E80  }
0xf8: {  	[sflag:s14] =	ssyncset.done $0x0  }
0xf9: {  	[sflag:s14] =	ssyncadd.s32 $0xFFFFC180  }
0xfa: {  	_ =	swait.ge [sflag:s23], $0x3E80  }
0xfb: {  	[sflag:s23] =	ssyncset.done $0x0  }
0xfc: {  	[sflag:s23] =	ssyncadd.s32 $0xFFFFC180  }
0xfd: {  	[spmem:s2] =	stream.indirect.scatter.add.f32 [tilespmem:s20], [sflag:$0x3], $0x80, s8, s17, $0xb8;
	[tilespmem:$0x1C100] =	vst v63  }
0xfe: {  	_ =	swait.ge [sflag:s14], $0x3E80  }
0xff: {  	[sflag:s14] =	ssyncset.done $0x0  }
0x100: {  	[sflag:s14] =	ssyncadd.s32 $0xFFFFC180  }
0x101: {  	[bflag:$0x0] =	sbarrier.arrive $0xFFFF  }
0x102: {  	s10 =	rddreg [dreg:$0x4]  }
0x103: {  	s15 =	rddreg [dreg:$0x6]  }
0x104: {  	s13 =	rddreg [dreg:$0x9]  }
0x105: {  	[hbm:s15], [sflag:s10] =	dma.local [spmem:s13], $0x2700  }
0x106: {  	_ =	swait.ge [sflag:s14], $0x2700  }
0x107: {  	[sflag:s14] =	ssyncset.done $0x0;
	s6 =	rddreg [dreg:$0x7]  }
0x108: {  	s9 =	simm.s32 @!p0 $0x3;
	s15 =	rddreg [dreg:$0xa];
	[sflag:s14] =	ssyncadd.s32 $0xFFFFD900  }
0x109: {  	[hbm:s6], [sflag:s10] =	dma.local @!p0 [spmem:s15], $0x200  }
0x10a: {  	_ =	swait.ge @!p0 [sflag:s9], $0x200  }
0x10b: {  	s6 =	rddreg [dreg:$0xb]  }
0x10c: {  	[sflag:s9] =	ssyncset.done @!p0 $0x0;
	s9 =	rddreg [dreg:$0x8];
	s6 =	sadd.s32 $0x1, s6  }
0x10d: {  	p1 =	sne.s32 s6, s9  }
.Ltmp1:
0x10e: {  	_ = 	snop;
	(pc) =	sbr.rel @p1 .LBB2_1-.Ltmp1, $3  }
0x10f: {  	_ =	sdelay $0x1  }
0x110: {  	[dreg:$0xb] =	wrdreg s6;
	s6 =	simm.s32 @!p0 $0x3  }
0x111: {  	[sflag:s6] =	ssyncadd.s32 @!p0 $0xFFFFFE00  }
0x112: {  	_ =	sfence.sel $0x180000  }
0x113: {  	[bflag:$0x0] =	sbarrier.arrive $0xFFFF  }
0x114: {  	_ =	strace $0x90000056  }
0x115: {  	s0 =	stileid.u32;
	[bflag:$0x2] =	sbarrier.arrive $0xFFFF  }
0x116: {  	p0 =	sne.s32 s0, $0x0;
	s0 =	rddreg [dreg:$0x2]  }
0x117: {  	s0 =	sadd.s32 @!p0 $0x100000, s0  }
0x118: {  	[sflag:s0] =	ssyncadd.tile.s32 @!p0 $0x1;
	_ =	shalt  }
.Lfunc_end2:
_tile_overlayer_lowered:
.L_overlay_start_2:
0x119: {  	(tag) =	ssettag $0x2  }
0x11a: {  	s0 =	rddreg [dreg:$0x0];
	s2 =	stileid.u32  }
0x11b: {  	s1 =	rddreg [dreg:$0x1];
	p0 =	sne.s32 s2, $0x0  }
0x11c: {  	s3 =	rddreg [dreg:$0x2];
	[bflag:$0x3] =	sbarrier.arrive $0xFFFF;
	s2 =	simm.s32 @!p0 $0x1C03  }
0x11d: {  	[timem:s3], [sflag:s2] =	dma.local @!p0 [hbm:s0], s1  }
0x11e: {  	s0 =	simm.s32 @!p0 $0x3  }
0x11f: {  	_ =	swait.ge @!p0 [sflag:s0], s1  }
0x120: {  	s1 =	ssub.s32 @!p0 $0x0, s1;
	[sflag:s0] =	ssyncset.done @!p0 $0x0  }
0x121: {  	[sflag:s0] =	ssyncadd.s32 @!p0 s1  }
0x122: {  	[bflag:$0x3] =	sbarrier.arrive $0xFFFF  }
0x123: {  	_ =	shalt  }

// kernel: kernel.24.cloned.1.call-start
scs
__scs_entry_jumppad:
0x0: {  	(pc) =	sbr.rel $0x88, $3  }
0x1: {  	(tag) =	ssettag $0x0;
	lr =	simm.s32 $0x1  }
0x2: {  	[smem:$0x3F7E] =	sst lr;
	_ =	strace $0xD0000000  }
0x3: {  	_ = 	snop  }
0x4: {  	_ = 	snop  }
0x5: {  	_ = 	snop  }
0x6: {  	_ = 	snop  }
0x7: {  	_ = 	snop  }
__scs_overlays_trampoline_lowered:
0x8: {  	[smem:$0x3F8D] =	sst s0  }
0x9: {  	[smem:$0x3F8E] =	sst s1  }
0xa: {  	[smem:$0x3F8F] =	sst s2  }
0xb: {  	[smem:$0x3F90] =	sst s3  }
0xc: {  	[smem:$0x3F91] =	sst s4  }
0xd: {  	[smem:$0x3F92] =	sst s5  }
0xe: {  	[smem:$0x3F93] =	sst s6  }
0xf: {  	[smem:$0x3F94] =	sst s7  }
0x10: {  	[smem:$0x3F95] =	sst s8  }
0x11: {  	[smem:$0x3F96] =	sst s9;
	s0 =	simm.s32 @!p0 $0x0  }
0x12: {  	s1 =	sld [smem:$0x3F7C];
	s0 =	simm.s32 @p0 $0x1  }
0x13: {  	[smem:$0x3F97] =	sst s0;
	s0 =	simm.s32 @!p1 $0x0  }
0x14: {  	s2 =	sld [smem:$0x3F7B];
	s0 =	simm.s32 @p1 $0x1  }
0x15: {  	[smem:$0x3F98] =	sst s0;
	s0 =	simm.s32 @!p2 $0x0  }
0x16: {  	s3 =	sld [smem:$0x3FDB];
	s0 =	simm.s32 @p2 $0x1  }
0x17: {  	s4 =	simm.s32 $0x1BF5;
	[smem:$0x3F9A] =	sst s0  }
0x18: {  	s0 =	sld [smem:$0x3F7D];
	_ =	swait.ge [sflag:s4], $0x0  }
0x19: {  	s7 =	sld [smem:$0x3F7E]  }
0x1a: {  	s8 =	sadd.s32 $0xFFFFE003, lr  }
0x1b: {  	s9 =	sadd.s32 $0xFFFFFEF7, lr;
	s5 =	simm.s32 $0xFFFFFFFF;
	p2 =	slt.u32 s8, $0xFFFFF086  }
0x1c: {  	p1 =	slt.u32 s9, $0xF7A;
	s5 =	simm.s32 @!p2 $0x0  }
0x1d: {  	s5 =	simm.s32 @p1 $0x1;
	p0 =	seq.s32 s7, s2  }
0x1e: {  	s7 =	smul.u32 @!p0 $0xF7A, s2;
	p2 =	seq.s32 @!p0 s5, $0x0  }
0x1f: {  	s9 =	smul.u32 $0xF7A, s1;
	s8 =	simm.s32 @!p0 $0x1BF5;
	p2 =	por !p2, p0  }
0x20: {  	[sflag:s8] =	ssyncset.s32 @!p0 $0xFFFFF086;
	s6 =	sadd.s32 @!p0 s3, s7;
	s7 =	simm.s32 @!p0 $0x108  }
0x21: {  	s3 =	sadd.s32 s3, s9;
	s6 =	sadd.s32 @!p0 $0x88, s6;
	s7 =	simm.s32 @p2 $0x1082  }
0x22: {  	[simem:s7], [sflag:s8] =	dma.local @!p0 [hbm:s6], $0xF7A  }
0x23: {  	s9 =	sor.u32 $0xD0000000, s2;
	s6 =	simm.s32 $0x108;
	_ =	swait.ge @!p0 [sflag:s8], $0x0  }
0x24: {  	s3 =	sadd.s32 $0x88, s3;
	s6 =	simm.s32 @!p1 $0x1082;
	[sflag:s4] =	ssyncset.s32 $0xFFFFF086  }
0x25: {  	[simem:s6], [sflag:s4] =	dma.local [hbm:s3], $0xF7A  }
0x26: {  	[smem:$0x3F7E] =	sst s1;
	(tag) =	ssettag s2;
	_ =	strace s9  }
0x27: {  	s1 =	sld [smem:$0x3F8E]  }
0x28: {  	s2 =	sld [smem:$0x3F8F]  }
0x29: {  	s4 =	sld [smem:$0x3F91]  }
0x2a: {  	p0 =	seq.s32 s5, $0x0;
	s5 =	sld [smem:$0x3F92]  }
0x2b: {  	s6 =	sld [smem:$0x3F93]  }
0x2c: {  	s7 =	sld [smem:$0x3F94]  }
0x2d: {  	s3 =	simm.s32 $0x108;
	s8 =	sld [smem:$0x3F95]  }
0x2e: {  	s3 =	simm.s32 @!p0 $0x1082;
	s9 =	sld [smem:$0x3F96]  }
0x2f: {  	lr =	sadd.s32 s0, s3;
	s0 =	sld [smem:$0x3F8D]  }
0x30: {  	s3 =	sld [smem:$0x3F90]  }
0x31: {  	[smem:$0x3F99] =	sst s10  }
0x32: {  	s10 =	sld [smem:$0x3F97];
	_ =	sdelay $0x3  }
0x33: {  	p0 =	seq.s32 s10, $0x1;
	s10 =	sld [smem:$0x3F99];
	_ =	sdelay $0x3  }
0x34: {  	[smem:$0x3F99] =	sst s10  }
0x35: {  	s10 =	sld [smem:$0x3F98];
	_ =	sdelay $0x3  }
0x36: {  	p1 =	seq.s32 s10, $0x1;
	s10 =	sld [smem:$0x3F99];
	_ =	sdelay $0x3  }
0x37: {  	[smem:$0x3F99] =	sst s10  }
0x38: {  	s10 =	sld [smem:$0x3F9A]  }
0x39: {  	_ = 	snop;
	(pc) =	sbr.ind lr, $3  }
0x3a: {  	_ = 	snop  }
0x3b: {  	_ = 	snop  }
0x3c: {  	p2 =	seq.s32 s10, $0x1;
	s10 =	sld [smem:$0x3F99]  }
0x3d: {  	_ =	shalt  }
0x3e: {  	_ =	shalt  }
0x3f: {  	_ =	shalt  }
0x40: {  	_ =	shalt  }
0x41: {  	_ =	shalt  }
0x42: {  	_ =	shalt  }
0x43: {  	_ =	shalt  }
0x44: {  	_ =	shalt  }
0x45: {  	_ =	shalt  }
0x46: {  	_ =	shalt  }
0x47: {  	_ =	shalt  }
0x48: {  	_ =	shalt  }
0x49: {  	_ =	shalt  }
0x4a: {  	_ =	shalt  }
0x4b: {  	_ =	shalt  }
0x4c: {  	_ =	shalt  }
0x4d: {  	_ =	shalt  }
0x4e: {  	_ =	shalt  }
0x4f: {  	_ =	shalt  }
0x50: {  	_ =	shalt  }
0x51: {  	_ =	shalt  }
0x52: {  	_ =	shalt  }
0x53: {  	_ =	shalt  }
0x54: {  	_ =	shalt  }
0x55: {  	_ =	shalt  }
0x56: {  	_ =	shalt  }
0x57: {  	_ =	shalt  }
0x58: {  	_ =	shalt  }
0x59: {  	_ =	shalt  }
0x5a: {  	_ =	shalt  }
0x5b: {  	_ =	shalt  }
0x5c: {  	_ =	shalt  }
0x5d: {  	_ =	shalt  }
0x5e: {  	_ =	shalt  }
0x5f: {  	_ =	shalt  }
0x60: {  	_ =	shalt  }
0x61: {  	_ =	shalt  }
0x62: {  	_ =	shalt  }
0x63: {  	_ =	shalt  }
0x64: {  	_ =	shalt  }
0x65: {  	_ =	shalt  }
0x66: {  	_ =	shalt  }
0x67: {  	_ =	shalt  }
0x68: {  	_ =	shalt  }
0x69: {  	_ =	shalt  }
0x6a: {  	_ =	shalt  }
0x6b: {  	_ =	shalt  }
0x6c: {  	_ =	shalt  }
0x6d: {  	_ =	shalt  }
0x6e: {  	_ =	shalt  }
0x6f: {  	_ =	shalt  }
0x70: {  	_ =	shalt  }
0x71: {  	_ =	shalt  }
0x72: {  	_ =	shalt  }
0x73: {  	_ =	shalt  }
0x74: {  	_ =	shalt  }
0x75: {  	_ =	shalt  }
0x76: {  	_ =	shalt  }
0x77: {  	_ =	shalt  }
0x78: {  	_ =	shalt  }
0x79: {  	_ =	shalt  }
0x7a: {  	_ =	shalt  }
0x7b: {  	_ =	shalt  }
0x7c: {  	_ =	shalt  }
0x7d: {  	_ =	shalt  }
0x7e: {  	_ =	shalt  }
0x7f: {  	_ =	shalt  }
0x80: {  	_ =	shalt  }
0x81: {  	_ =	shalt  }
0x82: {  	_ =	shalt  }
0x83: {  	_ =	shalt  }
0x84: {  	_ =	shalt  }
0x85: {  	_ =	shalt  }
0x86: {  	_ =	shalt  }
0x87: {  	_ =	shalt  }
.Lfunc_end0:
.L_simem_size_0:
called_computation.6_lowered:
.L_overlay_start_0:
0x88: {  	s2 =	sld [smem:$0x3FD9]  }
0x89: {  	s3 =	sld [smem:$0x3FFE];
	_ =	sdelay $0x1  }
0x8a: {  	s1 =	srdreg.scid  }
0x8b: {  	s0 =	sand.u32 $0x1, s1  }
0x8c: {  	s16 =	sshll.u32 s0, $0xA;
	s2 =	sadd.s32 s3, s2  }
0x8d: {  	s2 =	sadd.s32 s2, s16  }
0x8e: {  	[smem:$0x3FA5] =	sst s2  }
0x8f: {  	_ = 	snop  }
0x90: {  	(tm) =	ssettm $0x1  }
0x91: {  	s17 =	sld [smem:$0x3FFB];
	_ =	sdelay $0x3  }
0x92: {  	_ =	strace s17  }
0x93: {  	s2 =	sld [smem:$0x3FFC];
	_ =	sdelay $0x3  }
0x94: {  	_ =	strace s2  }
0x95: {  	s2 =	sld [smem:$0x3FFD];
	_ =	sdelay $0x3  }
0x96: {  	_ =	strace s2  }
0x97: {  	_ =	strace $0x8FFFFFFF  }
0x98: {  	s18 =	sld [smem:$0x3FDB];
	_ =	sdelay $0x1  }
0x99: {  	s19 =	simm.s32 $_scs_section_size  }
0x9a: {  	s4 =	simm.s32 $_size__tile_overlayer_lowered;
	s5 =	simm.s32 $_tile_overlayer_lowered  }
0x9b: {  	s22 =	simm.s32 $0x1BFF;
	s21 =	sshll.u32 s5, $0x1;
	s2 =	sadd.s32 s19, s18  }
0x9c: {  	s6 =	simm.s32 $0x0;
	s20 =	sshll.u32 s4, $0x1;
	s4 =	sadd.s32 s21, s2  }
0x9d: {  	[timem:s6], [sflag:s22] =	dma.local [hbm:s4], s20  }
0x9e: {  	_ =	swait.ge [sflag:s22], s20  }
0x9f: {  	s3 =	ssub.s32 $0x0, s20;
	[sflag:s22] =	ssyncset.done $0x0  }
0xa0: {  	[sflag:s22] =	ssyncadd.s32 s3;
	_ =	sdelay $0x1  }
0xa1: {  	s23 =	simm.s32 $0x1B8B  }
0xa2: {  	_ =	swait.ge [sflag:s23], $0x1  }
0xa3: {  	[sflag:s23] =	ssyncset.done $0x0  }
0xa4: {  	s25 =	simm.s32 $0x1B8E;
	s24 =	sld [smem:$0x3FFE];
	[sflag:s23] =	ssyncadd.s32 $0xFFFFFFFF  }
0xa5: {  	s26 =	simm.s32 $execute0_lowered;
	[smem:$0x3FD2] =	sst s25  }
0xa6: {  	s4 =	sshll.u32 s26, $0x1;
	_ =	strace $0x80000058;
	[dreg:$0x1] =	wrdreg $0xFFFFFFFF  }
0xa7: {  	s28 =	simm.s32 $_size_execute0_lowered;
	s2 =	sadd.s32 s2, s4;
	[dreg:$0x0] =	wrdreg $0x0  }
0xa8: {  	s4 =	sshll.u32 s28, $0x1;
	[dreg:$0x2] =	wrdreg s2  }
0xa9: {  	[dreg:$0x3] =	wrdreg s4  }
0xaa: {  	[dreg:$0x4] =	wrdreg $0xC0  }
0xab: {  	_ =	task [dreg:s6], $0x5FFFF  }
0xac: {  	[dreg:$0x1] =	wrdreg $0xFFFFFFFF  }
0xad: {  	[dreg:$0x0] =	wrdreg $0x60  }
0xae: {  	[dreg:$0x2] =	wrdreg s24  }
0xaf: {  	[dreg:$0x3] =	wrdreg $0x88000  }
0xb0: {  	[dreg:$0x4] =	wrdreg $0x9  }
0xb1: {  	_ =	task.clear_ibuf [dreg:s6], $0x5FFFF;
	_ =	strace $0x90000058  }
0xb2: {  	s29 =	simm.s32 $0x9;
	_ =	strace $0x8000005A  }
0xb3: {  	_ =	swait.ge [sflag:s29], $0x1  }
0xb4: {  	[sflag:s29] =	ssyncadd.s32 $0xFFFFFFFF  }
0xb5: {  	_ =	strace $0x9000005A  }
0xb6: {  	_ =	sfence  }
0xb7: {  	s30 =	sld [smem:$0x0];
	_ =	sdelay $0x2  }
0xb8: {  	s31 =	sshll.u32 s1, $0xD;
	s1 =	sshrl.u32 s1, $0x2  }
0xb9: {  	s3 =	sand.u32 $0x4000, s31;
	s1 =	sadd.s32 s1, s30  }
0xba: {  	s0 =	sor.u32 s3, s0;
	s1 =	sshll.u32 s1, $0x11  }
0xbb: {  	s0 =	sor.u32 s1, s0  }
0xbc: {  	s0 =	sadd.s32 $0x8F2B, s0  }
0xbd: {  	[sflag:s0] =	ssyncadd.remote.s32 $0x1  }
0xbe: {  	_ =	sfence.sel $0xFFFF  }
0xbf: {  	[dreg:$0x0] =	wrdreg $0xFFFFFFFF;
	(pc) =	sbr.abs _section_cstart, $3  }
0xc0: {  	[dreg:$0x1] =	wrdreg $0xFFFFFFFF  }
0xc1: {  	_ =	task.clear_ibuf [dreg:s6], $0x2FFFF;
	_ =	strace $0x9FFFFFFF  }
0xc2: {  	(tm) =	ssettm $0x7FFFFFFF  }
0xc3: {  	_ =	shalt  }
tec
execute0_lowered:
.L_overlay_start_1:
0x0: {  	(tag) =	ssettag $0x1  }
0x1: {  	s0 =	srdreg.scid;
	s1 =	rddreg [dreg:$0x0]  }
0x2: {  	s14 =	stileid.u32;
	s2 =	rddreg [dreg:$0x1]  }
0x3: {  	s3 =	simm.s32 $0x0;
	s16 =	simm.s32 $0x400;
	s17 =	simm.s32 $0x7D  }
0x4: {  	s18 =	simm.s32 $0x800;
	s19 =	simm.s32 $0x80;
	s20 =	simm.s32 $0x4800  }
0x5: {  	s21 =	simm.s32 $0x1;
	s22 =	simm.s32 $0x100;
	s23 =	simm.s32 $0x2  }
0x6: {  	s28 =	simm.s32 $0x200;
	s29 =	simm.s32 $0x580;
	s4 =	smul.u32 $0x5800, s14  }
0x7: {  	s30 =	simm.s32 $0x280;
	s31 =	simm.s32 $0x600;
	s7 =	smul.u32 $0x13800, s14  }
0x8: {  	s0 =	sand.u32 $0x1, s0;
	[smem:$0x7FF] =	sst s3;
	s10 =	smul.u32 $0x4E000, s14  }
0x9: {  	s11 =	sadd.s32 $0x6CC00, s1;
	s25 =	sshll.u32 s14, $0x6;
	p0 =	sne.s32 s14, $0xF  }
0xa: {  	s14 =	simm.s32 $0x3;
	s5 =	smul.u32 $0x2C00, s0;
	_ =	strace $0x80000059  }
0xb: {  	s6 =	ssub.s32 $0x2, s0;
	s0 =	smul.u32 $0x139000, s0;
	s8 =	sshrl.u32 s7, $0x3  }
0xc: {  	s9 =	sshrl.u32 s6, $0x1;
	s24 =	sshrl.u32 s10, $0x2;
	s10 =	sor.u32 $0x1C03, s25  }
0xd: {  	s25 =	simm.s32 $0x180;
	s4 =	sadd.s32 s5, s4;
	s8 =	sadd.s32 s8, s1  }
0xe: {  	s9 =	ssub.s32 s6, s9;
	s13 =	sadd.s32 s24, s2;
	s7 =	sadd.s32 s7, s0  }
0xf: {  	s0 =	sshrl.u32 s0, $0x3;
	s24 =	simm.s32 $0x480;
	[dreg:$0x4] =	wrdreg s10  }
0x10: {  	s5 =	sshrl.u32 s4, $0x3;
	s4 =	sadd.s32 $0x45A00, s1;
	s26 =	sadd.s32 $0x1E800, s8  }
0x11: {  	s8 =	sadd.s32 $0x138000, s2;
	s6 =	sshrl.u32 s7, $0x3;
	s0 =	sadd.s32 s11, s0  }
0x12: {  	s7 =	smax.u32 s9, $0x1;
	s13 =	sshrl.u32 s13, $0x3;
	[dreg:$0x3] =	wrdreg s26  }
0x13: {  	s9 =	simm.s32 $0x0;
	s5 =	sadd.s32 s5, s1;
	[dreg:$0x8] =	wrdreg s7  }
0x14: {  	s1 =	sadd.s32 $0x45800, s1;
	s0 =	sadd.s32 $0x27000, s0;
	[dreg:$0xb] =	wrdreg s9  }
0x15: {  	s15 =	sshrl.u32 @!p0 s8, $0x3;
	s26 =	simm.s32 $0x500;
	[dreg:$0x9] =	wrdreg s13  }
0x16: {  	s7 =	simm.s32 $0x700;
	s8 =	simm.s32 $0x780;
	[dreg:$0x5] =	wrdreg s1  }
0x17: {  	s1 =	sadd.s32 s11, s6;
	[dreg:$0x7] =	wrdreg s0;
	s11 =	sadd.s32 $0x8800, s5  }
0x18: {  	s12 =	sadd.s32 $0x13800, s5;
	s0 =	simm.s32 $0x680;
	[dreg:$0xa] =	wrdreg s15  }
0x19: {  	s5 =	simm.s32 $0x380;
	[dreg:$0x6] =	wrdreg s1;
	s1 =	simm.s32 $0x300  }
.LBB2_1:
0x1a: {  	s6 =	rddreg [dreg:$0x3]  }
0x1b: {  	[spmem:s13], [sflag:s10] =	dma.local [hbm:s6], $0x2700  }
0x1c: {  	_ =	swait.ge [sflag:s14], $0x2700  }
0x1d: {  	[sflag:s14] =	ssyncset.done $0x0  }
0x1e: {  	s6 =	rddreg [dreg:$0x5];
	[sflag:s14] =	ssyncadd.s32 $0xFFFFD900  }
0x1f: {  	[spmem:s15], [sflag:s10] =	dma.local @!p0 [hbm:s6], $0x200  }
0x20: {  	s10 =	simm.s32 @!p0 $0x3  }
0x21: {  	_ =	swait.ge @!p0 [sflag:s10], $0x200  }
0x22: {  	[sflag:s10] =	ssyncset.done @!p0 $0x0  }
0x23: {  	[sflag:s10] =	ssyncadd.s32 @!p0 $0xFFFFFE00  }
0x24: {  	s13 =	sadd.s32 $0x0, s12;
	[bflag:$0x0] =	sbarrier.arrive $0xFFFF  }
0x25: {  	[tilespmem:s3], [sflag:$0x3] =	stream.linear.gather [hbm4b:s13+s3], $0x400, $0x38;
	[tilespmem:$0x1C100] =	vst v63  }
0x26: {  	_ =	swait.ge [sflag:s14], $0x400  }
0x27: {  	[sflag:s14] =	ssyncset.done $0x0  }
0x28: {  	s15 =	sadd.s32 $0x0, s11;
	[sflag:s14] =	ssyncadd.s32 $0xFFFFFC00  }
0x29: {  	[tilespmem:s16], [sflag:$0x3] =	stream.linear.gather [hbm4b:s15+s3], $0x400, $0x38;
	[tilespmem:$0x1C100] =	vst v63  }
0x2a: {  	_ =	swait.ge [sflag:s14], $0x400  }
0x2b: {  	[sflag:s14] =	ssyncset.done $0x0  }
0x2c: {  	[sflag:s14] =	ssyncadd.s32 $0xFFFFFC00  }
0x2d: {  	[tilespmem:s18], [sflag:$0x1] =	stream.indirect.gather [hbm4b:s4+s17], $0x80, s3, s17, $0xb8;
	[tilespmem:$0x1C100] =	vst v63  }
0x2e: {  	_ = 	snop  }
0x2f: {  	[tilespmem:s20], [sflag:$0x2] =	stream.indirect.gather [hbm4b:s4+s17], $0x80, s19, s17, $0xb8;
	[tilespmem:$0x1C100] =	vst v63  }
0x30: {  	_ =	swait.ge [sflag:s21], $0x3E80  }
0x31: {  	[sflag:s21] =	ssyncset.done $0x0  }
0x32: {  	[sflag:s21] =	ssyncadd.s32 $0xFFFFC180  }
0x33: {  	[spmem:s2] =	stream.indirect.scatter.add.f32 [tilespmem:s18], [sflag:$0x3], $0x80, s16, s17, $0xb8;
	[tilespmem:$0x1C100] =	vst v63  }
0x34: {  	_ =	swait.ge [sflag:s14], $0x3E80  }
0x35: {  	[sflag:s14] =	ssyncset.done $0x0  }
0x36: {  	[sflag:s14] =	ssyncadd.s32 $0xFFFFC180  }
0x37: {  	[tilespmem:s18], [sflag:$0x1] =	stream.indirect.gather [hbm4b:s4+s17], $0x80, s22, s17, $0xb8;
	[tilespmem:$0x1C100] =	vst v63  }
0x38: {  	_ =	swait.ge [sflag:s23], $0x3E80  }
0x39: {  	[sflag:s23] =	ssyncset.done $0x0  }
0x3a: {  	[sflag:s23] =	ssyncadd.s32 $0xFFFFC180  }
0x3b: {  	[spmem:s2] =	stream.indirect.scatter.add.f32 [tilespmem:s20], [sflag:$0x3], $0x80, s24, s17, $0xb8;
	[tilespmem:$0x1C100] =	vst v63  }
0x3c: {  	_ =	swait.ge [sflag:s14], $0x3E80  }
0x3d: {  	[sflag:s14] =	ssyncset.done $0x0  }
0x3e: {  	[sflag:s14] =	ssyncadd.s32 $0xFFFFC180  }
0x3f: {  	[tilespmem:s20], [sflag:$0x2] =	stream.indirect.gather [hbm4b:s4+s17], $0x80, s25, s17, $0xb8;
	[tilespmem:$0x1C100] =	vst v63  }
0x40: {  	_ =	swait.ge [sflag:s21], $0x3E80  }
0x41: {  	[sflag:s21] =	ssyncset.done $0x0  }
0x42: {  	[sflag:s21] =	ssyncadd.s32 $0xFFFFC180  }
0x43: {  	[spmem:s2] =	stream.indirect.scatter.add.f32 [tilespmem:s18], [sflag:$0x3], $0x80, s26, s17, $0xb8;
	[tilespmem:$0x1C100] =	vst v63  }
0x44: {  	_ =	swait.ge [sflag:s14], $0x3E80  }
0x45: {  	[sflag:s14] =	ssyncset.done $0x0  }
0x46: {  	[sflag:s14] =	ssyncadd.s32 $0xFFFFC180  }
0x47: {  	[tilespmem:s18], [sflag:$0x1] =	stream.indirect.gather [hbm4b:s4+s17], $0x80, s28, s17, $0xb8;
	[tilespmem:$0x1C100] =	vst v63  }
0x48: {  	_ =	swait.ge [sflag:s23], $0x3E80  }
0x49: {  	[sflag:s23] =	ssyncset.done $0x0  }
0x4a: {  	[sflag:s23] =	ssyncadd.s32 $0xFFFFC180  }
0x4b: {  	[spmem:s2] =	stream.indirect.scatter.add.f32 [tilespmem:s20], [sflag:$0x3], $0x80, s29, s17, $0xb8;
	[tilespmem:$0x1C100] =	vst v63  }
0x4c: {  	_ =	swait.ge [sflag:s14], $0x3E80  }
0x4d: {  	[sflag:s14] =	ssyncset.done $0x0  }
0x4e: {  	[sflag:s14] =	ssyncadd.s32 $0xFFFFC180  }
0x4f: {  	[tilespmem:s20], [sflag:$0x2] =	stream.indirect.gather [hbm4b:s4+s17], $0x80, s30, s17, $0xb8;
	[tilespmem:$0x1C100] =	vst v63  }
0x50: {  	_ =	swait.ge [sflag:s21], $0x3E80  }
0x51: {  	[sflag:s21] =	ssyncset.done $0x0  }
0x52: {  	[sflag:s21] =	ssyncadd.s32 $0xFFFFC180  }
0x53: {  	[spmem:s2] =	stream.indirect.scatter.add.f32 [tilespmem:s18], [sflag:$0x3], $0x80, s31, s17, $0xb8;
	[tilespmem:$0x1C100] =	vst v63  }
0x54: {  	_ =	swait.ge [sflag:s14], $0x3E80  }
0x55: {  	[sflag:s14] =	ssyncset.done $0x0  }
0x56: {  	[sflag:s14] =	ssyncadd.s32 $0xFFFFC180  }
0x57: {  	[tilespmem:s18], [sflag:$0x1] =	stream.indirect.gather [hbm4b:s4+s17], $0x80, s1, s17, $0xb8;
	[tilespmem:$0x1C100] =	vst v63  }
0x58: {  	_ =	swait.ge [sflag:s23], $0x3E80  }
0x59: {  	[sflag:s23] =	ssyncset.done $0x0  }
0x5a: {  	[sflag:s23] =	ssyncadd.s32 $0xFFFFC180  }
0x5b: {  	[spmem:s2] =	stream.indirect.scatter.add.f32 [tilespmem:s20], [sflag:$0x3], $0x80, s0, s17, $0xb8;
	[tilespmem:$0x1C100] =	vst v63  }
0x5c: {  	_ =	swait.ge [sflag:s14], $0x3E80  }
0x5d: {  	[sflag:s14] =	ssyncset.done $0x0  }
0x5e: {  	[sflag:s14] =	ssyncadd.s32 $0xFFFFC180  }
0x5f: {  	[tilespmem:s20], [sflag:$0x2] =	stream.indirect.gather [hbm4b:s4+s17], $0x80, s5, s17, $0xb8;
	[tilespmem:$0x1C100] =	vst v63  }
0x60: {  	_ =	swait.ge [sflag:s21], $0x3E80  }
0x61: {  	[sflag:s21] =	ssyncset.done $0x0  }
0x62: {  	[sflag:s21] =	ssyncadd.s32 $0xFFFFC180  }
0x63: {  	[spmem:s2] =	stream.indirect.scatter.add.f32 [tilespmem:s18], [sflag:$0x3], $0x80, s7, s17, $0xb8;
	[tilespmem:$0x1C100] =	vst v63  }
0x64: {  	_ =	swait.ge [sflag:s14], $0x3E80  }
0x65: {  	[sflag:s14] =	ssyncset.done $0x0  }
0x66: {  	[sflag:s14] =	ssyncadd.s32 $0xFFFFC180  }
0x67: {  	_ =	swait.ge [sflag:s23], $0x3E80  }
0x68: {  	[sflag:s23] =	ssyncset.done $0x0  }
0x69: {  	[sflag:s23] =	ssyncadd.s32 $0xFFFFC180  }
0x6a: {  	[spmem:s2] =	stream.indirect.scatter.add.f32 [tilespmem:s20], [sflag:$0x3], $0x80, s8, s17, $0xb8;
	[tilespmem:$0x1C100] =	vst v63  }
0x6b: {  	_ =	swait.ge [sflag:s14], $0x3E80  }
0x6c: {  	s10 =	simm.s32 $0x80;
	s13 =	simm.s32 $0x100;
	[sflag:s14] =	ssyncset.done $0x0  }
.LBB2_2:
0x6d: {  	s6 =	sadd.s32 s10, s12  }
0x6e: {  	[sflag:s14] =	ssyncadd.s32 $0xFFFFC180;
	s9 =	smov.u32 s13;
	s15 =	sadd.s32 $0x80, s13  }
0x6f: {  	[tilespmem:s3], [sflag:$0x3] =	stream.linear.gather [hbm4b:s6+s3], $0x400, $0x38;
	[tilespmem:$0x1C100] =	vst v63  }
0x70: {  	p1 =	sne.s32 s13, $0x500;
	_ =	swait.ge [sflag:s14], $0x400  }
0x71: {  	[sflag:s14] =	ssyncset.done $0x0  }
0x72: {  	s6 =	sadd.s32 s10, s11;
	s10 =	smov.u32 s9;
	[sflag:s14] =	ssyncadd.s32 $0xFFFFFC00  }
0x73: {  	[tilespmem:s16], [sflag:$0x3] =	stream.linear.gather [hbm4b:s6+s3], $0x400, $0x38;
	[tilespmem:$0x1C100] =	vst v63  }
0x74: {  	_ =	swait.ge [sflag:s14], $0x400  }
0x75: {  	[sflag:s14] =	ssyncset.done $0x0  }
0x76: {  	[sflag:s14] =	ssyncadd.s32 $0xFFFFFC00  }
0x77: {  	[tilespmem:s18], [sflag:$0x1] =	stream.indirect.gather [hbm4b:s4+s17], $0x80, s3, s17, $0xb8;
	[tilespmem:$0x1C100] =	vst v63  }
0x78: {  	_ = 	snop  }
0x79: {  	[tilespmem:s20], [sflag:$0x2] =	stream.indirect.gather [hbm4b:s4+s17], $0x80, s19, s17, $0xb8;
	[tilespmem:$0x1C100] =	vst v63  }
0x7a: {  	_ =	swait.ge [sflag:s21], $0x3E80  }
0x7b: {  	[sflag:s21] =	ssyncset.done $0x0  }
0x7c: {  	[sflag:s21] =	ssyncadd.s32 $0xFFFFC180  }
0x7d: {  	[spmem:s2] =	stream.indirect.scatter.add.f32 [tilespmem:s18], [sflag:$0x3], $0x80, s16, s17, $0xb8;
	[tilespmem:$0x1C100] =	vst v63  }
0x7e: {  	_ =	swait.ge [sflag:s14], $0x3E80  }
0x7f: {  	[sflag:s14] =	ssyncset.done $0x0  }
0x80: {  	[sflag:s14] =	ssyncadd.s32 $0xFFFFC180  }
0x81: {  	[tilespmem:s18], [sflag:$0x1] =	stream.indirect.gather [hbm4b:s4+s17], $0x80, s22, s17, $0xb8;
	[tilespmem:$0x1C100] =	vst v63  }
0x82: {  	_ =	swait.ge [sflag:s23], $0x3E80  }
0x83: {  	[sflag:s23] =	ssyncset.done $0x0  }
0x84: {  	[sflag:s23] =	ssyncadd.s32 $0xFFFFC180  }
0x85: {  	[spmem:s2] =	stream.indirect.scatter.add.f32 [tilespmem:s20], [sflag:$0x3], $0x80, s24, s17, $0xb8;
	[tilespmem:$0x1C100] =	vst v63  }
0x86: {  	_ =	swait.ge [sflag:s14], $0x3E80  }
0x87: {  	[sflag:s14] =	ssyncset.done $0x0  }
0x88: {  	[sflag:s14] =	ssyncadd.s32 $0xFFFFC180  }
0x89: {  	[tilespmem:s20], [sflag:$0x2] =	stream.indirect.gather [hbm4b:s4+s17], $0x80, s25, s17, $0xb8;
	[tilespmem:$0x1C100] =	vst v63  }
0x8a: {  	_ =	swait.ge [sflag:s21], $0x3E80  }
0x8b: {  	[sflag:s21] =	ssyncset.done $0x0  }
0x8c: {  	[sflag:s21] =	ssyncadd.s32 $0xFFFFC180  }
0x8d: {  	[spmem:s2] =	stream.indirect.scatter.add.f32 [tilespmem:s18], [sflag:$0x3], $0x80, s26, s17, $0xb8;
	[tilespmem:$0x1C100] =	vst v63  }
0x8e: {  	_ =	swait.ge [sflag:s14], $0x3E80  }
0x8f: {  	[sflag:s14] =	ssyncset.done $0x0  }
0x90: {  	[sflag:s14] =	ssyncadd.s32 $0xFFFFC180  }
0x91: {  	[tilespmem:s18], [sflag:$0x1] =	stream.indirect.gather [hbm4b:s4+s17], $0x80, s28, s17, $0xb8;
	[tilespmem:$0x1C100] =	vst v63  }
0x92: {  	_ =	swait.ge [sflag:s23], $0x3E80  }
0x93: {  	[sflag:s23] =	ssyncset.done $0x0  }
0x94: {  	[sflag:s23] =	ssyncadd.s32 $0xFFFFC180  }
0x95: {  	[spmem:s2] =	stream.indirect.scatter.add.f32 [tilespmem:s20], [sflag:$0x3], $0x80, s29, s17, $0xb8;
	[tilespmem:$0x1C100] =	vst v63  }
0x96: {  	_ =	swait.ge [sflag:s14], $0x3E80  }
0x97: {  	[sflag:s14] =	ssyncset.done $0x0  }
0x98: {  	[sflag:s14] =	ssyncadd.s32 $0xFFFFC180  }
0x99: {  	[tilespmem:s20], [sflag:$0x2] =	stream.indirect.gather [hbm4b:s4+s17], $0x80, s30, s17, $0xb8;
	[tilespmem:$0x1C100] =	vst v63  }
0x9a: {  	_ =	swait.ge [sflag:s21], $0x3E80  }
0x9b: {  	[sflag:s21] =	ssyncset.done $0x0  }
0x9c: {  	[sflag:s21] =	ssyncadd.s32 $0xFFFFC180  }
0x9d: {  	[spmem:s2] =	stream.indirect.scatter.add.f32 [tilespmem:s18], [sflag:$0x3], $0x80, s31, s17, $0xb8;
	[tilespmem:$0x1C100] =	vst v63  }
0x9e: {  	_ =	swait.ge [sflag:s14], $0x3E80  }
0x9f: {  	[sflag:s14] =	ssyncset.done $0x0  }
0xa0: {  	[sflag:s14] =	ssyncadd.s32 $0xFFFFC180  }
0xa1: {  	[tilespmem:s18], [sflag:$0x1] =	stream.indirect.gather [hbm4b:s4+s17], $0x80, s1, s17, $0xb8;
	[tilespmem:$0x1C100] =	vst v63  }
0xa2: {  	_ =	swait.ge [sflag:s23], $0x3E80  }
0xa3: {  	[sflag:s23] =	ssyncset.done $0x0  }
0xa4: {  	[sflag:s23] =	ssyncadd.s32 $0xFFFFC180  }
0xa5: {  	[spmem:s2] =	stream.indirect.scatter.add.f32 [tilespmem:s20], [sflag:$0x3], $0x80, s0, s17, $0xb8;
	[tilespmem:$0x1C100] =	vst v63  }
0xa6: {  	_ =	swait.ge [sflag:s14], $0x3E80  }
0xa7: {  	[sflag:s14] =	ssyncset.done $0x0  }
0xa8: {  	[sflag:s14] =	ssyncadd.s32 $0xFFFFC180  }
0xa9: {  	[tilespmem:s20], [sflag:$0x2] =	stream.indirect.gather [hbm4b:s4+s17], $0x80, s5, s17, $0xb8;
	[tilespmem:$0x1C100] =	vst v63  }
0xaa: {  	_ =	swait.ge [sflag:s21], $0x3E80  }
0xab: {  	[sflag:s21] =	ssyncset.done $0x0  }
0xac: {  	[sflag:s21] =	ssyncadd.s32 $0xFFFFC180  }
0xad: {  	[spmem:s2] =	stream.indirect.scatter.add.f32 [tilespmem:s18], [sflag:$0x3], $0x80, s7, s17, $0xb8;
	[tilespmem:$0x1C100] =	vst v63  }
0xae: {  	_ =	swait.ge [sflag:s14], $0x3E80  }
0xaf: {  	[sflag:s14] =	ssyncset.done $0x0  }
0xb0: {  	[sflag:s14] =	ssyncadd.s32 $0xFFFFC180  }
0xb1: {  	_ =	swait.ge [sflag:s23], $0x3E80  }
.Ltmp0:
0xb2: {  	[sflag:s23] =	ssyncset.done $0x0;
	(pc) =	sbr.rel @p1 .LBB2_2-.Ltmp0, $4  }
0xb3: {  	[sflag:s23] =	ssyncadd.s32 $0xFFFFC180  }
0xb4: {  	[spmem:s2] =	stream.indirect.scatter.add.f32 [tilespmem:s20], [sflag:$0x3], $0x80, s8, s17, $0xb8;
	[tilespmem:$0x1C100] =	vst v63  }
0xb5: {  	_ =	swait.ge [sflag:s14], $0x3E80  }
0xb6: {  	s13 =	smov.u32 s15;
	[sflag:s14] =	ssyncset.done $0x0  }
0xb7: {  	s6 =	sadd.s32 s10, s12;
	[sflag:s14] =	ssyncadd.s32 $0xFFFFC180  }
0xb8: {  	[tilespmem:s3], [sflag:$0x3] =	stream.linear.gather [hbm4b:s6+s3], $0x400, $0x38;
	[tilespmem:$0x1C100] =	vst v63  }
0xb9: {  	_ =	swait.ge [sflag:s14], $0x400  }
0xba: {  	[sflag:s14] =	ssyncset.done $0x0  }
0xbb: {  	s13 =	sadd.s32 s10, s11;
	[sflag:s14] =	ssyncadd.s32 $0xFFFFFC00  }
0xbc: {  	[tilespmem:s16], [sflag:$0x3] =	stream.linear.gather [hbm4b:s13+s3], $0x400, $0x38;
	[tilespmem:$0x1C100] =	vst v63  }
0xbd: {  	_ =	swait.ge [sflag:s14], $0x400  }
0xbe: {  	[sflag:s14] =	ssyncset.done $0x0  }
0xbf: {  	[sflag:s14] =	ssyncadd.s32 $0xFFFFFC00  }
0xc0: {  	[tilespmem:s18], [sflag:$0x1] =	stream.indirect.gather [hbm4b:s4+s17], $0x80, s3, s17, $0xb8;
	[tilespmem:$0x1C100] =	vst v63  }
0xc1: {  	_ = 	snop  }
0xc2: {  	[tilespmem:s20], [sflag:$0x2] =	stream.indirect.gather [hbm4b:s4+s17], $0x80, s19, s17, $0xb8;
	[tilespmem:$0x1C100] =	vst v63  }
0xc3: {  	_ =	swait.ge [sflag:s21], $0x3E80  }
0xc4: {  	[sflag:s21] =	ssyncset.done $0x0  }
0xc5: {  	[sflag:s21] =	ssyncadd.s32 $0xFFFFC180  }
0xc6: {  	[spmem:s2] =	stream.indirect.scatter.add.f32 [tilespmem:s18], [sflag:$0x3], $0x80, s16, s17, $0xb8;
	[tilespmem:$0x1C100] =	vst v63  }
0xc7: {  	_ =	swait.ge [sflag:s14], $0x3E80  }
0xc8: {  	[sflag:s14] =	ssyncset.done $0x0  }
0xc9: {  	[sflag:s14] =	ssyncadd.s32 $0xFFFFC180  }
0xca: {  	[tilespmem:s18], [sflag:$0x1] =	stream.indirect.gather [hbm4b:s4+s17], $0x80, s22, s17, $0xb8;
	[tilespmem:$0x1C100] =	vst v63  }
0xcb: {  	_ =	swait.ge [sflag:s23], $0x3E80  }
0xcc: {  	[sflag:s23] =	ssyncset.done $0x0  }
0xcd: {  	[sflag:s23] =	ssyncadd.s32 $0xFFFFC180  }
0xce: {  	[spmem:s2] =	stream.indirect.scatter.add.f32 [tilespmem:s20], [sflag:$0x3], $0x80, s24, s17, $0xb8;
	[tilespmem:$0x1C100] =	vst v63  }
0xcf: {  	_ =	swait.ge [sflag:s14], $0x3E80  }
0xd0: {  	[sflag:s14] =	ssyncset.done $0x0  }
0xd1: {  	[sflag:s14] =	ssyncadd.s32 $0xFFFFC180  }
0xd2: {  	[tilespmem:s20], [sflag:$0x2] =	stream.indirect.gather [hbm4b:s4+s17], $0x80, s25, s17, $0xb8;
	[tilespmem:$0x1C100] =	vst v63  }
0xd3: {  	_ =	swait.ge [sflag:s21], $0x3E80  }
0xd4: {  	[sflag:s21] =	ssyncset.done $0x0  }
0xd5: {  	[sflag:s21] =	ssyncadd.s32 $0xFFFFC180  }
0xd6: {  	[spmem:s2] =	stream.indirect.scatter.add.f32 [tilespmem:s18], [sflag:$0x3], $0x80, s26, s17, $0xb8;
	[tilespmem:$0x1C100] =	vst v63  }
0xd7: {  	_ =	swait.ge [sflag:s14], $0x3E80  }
0xd8: {  	[sflag:s14] =	ssyncset.done $0x0  }
0xd9: {  	[sflag:s14] =	ssyncadd.s32 $0xFFFFC180  }
0xda: {  	[tilespmem:s18], [sflag:$0x1] =	stream.indirect.gather [hbm4b:s4+s17], $0x80, s28, s17, $0xb8;
	[tilespmem:$0x1C100] =	vst v63  }
0xdb: {  	_ =	swait.ge [sflag:s23], $0x3E80  }
0xdc: {  	[sflag:s23] =	ssyncset.done $0x0  }
0xdd: {  	[sflag:s23] =	ssyncadd.s32 $0xFFFFC180  }
0xde: {  	[spmem:s2] =	stream.indirect.scatter.add.f32 [tilespmem:s20], [sflag:$0x3], $0x80, s29, s17, $0xb8;
	[tilespmem:$0x1C100] =	vst v63  }
0xdf: {  	_ =	swait.ge [sflag:s14], $0x3E80  }
0xe0: {  	[sflag:s14] =	ssyncset.done $0x0  }
0xe1: {  	[sflag:s14] =	ssyncadd.s32 $0xFFFFC180  }
0xe2: {  	[tilespmem:s20], [sflag:$0x2] =	stream.indirect.gather [hbm4b:s4+s17], $0x80, s30, s17, $0xb8;
	[tilespmem:$0x1C100] =	vst v63  }
0xe3: {  	_ =	swait.ge [sflag:s21], $0x3E80  }
0xe4: {  	[sflag:s21] =	ssyncset.done $0x0  }
0xe5: {  	[sflag:s21] =	ssyncadd.s32 $0xFFFFC180  }
0xe6: {  	[spmem:s2] =	stream.indirect.scatter.add.f32 [tilespmem:s18], [sflag:$0x3], $0x80, s31, s17, $0xb8;
	[tilespmem:$0x1C100] =	vst v63  }
0xe7: {  	_ =	swait.ge [sflag:s14], $0x3E80  }
0xe8: {  	[sflag:s14] =	ssyncset.done $0x0  }
0xe9: {  	[sflag:s14] =	ssyncadd.s32 $0xFFFFC180  }
0xea: {  	[tilespmem:s18], [sflag:$0x1] =	stream.indirect.gather [hbm4b:s4+s17], $0x80, s1, s17, $0xb8;
	[tilespmem:$0x1C100] =	vst v63  }
0xeb: {  	_ =	swait.ge [sflag:s23], $0x3E80  }
0xec: {  	[sflag:s23] =	ssyncset.done $0x0  }
0xed: {  	[sflag:s23] =	ssyncadd.s32 $0xFFFFC180  }
0xee: {  	[spmem:s2] =	stream.indirect.scatter.add.f32 [tilespmem:s20], [sflag:$0x3], $0x80, s0, s17, $0xb8;
	[tilespmem:$0x1C100] =	vst v63  }
0xef: {  	_ =	swait.ge [sflag:s14], $0x3E80  }
0xf0: {  	[sflag:s14] =	ssyncset.done $0x0  }
0xf1: {  	[sflag:s14] =	ssyncadd.s32 $0xFFFFC180  }
0xf2: {  	[tilespmem:s20], [sflag:$0x2] =	stream.indirect.gather [hbm4b:s4+s17], $0x80, s5, s17, $0xb8;
	[tilespmem:$0x1C100] =	vst v63  }
0xf3: {  	_ =	swait.ge [sflag:s21], $0x3E80  }
0xf4: {  	[sflag:s21] =	ssyncset.done $0x0  }
0xf5: {  	[sflag:s21] =	ssyncadd.s32 $0xFFFFC180  }
0xf6: {  	[spmem:s2] =	stream.indirect.scatter.add.f32 [tilespmem:s18], [sflag:$0x3], $0x80, s7, s17, $0xb8;
	[tilespmem:$0x1C100] =	vst v63  }
0xf7: {  	_ =	swait.ge [sflag:s14], $0x3E80  }
0xf8: {  	[sflag:s14] =	ssyncset.done $0x0  }
0xf9: {  	[sflag:s14] =	ssyncadd.s32 $0xFFFFC180  }
0xfa: {  	_ =	swait.ge [sflag:s23], $0x3E80  }
0xfb: {  	[sflag:s23] =	ssyncset.done $0x0  }
0xfc: {  	[sflag:s23] =	ssyncadd.s32 $0xFFFFC180  }
0xfd: {  	[spmem:s2] =	stream.indirect.scatter.add.f32 [tilespmem:s20], [sflag:$0x3], $0x80, s8, s17, $0xb8;
	[tilespmem:$0x1C100] =	vst v63  }
0xfe: {  	_ =	swait.ge [sflag:s14], $0x3E80  }
0xff: {  	[sflag:s14] =	ssyncset.done $0x0  }
0x100: {  	[sflag:s14] =	ssyncadd.s32 $0xFFFFC180  }
0x101: {  	[bflag:$0x0] =	sbarrier.arrive $0xFFFF  }
0x102: {  	s10 =	rddreg [dreg:$0x4]  }
0x103: {  	s15 =	rddreg [dreg:$0x6]  }
0x104: {  	s13 =	rddreg [dreg:$0x9]  }
0x105: {  	[hbm:s15], [sflag:s10] =	dma.local [spmem:s13], $0x2700  }
0x106: {  	_ =	swait.ge [sflag:s14], $0x2700  }
0x107: {  	[sflag:s14] =	ssyncset.done $0x0;
	s6 =	rddreg [dreg:$0x7]  }
0x108: {  	s9 =	simm.s32 @!p0 $0x3;
	s15 =	rddreg [dreg:$0xa];
	[sflag:s14] =	ssyncadd.s32 $0xFFFFD900  }
0x109: {  	[hbm:s6], [sflag:s10] =	dma.local @!p0 [spmem:s15], $0x200  }
0x10a: {  	_ =	swait.ge @!p0 [sflag:s9], $0x200  }
0x10b: {  	s6 =	rddreg [dreg:$0xb]  }
0x10c: {  	[sflag:s9] =	ssyncset.done @!p0 $0x0;
	s9 =	rddreg [dreg:$0x8];
	s6 =	sadd.s32 $0x1, s6  }
0x10d: {  	p1 =	sne.s32 s6, s9  }
.Ltmp1:
0x10e: {  	_ = 	snop;
	(pc) =	sbr.rel @p1 .LBB2_1-.Ltmp1, $3  }
0x10f: {  	_ =	sdelay $0x1  }
0x110: {  	[dreg:$0xb] =	wrdreg s6;
	s6 =	simm.s32 @!p0 $0x3  }
0x111: {  	[sflag:s6] =	ssyncadd.s32 @!p0 $0xFFFFFE00  }
0x112: {  	_ =	sfence.sel $0x180000  }
0x113: {  	[bflag:$0x0] =	sbarrier.arrive $0xFFFF  }
0x114: {  	_ =	strace $0x90000059  }
0x115: {  	s0 =	stileid.u32;
	[bflag:$0x2] =	sbarrier.arrive $0xFFFF  }
0x116: {  	p0 =	sne.s32 s0, $0x0;
	s0 =	rddreg [dreg:$0x2]  }
0x117: {  	s0 =	sadd.s32 @!p0 $0x100000, s0  }
0x118: {  	[sflag:s0] =	ssyncadd.tile.s32 @!p0 $0x1;
	_ =	shalt  }
.Lfunc_end2:
_tile_overlayer_lowered:
.L_overlay_start_2:
0x119: {  	(tag) =	ssettag $0x2  }
0x11a: {  	s0 =	rddreg [dreg:$0x0];
	s2 =	stileid.u32  }
0x11b: {  	s1 =	rddreg [dreg:$0x1];
	p0 =	sne.s32 s2, $0x0  }
0x11c: {  	s3 =	rddreg [dreg:$0x2];
	[bflag:$0x3] =	sbarrier.arrive $0xFFFF;
	s2 =	simm.s32 @!p0 $0x1C03  }
0x11d: {  	[timem:s3], [sflag:s2] =	dma.local @!p0 [hbm:s0], s1  }
0x11e: {  	s0 =	simm.s32 @!p0 $0x3  }
0x11f: {  	_ =	swait.ge @!p0 [sflag:s0], s1  }
0x120: {  	s1 =	ssub.s32 @!p0 $0x0, s1;
	[sflag:s0] =	ssyncset.done @!p0 $0x0  }
0x121: {  	[sflag:s0] =	ssyncadd.s32 @!p0 s1  }
0x122: {  	[bflag:$0x3] =	sbarrier.arrive $0xFFFF  }
0x123: {  	_ =	shalt  }

// kernel: kernel.27.cloned.1.call-start
scs
__scs_entry_jumppad:
0x0: {  	(pc) =	sbr.rel $0x88, $3  }
0x1: {  	(tag) =	ssettag $0x0;
	lr =	simm.s32 $0x1  }
0x2: {  	[smem:$0x3F7E] =	sst lr;
	_ =	strace $0xD0000000  }
0x3: {  	_ = 	snop  }
0x4: {  	_ = 	snop  }
0x5: {  	_ = 	snop  }
0x6: {  	_ = 	snop  }
0x7: {  	_ = 	snop  }
__scs_overlays_trampoline_lowered:
0x8: {  	[smem:$0x3F8D] =	sst s0  }
0x9: {  	[smem:$0x3F8E] =	sst s1  }
0xa: {  	[smem:$0x3F8F] =	sst s2  }
0xb: {  	[smem:$0x3F90] =	sst s3  }
0xc: {  	[smem:$0x3F91] =	sst s4  }
0xd: {  	[smem:$0x3F92] =	sst s5  }
0xe: {  	[smem:$0x3F93] =	sst s6  }
0xf: {  	[smem:$0x3F94] =	sst s7  }
0x10: {  	[smem:$0x3F95] =	sst s8  }
0x11: {  	[smem:$0x3F96] =	sst s9;
	s0 =	simm.s32 @!p0 $0x0  }
0x12: {  	s1 =	sld [smem:$0x3F7C];
	s0 =	simm.s32 @p0 $0x1  }
0x13: {  	[smem:$0x3F97] =	sst s0;
	s0 =	simm.s32 @!p1 $0x0  }
0x14: {  	s2 =	sld [smem:$0x3F7B];
	s0 =	simm.s32 @p1 $0x1  }
0x15: {  	[smem:$0x3F98] =	sst s0;
	s0 =	simm.s32 @!p2 $0x0  }
0x16: {  	s3 =	sld [smem:$0x3FDB];
	s0 =	simm.s32 @p2 $0x1  }
0x17: {  	s4 =	simm.s32 $0x1BF5;
	[smem:$0x3F9A] =	sst s0  }
0x18: {  	s0 =	sld [smem:$0x3F7D];
	_ =	swait.ge [sflag:s4], $0x0  }
0x19: {  	s7 =	sld [smem:$0x3F7E]  }
0x1a: {  	s8 =	sadd.s32 $0xFFFFE003, lr  }
0x1b: {  	s9 =	sadd.s32 $0xFFFFFEF7, lr;
	s5 =	simm.s32 $0xFFFFFFFF;
	p2 =	slt.u32 s8, $0xFFFFF086  }
0x1c: {  	p1 =	slt.u32 s9, $0xF7A;
	s5 =	simm.s32 @!p2 $0x0  }
0x1d: {  	s5 =	simm.s32 @p1 $0x1;
	p0 =	seq.s32 s7, s2  }
0x1e: {  	s7 =	smul.u32 @!p0 $0xF7A, s2;
	p2 =	seq.s32 @!p0 s5, $0x0  }
0x1f: {  	s9 =	smul.u32 $0xF7A, s1;
	s8 =	simm.s32 @!p0 $0x1BF5;
	p2 =	por !p2, p0  }
0x20: {  	[sflag:s8] =	ssyncset.s32 @!p0 $0xFFFFF086;
	s6 =	sadd.s32 @!p0 s3, s7;
	s7 =	simm.s32 @!p0 $0x108  }
0x21: {  	s3 =	sadd.s32 s3, s9;
	s6 =	sadd.s32 @!p0 $0x88, s6;
	s7 =	simm.s32 @p2 $0x1082  }
0x22: {  	[simem:s7], [sflag:s8] =	dma.local @!p0 [hbm:s6], $0xF7A  }
0x23: {  	s9 =	sor.u32 $0xD0000000, s2;
	s6 =	simm.s32 $0x108;
	_ =	swait.ge @!p0 [sflag:s8], $0x0  }
0x24: {  	s3 =	sadd.s32 $0x88, s3;
	s6 =	simm.s32 @!p1 $0x1082;
	[sflag:s4] =	ssyncset.s32 $0xFFFFF086  }
0x25: {  	[simem:s6], [sflag:s4] =	dma.local [hbm:s3], $0xF7A  }
0x26: {  	[smem:$0x3F7E] =	sst s1;
	(tag) =	ssettag s2;
	_ =	strace s9  }
0x27: {  	s1 =	sld [smem:$0x3F8E]  }
0x28: {  	s2 =	sld [smem:$0x3F8F]  }
0x29: {  	s4 =	sld [smem:$0x3F91]  }
0x2a: {  	p0 =	seq.s32 s5, $0x0;
	s5 =	sld [smem:$0x3F92]  }
0x2b: {  	s6 =	sld [smem:$0x3F93]  }
0x2c: {  	s7 =	sld [smem:$0x3F94]  }
0x2d: {  	s3 =	simm.s32 $0x108;
	s8 =	sld [smem:$0x3F95]  }
0x2e: {  	s3 =	simm.s32 @!p0 $0x1082;
	s9 =	sld [smem:$0x3F96]  }
0x2f: {  	lr =	sadd.s32 s0, s3;
	s0 =	sld [smem:$0x3F8D]  }
0x30: {  	s3 =	sld [smem:$0x3F90]  }
0x31: {  	[smem:$0x3F99] =	sst s10  }
0x32: {  	s10 =	sld [smem:$0x3F97];
	_ =	sdelay $0x3  }
0x33: {  	p0 =	seq.s32 s10, $0x1;
	s10 =	sld [smem:$0x3F99];
	_ =	sdelay $0x3  }
0x34: {  	[smem:$0x3F99] =	sst s10  }
0x35: {  	s10 =	sld [smem:$0x3F98];
	_ =	sdelay $0x3  }
0x36: {  	p1 =	seq.s32 s10, $0x1;
	s10 =	sld [smem:$0x3F99];
	_ =	sdelay $0x3  }
0x37: {  	[smem:$0x3F99] =	sst s10  }
0x38: {  	s10 =	sld [smem:$0x3F9A]  }
0x39: {  	_ = 	snop;
	(pc) =	sbr.ind lr, $3  }
0x3a: {  	_ = 	snop  }
0x3b: {  	_ = 	snop  }
0x3c: {  	p2 =	seq.s32 s10, $0x1;
	s10 =	sld [smem:$0x3F99]  }
0x3d: {  	_ =	shalt  }
0x3e: {  	_ =	shalt  }
0x3f: {  	_ =	shalt  }
0x40: {  	_ =	shalt  }
0x41: {  	_ =	shalt  }
0x42: {  	_ =	shalt  }
0x43: {  	_ =	shalt  }
0x44: {  	_ =	shalt  }
0x45: {  	_ =	shalt  }
0x46: {  	_ =	shalt  }
0x47: {  	_ =	shalt  }
0x48: {  	_ =	shalt  }
0x49: {  	_ =	shalt  }
0x4a: {  	_ =	shalt  }
0x4b: {  	_ =	shalt  }
0x4c: {  	_ =	shalt  }
0x4d: {  	_ =	shalt  }
0x4e: {  	_ =	shalt  }
0x4f: {  	_ =	shalt  }
0x50: {  	_ =	shalt  }
0x51: {  	_ =	shalt  }
0x52: {  	_ =	shalt  }
0x53: {  	_ =	shalt  }
0x54: {  	_ =	shalt  }
0x55: {  	_ =	shalt  }
0x56: {  	_ =	shalt  }
0x57: {  	_ =	shalt  }
0x58: {  	_ =	shalt  }
0x59: {  	_ =	shalt  }
0x5a: {  	_ =	shalt  }
0x5b: {  	_ =	shalt  }
0x5c: {  	_ =	shalt  }
0x5d: {  	_ =	shalt  }
0x5e: {  	_ =	shalt  }
0x5f: {  	_ =	shalt  }
0x60: {  	_ =	shalt  }
0x61: {  	_ =	shalt  }
0x62: {  	_ =	shalt  }
0x63: {  	_ =	shalt  }
0x64: {  	_ =	shalt  }
0x65: {  	_ =	shalt  }
0x66: {  	_ =	shalt  }
0x67: {  	_ =	shalt  }
0x68: {  	_ =	shalt  }
0x69: {  	_ =	shalt  }
0x6a: {  	_ =	shalt  }
0x6b: {  	_ =	shalt  }
0x6c: {  	_ =	shalt  }
0x6d: {  	_ =	shalt  }
0x6e: {  	_ =	shalt  }
0x6f: {  	_ =	shalt  }
0x70: {  	_ =	shalt  }
0x71: {  	_ =	shalt  }
0x72: {  	_ =	shalt  }
0x73: {  	_ =	shalt  }
0x74: {  	_ =	shalt  }
0x75: {  	_ =	shalt  }
0x76: {  	_ =	shalt  }
0x77: {  	_ =	shalt  }
0x78: {  	_ =	shalt  }
0x79: {  	_ =	shalt  }
0x7a: {  	_ =	shalt  }
0x7b: {  	_ =	shalt  }
0x7c: {  	_ =	shalt  }
0x7d: {  	_ =	shalt  }
0x7e: {  	_ =	shalt  }
0x7f: {  	_ =	shalt  }
0x80: {  	_ =	shalt  }
0x81: {  	_ =	shalt  }
0x82: {  	_ =	shalt  }
0x83: {  	_ =	shalt  }
0x84: {  	_ =	shalt  }
0x85: {  	_ =	shalt  }
0x86: {  	_ =	shalt  }
0x87: {  	_ =	shalt  }
.Lfunc_end0:
.L_simem_size_0:
called_computation.7_lowered:
.L_overlay_start_0:
0x88: {  	s2 =	sld [smem:$0x3FD9]  }
0x89: {  	s3 =	sld [smem:$0x3FFE];
	_ =	sdelay $0x1  }
0x8a: {  	s1 =	srdreg.scid  }
0x8b: {  	s0 =	sand.u32 $0x1, s1  }
0x8c: {  	s16 =	sshll.u32 s0, $0xA;
	s2 =	sadd.s32 s3, s2  }
0x8d: {  	s2 =	sadd.s32 s2, s16  }
0x8e: {  	[smem:$0x3FA5] =	sst s2  }
0x8f: {  	_ = 	snop  }
0x90: {  	(tm) =	ssettm $0x1  }
0x91: {  	s17 =	sld [smem:$0x3FFB];
	_ =	sdelay $0x3  }
0x92: {  	_ =	strace s17  }
0x93: {  	s2 =	sld [smem:$0x3FFC];
	_ =	sdelay $0x3  }
0x94: {  	_ =	strace s2  }
0x95: {  	s2 =	sld [smem:$0x3FFD];
	_ =	sdelay $0x3  }
0x96: {  	_ =	strace s2  }
0x97: {  	_ =	strace $0x8FFFFFFF  }
0x98: {  	s18 =	sld [smem:$0x3FDB];
	_ =	sdelay $0x1  }
0x99: {  	s19 =	simm.s32 $_scs_section_size  }
0x9a: {  	s4 =	simm.s32 $_size__tile_overlayer_lowered;
	s5 =	simm.s32 $_tile_overlayer_lowered  }
0x9b: {  	s22 =	simm.s32 $0x1BFF;
	s21 =	sshll.u32 s5, $0x1;
	s2 =	sadd.s32 s19, s18  }
0x9c: {  	s6 =	simm.s32 $0x0;
	s20 =	sshll.u32 s4, $0x1;
	s4 =	sadd.s32 s21, s2  }
0x9d: {  	[timem:s6], [sflag:s22] =	dma.local [hbm:s4], s20  }
0x9e: {  	_ =	swait.ge [sflag:s22], s20  }
0x9f: {  	s3 =	ssub.s32 $0x0, s20;
	[sflag:s22] =	ssyncset.done $0x0  }
0xa0: {  	[sflag:s22] =	ssyncadd.s32 s3;
	_ =	sdelay $0x1  }
0xa1: {  	s23 =	simm.s32 $0x1B8B  }
0xa2: {  	_ =	swait.ge [sflag:s23], $0x1  }
0xa3: {  	[sflag:s23] =	ssyncset.done $0x0  }
0xa4: {  	s25 =	simm.s32 $0x1B8E;
	s24 =	sld [smem:$0x3FFE];
	[sflag:s23] =	ssyncadd.s32 $0xFFFFFFFF  }
0xa5: {  	s26 =	simm.s32 $execute0_lowered;
	[smem:$0x3FD2] =	sst s25  }
0xa6: {  	s4 =	sshll.u32 s26, $0x1;
	_ =	strace $0x8000005B;
	[dreg:$0x1] =	wrdreg $0xFFFFFFFF  }
0xa7: {  	s28 =	simm.s32 $_size_execute0_lowered;
	s2 =	sadd.s32 s2, s4;
	[dreg:$0x0] =	wrdreg $0x0  }
0xa8: {  	s4 =	sshll.u32 s28, $0x1;
	[dreg:$0x2] =	wrdreg s2  }
0xa9: {  	[dreg:$0x3] =	wrdreg s4  }
0xaa: {  	[dreg:$0x4] =	wrdreg $0xC0  }
0xab: {  	_ =	task [dreg:s6], $0x5FFFF  }
0xac: {  	[dreg:$0x1] =	wrdreg $0xFFFFFFFF  }
0xad: {  	[dreg:$0x0] =	wrdreg $0x60  }
0xae: {  	[dreg:$0x2] =	wrdreg s24  }
0xaf: {  	[dreg:$0x3] =	wrdreg $0x88000  }
0xb0: {  	[dreg:$0x4] =	wrdreg $0x9  }
0xb1: {  	_ =	task.clear_ibuf [dreg:s6], $0x5FFFF;
	_ =	strace $0x9000005B  }
0xb2: {  	s29 =	simm.s32 $0x9;
	_ =	strace $0x8000005D  }
0xb3: {  	_ =	swait.ge [sflag:s29], $0x1  }
0xb4: {  	[sflag:s29] =	ssyncadd.s32 $0xFFFFFFFF  }
0xb5: {  	_ =	strace $0x9000005D  }
0xb6: {  	_ =	sfence  }
0xb7: {  	s30 =	sld [smem:$0x0];
	_ =	sdelay $0x2  }
0xb8: {  	s31 =	sshll.u32 s1, $0xD;
	s1 =	sshrl.u32 s1, $0x2  }
0xb9: {  	s3 =	sand.u32 $0x4000, s31;
	s1 =	sadd.s32 s1, s30  }
0xba: {  	s0 =	sor.u32 s3, s0;
	s1 =	sshll.u32 s1, $0x11  }
0xbb: {  	s0 =	sor.u32 s1, s0  }
0xbc: {  	s0 =	sadd.s32 $0x8F2B, s0  }
0xbd: {  	[sflag:s0] =	ssyncadd.remote.s32 $0x1  }
0xbe: {  	_ =	sfence.sel $0xFFFF  }
0xbf: {  	[dreg:$0x0] =	wrdreg $0xFFFFFFFF;
	(pc) =	sbr.abs _section_cstart, $3  }
0xc0: {  	[dreg:$0x1] =	wrdreg $0xFFFFFFFF  }
0xc1: {  	_ =	task.clear_ibuf [dreg:s6], $0x2FFFF;
	_ =	strace $0x9FFFFFFF  }
0xc2: {  	(tm) =	ssettm $0x7FFFFFFF  }
0xc3: {  	_ =	shalt  }
tec
execute0_lowered:
.L_overlay_start_1:
0x0: {  	(tag) =	ssettag $0x1  }
0x1: {  	s0 =	srdreg.scid;
	s1 =	rddreg [dreg:$0x0]  }
0x2: {  	s14 =	stileid.u32;
	s2 =	rddreg [dreg:$0x1]  }
0x3: {  	s3 =	simm.s32 $0x0;
	s16 =	simm.s32 $0x400;
	s17 =	simm.s32 $0x7D  }
0x4: {  	s18 =	simm.s32 $0x800;
	s19 =	simm.s32 $0x80;
	s20 =	simm.s32 $0x4800  }
0x5: {  	s21 =	simm.s32 $0x1;
	s22 =	simm.s32 $0x100;
	s23 =	simm.s32 $0x2  }
0x6: {  	s28 =	simm.s32 $0x200;
	s29 =	simm.s32 $0x580;
	s4 =	smul.u32 $0x5800, s14  }
0x7: {  	s30 =	simm.s32 $0x280;
	s31 =	simm.s32 $0x600;
	s7 =	smul.u32 $0x13800, s14  }
0x8: {  	s0 =	sand.u32 $0x1, s0;
	[smem:$0x7FF] =	sst s3;
	s10 =	smul.u32 $0x4E000, s14  }
0x9: {  	s11 =	sadd.s32 $0x6CC00, s1;
	s25 =	sshll.u32 s14, $0x6;
	p0 =	sne.s32 s14, $0xF  }
0xa: {  	s14 =	simm.s32 $0x3;
	s5 =	smul.u32 $0x2C00, s0;
	_ =	strace $0x8000005C  }
0xb: {  	s6 =	ssub.s32 $0x2, s0;
	s0 =	smul.u32 $0x139000, s0;
	s8 =	sshrl.u32 s7, $0x3  }
0xc: {  	s9 =	sshrl.u32 s6, $0x1;
	s24 =	sshrl.u32 s10, $0x2;
	s10 =	sor.u32 $0x1C03, s25  }
0xd: {  	s25 =	simm.s32 $0x180;
	s4 =	sadd.s32 s5, s4;
	s8 =	sadd.s32 s8, s1  }
0xe: {  	s9 =	ssub.s32 s6, s9;
	s13 =	sadd.s32 s24, s2;
	s7 =	sadd.s32 s7, s0  }
0xf: {  	s0 =	sshrl.u32 s0, $0x3;
	s24 =	simm.s32 $0x480;
	[dreg:$0x4] =	wrdreg s10  }
0x10: {  	s5 =	sshrl.u32 s4, $0x3;
	s4 =	sadd.s32 $0x45A00, s1;
	s26 =	sadd.s32 $0x1E800, s8  }
0x11: {  	s8 =	sadd.s32 $0x138000, s2;
	s6 =	sshrl.u32 s7, $0x3;
	s0 =	sadd.s32 s11, s0  }
0x12: {  	s7 =	smax.u32 s9, $0x1;
	s13 =	sshrl.u32 s13, $0x3;
	[dreg:$0x3] =	wrdreg s26  }
0x13: {  	s9 =	simm.s32 $0x0;
	s5 =	sadd.s32 s5, s1;
	[dreg:$0x8] =	wrdreg s7  }
0x14: {  	s1 =	sadd.s32 $0x45800, s1;
	s0 =	sadd.s32 $0x27000, s0;
	[dreg:$0xb] =	wrdreg s9  }
0x15: {  	s15 =	sshrl.u32 @!p0 s8, $0x3;
	s26 =	simm.s32 $0x500;
	[dreg:$0x9] =	wrdreg s13  }
0x16: {  	s7 =	simm.s32 $0x700;
	s8 =	simm.s32 $0x780;
	[dreg:$0x5] =	wrdreg s1  }
0x17: {  	s1 =	sadd.s32 s11, s6;
	[dreg:$0x7] =	wrdreg s0;
	s11 =	sadd.s32 $0x8800, s5  }
0x18: {  	s12 =	sadd.s32 $0x13800, s5;
	s0 =	simm.s32 $0x680;
	[dreg:$0xa] =	wrdreg s15  }
0x19: {  	s5 =	simm.s32 $0x380;
	[dreg:$0x6] =	wrdreg s1;
	s1 =	simm.s32 $0x300  }
.LBB2_1:
0x1a: {  	s6 =	rddreg [dreg:$0x3]  }
0x1b: {  	[spmem:s13], [sflag:s10] =	dma.local [hbm:s6], $0x2700  }
0x1c: {  	_ =	swait.ge [sflag:s14], $0x2700  }
0x1d: {  	[sflag:s14] =	ssyncset.done $0x0  }
0x1e: {  	s6 =	rddreg [dreg:$0x5];
	[sflag:s14] =	ssyncadd.s32 $0xFFFFD900  }
0x1f: {  	[spmem:s15], [sflag:s10] =	dma.local @!p0 [hbm:s6], $0x200  }
0x20: {  	s10 =	simm.s32 @!p0 $0x3  }
0x21: {  	_ =	swait.ge @!p0 [sflag:s10], $0x200  }
0x22: {  	[sflag:s10] =	ssyncset.done @!p0 $0x0  }
0x23: {  	[sflag:s10] =	ssyncadd.s32 @!p0 $0xFFFFFE00  }
0x24: {  	s13 =	sadd.s32 $0x0, s12;
	[bflag:$0x0] =	sbarrier.arrive $0xFFFF  }
0x25: {  	[tilespmem:s3], [sflag:$0x3] =	stream.linear.gather [hbm4b:s13+s3], $0x400, $0x38;
	[tilespmem:$0x1C100] =	vst v63  }
0x26: {  	_ =	swait.ge [sflag:s14], $0x400  }
0x27: {  	[sflag:s14] =	ssyncset.done $0x0  }
0x28: {  	s15 =	sadd.s32 $0x0, s11;
	[sflag:s14] =	ssyncadd.s32 $0xFFFFFC00  }
0x29: {  	[tilespmem:s16], [sflag:$0x3] =	stream.linear.gather [hbm4b:s15+s3], $0x400, $0x38;
	[tilespmem:$0x1C100] =	vst v63  }
0x2a: {  	_ =	swait.ge [sflag:s14], $0x400  }
0x2b: {  	[sflag:s14] =	ssyncset.done $0x0  }
0x2c: {  	[sflag:s14] =	ssyncadd.s32 $0xFFFFFC00  }
0x2d: {  	[tilespmem:s18], [sflag:$0x1] =	stream.indirect.gather [hbm4b:s4+s17], $0x80, s3, s17, $0xb8;
	[tilespmem:$0x1C100] =	vst v63  }
0x2e: {  	_ = 	snop  }
0x2f: {  	[tilespmem:s20], [sflag:$0x2] =	stream.indirect.gather [hbm4b:s4+s17], $0x80, s19, s17, $0xb8;
	[tilespmem:$0x1C100] =	vst v63  }
0x30: {  	_ =	swait.ge [sflag:s21], $0x3E80  }
0x31: {  	[sflag:s21] =	ssyncset.done $0x0  }
0x32: {  	[sflag:s21] =	ssyncadd.s32 $0xFFFFC180  }
0x33: {  	[spmem:s2] =	stream.indirect.scatter.add.f32 [tilespmem:s18], [sflag:$0x3], $0x80, s16, s17, $0xb8;
	[tilespmem:$0x1C100] =	vst v63  }
0x34: {  	_ =	swait.ge [sflag:s14], $0x3E80  }
0x35: {  	[sflag:s14] =	ssyncset.done $0x0  }
0x36: {  	[sflag:s14] =	ssyncadd.s32 $0xFFFFC180  }
0x37: {  	[tilespmem:s18], [sflag:$0x1] =	stream.indirect.gather [hbm4b:s4+s17], $0x80, s22, s17, $0xb8;
	[tilespmem:$0x1C100] =	vst v63  }
0x38: {  	_ =	swait.ge [sflag:s23], $0x3E80  }
0x39: {  	[sflag:s23] =	ssyncset.done $0x0  }
0x3a: {  	[sflag:s23] =	ssyncadd.s32 $0xFFFFC180  }
0x3b: {  	[spmem:s2] =	stream.indirect.scatter.add.f32 [tilespmem:s20], [sflag:$0x3], $0x80, s24, s17, $0xb8;
	[tilespmem:$0x1C100] =	vst v63  }
0x3c: {  	_ =	swait.ge [sflag:s14], $0x3E80  }
0x3d: {  	[sflag:s14] =	ssyncset.done $0x0  }
0x3e: {  	[sflag:s14] =	ssyncadd.s32 $0xFFFFC180  }
0x3f: {  	[tilespmem:s20], [sflag:$0x2] =	stream.indirect.gather [hbm4b:s4+s17], $0x80, s25, s17, $0xb8;
	[tilespmem:$0x1C100] =	vst v63  }
0x40: {  	_ =	swait.ge [sflag:s21], $0x3E80  }
0x41: {  	[sflag:s21] =	ssyncset.done $0x0  }
0x42: {  	[sflag:s21] =	ssyncadd.s32 $0xFFFFC180  }
0x43: {  	[spmem:s2] =	stream.indirect.scatter.add.f32 [tilespmem:s18], [sflag:$0x3], $0x80, s26, s17, $0xb8;
	[tilespmem:$0x1C100] =	vst v63  }
0x44: {  	_ =	swait.ge [sflag:s14], $0x3E80  }
0x45: {  	[sflag:s14] =	ssyncset.done $0x0  }
0x46: {  	[sflag:s14] =	ssyncadd.s32 $0xFFFFC180  }
0x47: {  	[tilespmem:s18], [sflag:$0x1] =	stream.indirect.gather [hbm4b:s4+s17], $0x80, s28, s17, $0xb8;
	[tilespmem:$0x1C100] =	vst v63  }
0x48: {  	_ =	swait.ge [sflag:s23], $0x3E80  }
0x49: {  	[sflag:s23] =	ssyncset.done $0x0  }
0x4a: {  	[sflag:s23] =	ssyncadd.s32 $0xFFFFC180  }
0x4b: {  	[spmem:s2] =	stream.indirect.scatter.add.f32 [tilespmem:s20], [sflag:$0x3], $0x80, s29, s17, $0xb8;
	[tilespmem:$0x1C100] =	vst v63  }
0x4c: {  	_ =	swait.ge [sflag:s14], $0x3E80  }
0x4d: {  	[sflag:s14] =	ssyncset.done $0x0  }
0x4e: {  	[sflag:s14] =	ssyncadd.s32 $0xFFFFC180  }
0x4f: {  	[tilespmem:s20], [sflag:$0x2] =	stream.indirect.gather [hbm4b:s4+s17], $0x80, s30, s17, $0xb8;
	[tilespmem:$0x1C100] =	vst v63  }
0x50: {  	_ =	swait.ge [sflag:s21], $0x3E80  }
0x51: {  	[sflag:s21] =	ssyncset.done $0x0  }
0x52: {  	[sflag:s21] =	ssyncadd.s32 $0xFFFFC180  }
0x53: {  	[spmem:s2] =	stream.indirect.scatter.add.f32 [tilespmem:s18], [sflag:$0x3], $0x80, s31, s17, $0xb8;
	[tilespmem:$0x1C100] =	vst v63  }
0x54: {  	_ =	swait.ge [sflag:s14], $0x3E80  }
0x55: {  	[sflag:s14] =	ssyncset.done $0x0  }
0x56: {  	[sflag:s14] =	ssyncadd.s32 $0xFFFFC180  }
0x57: {  	[tilespmem:s18], [sflag:$0x1] =	stream.indirect.gather [hbm4b:s4+s17], $0x80, s1, s17, $0xb8;
	[tilespmem:$0x1C100] =	vst v63  }
0x58: {  	_ =	swait.ge [sflag:s23], $0x3E80  }
0x59: {  	[sflag:s23] =	ssyncset.done $0x0  }
0x5a: {  	[sflag:s23] =	ssyncadd.s32 $0xFFFFC180  }
0x5b: {  	[spmem:s2] =	stream.indirect.scatter.add.f32 [tilespmem:s20], [sflag:$0x3], $0x80, s0, s17, $0xb8;
	[tilespmem:$0x1C100] =	vst v63  }
0x5c: {  	_ =	swait.ge [sflag:s14], $0x3E80  }
0x5d: {  	[sflag:s14] =	ssyncset.done $0x0  }
0x5e: {  	[sflag:s14] =	ssyncadd.s32 $0xFFFFC180  }
0x5f: {  	[tilespmem:s20], [sflag:$0x2] =	stream.indirect.gather [hbm4b:s4+s17], $0x80, s5, s17, $0xb8;
	[tilespmem:$0x1C100] =	vst v63  }
0x60: {  	_ =	swait.ge [sflag:s21], $0x3E80  }
0x61: {  	[sflag:s21] =	ssyncset.done $0x0  }
0x62: {  	[sflag:s21] =	ssyncadd.s32 $0xFFFFC180  }
0x63: {  	[spmem:s2] =	stream.indirect.scatter.add.f32 [tilespmem:s18], [sflag:$0x3], $0x80, s7, s17, $0xb8;
	[tilespmem:$0x1C100] =	vst v63  }
0x64: {  	_ =	swait.ge [sflag:s14], $0x3E80  }
0x65: {  	[sflag:s14] =	ssyncset.done $0x0  }
0x66: {  	[sflag:s14] =	ssyncadd.s32 $0xFFFFC180  }
0x67: {  	_ =	swait.ge [sflag:s23], $0x3E80  }
0x68: {  	[sflag:s23] =	ssyncset.done $0x0  }
0x69: {  	[sflag:s23] =	ssyncadd.s32 $0xFFFFC180  }
0x6a: {  	[spmem:s2] =	stream.indirect.scatter.add.f32 [tilespmem:s20], [sflag:$0x3], $0x80, s8, s17, $0xb8;
	[tilespmem:$0x1C100] =	vst v63  }
0x6b: {  	_ =	swait.ge [sflag:s14], $0x3E80  }
0x6c: {  	s10 =	simm.s32 $0x80;
	s13 =	simm.s32 $0x100;
	[sflag:s14] =	ssyncset.done $0x0  }
.LBB2_2:
0x6d: {  	s6 =	sadd.s32 s10, s12  }
0x6e: {  	[sflag:s14] =	ssyncadd.s32 $0xFFFFC180;
	s9 =	smov.u32 s13;
	s15 =	sadd.s32 $0x80, s13  }
0x6f: {  	[tilespmem:s3], [sflag:$0x3] =	stream.linear.gather [hbm4b:s6+s3], $0x400, $0x38;
	[tilespmem:$0x1C100] =	vst v63  }
0x70: {  	p1 =	sne.s32 s13, $0x500;
	_ =	swait.ge [sflag:s14], $0x400  }
0x71: {  	[sflag:s14] =	ssyncset.done $0x0  }
0x72: {  	s6 =	sadd.s32 s10, s11;
	s10 =	smov.u32 s9;
	[sflag:s14] =	ssyncadd.s32 $0xFFFFFC00  }
0x73: {  	[tilespmem:s16], [sflag:$0x3] =	stream.linear.gather [hbm4b:s6+s3], $0x400, $0x38;
	[tilespmem:$0x1C100] =	vst v63  }
0x74: {  	_ =	swait.ge [sflag:s14], $0x400  }
0x75: {  	[sflag:s14] =	ssyncset.done $0x0  }
0x76: {  	[sflag:s14] =	ssyncadd.s32 $0xFFFFFC00  }
0x77: {  	[tilespmem:s18], [sflag:$0x1] =	stream.indirect.gather [hbm4b:s4+s17], $0x80, s3, s17, $0xb8;
	[tilespmem:$0x1C100] =	vst v63  }
0x78: {  	_ = 	snop  }
0x79: {  	[tilespmem:s20], [sflag:$0x2] =	stream.indirect.gather [hbm4b:s4+s17], $0x80, s19, s17, $0xb8;
	[tilespmem:$0x1C100] =	vst v63  }
0x7a: {  	_ =	swait.ge [sflag:s21], $0x3E80  }
0x7b: {  	[sflag:s21] =	ssyncset.done $0x0  }
0x7c: {  	[sflag:s21] =	ssyncadd.s32 $0xFFFFC180  }
0x7d: {  	[spmem:s2] =	stream.indirect.scatter.add.f32 [tilespmem:s18], [sflag:$0x3], $0x80, s16, s17, $0xb8;
	[tilespmem:$0x1C100] =	vst v63  }
0x7e: {  	_ =	swait.ge [sflag:s14], $0x3E80  }
0x7f: {  	[sflag:s14] =	ssyncset.done $0x0  }
0x80: {  	[sflag:s14] =	ssyncadd.s32 $0xFFFFC180  }
0x81: {  	[tilespmem:s18], [sflag:$0x1] =	stream.indirect.gather [hbm4b:s4+s17], $0x80, s22, s17, $0xb8;
	[tilespmem:$0x1C100] =	vst v63  }
0x82: {  	_ =	swait.ge [sflag:s23], $0x3E80  }
0x83: {  	[sflag:s23] =	ssyncset.done $0x0  }
0x84: {  	[sflag:s23] =	ssyncadd.s32 $0xFFFFC180  }
0x85: {  	[spmem:s2] =	stream.indirect.scatter.add.f32 [tilespmem:s20], [sflag:$0x3], $0x80, s24, s17, $0xb8;
	[tilespmem:$0x1C100] =	vst v63  }
0x86: {  	_ =	swait.ge [sflag:s14], $0x3E80  }
0x87: {  	[sflag:s14] =	ssyncset.done $0x0  }
0x88: {  	[sflag:s14] =	ssyncadd.s32 $0xFFFFC180  }
0x89: {  	[tilespmem:s20], [sflag:$0x2] =	stream.indirect.gather [hbm4b:s4+s17], $0x80, s25, s17, $0xb8;
	[tilespmem:$0x1C100] =	vst v63  }
0x8a: {  	_ =	swait.ge [sflag:s21], $0x3E80  }
0x8b: {  	[sflag:s21] =	ssyncset.done $0x0  }
0x8c: {  	[sflag:s21] =	ssyncadd.s32 $0xFFFFC180  }
0x8d: {  	[spmem:s2] =	stream.indirect.scatter.add.f32 [tilespmem:s18], [sflag:$0x3], $0x80, s26, s17, $0xb8;
	[tilespmem:$0x1C100] =	vst v63  }
0x8e: {  	_ =	swait.ge [sflag:s14], $0x3E80  }
0x8f: {  	[sflag:s14] =	ssyncset.done $0x0  }
0x90: {  	[sflag:s14] =	ssyncadd.s32 $0xFFFFC180  }
0x91: {  	[tilespmem:s18], [sflag:$0x1] =	stream.indirect.gather [hbm4b:s4+s17], $0x80, s28, s17, $0xb8;
	[tilespmem:$0x1C100] =	vst v63  }
0x92: {  	_ =	swait.ge [sflag:s23], $0x3E80  }
0x93: {  	[sflag:s23] =	ssyncset.done $0x0  }
0x94: {  	[sflag:s23] =	ssyncadd.s32 $0xFFFFC180  }
0x95: {  	[spmem:s2] =	stream.indirect.scatter.add.f32 [tilespmem:s20], [sflag:$0x3], $0x80, s29, s17, $0xb8;
	[tilespmem:$0x1C100] =	vst v63  }
0x96: {  	_ =	swait.ge [sflag:s14], $0x3E80  }
0x97: {  	[sflag:s14] =	ssyncset.done $0x0  }
0x98: {  	[sflag:s14] =	ssyncadd.s32 $0xFFFFC180  }
0x99: {  	[tilespmem:s20], [sflag:$0x2] =	stream.indirect.gather [hbm4b:s4+s17], $0x80, s30, s17, $0xb8;
	[tilespmem:$0x1C100] =	vst v63  }
0x9a: {  	_ =	swait.ge [sflag:s21], $0x3E80  }
0x9b: {  	[sflag:s21] =	ssyncset.done $0x0  }
0x9c: {  	[sflag:s21] =	ssyncadd.s32 $0xFFFFC180  }
0x9d: {  	[spmem:s2] =	stream.indirect.scatter.add.f32 [tilespmem:s18], [sflag:$0x3], $0x80, s31, s17, $0xb8;
	[tilespmem:$0x1C100] =	vst v63  }
0x9e: {  	_ =	swait.ge [sflag:s14], $0x3E80  }
0x9f: {  	[sflag:s14] =	ssyncset.done $0x0  }
0xa0: {  	[sflag:s14] =	ssyncadd.s32 $0xFFFFC180  }
0xa1: {  	[tilespmem:s18], [sflag:$0x1] =	stream.indirect.gather [hbm4b:s4+s17], $0x80, s1, s17, $0xb8;
	[tilespmem:$0x1C100] =	vst v63  }
0xa2: {  	_ =	swait.ge [sflag:s23], $0x3E80  }
0xa3: {  	[sflag:s23] =	ssyncset.done $0x0  }
0xa4: {  	[sflag:s23] =	ssyncadd.s32 $0xFFFFC180  }
0xa5: {  	[spmem:s2] =	stream.indirect.scatter.add.f32 [tilespmem:s20], [sflag:$0x3], $0x80, s0, s17, $0xb8;
	[tilespmem:$0x1C100] =	vst v63  }
0xa6: {  	_ =	swait.ge [sflag:s14], $0x3E80  }
0xa7: {  	[sflag:s14] =	ssyncset.done $0x0  }
0xa8: {  	[sflag:s14] =	ssyncadd.s32 $0xFFFFC180  }
0xa9: {  	[tilespmem:s20], [sflag:$0x2] =	stream.indirect.gather [hbm4b:s4+s17], $0x80, s5, s17, $0xb8;
	[tilespmem:$0x1C100] =	vst v63  }
0xaa: {  	_ =	swait.ge [sflag:s21], $0x3E80  }
0xab: {  	[sflag:s21] =	ssyncset.done $0x0  }
0xac: {  	[sflag:s21] =	ssyncadd.s32 $0xFFFFC180  }
0xad: {  	[spmem:s2] =	stream.indirect.scatter.add.f32 [tilespmem:s18], [sflag:$0x3], $0x80, s7, s17, $0xb8;
	[tilespmem:$0x1C100] =	vst v63  }
0xae: {  	_ =	swait.ge [sflag:s14], $0x3E80  }
0xaf: {  	[sflag:s14] =	ssyncset.done $0x0  }
0xb0: {  	[sflag:s14] =	ssyncadd.s32 $0xFFFFC180  }
0xb1: {  	_ =	swait.ge [sflag:s23], $0x3E80  }
.Ltmp0:
0xb2: {  	[sflag:s23] =	ssyncset.done $0x0;
	(pc) =	sbr.rel @p1 .LBB2_2-.Ltmp0, $4  }
0xb3: {  	[sflag:s23] =	ssyncadd.s32 $0xFFFFC180  }
0xb4: {  	[spmem:s2] =	stream.indirect.scatter.add.f32 [tilespmem:s20], [sflag:$0x3], $0x80, s8, s17, $0xb8;
	[tilespmem:$0x1C100] =	vst v63  }
0xb5: {  	_ =	swait.ge [sflag:s14], $0x3E80  }
0xb6: {  	s13 =	smov.u32 s15;
	[sflag:s14] =	ssyncset.done $0x0  }
0xb7: {  	s6 =	sadd.s32 s10, s12;
	[sflag:s14] =	ssyncadd.s32 $0xFFFFC180  }
0xb8: {  	[tilespmem:s3], [sflag:$0x3] =	stream.linear.gather [hbm4b:s6+s3], $0x400, $0x38;
	[tilespmem:$0x1C100] =	vst v63  }
0xb9: {  	_ =	swait.ge [sflag:s14], $0x400  }
0xba: {  	[sflag:s14] =	ssyncset.done $0x0  }
0xbb: {  	s13 =	sadd.s32 s10, s11;
	[sflag:s14] =	ssyncadd.s32 $0xFFFFFC00  }
0xbc: {  	[tilespmem:s16], [sflag:$0x3] =	stream.linear.gather [hbm4b:s13+s3], $0x400, $0x38;
	[tilespmem:$0x1C100] =	vst v63  }
0xbd: {  	_ =	swait.ge [sflag:s14], $0x400  }
0xbe: {  	[sflag:s14] =	ssyncset.done $0x0  }
0xbf: {  	[sflag:s14] =	ssyncadd.s32 $0xFFFFFC00  }
0xc0: {  	[tilespmem:s18], [sflag:$0x1] =	stream.indirect.gather [hbm4b:s4+s17], $0x80, s3, s17, $0xb8;
	[tilespmem:$0x1C100] =	vst v63  }
0xc1: {  	_ = 	snop  }
0xc2: {  	[tilespmem:s20], [sflag:$0x2] =	stream.indirect.gather [hbm4b:s4+s17], $0x80, s19, s17, $0xb8;
	[tilespmem:$0x1C100] =	vst v63  }
0xc3: {  	_ =	swait.ge [sflag:s21], $0x3E80  }
0xc4: {  	[sflag:s21] =	ssyncset.done $0x0  }
0xc5: {  	[sflag:s21] =	ssyncadd.s32 $0xFFFFC180  }
0xc6: {  	[spmem:s2] =	stream.indirect.scatter.add.f32 [tilespmem:s18], [sflag:$0x3], $0x80, s16, s17, $0xb8;
	[tilespmem:$0x1C100] =	vst v63  }
0xc7: {  	_ =	swait.ge [sflag:s14], $0x3E80  }
0xc8: {  	[sflag:s14] =	ssyncset.done $0x0  }
0xc9: {  	[sflag:s14] =	ssyncadd.s32 $0xFFFFC180  }
0xca: {  	[tilespmem:s18], [sflag:$0x1] =	stream.indirect.gather [hbm4b:s4+s17], $0x80, s22, s17, $0xb8;
	[tilespmem:$0x1C100] =	vst v63  }
0xcb: {  	_ =	swait.ge [sflag:s23], $0x3E80  }
0xcc: {  	[sflag:s23] =	ssyncset.done $0x0  }
0xcd: {  	[sflag:s23] =	ssyncadd.s32 $0xFFFFC180  }
0xce: {  	[spmem:s2] =	stream.indirect.scatter.add.f32 [tilespmem:s20], [sflag:$0x3], $0x80, s24, s17, $0xb8;
	[tilespmem:$0x1C100] =	vst v63  }
0xcf: {  	_ =	swait.ge [sflag:s14], $0x3E80  }
0xd0: {  	[sflag:s14] =	ssyncset.done $0x0  }
0xd1: {  	[sflag:s14] =	ssyncadd.s32 $0xFFFFC180  }
0xd2: {  	[tilespmem:s20], [sflag:$0x2] =	stream.indirect.gather [hbm4b:s4+s17], $0x80, s25, s17, $0xb8;
	[tilespmem:$0x1C100] =	vst v63  }
0xd3: {  	_ =	swait.ge [sflag:s21], $0x3E80  }
0xd4: {  	[sflag:s21] =	ssyncset.done $0x0  }
0xd5: {  	[sflag:s21] =	ssyncadd.s32 $0xFFFFC180  }
0xd6: {  	[spmem:s2] =	stream.indirect.scatter.add.f32 [tilespmem:s18], [sflag:$0x3], $0x80, s26, s17, $0xb8;
	[tilespmem:$0x1C100] =	vst v63  }
0xd7: {  	_ =	swait.ge [sflag:s14], $0x3E80  }
0xd8: {  	[sflag:s14] =	ssyncset.done $0x0  }
0xd9: {  	[sflag:s14] =	ssyncadd.s32 $0xFFFFC180  }
0xda: {  	[tilespmem:s18], [sflag:$0x1] =	stream.indirect.gather [hbm4b:s4+s17], $0x80, s28, s17, $0xb8;
	[tilespmem:$0x1C100] =	vst v63  }
0xdb: {  	_ =	swait.ge [sflag:s23], $0x3E80  }
0xdc: {  	[sflag:s23] =	ssyncset.done $0x0  }
0xdd: {  	[sflag:s23] =	ssyncadd.s32 $0xFFFFC180  }
0xde: {  	[spmem:s2] =	stream.indirect.scatter.add.f32 [tilespmem:s20], [sflag:$0x3], $0x80, s29, s17, $0xb8;
	[tilespmem:$0x1C100] =	vst v63  }
0xdf: {  	_ =	swait.ge [sflag:s14], $0x3E80  }
0xe0: {  	[sflag:s14] =	ssyncset.done $0x0  }
0xe1: {  	[sflag:s14] =	ssyncadd.s32 $0xFFFFC180  }
0xe2: {  	[tilespmem:s20], [sflag:$0x2] =	stream.indirect.gather [hbm4b:s4+s17], $0x80, s30, s17, $0xb8;
	[tilespmem:$0x1C100] =	vst v63  }
0xe3: {  	_ =	swait.ge [sflag:s21], $0x3E80  }
0xe4: {  	[sflag:s21] =	ssyncset.done $0x0  }
0xe5: {  	[sflag:s21] =	ssyncadd.s32 $0xFFFFC180  }
0xe6: {  	[spmem:s2] =	stream.indirect.scatter.add.f32 [tilespmem:s18], [sflag:$0x3], $0x80, s31, s17, $0xb8;
	[tilespmem:$0x1C100] =	vst v63  }
0xe7: {  	_ =	swait.ge [sflag:s14], $0x3E80  }
0xe8: {  	[sflag:s14] =	ssyncset.done $0x0  }
0xe9: {  	[sflag:s14] =	ssyncadd.s32 $0xFFFFC180  }
0xea: {  	[tilespmem:s18], [sflag:$0x1] =	stream.indirect.gather [hbm4b:s4+s17], $0x80, s1, s17, $0xb8;
	[tilespmem:$0x1C100] =	vst v63  }
0xeb: {  	_ =	swait.ge [sflag:s23], $0x3E80  }
0xec: {  	[sflag:s23] =	ssyncset.done $0x0  }
0xed: {  	[sflag:s23] =	ssyncadd.s32 $0xFFFFC180  }
0xee: {  	[spmem:s2] =	stream.indirect.scatter.add.f32 [tilespmem:s20], [sflag:$0x3], $0x80, s0, s17, $0xb8;
	[tilespmem:$0x1C100] =	vst v63  }
0xef: {  	_ =	swait.ge [sflag:s14], $0x3E80  }
0xf0: {  	[sflag:s14] =	ssyncset.done $0x0  }
0xf1: {  	[sflag:s14] =	ssyncadd.s32 $0xFFFFC180  }
0xf2: {  	[tilespmem:s20], [sflag:$0x2] =	stream.indirect.gather [hbm4b:s4+s17], $0x80, s5, s17, $0xb8;
	[tilespmem:$0x1C100] =	vst v63  }
0xf3: {  	_ =	swait.ge [sflag:s21], $0x3E80  }
0xf4: {  	[sflag:s21] =	ssyncset.done $0x0  }
0xf5: {  	[sflag:s21] =	ssyncadd.s32 $0xFFFFC180  }
0xf6: {  	[spmem:s2] =	stream.indirect.scatter.add.f32 [tilespmem:s18], [sflag:$0x3], $0x80, s7, s17, $0xb8;
	[tilespmem:$0x1C100] =	vst v63  }
0xf7: {  	_ =	swait.ge [sflag:s14], $0x3E80  }
0xf8: {  	[sflag:s14] =	ssyncset.done $0x0  }
0xf9: {  	[sflag:s14] =	ssyncadd.s32 $0xFFFFC180  }
0xfa: {  	_ =	swait.ge [sflag:s23], $0x3E80  }
0xfb: {  	[sflag:s23] =	ssyncset.done $0x0  }
0xfc: {  	[sflag:s23] =	ssyncadd.s32 $0xFFFFC180  }
0xfd: {  	[spmem:s2] =	stream.indirect.scatter.add.f32 [tilespmem:s20], [sflag:$0x3], $0x80, s8, s17, $0xb8;
	[tilespmem:$0x1C100] =	vst v63  }
0xfe: {  	_ =	swait.ge [sflag:s14], $0x3E80  }
0xff: {  	[sflag:s14] =	ssyncset.done $0x0  }
0x100: {  	[sflag:s14] =	ssyncadd.s32 $0xFFFFC180  }
0x101: {  	[bflag:$0x0] =	sbarrier.arrive $0xFFFF  }
0x102: {  	s10 =	rddreg [dreg:$0x4]  }
0x103: {  	s15 =	rddreg [dreg:$0x6]  }
0x104: {  	s13 =	rddreg [dreg:$0x9]  }
0x105: {  	[hbm:s15], [sflag:s10] =	dma.local [spmem:s13], $0x2700  }
0x106: {  	_ =	swait.ge [sflag:s14], $0x2700  }
0x107: {  	[sflag:s14] =	ssyncset.done $0x0;
	s6 =	rddreg [dreg:$0x7]  }
0x108: {  	s9 =	simm.s32 @!p0 $0x3;
	s15 =	rddreg [dreg:$0xa];
	[sflag:s14] =	ssyncadd.s32 $0xFFFFD900  }
0x109: {  	[hbm:s6], [sflag:s10] =	dma.local @!p0 [spmem:s15], $0x200  }
0x10a: {  	_ =	swait.ge @!p0 [sflag:s9], $0x200  }
0x10b: {  	s6 =	rddreg [dreg:$0xb]  }
0x10c: {  	[sflag:s9] =	ssyncset.done @!p0 $0x0;
	s9 =	rddreg [dreg:$0x8];
	s6 =	sadd.s32 $0x1, s6  }
0x10d: {  	p1 =	sne.s32 s6, s9  }
.Ltmp1:
0x10e: {  	_ = 	snop;
	(pc) =	sbr.rel @p1 .LBB2_1-.Ltmp1, $3  }
0x10f: {  	_ =	sdelay $0x1  }
0x110: {  	[dreg:$0xb] =	wrdreg s6;
	s6 =	simm.s32 @!p0 $0x3  }
0x111: {  	[sflag:s6] =	ssyncadd.s32 @!p0 $0xFFFFFE00  }
0x112: {  	_ =	sfence.sel $0x180000  }
0x113: {  	[bflag:$0x0] =	sbarrier.arrive $0xFFFF  }
0x114: {  	_ =	strace $0x9000005C  }
0x115: {  	s0 =	stileid.u32;
	[bflag:$0x2] =	sbarrier.arrive $0xFFFF  }
0x116: {  	p0 =	sne.s32 s0, $0x0;
	s0 =	rddreg [dreg:$0x2]  }
0x117: {  	s0 =	sadd.s32 @!p0 $0x100000, s0  }
0x118: {  	[sflag:s0] =	ssyncadd.tile.s32 @!p0 $0x1;
	_ =	shalt  }
.Lfunc_end2:
_tile_overlayer_lowered:
.L_overlay_start_2:
0x119: {  	(tag) =	ssettag $0x2  }
0x11a: {  	s0 =	rddreg [dreg:$0x0];
	s2 =	stileid.u32  }
0x11b: {  	s1 =	rddreg [dreg:$0x1];
	p0 =	sne.s32 s2, $0x0  }
0x11c: {  	s3 =	rddreg [dreg:$0x2];
	[bflag:$0x3] =	sbarrier.arrive $0xFFFF;
	s2 =	simm.s32 @!p0 $0x1C03  }
0x11d: {  	[timem:s3], [sflag:s2] =	dma.local @!p0 [hbm:s0], s1  }
0x11e: {  	s0 =	simm.s32 @!p0 $0x3  }
0x11f: {  	_ =	swait.ge @!p0 [sflag:s0], s1  }
0x120: {  	s1 =	ssub.s32 @!p0 $0x0, s1;
	[sflag:s0] =	ssyncset.done @!p0 $0x0  }
0x121: {  	[sflag:s0] =	ssyncadd.s32 @!p0 s1  }
0x122: {  	[bflag:$0x3] =	sbarrier.arrive $0xFFFF  }
0x123: {  	_ =	shalt  }

// kernel: kernel.30.cloned.1.call-start
scs
__scs_entry_jumppad:
0x0: {  	(pc) =	sbr.rel $0x88, $3  }
0x1: {  	(tag) =	ssettag $0x0;
	lr =	simm.s32 $0x1  }
0x2: {  	[smem:$0x3F7E] =	sst lr;
	_ =	strace $0xD0000000  }
0x3: {  	_ = 	snop  }
0x4: {  	_ = 	snop  }
0x5: {  	_ = 	snop  }
0x6: {  	_ = 	snop  }
0x7: {  	_ = 	snop  }
__scs_overlays_trampoline_lowered:
0x8: {  	[smem:$0x3F8D] =	sst s0  }
0x9: {  	[smem:$0x3F8E] =	sst s1  }
0xa: {  	[smem:$0x3F8F] =	sst s2  }
0xb: {  	[smem:$0x3F90] =	sst s3  }
0xc: {  	[smem:$0x3F91] =	sst s4  }
0xd: {  	[smem:$0x3F92] =	sst s5  }
0xe: {  	[smem:$0x3F93] =	sst s6  }
0xf: {  	[smem:$0x3F94] =	sst s7  }
0x10: {  	[smem:$0x3F95] =	sst s8  }
0x11: {  	[smem:$0x3F96] =	sst s9;
	s0 =	simm.s32 @!p0 $0x0  }
0x12: {  	s1 =	sld [smem:$0x3F7C];
	s0 =	simm.s32 @p0 $0x1  }
0x13: {  	[smem:$0x3F97] =	sst s0;
	s0 =	simm.s32 @!p1 $0x0  }
0x14: {  	s2 =	sld [smem:$0x3F7B];
	s0 =	simm.s32 @p1 $0x1  }
0x15: {  	[smem:$0x3F98] =	sst s0;
	s0 =	simm.s32 @!p2 $0x0  }
0x16: {  	s3 =	sld [smem:$0x3FDB];
	s0 =	simm.s32 @p2 $0x1  }
0x17: {  	s4 =	simm.s32 $0x1BF5;
	[smem:$0x3F9A] =	sst s0  }
0x18: {  	s0 =	sld [smem:$0x3F7D];
	_ =	swait.ge [sflag:s4], $0x0  }
0x19: {  	s7 =	sld [smem:$0x3F7E]  }
0x1a: {  	s8 =	sadd.s32 $0xFFFFE003, lr  }
0x1b: {  	s9 =	sadd.s32 $0xFFFFFEF7, lr;
	s5 =	simm.s32 $0xFFFFFFFF;
	p2 =	slt.u32 s8, $0xFFFFF086  }
0x1c: {  	p1 =	slt.u32 s9, $0xF7A;
	s5 =	simm.s32 @!p2 $0x0  }
0x1d: {  	s5 =	simm.s32 @p1 $0x1;
	p0 =	seq.s32 s7, s2  }
0x1e: {  	s7 =	smul.u32 @!p0 $0xF7A, s2;
	p2 =	seq.s32 @!p0 s5, $0x0  }
0x1f: {  	s9 =	smul.u32 $0xF7A, s1;
	s8 =	simm.s32 @!p0 $0x1BF5;
	p2 =	por !p2, p0  }
0x20: {  	[sflag:s8] =	ssyncset.s32 @!p0 $0xFFFFF086;
	s6 =	sadd.s32 @!p0 s3, s7;
	s7 =	simm.s32 @!p0 $0x108  }
0x21: {  	s3 =	sadd.s32 s3, s9;
	s6 =	sadd.s32 @!p0 $0x88, s6;
	s7 =	simm.s32 @p2 $0x1082  }
0x22: {  	[simem:s7], [sflag:s8] =	dma.local @!p0 [hbm:s6], $0xF7A  }
0x23: {  	s9 =	sor.u32 $0xD0000000, s2;
	s6 =	simm.s32 $0x108;
	_ =	swait.ge @!p0 [sflag:s8], $0x0  }
0x24: {  	s3 =	sadd.s32 $0x88, s3;
	s6 =	simm.s32 @!p1 $0x1082;
	[sflag:s4] =	ssyncset.s32 $0xFFFFF086  }
0x25: {  	[simem:s6], [sflag:s4] =	dma.local [hbm:s3], $0xF7A  }
0x26: {  	[smem:$0x3F7E] =	sst s1;
	(tag) =	ssettag s2;
	_ =	strace s9  }
0x27: {  	s1 =	sld [smem:$0x3F8E]  }
0x28: {  	s2 =	sld [smem:$0x3F8F]  }
0x29: {  	s4 =	sld [smem:$0x3F91]  }
0x2a: {  	p0 =	seq.s32 s5, $0x0;
	s5 =	sld [smem:$0x3F92]  }
0x2b: {  	s6 =	sld [smem:$0x3F93]  }
0x2c: {  	s7 =	sld [smem:$0x3F94]  }
0x2d: {  	s3 =	simm.s32 $0x108;
	s8 =	sld [smem:$0x3F95]  }
0x2e: {  	s3 =	simm.s32 @!p0 $0x1082;
	s9 =	sld [smem:$0x3F96]  }
0x2f: {  	lr =	sadd.s32 s0, s3;
	s0 =	sld [smem:$0x3F8D]  }
0x30: {  	s3 =	sld [smem:$0x3F90]  }
0x31: {  	[smem:$0x3F99] =	sst s10  }
0x32: {  	s10 =	sld [smem:$0x3F97];
	_ =	sdelay $0x3  }
0x33: {  	p0 =	seq.s32 s10, $0x1;
	s10 =	sld [smem:$0x3F99];
	_ =	sdelay $0x3  }
0x34: {  	[smem:$0x3F99] =	sst s10  }
0x35: {  	s10 =	sld [smem:$0x3F98];
	_ =	sdelay $0x3  }
0x36: {  	p1 =	seq.s32 s10, $0x1;
	s10 =	sld [smem:$0x3F99];
	_ =	sdelay $0x3  }
0x37: {  	[smem:$0x3F99] =	sst s10  }
0x38: {  	s10 =	sld [smem:$0x3F9A]  }
0x39: {  	_ = 	snop;
	(pc) =	sbr.ind lr, $3  }
0x3a: {  	_ = 	snop  }
0x3b: {  	_ = 	snop  }
0x3c: {  	p2 =	seq.s32 s10, $0x1;
	s10 =	sld [smem:$0x3F99]  }
0x3d: {  	_ =	shalt  }
0x3e: {  	_ =	shalt  }
0x3f: {  	_ =	shalt  }
0x40: {  	_ =	shalt  }
0x41: {  	_ =	shalt  }
0x42: {  	_ =	shalt  }
0x43: {  	_ =	shalt  }
0x44: {  	_ =	shalt  }
0x45: {  	_ =	shalt  }
0x46: {  	_ =	shalt  }
0x47: {  	_ =	shalt  }
0x48: {  	_ =	shalt  }
0x49: {  	_ =	shalt  }
0x4a: {  	_ =	shalt  }
0x4b: {  	_ =	shalt  }
0x4c: {  	_ =	shalt  }
0x4d: {  	_ =	shalt  }
0x4e: {  	_ =	shalt  }
0x4f: {  	_ =	shalt  }
0x50: {  	_ =	shalt  }
0x51: {  	_ =	shalt  }
0x52: {  	_ =	shalt  }
0x53: {  	_ =	shalt  }
0x54: {  	_ =	shalt  }
0x55: {  	_ =	shalt  }
0x56: {  	_ =	shalt  }
0x57: {  	_ =	shalt  }
0x58: {  	_ =	shalt  }
0x59: {  	_ =	shalt  }
0x5a: {  	_ =	shalt  }
0x5b: {  	_ =	shalt  }
0x5c: {  	_ =	shalt  }
0x5d: {  	_ =	shalt  }
0x5e: {  	_ =	shalt  }
0x5f: {  	_ =	shalt  }
0x60: {  	_ =	shalt  }
0x61: {  	_ =	shalt  }
0x62: {  	_ =	shalt  }
0x63: {  	_ =	shalt  }
0x64: {  	_ =	shalt  }
0x65: {  	_ =	shalt  }
0x66: {  	_ =	shalt  }
0x67: {  	_ =	shalt  }
0x68: {  	_ =	shalt  }
0x69: {  	_ =	shalt  }
0x6a: {  	_ =	shalt  }
0x6b: {  	_ =	shalt  }
0x6c: {  	_ =	shalt  }
0x6d: {  	_ =	shalt  }
0x6e: {  	_ =	shalt  }
0x6f: {  	_ =	shalt  }
0x70: {  	_ =	shalt  }
0x71: {  	_ =	shalt  }
0x72: {  	_ =	shalt  }
0x73: {  	_ =	shalt  }
0x74: {  	_ =	shalt  }
0x75: {  	_ =	shalt  }
0x76: {  	_ =	shalt  }
0x77: {  	_ =	shalt  }
0x78: {  	_ =	shalt  }
0x79: {  	_ =	shalt  }
0x7a: {  	_ =	shalt  }
0x7b: {  	_ =	shalt  }
0x7c: {  	_ =	shalt  }
0x7d: {  	_ =	shalt  }
0x7e: {  	_ =	shalt  }
0x7f: {  	_ =	shalt  }
0x80: {  	_ =	shalt  }
0x81: {  	_ =	shalt  }
0x82: {  	_ =	shalt  }
0x83: {  	_ =	shalt  }
0x84: {  	_ =	shalt  }
0x85: {  	_ =	shalt  }
0x86: {  	_ =	shalt  }
0x87: {  	_ =	shalt  }
.Lfunc_end0:
.L_simem_size_0:
called_computation.8_lowered:
.L_overlay_start_0:
0x88: {  	s2 =	sld [smem:$0x3FD9]  }
0x89: {  	s3 =	sld [smem:$0x3FFE];
	_ =	sdelay $0x1  }
0x8a: {  	s1 =	srdreg.scid  }
0x8b: {  	s0 =	sand.u32 $0x1, s1  }
0x8c: {  	s16 =	sshll.u32 s0, $0xA;
	s2 =	sadd.s32 s3, s2  }
0x8d: {  	s2 =	sadd.s32 s2, s16  }
0x8e: {  	[smem:$0x3FA5] =	sst s2  }
0x8f: {  	_ = 	snop  }
0x90: {  	(tm) =	ssettm $0x1  }
0x91: {  	s17 =	sld [smem:$0x3FFB];
	_ =	sdelay $0x3  }
0x92: {  	_ =	strace s17  }
0x93: {  	s2 =	sld [smem:$0x3FFC];
	_ =	sdelay $0x3  }
0x94: {  	_ =	strace s2  }
0x95: {  	s2 =	sld [smem:$0x3FFD];
	_ =	sdelay $0x3  }
0x96: {  	_ =	strace s2  }
0x97: {  	_ =	strace $0x8FFFFFFF  }
0x98: {  	s18 =	sld [smem:$0x3FDB];
	_ =	sdelay $0x1  }
0x99: {  	s19 =	simm.s32 $_scs_section_size  }
0x9a: {  	s4 =	simm.s32 $_size__tile_overlayer_lowered;
	s5 =	simm.s32 $_tile_overlayer_lowered  }
0x9b: {  	s22 =	simm.s32 $0x1BFF;
	s21 =	sshll.u32 s5, $0x1;
	s2 =	sadd.s32 s19, s18  }
0x9c: {  	s6 =	simm.s32 $0x0;
	s20 =	sshll.u32 s4, $0x1;
	s4 =	sadd.s32 s21, s2  }
0x9d: {  	[timem:s6], [sflag:s22] =	dma.local [hbm:s4], s20  }
0x9e: {  	_ =	swait.ge [sflag:s22], s20  }
0x9f: {  	s3 =	ssub.s32 $0x0, s20;
	[sflag:s22] =	ssyncset.done $0x0  }
0xa0: {  	[sflag:s22] =	ssyncadd.s32 s3;
	_ =	sdelay $0x1  }
0xa1: {  	s23 =	simm.s32 $0x1B8B  }
0xa2: {  	_ =	swait.ge [sflag:s23], $0x1  }
0xa3: {  	[sflag:s23] =	ssyncset.done $0x0  }
0xa4: {  	s25 =	simm.s32 $0x1B8E;
	s24 =	sld [smem:$0x3FFE];
	[sflag:s23] =	ssyncadd.s32 $0xFFFFFFFF  }
0xa5: {  	s26 =	simm.s32 $execute0_lowered;
	[smem:$0x3FD2] =	sst s25  }
0xa6: {  	s4 =	sshll.u32 s26, $0x1;
	_ =	strace $0x8000005E;
	[dreg:$0x1] =	wrdreg $0xFFFFFFFF  }
0xa7: {  	s28 =	simm.s32 $_size_execute0_lowered;
	s2 =	sadd.s32 s2, s4;
	[dreg:$0x0] =	wrdreg $0x0  }
0xa8: {  	s4 =	sshll.u32 s28, $0x1;
	[dreg:$0x2] =	wrdreg s2  }
0xa9: {  	[dreg:$0x3] =	wrdreg s4  }
0xaa: {  	[dreg:$0x4] =	wrdreg $0xC0  }
0xab: {  	_ =	task [dreg:s6], $0x5FFFF  }
0xac: {  	[dreg:$0x1] =	wrdreg $0xFFFFFFFF  }
0xad: {  	[dreg:$0x0] =	wrdreg $0x60  }
0xae: {  	[dreg:$0x2] =	wrdreg s24  }
0xaf: {  	[dreg:$0x3] =	wrdreg $0x88000  }
0xb0: {  	[dreg:$0x4] =	wrdreg $0x9  }
0xb1: {  	_ =	task.clear_ibuf [dreg:s6], $0x5FFFF;
	_ =	strace $0x9000005E  }
0xb2: {  	s29 =	simm.s32 $0x9;
	_ =	strace $0x80000060  }
0xb3: {  	_ =	swait.ge [sflag:s29], $0x1  }
0xb4: {  	[sflag:s29] =	ssyncadd.s32 $0xFFFFFFFF  }
0xb5: {  	_ =	strace $0x90000060  }
0xb6: {  	_ =	sfence  }
0xb7: {  	s30 =	sld [smem:$0x0];
	_ =	sdelay $0x2  }
0xb8: {  	s31 =	sshll.u32 s1, $0xD;
	s1 =	sshrl.u32 s1, $0x2  }
0xb9: {  	s3 =	sand.u32 $0x4000, s31;
	s1 =	sadd.s32 s1, s30  }
0xba: {  	s0 =	sor.u32 s3, s0;
	s1 =	sshll.u32 s1, $0x11  }
0xbb: {  	s0 =	sor.u32 s1, s0  }
0xbc: {  	s0 =	sadd.s32 $0x8F2B, s0  }
0xbd: {  	[sflag:s0] =	ssyncadd.remote.s32 $0x1  }
0xbe: {  	_ =	sfence.sel $0xFFFF  }
0xbf: {  	[dreg:$0x0] =	wrdreg $0xFFFFFFFF;
	(pc) =	sbr.abs _section_cstart, $3  }
0xc0: {  	[dreg:$0x1] =	wrdreg $0xFFFFFFFF  }
0xc1: {  	_ =	task.clear_ibuf [dreg:s6], $0x2FFFF;
	_ =	strace $0x9FFFFFFF  }
0xc2: {  	(tm) =	ssettm $0x7FFFFFFF  }
0xc3: {  	_ =	shalt  }
tec
execute0_lowered:
.L_overlay_start_1:
0x0: {  	(tag) =	ssettag $0x1  }
0x1: {  	s0 =	srdreg.scid;
	s1 =	rddreg [dreg:$0x0]  }
0x2: {  	s14 =	stileid.u32;
	s2 =	rddreg [dreg:$0x1]  }
0x3: {  	s3 =	simm.s32 $0x0;
	s16 =	simm.s32 $0x400;
	s17 =	simm.s32 $0x7D  }
0x4: {  	s18 =	simm.s32 $0x800;
	s19 =	simm.s32 $0x80;
	s20 =	simm.s32 $0x4800  }
0x5: {  	s21 =	simm.s32 $0x1;
	s22 =	simm.s32 $0x100;
	s23 =	simm.s32 $0x2  }
0x6: {  	s28 =	simm.s32 $0x200;
	s29 =	simm.s32 $0x580;
	s4 =	smul.u32 $0x5800, s14  }
0x7: {  	s30 =	simm.s32 $0x280;
	s31 =	simm.s32 $0x600;
	s7 =	smul.u32 $0x13800, s14  }
0x8: {  	s0 =	sand.u32 $0x1, s0;
	[smem:$0x7FF] =	sst s3;
	s10 =	smul.u32 $0x4E000, s14  }
0x9: {  	s11 =	sadd.s32 $0x6CC00, s1;
	s25 =	sshll.u32 s14, $0x6;
	p0 =	sne.s32 s14, $0xF  }
0xa: {  	s14 =	simm.s32 $0x3;
	s5 =	smul.u32 $0x2C00, s0;
	_ =	strace $0x8000005F  }
0xb: {  	s6 =	ssub.s32 $0x2, s0;
	s0 =	smul.u32 $0x139000, s0;
	s8 =	sshrl.u32 s7, $0x3  }
0xc: {  	s9 =	sshrl.u32 s6, $0x1;
	s24 =	sshrl.u32 s10, $0x2;
	s10 =	sor.u32 $0x1C03, s25  }
0xd: {  	s25 =	simm.s32 $0x180;
	s4 =	sadd.s32 s5, s4;
	s8 =	sadd.s32 s8, s1  }
0xe: {  	s9 =	ssub.s32 s6, s9;
	s13 =	sadd.s32 s24, s2;
	s7 =	sadd.s32 s7, s0  }
0xf: {  	s0 =	sshrl.u32 s0, $0x3;
	s24 =	simm.s32 $0x480;
	[dreg:$0x4] =	wrdreg s10  }
0x10: {  	s5 =	sshrl.u32 s4, $0x3;
	s4 =	sadd.s32 $0x45A00, s1;
	s26 =	sadd.s32 $0x1E800, s8  }
0x11: {  	s8 =	sadd.s32 $0x138000, s2;
	s6 =	sshrl.u32 s7, $0x3;
	s0 =	sadd.s32 s11, s0  }
0x12: {  	s7 =	smax.u32 s9, $0x1;
	s13 =	sshrl.u32 s13, $0x3;
	[dreg:$0x3] =	wrdreg s26  }
0x13: {  	s9 =	simm.s32 $0x0;
	s5 =	sadd.s32 s5, s1;
	[dreg:$0x8] =	wrdreg s7  }
0x14: {  	s1 =	sadd.s32 $0x45800, s1;
	s0 =	sadd.s32 $0x27000, s0;
	[dreg:$0xb] =	wrdreg s9  }
0x15: {  	s15 =	sshrl.u32 @!p0 s8, $0x3;
	s26 =	simm.s32 $0x500;
	[dreg:$0x9] =	wrdreg s13  }
0x16: {  	s7 =	simm.s32 $0x700;
	s8 =	simm.s32 $0x780;
	[dreg:$0x5] =	wrdreg s1  }
0x17: {  	s1 =	sadd.s32 s11, s6;
	[dreg:$0x7] =	wrdreg s0;
	s11 =	sadd.s32 $0x8800, s5  }
0x18: {  	s12 =	sadd.s32 $0x13800, s5;
	s0 =	simm.s32 $0x680;
	[dreg:$0xa] =	wrdreg s15  }
0x19: {  	s5 =	simm.s32 $0x380;
	[dreg:$0x6] =	wrdreg s1;
	s1 =	simm.s32 $0x300  }
.LBB2_1:
0x1a: {  	s6 =	rddreg [dreg:$0x3]  }
0x1b: {  	[spmem:s13], [sflag:s10] =	dma.local [hbm:s6], $0x2700  }
0x1c: {  	_ =	swait.ge [sflag:s14], $0x2700  }
0x1d: {  	[sflag:s14] =	ssyncset.done $0x0  }
0x1e: {  	s6 =	rddreg [dreg:$0x5];
	[sflag:s14] =	ssyncadd.s32 $0xFFFFD900  }
0x1f: {  	[spmem:s15], [sflag:s10] =	dma.local @!p0 [hbm:s6], $0x200  }
0x20: {  	s10 =	simm.s32 @!p0 $0x3  }
0x21: {  	_ =	swait.ge @!p0 [sflag:s10], $0x200  }
0x22: {  	[sflag:s10] =	ssyncset.done @!p0 $0x0  }
0x23: {  	[sflag:s10] =	ssyncadd.s32 @!p0 $0xFFFFFE00  }
0x24: {  	s13 =	sadd.s32 $0x0, s12;
	[bflag:$0x0] =	sbarrier.arrive $0xFFFF  }
0x25: {  	[tilespmem:s3], [sflag:$0x3] =	stream.linear.gather [hbm4b:s13+s3], $0x400, $0x38;
	[tilespmem:$0x1C100] =	vst v63  }
0x26: {  	_ =	swait.ge [sflag:s14], $0x400  }
0x27: {  	[sflag:s14] =	ssyncset.done $0x0  }
0x28: {  	s15 =	sadd.s32 $0x0, s11;
	[sflag:s14] =	ssyncadd.s32 $0xFFFFFC00  }
0x29: {  	[tilespmem:s16], [sflag:$0x3] =	stream.linear.gather [hbm4b:s15+s3], $0x400, $0x38;
	[tilespmem:$0x1C100] =	vst v63  }
0x2a: {  	_ =	swait.ge [sflag:s14], $0x400  }
0x2b: {  	[sflag:s14] =	ssyncset.done $0x0  }
0x2c: {  	[sflag:s14] =	ssyncadd.s32 $0xFFFFFC00  }
0x2d: {  	[tilespmem:s18], [sflag:$0x1] =	stream.indirect.gather [hbm4b:s4+s17], $0x80, s3, s17, $0xb8;
	[tilespmem:$0x1C100] =	vst v63  }
0x2e: {  	_ = 	snop  }
0x2f: {  	[tilespmem:s20], [sflag:$0x2] =	stream.indirect.gather [hbm4b:s4+s17], $0x80, s19, s17, $0xb8;
	[tilespmem:$0x1C100] =	vst v63  }
0x30: {  	_ =	swait.ge [sflag:s21], $0x3E80  }
0x31: {  	[sflag:s21] =	ssyncset.done $0x0  }
0x32: {  	[sflag:s21] =	ssyncadd.s32 $0xFFFFC180  }
0x33: {  	[spmem:s2] =	stream.indirect.scatter.add.f32 [tilespmem:s18], [sflag:$0x3], $0x80, s16, s17, $0xb8;
	[tilespmem:$0x1C100] =	vst v63  }
0x34: {  	_ =	swait.ge [sflag:s14], $0x3E80  }
0x35: {  	[sflag:s14] =	ssyncset.done $0x0  }
0x36: {  	[sflag:s14] =	ssyncadd.s32 $0xFFFFC180  }
0x37: {  	[tilespmem:s18], [sflag:$0x1] =	stream.indirect.gather [hbm4b:s4+s17], $0x80, s22, s17, $0xb8;
	[tilespmem:$0x1C100] =	vst v63  }
0x38: {  	_ =	swait.ge [sflag:s23], $0x3E80  }
0x39: {  	[sflag:s23] =	ssyncset.done $0x0  }
0x3a: {  	[sflag:s23] =	ssyncadd.s32 $0xFFFFC180  }
0x3b: {  	[spmem:s2] =	stream.indirect.scatter.add.f32 [tilespmem:s20], [sflag:$0x3], $0x80, s24, s17, $0xb8;
	[tilespmem:$0x1C100] =	vst v63  }
0x3c: {  	_ =	swait.ge [sflag:s14], $0x3E80  }
0x3d: {  	[sflag:s14] =	ssyncset.done $0x0  }
0x3e: {  	[sflag:s14] =	ssyncadd.s32 $0xFFFFC180  }
0x3f: {  	[tilespmem:s20], [sflag:$0x2] =	stream.indirect.gather [hbm4b:s4+s17], $0x80, s25, s17, $0xb8;
	[tilespmem:$0x1C100] =	vst v63  }
0x40: {  	_ =	swait.ge [sflag:s21], $0x3E80  }
0x41: {  	[sflag:s21] =	ssyncset.done $0x0  }
0x42: {  	[sflag:s21] =	ssyncadd.s32 $0xFFFFC180  }
0x43: {  	[spmem:s2] =	stream.indirect.scatter.add.f32 [tilespmem:s18], [sflag:$0x3], $0x80, s26, s17, $0xb8;
	[tilespmem:$0x1C100] =	vst v63  }
0x44: {  	_ =	swait.ge [sflag:s14], $0x3E80  }
0x45: {  	[sflag:s14] =	ssyncset.done $0x0  }
0x46: {  	[sflag:s14] =	ssyncadd.s32 $0xFFFFC180  }
0x47: {  	[tilespmem:s18], [sflag:$0x1] =	stream.indirect.gather [hbm4b:s4+s17], $0x80, s28, s17, $0xb8;
	[tilespmem:$0x1C100] =	vst v63  }
0x48: {  	_ =	swait.ge [sflag:s23], $0x3E80  }
0x49: {  	[sflag:s23] =	ssyncset.done $0x0  }
0x4a: {  	[sflag:s23] =	ssyncadd.s32 $0xFFFFC180  }
0x4b: {  	[spmem:s2] =	stream.indirect.scatter.add.f32 [tilespmem:s20], [sflag:$0x3], $0x80, s29, s17, $0xb8;
	[tilespmem:$0x1C100] =	vst v63  }
0x4c: {  	_ =	swait.ge [sflag:s14], $0x3E80  }
0x4d: {  	[sflag:s14] =	ssyncset.done $0x0  }
0x4e: {  	[sflag:s14] =	ssyncadd.s32 $0xFFFFC180  }
0x4f: {  	[tilespmem:s20], [sflag:$0x2] =	stream.indirect.gather [hbm4b:s4+s17], $0x80, s30, s17, $0xb8;
	[tilespmem:$0x1C100] =	vst v63  }
0x50: {  	_ =	swait.ge [sflag:s21], $0x3E80  }
0x51: {  	[sflag:s21] =	ssyncset.done $0x0  }
0x52: {  	[sflag:s21] =	ssyncadd.s32 $0xFFFFC180  }
0x53: {  	[spmem:s2] =	stream.indirect.scatter.add.f32 [tilespmem:s18], [sflag:$0x3], $0x80, s31, s17, $0xb8;
	[tilespmem:$0x1C100] =	vst v63  }
0x54: {  	_ =	swait.ge [sflag:s14], $0x3E80  }
0x55: {  	[sflag:s14] =	ssyncset.done $0x0  }
0x56: {  	[sflag:s14] =	ssyncadd.s32 $0xFFFFC180  }
0x57: {  	[tilespmem:s18], [sflag:$0x1] =	stream.indirect.gather [hbm4b:s4+s17], $0x80, s1, s17, $0xb8;
	[tilespmem:$0x1C100] =	vst v63  }
0x58: {  	_ =	swait.ge [sflag:s23], $0x3E80  }
0x59: {  	[sflag:s23] =	ssyncset.done $0x0  }
0x5a: {  	[sflag:s23] =	ssyncadd.s32 $0xFFFFC180  }
0x5b: {  	[spmem:s2] =	stream.indirect.scatter.add.f32 [tilespmem:s20], [sflag:$0x3], $0x80, s0, s17, $0xb8;
	[tilespmem:$0x1C100] =	vst v63  }
0x5c: {  	_ =	swait.ge [sflag:s14], $0x3E80  }
0x5d: {  	[sflag:s14] =	ssyncset.done $0x0  }
0x5e: {  	[sflag:s14] =	ssyncadd.s32 $0xFFFFC180  }
0x5f: {  	[tilespmem:s20], [sflag:$0x2] =	stream.indirect.gather [hbm4b:s4+s17], $0x80, s5, s17, $0xb8;
	[tilespmem:$0x1C100] =	vst v63  }
0x60: {  	_ =	swait.ge [sflag:s21], $0x3E80  }
0x61: {  	[sflag:s21] =	ssyncset.done $0x0  }
0x62: {  	[sflag:s21] =	ssyncadd.s32 $0xFFFFC180  }
0x63: {  	[spmem:s2] =	stream.indirect.scatter.add.f32 [tilespmem:s18], [sflag:$0x3], $0x80, s7, s17, $0xb8;
	[tilespmem:$0x1C100] =	vst v63  }
0x64: {  	_ =	swait.ge [sflag:s14], $0x3E80  }
0x65: {  	[sflag:s14] =	ssyncset.done $0x0  }
0x66: {  	[sflag:s14] =	ssyncadd.s32 $0xFFFFC180  }
0x67: {  	_ =	swait.ge [sflag:s23], $0x3E80  }
0x68: {  	[sflag:s23] =	ssyncset.done $0x0  }
0x69: {  	[sflag:s23] =	ssyncadd.s32 $0xFFFFC180  }
0x6a: {  	[spmem:s2] =	stream.indirect.scatter.add.f32 [tilespmem:s20], [sflag:$0x3], $0x80, s8, s17, $0xb8;
	[tilespmem:$0x1C100] =	vst v63  }
0x6b: {  	_ =	swait.ge [sflag:s14], $0x3E80  }
0x6c: {  	s10 =	simm.s32 $0x80;
	s13 =	simm.s32 $0x100;
	[sflag:s14] =	ssyncset.done $0x0  }
.LBB2_2:
0x6d: {  	s6 =	sadd.s32 s10, s12  }
0x6e: {  	[sflag:s14] =	ssyncadd.s32 $0xFFFFC180;
	s9 =	smov.u32 s13;
	s15 =	sadd.s32 $0x80, s13  }
0x6f: {  	[tilespmem:s3], [sflag:$0x3] =	stream.linear.gather [hbm4b:s6+s3], $0x400, $0x38;
	[tilespmem:$0x1C100] =	vst v63  }
0x70: {  	p1 =	sne.s32 s13, $0x500;
	_ =	swait.ge [sflag:s14], $0x400  }
0x71: {  	[sflag:s14] =	ssyncset.done $0x0  }
0x72: {  	s6 =	sadd.s32 s10, s11;
	s10 =	smov.u32 s9;
	[sflag:s14] =	ssyncadd.s32 $0xFFFFFC00  }
0x73: {  	[tilespmem:s16], [sflag:$0x3] =	stream.linear.gather [hbm4b:s6+s3], $0x400, $0x38;
	[tilespmem:$0x1C100] =	vst v63  }
0x74: {  	_ =	swait.ge [sflag:s14], $0x400  }
0x75: {  	[sflag:s14] =	ssyncset.done $0x0  }
0x76: {  	[sflag:s14] =	ssyncadd.s32 $0xFFFFFC00  }
0x77: {  	[tilespmem:s18], [sflag:$0x1] =	stream.indirect.gather [hbm4b:s4+s17], $0x80, s3, s17, $0xb8;
	[tilespmem:$0x1C100] =	vst v63  }
0x78: {  	_ = 	snop  }
0x79: {  	[tilespmem:s20], [sflag:$0x2] =	stream.indirect.gather [hbm4b:s4+s17], $0x80, s19, s17, $0xb8;
	[tilespmem:$0x1C100] =	vst v63  }
0x7a: {  	_ =	swait.ge [sflag:s21], $0x3E80  }
0x7b: {  	[sflag:s21] =	ssyncset.done $0x0  }
0x7c: {  	[sflag:s21] =	ssyncadd.s32 $0xFFFFC180  }
0x7d: {  	[spmem:s2] =	stream.indirect.scatter.add.f32 [tilespmem:s18], [sflag:$0x3], $0x80, s16, s17, $0xb8;
	[tilespmem:$0x1C100] =	vst v63  }
0x7e: {  	_ =	swait.ge [sflag:s14], $0x3E80  }
0x7f: {  	[sflag:s14] =	ssyncset.done $0x0  }
0x80: {  	[sflag:s14] =	ssyncadd.s32 $0xFFFFC180  }
0x81: {  	[tilespmem:s18], [sflag:$0x1] =	stream.indirect.gather [hbm4b:s4+s17], $0x80, s22, s17, $0xb8;
	[tilespmem:$0x1C100] =	vst v63  }
0x82: {  	_ =	swait.ge [sflag:s23], $0x3E80  }
0x83: {  	[sflag:s23] =	ssyncset.done $0x0  }
0x84: {  	[sflag:s23] =	ssyncadd.s32 $0xFFFFC180  }
0x85: {  	[spmem:s2] =	stream.indirect.scatter.add.f32 [tilespmem:s20], [sflag:$0x3], $0x80, s24, s17, $0xb8;
	[tilespmem:$0x1C100] =	vst v63  }
0x86: {  	_ =	swait.ge [sflag:s14], $0x3E80  }
0x87: {  	[sflag:s14] =	ssyncset.done $0x0  }
0x88: {  	[sflag:s14] =	ssyncadd.s32 $0xFFFFC180  }
0x89: {  	[tilespmem:s20], [sflag:$0x2] =	stream.indirect.gather [hbm4b:s4+s17], $0x80, s25, s17, $0xb8;
	[tilespmem:$0x1C100] =	vst v63  }
0x8a: {  	_ =	swait.ge [sflag:s21], $0x3E80  }
0x8b: {  	[sflag:s21] =	ssyncset.done $0x0  }
0x8c: {  	[sflag:s21] =	ssyncadd.s32 $0xFFFFC180  }
0x8d: {  	[spmem:s2] =	stream.indirect.scatter.add.f32 [tilespmem:s18], [sflag:$0x3], $0x80, s26, s17, $0xb8;
	[tilespmem:$0x1C100] =	vst v63  }
0x8e: {  	_ =	swait.ge [sflag:s14], $0x3E80  }
0x8f: {  	[sflag:s14] =	ssyncset.done $0x0  }
0x90: {  	[sflag:s14] =	ssyncadd.s32 $0xFFFFC180  }
0x91: {  	[tilespmem:s18], [sflag:$0x1] =	stream.indirect.gather [hbm4b:s4+s17], $0x80, s28, s17, $0xb8;
	[tilespmem:$0x1C100] =	vst v63  }
0x92: {  	_ =	swait.ge [sflag:s23], $0x3E80  }
0x93: {  	[sflag:s23] =	ssyncset.done $0x0  }
0x94: {  	[sflag:s23] =	ssyncadd.s32 $0xFFFFC180  }
0x95: {  	[spmem:s2] =	stream.indirect.scatter.add.f32 [tilespmem:s20], [sflag:$0x3], $0x80, s29, s17, $0xb8;
	[tilespmem:$0x1C100] =	vst v63  }
0x96: {  	_ =	swait.ge [sflag:s14], $0x3E80  }
0x97: {  	[sflag:s14] =	ssyncset.done $0x0  }
0x98: {  	[sflag:s14] =	ssyncadd.s32 $0xFFFFC180  }
0x99: {  	[tilespmem:s20], [sflag:$0x2] =	stream.indirect.gather [hbm4b:s4+s17], $0x80, s30, s17, $0xb8;
	[tilespmem:$0x1C100] =	vst v63  }
0x9a: {  	_ =	swait.ge [sflag:s21], $0x3E80  }
0x9b: {  	[sflag:s21] =	ssyncset.done $0x0  }
0x9c: {  	[sflag:s21] =	ssyncadd.s32 $0xFFFFC180  }
0x9d: {  	[spmem:s2] =	stream.indirect.scatter.add.f32 [tilespmem:s18], [sflag:$0x3], $0x80, s31, s17, $0xb8;
	[tilespmem:$0x1C100] =	vst v63  }
0x9e: {  	_ =	swait.ge [sflag:s14], $0x3E80  }
0x9f: {  	[sflag:s14] =	ssyncset.done $0x0  }
0xa0: {  	[sflag:s14] =	ssyncadd.s32 $0xFFFFC180  }
0xa1: {  	[tilespmem:s18], [sflag:$0x1] =	stream.indirect.gather [hbm4b:s4+s17], $0x80, s1, s17, $0xb8;
	[tilespmem:$0x1C100] =	vst v63  }
0xa2: {  	_ =	swait.ge [sflag:s23], $0x3E80  }
0xa3: {  	[sflag:s23] =	ssyncset.done $0x0  }
0xa4: {  	[sflag:s23] =	ssyncadd.s32 $0xFFFFC180  }
0xa5: {  	[spmem:s2] =	stream.indirect.scatter.add.f32 [tilespmem:s20], [sflag:$0x3], $0x80, s0, s17, $0xb8;
	[tilespmem:$0x1C100] =	vst v63  }
0xa6: {  	_ =	swait.ge [sflag:s14], $0x3E80  }
0xa7: {  	[sflag:s14] =	ssyncset.done $0x0  }
0xa8: {  	[sflag:s14] =	ssyncadd.s32 $0xFFFFC180  }
0xa9: {  	[tilespmem:s20], [sflag:$0x2] =	stream.indirect.gather [hbm4b:s4+s17], $0x80, s5, s17, $0xb8;
	[tilespmem:$0x1C100] =	vst v63  }
0xaa: {  	_ =	swait.ge [sflag:s21], $0x3E80  }
0xab: {  	[sflag:s21] =	ssyncset.done $0x0  }
0xac: {  	[sflag:s21] =	ssyncadd.s32 $0xFFFFC180  }
0xad: {  	[spmem:s2] =	stream.indirect.scatter.add.f32 [tilespmem:s18], [sflag:$0x3], $0x80, s7, s17, $0xb8;
	[tilespmem:$0x1C100] =	vst v63  }
0xae: {  	_ =	swait.ge [sflag:s14], $0x3E80  }
0xaf: {  	[sflag:s14] =	ssyncset.done $0x0  }
0xb0: {  	[sflag:s14] =	ssyncadd.s32 $0xFFFFC180  }
0xb1: {  	_ =	swait.ge [sflag:s23], $0x3E80  }
.Ltmp0:
0xb2: {  	[sflag:s23] =	ssyncset.done $0x0;
	(pc) =	sbr.rel @p1 .LBB2_2-.Ltmp0, $4  }
0xb3: {  	[sflag:s23] =	ssyncadd.s32 $0xFFFFC180  }
0xb4: {  	[spmem:s2] =	stream.indirect.scatter.add.f32 [tilespmem:s20], [sflag:$0x3], $0x80, s8, s17, $0xb8;
	[tilespmem:$0x1C100] =	vst v63  }
0xb5: {  	_ =	swait.ge [sflag:s14], $0x3E80  }
0xb6: {  	s13 =	smov.u32 s15;
	[sflag:s14] =	ssyncset.done $0x0  }
0xb7: {  	s6 =	sadd.s32 s10, s12;
	[sflag:s14] =	ssyncadd.s32 $0xFFFFC180  }
0xb8: {  	[tilespmem:s3], [sflag:$0x3] =	stream.linear.gather [hbm4b:s6+s3], $0x400, $0x38;
	[tilespmem:$0x1C100] =	vst v63  }
0xb9: {  	_ =	swait.ge [sflag:s14], $0x400  }
0xba: {  	[sflag:s14] =	ssyncset.done $0x0  }
0xbb: {  	s13 =	sadd.s32 s10, s11;
	[sflag:s14] =	ssyncadd.s32 $0xFFFFFC00  }
0xbc: {  	[tilespmem:s16], [sflag:$0x3] =	stream.linear.gather [hbm4b:s13+s3], $0x400, $0x38;
	[tilespmem:$0x1C100] =	vst v63  }
0xbd: {  	_ =	swait.ge [sflag:s14], $0x400  }
0xbe: {  	[sflag:s14] =	ssyncset.done $0x0  }
0xbf: {  	[sflag:s14] =	ssyncadd.s32 $0xFFFFFC00  }
0xc0: {  	[tilespmem:s18], [sflag:$0x1] =	stream.indirect.gather [hbm4b:s4+s17], $0x80, s3, s17, $0xb8;
	[tilespmem:$0x1C100] =	vst v63  }
0xc1: {  	_ = 	snop  }
0xc2: {  	[tilespmem:s20], [sflag:$0x2] =	stream.indirect.gather [hbm4b:s4+s17], $0x80, s19, s17, $0xb8;
	[tilespmem:$0x1C100] =	vst v63  }
0xc3: {  	_ =	swait.ge [sflag:s21], $0x3E80  }
0xc4: {  	[sflag:s21] =	ssyncset.done $0x0  }
0xc5: {  	[sflag:s21] =	ssyncadd.s32 $0xFFFFC180  }
0xc6: {  	[spmem:s2] =	stream.indirect.scatter.add.f32 [tilespmem:s18], [sflag:$0x3], $0x80, s16, s17, $0xb8;
	[tilespmem:$0x1C100] =	vst v63  }
0xc7: {  	_ =	swait.ge [sflag:s14], $0x3E80  }
0xc8: {  	[sflag:s14] =	ssyncset.done $0x0  }
0xc9: {  	[sflag:s14] =	ssyncadd.s32 $0xFFFFC180  }
0xca: {  	[tilespmem:s18], [sflag:$0x1] =	stream.indirect.gather [hbm4b:s4+s17], $0x80, s22, s17, $0xb8;
	[tilespmem:$0x1C100] =	vst v63  }
0xcb: {  	_ =	swait.ge [sflag:s23], $0x3E80  }
0xcc: {  	[sflag:s23] =	ssyncset.done $0x0  }
0xcd: {  	[sflag:s23] =	ssyncadd.s32 $0xFFFFC180  }
0xce: {  	[spmem:s2] =	stream.indirect.scatter.add.f32 [tilespmem:s20], [sflag:$0x3], $0x80, s24, s17, $0xb8;
	[tilespmem:$0x1C100] =	vst v63  }
0xcf: {  	_ =	swait.ge [sflag:s14], $0x3E80  }
0xd0: {  	[sflag:s14] =	ssyncset.done $0x0  }
0xd1: {  	[sflag:s14] =	ssyncadd.s32 $0xFFFFC180  }
0xd2: {  	[tilespmem:s20], [sflag:$0x2] =	stream.indirect.gather [hbm4b:s4+s17], $0x80, s25, s17, $0xb8;
	[tilespmem:$0x1C100] =	vst v63  }
0xd3: {  	_ =	swait.ge [sflag:s21], $0x3E80  }
0xd4: {  	[sflag:s21] =	ssyncset.done $0x0  }
0xd5: {  	[sflag:s21] =	ssyncadd.s32 $0xFFFFC180  }
0xd6: {  	[spmem:s2] =	stream.indirect.scatter.add.f32 [tilespmem:s18], [sflag:$0x3], $0x80, s26, s17, $0xb8;
	[tilespmem:$0x1C100] =	vst v63  }
0xd7: {  	_ =	swait.ge [sflag:s14], $0x3E80  }
0xd8: {  	[sflag:s14] =	ssyncset.done $0x0  }
0xd9: {  	[sflag:s14] =	ssyncadd.s32 $0xFFFFC180  }
0xda: {  	[tilespmem:s18], [sflag:$0x1] =	stream.indirect.gather [hbm4b:s4+s17], $0x80, s28, s17, $0xb8;
	[tilespmem:$0x1C100] =	vst v63  }
0xdb: {  	_ =	swait.ge [sflag:s23], $0x3E80  }
0xdc: {  	[sflag:s23] =	ssyncset.done $0x0  }
0xdd: {  	[sflag:s23] =	ssyncadd.s32 $0xFFFFC180  }
0xde: {  	[spmem:s2] =	stream.indirect.scatter.add.f32 [tilespmem:s20], [sflag:$0x3], $0x80, s29, s17, $0xb8;
	[tilespmem:$0x1C100] =	vst v63  }
0xdf: {  	_ =	swait.ge [sflag:s14], $0x3E80  }
0xe0: {  	[sflag:s14] =	ssyncset.done $0x0  }
0xe1: {  	[sflag:s14] =	ssyncadd.s32 $0xFFFFC180  }
0xe2: {  	[tilespmem:s20], [sflag:$0x2] =	stream.indirect.gather [hbm4b:s4+s17], $0x80, s30, s17, $0xb8;
	[tilespmem:$0x1C100] =	vst v63  }
0xe3: {  	_ =	swait.ge [sflag:s21], $0x3E80  }
0xe4: {  	[sflag:s21] =	ssyncset.done $0x0  }
0xe5: {  	[sflag:s21] =	ssyncadd.s32 $0xFFFFC180  }
0xe6: {  	[spmem:s2] =	stream.indirect.scatter.add.f32 [tilespmem:s18], [sflag:$0x3], $0x80, s31, s17, $0xb8;
	[tilespmem:$0x1C100] =	vst v63  }
0xe7: {  	_ =	swait.ge [sflag:s14], $0x3E80  }
0xe8: {  	[sflag:s14] =	ssyncset.done $0x0  }
0xe9: {  	[sflag:s14] =	ssyncadd.s32 $0xFFFFC180  }
0xea: {  	[tilespmem:s18], [sflag:$0x1] =	stream.indirect.gather [hbm4b:s4+s17], $0x80, s1, s17, $0xb8;
	[tilespmem:$0x1C100] =	vst v63  }
0xeb: {  	_ =	swait.ge [sflag:s23], $0x3E80  }
0xec: {  	[sflag:s23] =	ssyncset.done $0x0  }
0xed: {  	[sflag:s23] =	ssyncadd.s32 $0xFFFFC180  }
0xee: {  	[spmem:s2] =	stream.indirect.scatter.add.f32 [tilespmem:s20], [sflag:$0x3], $0x80, s0, s17, $0xb8;
	[tilespmem:$0x1C100] =	vst v63  }
0xef: {  	_ =	swait.ge [sflag:s14], $0x3E80  }
0xf0: {  	[sflag:s14] =	ssyncset.done $0x0  }
0xf1: {  	[sflag:s14] =	ssyncadd.s32 $0xFFFFC180  }
0xf2: {  	[tilespmem:s20], [sflag:$0x2] =	stream.indirect.gather [hbm4b:s4+s17], $0x80, s5, s17, $0xb8;
	[tilespmem:$0x1C100] =	vst v63  }
0xf3: {  	_ =	swait.ge [sflag:s21], $0x3E80  }
0xf4: {  	[sflag:s21] =	ssyncset.done $0x0  }
0xf5: {  	[sflag:s21] =	ssyncadd.s32 $0xFFFFC180  }
0xf6: {  	[spmem:s2] =	stream.indirect.scatter.add.f32 [tilespmem:s18], [sflag:$0x3], $0x80, s7, s17, $0xb8;
	[tilespmem:$0x1C100] =	vst v63  }
0xf7: {  	_ =	swait.ge [sflag:s14], $0x3E80  }
0xf8: {  	[sflag:s14] =	ssyncset.done $0x0  }
0xf9: {  	[sflag:s14] =	ssyncadd.s32 $0xFFFFC180  }
0xfa: {  	_ =	swait.ge [sflag:s23], $0x3E80  }
0xfb: {  	[sflag:s23] =	ssyncset.done $0x0  }
0xfc: {  	[sflag:s23] =	ssyncadd.s32 $0xFFFFC180  }
0xfd: {  	[spmem:s2] =	stream.indirect.scatter.add.f32 [tilespmem:s20], [sflag:$0x3], $0x80, s8, s17, $0xb8;
	[tilespmem:$0x1C100] =	vst v63  }
0xfe: {  	_ =	swait.ge [sflag:s14], $0x3E80  }
0xff: {  	[sflag:s14] =	ssyncset.done $0x0  }
0x100: {  	[sflag:s14] =	ssyncadd.s32 $0xFFFFC180  }
0x101: {  	[bflag:$0x0] =	sbarrier.arrive $0xFFFF  }
0x102: {  	s10 =	rddreg [dreg:$0x4]  }
0x103: {  	s15 =	rddreg [dreg:$0x6]  }
0x104: {  	s13 =	rddreg [dreg:$0x9]  }
0x105: {  	[hbm:s15], [sflag:s10] =	dma.local [spmem:s13], $0x2700  }
0x106: {  	_ =	swait.ge [sflag:s14], $0x2700  }
0x107: {  	[sflag:s14] =	ssyncset.done $0x0;
	s6 =	rddreg [dreg:$0x7]  }
0x108: {  	s9 =	simm.s32 @!p0 $0x3;
	s15 =	rddreg [dreg:$0xa];
	[sflag:s14] =	ssyncadd.s32 $0xFFFFD900  }
0x109: {  	[hbm:s6], [sflag:s10] =	dma.local @!p0 [spmem:s15], $0x200  }
0x10a: {  	_ =	swait.ge @!p0 [sflag:s9], $0x200  }
0x10b: {  	s6 =	rddreg [dreg:$0xb]  }
0x10c: {  	[sflag:s9] =	ssyncset.done @!p0 $0x0;
	s9 =	rddreg [dreg:$0x8];
	s6 =	sadd.s32 $0x1, s6  }
0x10d: {  	p1 =	sne.s32 s6, s9  }
.Ltmp1:
0x10e: {  	_ = 	snop;
	(pc) =	sbr.rel @p1 .LBB2_1-.Ltmp1, $3  }
0x10f: {  	_ =	sdelay $0x1  }
0x110: {  	[dreg:$0xb] =	wrdreg s6;
	s6 =	simm.s32 @!p0 $0x3  }
0x111: {  	[sflag:s6] =	ssyncadd.s32 @!p0 $0xFFFFFE00  }
0x112: {  	_ =	sfence.sel $0x180000  }
0x113: {  	[bflag:$0x0] =	sbarrier.arrive $0xFFFF  }
0x114: {  	_ =	strace $0x9000005F  }
0x115: {  	s0 =	stileid.u32;
	[bflag:$0x2] =	sbarrier.arrive $0xFFFF  }
0x116: {  	p0 =	sne.s32 s0, $0x0;
	s0 =	rddreg [dreg:$0x2]  }
0x117: {  	s0 =	sadd.s32 @!p0 $0x100000, s0  }
0x118: {  	[sflag:s0] =	ssyncadd.tile.s32 @!p0 $0x1;
	_ =	shalt  }
.Lfunc_end2:
_tile_overlayer_lowered:
.L_overlay_start_2:
0x119: {  	(tag) =	ssettag $0x2  }
0x11a: {  	s0 =	rddreg [dreg:$0x0];
	s2 =	stileid.u32  }
0x11b: {  	s1 =	rddreg [dreg:$0x1];
	p0 =	sne.s32 s2, $0x0  }
0x11c: {  	s3 =	rddreg [dreg:$0x2];
	[bflag:$0x3] =	sbarrier.arrive $0xFFFF;
	s2 =	simm.s32 @!p0 $0x1C03  }
0x11d: {  	[timem:s3], [sflag:s2] =	dma.local @!p0 [hbm:s0], s1  }
0x11e: {  	s0 =	simm.s32 @!p0 $0x3  }
0x11f: {  	_ =	swait.ge @!p0 [sflag:s0], s1  }
0x120: {  	s1 =	ssub.s32 @!p0 $0x0, s1;
	[sflag:s0] =	ssyncset.done @!p0 $0x0  }
0x121: {  	[sflag:s0] =	ssyncadd.s32 @!p0 s1  }
0x122: {  	[bflag:$0x3] =	sbarrier.arrive $0xFFFF  }
0x123: {  	_ =	shalt  }

</sc_bundles>
